<compile_context>
chip_gen: v7x
topology: tpu7x:2x2x1
jax: 0.10.2.dev20260603
libtpu: 0.0.44.dev20260713+nightly
codegen_flags: <defaults>
</compile_context>

<pallas_src>
import functools

import jax
import jax.numpy as jnp
from jax import lax
from jax.experimental import pallas as pl
from jax.experimental.pallas import tpu as pltpu
from jax.experimental.pallas import tpu_sc as plsc

L = 16
BLK = 64
WACC = 136
NC, NS = 2, 16
NW = NC * NS

_PC = [32 * (p // 32) + 16 * (p % 2) + (p % 32) // 2 for p in range(128)]


def _mm2_body(x_ref, wl_ref, wr_ref, xl_ref, xr_ref):
    xv = x_ref[...]
    xl_ref[...] = jnp.dot(
        xv, wl_ref[...], preferred_element_type=jnp.float32
    ).astype(jnp.bfloat16)
    xr_ref[...] = jnp.dot(
        xv, wr_ref[...], preferred_element_type=jnp.float32
    ).astype(jnp.bfloat16)


def _mm2(x, wl, wr, blk_m):
    n, d = x.shape
    grid = (n // blk_m,)
    return pl.pallas_call(
        _mm2_body,
        grid=grid,
        in_specs=[
            pl.BlockSpec((blk_m, d), lambda i: (i, 0)),
            pl.BlockSpec((d, d), lambda i: (0, 0)),
            pl.BlockSpec((d, d), lambda i: (0, 0)),
        ],
        out_specs=[pl.BlockSpec((blk_m, d), lambda i: (i, 0))] * 2,
        out_shape=[jax.ShapeDtypeStruct((n, d), jnp.bfloat16)] * 2,
    )(x, wl, wr)


def _combine_mm2_body(a0_ref, a1_ref, e0_ref, e1_ref, b_ref, wl_ref, wr_ref,
                      hl_ref, hr_ref):
    s = a0_ref[...] + a1_ref[...]
    es = e0_ref[...] + e1_ref[...]
    h = s / es[:, 0:1] + b_ref[...]
    h = jnp.maximum(h, 0.0)
    hl_ref[...] = jnp.dot(
        h, wl_ref[...], preferred_element_type=jnp.float32
    ).astype(jnp.bfloat16)
    hr_ref[...] = jnp.dot(
        h, wr_ref[...], preferred_element_type=jnp.float32
    ).astype(jnp.bfloat16)


def _combine_mm2(acc, ex, b, wl, wr, blk_m):
    n = acc.shape[0] // 2
    d = wl.shape[0]
    grid = (n // blk_m,)
    nb = n // blk_m
    return pl.pallas_call(
        _combine_mm2_body,
        grid=grid,
        in_specs=[
            pl.BlockSpec((blk_m, d), lambda i: (i, 0)),
            pl.BlockSpec((blk_m, d), lambda i, nb=nb: (nb + i, 0)),
            pl.BlockSpec((blk_m, 8), lambda i: (i, 0)),
            pl.BlockSpec((blk_m, 8), lambda i, nb=nb: (nb + i, 0)),
            pl.BlockSpec((1, d), lambda i: (0, 0)),
            pl.BlockSpec((d, d), lambda i: (0, 0)),
            pl.BlockSpec((d, d), lambda i: (0, 0)),
        ],
        out_specs=[pl.BlockSpec((blk_m, d), lambda i: (i, 0))] * 2,
        out_shape=[jax.ShapeDtypeStruct((n, d), jnp.bfloat16)] * 2,
    )(acc, acc, ex, ex, b, wl, wr)


def _final_body(a0_ref, a1_ref, e0_ref, e1_ref, b_ref, out_ref):
    s = a0_ref[...] + a1_ref[...]
    es = e0_ref[...] + e1_ref[...]
    out_ref[...] = s / es[:, 0:1] + b_ref[...]


def _final(acc, ex, b, blk_m):
    n = acc.shape[0] // 2
    d = b.shape[1]
    grid = (n // blk_m,)
    nb = n // blk_m
    return pl.pallas_call(
        _final_body,
        grid=grid,
        in_specs=[
            pl.BlockSpec((blk_m, d), lambda i: (i, 0)),
            pl.BlockSpec((blk_m, d), lambda i, nb=nb: (nb + i, 0)),
            pl.BlockSpec((blk_m, 8), lambda i: (i, 0)),
            pl.BlockSpec((blk_m, 8), lambda i, nb=nb: (nb + i, 0)),
            pl.BlockSpec((1, d), lambda i: (0, 0)),
        ],
        out_specs=pl.BlockSpec((blk_m, d), lambda i: (i, 0)),
        out_shape=jax.ShapeDtypeStruct((n, d), jnp.float32),
    )(acc, acc, ex, ex, b)


def _make_edge_pass(n_nodes, e_real, e_pad):
    epw = e_pad // NW
    nblk = epw // BLK
    npair = nblk // 2
    rows_sub = -(-n_nodes // NS // 8) * 8
    mesh = plsc.VectorSubcoreMesh(core_axis_name="c", subcore_axis_name="s")

    @functools.partial(
        pl.kernel,
        mesh=mesh,
        compiler_params=pltpu.CompilerParams(use_tc_tiling_on_sc=False,
                                             needs_layout_passes=False),
        out_type=(jax.ShapeDtypeStruct((NC * n_nodes, 128), jnp.float32),
                  jax.ShapeDtypeStruct((NC * n_nodes, 8), jnp.float32)),
        scratch_types=[
            pltpu.VMEM((128,), jnp.bfloat16),
            pltpu.VMEM((3, 4, BLK), jnp.int32),
            pltpu.VMEM((2, BLK, 128), jnp.bfloat16),
            pltpu.VMEM((2, BLK, 128), jnp.bfloat16),
            pltpu.VMEM((2, BLK, WACC), jnp.float32),
            pltpu.VMEM_SHARED((n_nodes, WACC), jnp.float32),
            pltpu.SemaphoreType.DMA((2,)),
            pltpu.SemaphoreType.DMA((2,)),
            pltpu.SemaphoreType.DMA((2,)),
        ],
    )
    def edge_pass(xl_hbm, xr_hbm, idx_hbm, att_hbm, out_hbm, ex_hbm,
                  att_v, sd, xl_r, xr_r, w_r, acc, gsl, gsr, ssc):
        cid = lax.axis_index("c")
        sid = lax.axis_index("s")
        wid = sid * NC + cid

        pltpu.sync_copy(att_hbm, att_v)

        zeros = jnp.zeros((L,), jnp.float32)

        def zrow(i, _):
            for p in range(2):
                for k in range(8):
                    w_r[p, i, pl.ds(k * L, L)] = zeros
                w_r[p, i, pl.ds(WACC - L, L)] = zeros
            return 0
        lax.fori_loop(0, BLK, zrow, 0)

        row_start = pl.multiple_of(
            jnp.minimum(sid * rows_sub, n_nodes - rows_sub), 8)
        done = 0
        while done < rows_sub:
            sz = min(BLK, rows_sub - done)
            pltpu.sync_copy(w_r.at[0, pl.ds(0, sz)],
                            acc.at[pl.ds(row_start + done, sz)])
            done += sz
        plsc.subcore_barrier()

        lane = lax.iota(jnp.int32, L)
        lane0 = lane == 0
        perms = [jnp.bitwise_xor(lane, w) for w in (8, 4, 2, 1)]
        gd = lax.GatherDimensionNumbers(
            offset_dims=(), collapsed_slice_dims=(0,), start_index_map=(0,))

        def _allsum(p):
            for pm in perms:
                p = p + lax.gather(p, pm[:, None], gd, (1,),
                                   mode=lax.GatherScatterMode.PROMISE_IN_BOUNDS)
            return p

        att = [att_v[pl.ds(k * 2 * L, 2 * L)] for k in range(4)]
        idx_base = wid * npair * 4

        def start_gathers(b, jbuf, p):
            off = p * 2
            pltpu.async_copy(xl_hbm.at[sd.at[jbuf, off]], xl_r.at[p],
                             gsl.at[p])
            pltpu.async_copy(xr_hbm.at[sd.at[jbuf, off + 1]], xr_r.at[p],
                             gsr.at[p])

        pltpu.sync_copy(idx_hbm.at[pl.ds(idx_base, 4)], sd.at[0])
        start_gathers(0, 0, 0)
        start_gathers(1, 0, 1)

        def block_body(b, _):
            p = jnp.bitwise_and(b, 1)
            pair = b // 2
            jp = pair % 3
            jq = (pair + 1) % 3
            off = p * 2
            base = wid * epw + b * BLK

            @pl.when(b >= 2)
            def _():
                pltpu.make_async_copy(w_r.at[p], acc.at[sd.at[jp, off + 1]],
                                      ssc.at[p]).wait()
            pltpu.make_async_copy(xl_hbm.at[sd.at[jp, off]], xl_r.at[p],
                                  gsl.at[p]).wait()
            pltpu.make_async_copy(xr_hbm.at[sd.at[jp, off + 1]], xr_r.at[p],
                                  gsr.at[p]).wait()

            @plsc.parallel_loop(0, BLK, 1, unroll=8)
            def edge_body(r):
                xlv = [xl_r[p, r, pl.ds(k * 2 * L, 2 * L)] for k in range(4)]
                acc_e = zeros
                for k in range(4):
                    z = xlv[k] + xr_r[p, r, pl.ds(k * 2 * L, 2 * L)]
                    lr = jnp.maximum(z, z * jnp.bfloat16(0.2))
                    m = lr * att[k]
                    ma, mb = plsc.unpack(
                        m, format=plsc.PackFormat.INTERLEAVED)
                    acc_e = acc_e + ma + mb
                exv = jnp.exp(_allsum(acc_e))
                exv = jnp.where(base + r < e_real, exv,
                                jnp.zeros((L,), jnp.float32))
                w_r[p, r, pl.ds(WACC - L, L)] = jnp.where(lane == 8, exv,
                                                          0.0)
                for k in range(4):
                    xa, xb = plsc.unpack(
                        xlv[k], format=plsc.PackFormat.INTERLEAVED)
                    w_r[p, r, pl.ds(k * 2 * L, L)] = xa * exv
                    w_r[p, r, pl.ds(k * 2 * L + L, L)] = xb * exv

            @pl.when(jnp.logical_and(p == 0, b + 2 < nblk))
            def _():
                pltpu.sync_copy(
                    idx_hbm.at[pl.ds(idx_base + (pair + 1) * 4, 4)],
                    sd.at[jq])

            @pl.when(b + 2 < nblk)
            def _():
                start_gathers(b + 2, jq, p)

            pltpu.async_copy(w_r.at[p], acc.at[sd.at[jp, off + 1]],
                             ssc.at[p], add=True)
            return 0

        lax.fori_loop(0, nblk, block_body, 0)

        for p in range(2):
            pltpu.make_async_copy(w_r.at[p], acc.at[sd.at[0, p * 2 + 1]],
                                  ssc.at[p]).wait()
        plsc.subcore_barrier()

        done = 0
        while done < rows_sub:
            sz = min(BLK, rows_sub - done)
            row0 = pl.multiple_of(row_start + done, 8)
            orow = cid * n_nodes + row0
            pltpu.sync_copy(acc.at[pl.ds(row0, sz), pl.ds(0, 128)],
                            out_hbm.at[pl.ds(orow, sz)])
            pltpu.sync_copy(acc.at[pl.ds(row0, sz), pl.ds(128, 8)],
                            ex_hbm.at[pl.ds(orow, sz)])
            done += sz

    return edge_pass


def kernel(x, edge_index, W1l, W1r, a1, b1, W2l, W2r, a2, b2):
    n, d = x.shape
    e_in = edge_index.shape[1]
    e_real = e_in + n
    grain = NW * 2 * BLK
    epw = ((e_real + grain - 1) // grain) * 2 * BLK
    e_pad = epw * NW
    npair = epw // (2 * BLK)

    ar = jnp.arange(n, dtype=jnp.int32)
    tail = jnp.concatenate([ar, jnp.zeros((e_pad - e_real,), jnp.int32)])
    ed = jnp.concatenate(
        [edge_index.astype(jnp.int32),
         jnp.broadcast_to(tail, (2, e_pad - e_in))], axis=1)
    idx = (ed.reshape(2, NW, npair, 2, BLK)
           .transpose(1, 2, 3, 0, 4)
           .reshape(NW * npair * 4, BLK))

    def permc(w):
        return (w.reshape(d, 4, 2, L).swapaxes(2, 3).reshape(d, d))

    def permv(v):
        return v.reshape(4, 2, L).swapaxes(1, 2).reshape(d)

    W1lp, W1rp = permc(W1l), permc(W1r)
    W2lp, W2rp = permc(W2l), permc(W2r)
    a1p = permv(a1).astype(jnp.bfloat16)
    a2p = permv(a2).astype(jnp.bfloat16)

    edge_pass = _make_edge_pass(n, e_real, e_pad)
    blk_m = 2000

    xl1, xr1 = _mm2(x, W1lp, W1rp, blk_m)
    acc1, ex1 = edge_pass(xl1, xr1, idx, a1p)
    xl2, xr2 = _combine_mm2(acc1, ex1, b1.reshape(1, d), W2lp, W2rp, blk_m)
    acc2, ex2 = edge_pass(xl2, xr2, idx, a2p)
    return _final(acc2, ex2, b2.reshape(1, d), blk_m)

# --- scband reference (transcript-rebuilt; emitter-appended) ---
"""Pipeline reference for scband-gcn-layers-45767171506354 (READ-ONLY COPY).

The authoritative reference and input builder live on the scoring server;
editing this copy changes nothing except your own understanding.
"""

import jax, jax.numpy as jnp
import numpy as np

NEG_SLOPE = 0.2

def _gatv2_layer(x, src, dst, Wl, Wr, att, bias, n_nodes):
    # PyG GATv2Conv, heads=1, concat=True, share_weights=False, add_self_loops handled by caller
    xl = x @ Wl  # lin_l applied to source/message features
    xr = x @ Wr  # lin_r applied to target features
    e = jax.nn.leaky_relu(xl[src] + xr[dst], NEG_SLOPE) @ att  # [E]
    m = jax.ops.segment_max(e, dst, num_segments=n_nodes)
    ex = jnp.exp(e - m[dst])
    s = jax.ops.segment_sum(ex, dst, num_segments=n_nodes)
    alpha = ex / s[dst]
    out = jax.ops.segment_sum(alpha[:, None] * xl[src], dst, num_segments=n_nodes)
    return out + bias


def setup_inputs(seed: int = 0) -> dict:
    key = jax.random.key(seed)
    ks = jax.random.split(key, 10)
    N, E, D_in, D_hid, D_out = 10000, 320000, 128, 128, 128
    x = jax.random.normal(ks[0], (N, D_in), dtype=jnp.float32)
    edge_index = jax.random.randint(ks[1], (2, E), 0, N, dtype=jnp.int32)
    sc_in = 1.0 / np.sqrt(D_in)
    sc_hid = 1.0 / np.sqrt(D_hid)
    W1l = jax.random.normal(ks[2], (D_in, D_hid), dtype=jnp.float32) * sc_in
    W1r = jax.random.normal(ks[3], (D_in, D_hid), dtype=jnp.float32) * sc_in
    a1 = jax.random.normal(ks[4], (D_hid,), dtype=jnp.float32) * sc_hid
    b1 = jnp.zeros((D_hid,), dtype=jnp.float32)
    W2l = jax.random.normal(ks[5], (D_hid, D_out), dtype=jnp.float32) * sc_hid
    W2r = jax.random.normal(ks[6], (D_hid, D_out), dtype=jnp.float32) * sc_hid
    a2 = jax.random.normal(ks[7], (D_out,), dtype=jnp.float32) * sc_hid
    b2 = jnp.zeros((D_out,), dtype=jnp.float32)
    return {"x": x, "edge_index": edge_index, "W1l": W1l, "W1r": W1r, "a1": a1, "b1": b1, "W2l": W2l, "W2r": W2r, "a2": a2, "b2": b2}


def reference(x, edge_index, W1l, W1r, a1, b1, W2l, W2r, a2, b2):
    N = x.shape[0]
    ar = jnp.arange(N, dtype=edge_index.dtype)
    src = jnp.concatenate([edge_index[0], ar])  # add self loops
    dst = jnp.concatenate([edge_index[1], ar])
    h = _gatv2_layer(x, src, dst, W1l, W1r, a1, b1, N)
    h = jax.nn.relu(h)
    out = _gatv2_layer(h, src, dst, W2l, W2r, a2, b2, N)
    return out

if __name__ == "__main__":
    import jax
    _d = setup_inputs()
    print(jax.jit(kernel)(*tuple(_d.values())))

</pallas_src>

<mosaic_0001>
#map = affine_map<(d0, d1) -> (0, 0)>
#map1 = affine_map<(d0, d1) -> (0)>
module attributes {stable_mosaic.version = 14 : i64} {
  func.func @edge_pass(%arg0: i32, %arg1: i32, %arg2: memref<10000x128xbf16, #tpu.memory_space<hbm>>, %arg3: memref<10000x128xbf16, #tpu.memory_space<hbm>>, %arg4: memref<10368x64xi32, #tpu.memory_space<hbm>>, %arg5: memref<128xbf16, #tpu.memory_space<hbm>>, %arg6: memref<20000x128xf32, #tpu.memory_space<hbm>>, %arg7: memref<20000x8xf32, #tpu.memory_space<hbm>>, %arg8: memref<128xbf16, #tpu.memory_space<vmem>>, %arg9: memref<3x4x64xi32, #tpu.memory_space<vmem>>, %arg10: memref<2x64x128xbf16, #tpu.memory_space<vmem>>, %arg11: memref<2x64x128xbf16, #tpu.memory_space<vmem>>, %arg12: memref<2x64x136xf32, #tpu.memory_space<vmem>>, %arg13: memref<10000x136xf32, #tpu.memory_space<vmem_shared>>, %arg14: memref<2x!tpu.dma_semaphore, #tpu.memory_space<semaphore_mem>>, %arg15: memref<2x!tpu.dma_semaphore, #tpu.memory_space<semaphore_mem>>, %arg16: memref<2x!tpu.dma_semaphore, #tpu.memory_space<semaphore_mem>>) attributes {dimension_semantics = [#tpu.dimension_semantics<core_parallel>, #tpu.dimension_semantics<subcore_parallel>], iteration_bounds = array<i64: 2, 16>, scalar_prefetch = 0 : i64, scratch_operands = 9 : i64, tpu.core_type = #tpu.core_type<sc_vector_subcore>, window_params = [{transform_indices = #map}, {transform_indices = #map}, {transform_indices = #map}, {transform_indices = #map1}, {transform_indices = #map}, {transform_indices = #map}]} {
    %mul3A = arith.constant 2 : i32
    %mul3A_0 = arith.muli %arg1, %mul3A : i32
    %add3A = arith.addi %mul3A_0, %arg0 : i32
    "tpu.region"() ({
      %run_scoped3A_227 = tpu.sem_alloc : memref<!tpu.dma_semaphore, #tpu.memory_space<semaphore_mem>>
      tpu.enqueue_dma source(%arg5 : memref<128xbf16, #tpu.memory_space<hbm>>) target(%arg8 : memref<128xbf16, #tpu.memory_space<vmem>>) target_semaphore(%run_scoped3A_227 : memref<!tpu.dma_semaphore, #tpu.memory_space<semaphore_mem>>)
      tpu.wait_dma2 semaphore(%run_scoped3A_227 : memref<!tpu.dma_semaphore, #tpu.memory_space<semaphore_mem>>) src(%arg5 : memref<128xbf16, #tpu.memory_space<hbm>>) dst(%arg8 : memref<128xbf16, #tpu.memory_space<vmem>>)
      tpu.yield
    }) : () -> ()
    %broadcast_in_dim3A = arith.constant 0.000000e+00 : f32
    %broadcast_in_dim3A_1 = vector.broadcast %broadcast_in_dim3A : f32 to vector<16xf32>
    %scan3A = arith.constant 0 : i32
    %scan3A_2 = arith.constant 0 : i32
    %scan3A_3 = arith.constant 64 : i32
    %scan3A_4 = arith.addi %scan3A_2, %scan3A_3 : i32
    %scan3A_5 = arith.constant 1 : i32
    %scan3A_6 = scf.for %scan3A_227 = %scan3A_2 to %scan3A_4 step %scan3A_5 iter_args(%scan3A_228 = %scan3A) -> (i32)  : i32 {
      %swap3A = arith.constant 0 : i32
      %swap3A_229 = arith.index_cast %swap3A : i32 to index
      %swap3A_230 = arith.index_cast %scan3A_227 : i32 to index
      %swap3A_231 = arith.constant 0 : index
      %swap3A_232 = tpu.vector_load %arg12[%swap3A_229, %swap3A_230, %swap3A_231] {strides = array<i32>} : memref<2x64x136xf32, #tpu.memory_space<vmem>>, vector<16xf32>,
      tpu.vector_store %arg12[%swap3A_229, %swap3A_230, %swap3A_231], %broadcast_in_dim3A_1 {strides = array<i32>} : memref<2x64x136xf32, #tpu.memory_space<vmem>>, vector<16xf32>,
      %swap3A_233 = arith.constant 0 : i32
      %swap3A_234 = arith.index_cast %swap3A_233 : i32 to index
      %swap3A_235 = arith.index_cast %scan3A_227 : i32 to index
      %swap3A_236 = arith.constant 16 : index
      %swap3A_237 = tpu.vector_load %arg12[%swap3A_234, %swap3A_235, %swap3A_236] {strides = array<i32>} : memref<2x64x136xf32, #tpu.memory_space<vmem>>, vector<16xf32>,
      tpu.vector_store %arg12[%swap3A_234, %swap3A_235, %swap3A_236], %broadcast_in_dim3A_1 {strides = array<i32>} : memref<2x64x136xf32, #tpu.memory_space<vmem>>, vector<16xf32>,
      %swap3A_238 = arith.constant 0 : i32
      %swap3A_239 = arith.index_cast %swap3A_238 : i32 to index
      %swap3A_240 = arith.index_cast %scan3A_227 : i32 to index
      %swap3A_241 = arith.constant 32 : index
      %swap3A_242 = tpu.vector_load %arg12[%swap3A_239, %swap3A_240, %swap3A_241] {strides = array<i32>} : memref<2x64x136xf32, #tpu.memory_space<vmem>>, vector<16xf32>,
      tpu.vector_store %arg12[%swap3A_239, %swap3A_240, %swap3A_241], %broadcast_in_dim3A_1 {strides = array<i32>} : memref<2x64x136xf32, #tpu.memory_space<vmem>>, vector<16xf32>,
      %swap3A_243 = arith.constant 0 : i32
      %swap3A_244 = arith.index_cast %swap3A_243 : i32 to index
      %swap3A_245 = arith.index_cast %scan3A_227 : i32 to index
      %swap3A_246 = arith.constant 48 : index
      %swap3A_247 = tpu.vector_load %arg12[%swap3A_244, %swap3A_245, %swap3A_246] {strides = array<i32>} : memref<2x64x136xf32, #tpu.memory_space<vmem>>, vector<16xf32>,
      tpu.vector_store %arg12[%swap3A_244, %swap3A_245, %swap3A_246], %broadcast_in_dim3A_1 {strides = array<i32>} : memref<2x64x136xf32, #tpu.memory_space<vmem>>, vector<16xf32>,
      %swap3A_248 = arith.constant 0 : i32
      %swap3A_249 = arith.index_cast %swap3A_248 : i32 to index
      %swap3A_250 = arith.index_cast %scan3A_227 : i32 to index
      %swap3A_251 = arith.constant 64 : index
      %swap3A_252 = tpu.vector_load %arg12[%swap3A_249, %swap3A_250, %swap3A_251] {strides = array<i32>} : memref<2x64x136xf32, #tpu.memory_space<vmem>>, vector<16xf32>,
      tpu.vector_store %arg12[%swap3A_249, %swap3A_250, %swap3A_251], %broadcast_in_dim3A_1 {strides = array<i32>} : memref<2x64x136xf32, #tpu.memory_space<vmem>>, vector<16xf32>,
      %swap3A_253 = arith.constant 0 : i32
      %swap3A_254 = arith.index_cast %swap3A_253 : i32 to index
      %swap3A_255 = arith.index_cast %scan3A_227 : i32 to index
      %swap3A_256 = arith.constant 80 : index
      %swap3A_257 = tpu.vector_load %arg12[%swap3A_254, %swap3A_255, %swap3A_256] {strides = array<i32>} : memref<2x64x136xf32, #tpu.memory_space<vmem>>, vector<16xf32>,
      tpu.vector_store %arg12[%swap3A_254, %swap3A_255, %swap3A_256], %broadcast_in_dim3A_1 {strides = array<i32>} : memref<2x64x136xf32, #tpu.memory_space<vmem>>, vector<16xf32>,
      %swap3A_258 = arith.constant 0 : i32
      %swap3A_259 = arith.index_cast %swap3A_258 : i32 to index
      %swap3A_260 = arith.index_cast %scan3A_227 : i32 to index
      %swap3A_261 = arith.constant 96 : index
      %swap3A_262 = tpu.vector_load %arg12[%swap3A_259, %swap3A_260, %swap3A_261] {strides = array<i32>} : memref<2x64x136xf32, #tpu.memory_space<vmem>>, vector<16xf32>,
      tpu.vector_store %arg12[%swap3A_259, %swap3A_260, %swap3A_261], %broadcast_in_dim3A_1 {strides = array<i32>} : memref<2x64x136xf32, #tpu.memory_space<vmem>>, vector<16xf32>,
      %swap3A_263 = arith.constant 0 : i32
      %swap3A_264 = arith.index_cast %swap3A_263 : i32 to index
      %swap3A_265 = arith.index_cast %scan3A_227 : i32 to index
      %swap3A_266 = arith.constant 112 : index
      %swap3A_267 = tpu.vector_load %arg12[%swap3A_264, %swap3A_265, %swap3A_266] {strides = array<i32>} : memref<2x64x136xf32, #tpu.memory_space<vmem>>, vector<16xf32>,
      tpu.vector_store %arg12[%swap3A_264, %swap3A_265, %swap3A_266], %broadcast_in_dim3A_1 {strides = array<i32>} : memref<2x64x136xf32, #tpu.memory_space<vmem>>, vector<16xf32>,
      %swap3A_268 = arith.constant 0 : i32
      %swap3A_269 = arith.index_cast %swap3A_268 : i32 to index
      %swap3A_270 = arith.index_cast %scan3A_227 : i32 to index
      %swap3A_271 = arith.constant 120 : index
      %swap3A_272 = tpu.vector_load %arg12[%swap3A_269, %swap3A_270, %swap3A_271] {strides = array<i32>} : memref<2x64x136xf32, #tpu.memory_space<vmem>>, vector<16xf32>,
      tpu.vector_store %arg12[%swap3A_269, %swap3A_270, %swap3A_271], %broadcast_in_dim3A_1 {strides = array<i32>} : memref<2x64x136xf32, #tpu.memory_space<vmem>>, vector<16xf32>,
      %swap3A_273 = arith.constant 1 : i32
      %swap3A_274 = arith.index_cast %swap3A_273 : i32 to index
      %swap3A_275 = arith.index_cast %scan3A_227 : i32 to index
      %swap3A_276 = arith.constant 0 : index
      %swap3A_277 = tpu.vector_load %arg12[%swap3A_274, %swap3A_275, %swap3A_276] {strides = array<i32>} : memref<2x64x136xf32, #tpu.memory_space<vmem>>, vector<16xf32>,
      tpu.vector_store %arg12[%swap3A_274, %swap3A_275, %swap3A_276], %broadcast_in_dim3A_1 {strides = array<i32>} : memref<2x64x136xf32, #tpu.memory_space<vmem>>, vector<16xf32>,
      %swap3A_278 = arith.constant 1 : i32
      %swap3A_279 = arith.index_cast %swap3A_278 : i32 to index
      %swap3A_280 = arith.index_cast %scan3A_227 : i32 to index
      %swap3A_281 = arith.constant 16 : index
      %swap3A_282 = tpu.vector_load %arg12[%swap3A_279, %swap3A_280, %swap3A_281] {strides = array<i32>} : memref<2x64x136xf32, #tpu.memory_space<vmem>>, vector<16xf32>,
      tpu.vector_store %arg12[%swap3A_279, %swap3A_280, %swap3A_281], %broadcast_in_dim3A_1 {strides = array<i32>} : memref<2x64x136xf32, #tpu.memory_space<vmem>>, vector<16xf32>,
      %swap3A_283 = arith.constant 1 : i32
      %swap3A_284 = arith.index_cast %swap3A_283 : i32 to index
      %swap3A_285 = arith.index_cast %scan3A_227 : i32 to index
      %swap3A_286 = arith.constant 32 : index
      %swap3A_287 = tpu.vector_load %arg12[%swap3A_284, %swap3A_285, %swap3A_286] {strides = array<i32>} : memref<2x64x136xf32, #tpu.memory_space<vmem>>, vector<16xf32>,
      tpu.vector_store %arg12[%swap3A_284, %swap3A_285, %swap3A_286], %broadcast_in_dim3A_1 {strides = array<i32>} : memref<2x64x136xf32, #tpu.memory_space<vmem>>, vector<16xf32>,
      %swap3A_288 = arith.constant 1 : i32
      %swap3A_289 = arith.index_cast %swap3A_288 : i32 to index
      %swap3A_290 = arith.index_cast %scan3A_227 : i32 to index
      %swap3A_291 = arith.constant 48 : index
      %swap3A_292 = tpu.vector_load %arg12[%swap3A_289, %swap3A_290, %swap3A_291] {strides = array<i32>} : memref<2x64x136xf32, #tpu.memory_space<vmem>>, vector<16xf32>,
      tpu.vector_store %arg12[%swap3A_289, %swap3A_290, %swap3A_291], %broadcast_in_dim3A_1 {strides = array<i32>} : memref<2x64x136xf32, #tpu.memory_space<vmem>>, vector<16xf32>,
      %swap3A_293 = arith.constant 1 : i32
      %swap3A_294 = arith.index_cast %swap3A_293 : i32 to index
      %swap3A_295 = arith.index_cast %scan3A_227 : i32 to index
      %swap3A_296 = arith.constant 64 : index
      %swap3A_297 = tpu.vector_load %arg12[%swap3A_294, %swap3A_295, %swap3A_296] {strides = array<i32>} : memref<2x64x136xf32, #tpu.memory_space<vmem>>, vector<16xf32>,
      tpu.vector_store %arg12[%swap3A_294, %swap3A_295, %swap3A_296], %broadcast_in_dim3A_1 {strides = array<i32>} : memref<2x64x136xf32, #tpu.memory_space<vmem>>, vector<16xf32>,
      %swap3A_298 = arith.constant 1 : i32
      %swap3A_299 = arith.index_cast %swap3A_298 : i32 to index
      %swap3A_300 = arith.index_cast %scan3A_227 : i32 to index
      %swap3A_301 = arith.constant 80 : index
      %swap3A_302 = tpu.vector_load %arg12[%swap3A_299, %swap3A_300, %swap3A_301] {strides = array<i32>} : memref<2x64x136xf32, #tpu.memory_space<vmem>>, vector<16xf32>,
      tpu.vector_store %arg12[%swap3A_299, %swap3A_300, %swap3A_301], %broadcast_in_dim3A_1 {strides = array<i32>} : memref<2x64x136xf32, #tpu.memory_space<vmem>>, vector<16xf32>,
      %swap3A_303 = arith.constant 1 : i32
      %swap3A_304 = arith.index_cast %swap3A_303 : i32 to index
      %swap3A_305 = arith.index_cast %scan3A_227 : i32 to index
      %swap3A_306 = arith.constant 96 : index
      %swap3A_307 = tpu.vector_load %arg12[%swap3A_304, %swap3A_305, %swap3A_306] {strides = array<i32>} : memref<2x64x136xf32, #tpu.memory_space<vmem>>, vector<16xf32>,
      tpu.vector_store %arg12[%swap3A_304, %swap3A_305, %swap3A_306], %broadcast_in_dim3A_1 {strides = array<i32>} : memref<2x64x136xf32, #tpu.memory_space<vmem>>, vector<16xf32>,
      %swap3A_308 = arith.constant 1 : i32
      %swap3A_309 = arith.index_cast %swap3A_308 : i32 to index
      %swap3A_310 = arith.index_cast %scan3A_227 : i32 to index
      %swap3A_311 = arith.constant 112 : index
      %swap3A_312 = tpu.vector_load %arg12[%swap3A_309, %swap3A_310, %swap3A_311] {strides = array<i32>} : memref<2x64x136xf32, #tpu.memory_space<vmem>>, vector<16xf32>,
      tpu.vector_store %arg12[%swap3A_309, %swap3A_310, %swap3A_311], %broadcast_in_dim3A_1 {strides = array<i32>} : memref<2x64x136xf32, #tpu.memory_space<vmem>>, vector<16xf32>,
      %swap3A_313 = arith.constant 1 : i32
      %swap3A_314 = arith.index_cast %swap3A_313 : i32 to index
      %swap3A_315 = arith.index_cast %scan3A_227 : i32 to index
      %swap3A_316 = arith.constant 120 : index
      %swap3A_317 = tpu.vector_load %arg12[%swap3A_314, %swap3A_315, %swap3A_316] {strides = array<i32>} : memref<2x64x136xf32, #tpu.memory_space<vmem>>, vector<16xf32>,
      tpu.vector_store %arg12[%swap3A_314, %swap3A_315, %swap3A_316], %broadcast_in_dim3A_1 {strides = array<i32>} : memref<2x64x136xf32, #tpu.memory_space<vmem>>, vector<16xf32>,
      %scan3A_318 = arith.constant 0 : i32
      scf.yield %scan3A_318 : i32
    }
    %scan3A_7 = arith.constant 64 : i32
    %mul3A_8 = arith.constant 632 : i32
    %mul3A_9 = arith.muli %arg1, %mul3A_8 : i32
    %min3A = arith.constant 9368 : i32
    %min3A_10 = arith.minsi %mul3A_9, %min3A : i32
    %multiple_of3A = tpu.assume_multiple %min3A_10, 8 : i32
    %add3A_11 = arith.constant 0 : i32
    %add3A_12 = arith.addi %multiple_of3A, %add3A_11 : i32
    %run_scoped3A = arith.constant 0 : i32
    "tpu.region"() ({
      %run_scoped3A_227 = tpu.sem_alloc : memref<!tpu.dma_semaphore, #tpu.memory_space<semaphore_mem>>
      %dma_start3A_228 = arith.constant 0 : i32
      %dma_start3A_229 = arith.constant 0 : i32
      %dma_start3A_230 = tpu.memref_slice %arg12[%run_scoped3A, %dma_start3A_228, %dma_start3A_229] : memref<2x64x136xf32, #tpu.memory_space<vmem>> -> memref<1x64x136xf32, #tpu.memory_space<vmem>>
      %dma_start3A_231 = tpu.memref_squeeze %dma_start3A_230 : memref<1x64x136xf32, #tpu.memory_space<vmem>> -> memref<64x136xf32, #tpu.memory_space<vmem>>
      %dma_start3A_232 = arith.constant 0 : i32
      %dma_start3A_233 = tpu.memref_slice %arg13[%add3A_12, %dma_start3A_232] : memref<10000x136xf32, #tpu.memory_space<vmem_shared>> -> memref<64x136xf32, #tpu.memory_space<vmem_shared>>
      %dma_start3A_234 = arith.constant 0 : i32
      %dma_start3A_235 = tpu.memref_slice %arg13[%add3A_12, %dma_start3A_234] : memref<10000x136xf32, #tpu.memory_space<vmem_shared>> -> memref<64x136xf32, #tpu.memory_space<vmem_shared>>
      %dma_start3A_236 = arith.constant 0 : i32
      %dma_start3A_237 = arith.constant 0 : i32
      %dma_start3A_238 = tpu.memref_slice %arg12[%run_scoped3A, %dma_start3A_236, %dma_start3A_237] : memref<2x64x136xf32, #tpu.memory_space<vmem>> -> memref<1x64x136xf32, #tpu.memory_space<vmem>>
      %dma_start3A_239 = tpu.memref_squeeze %dma_start3A_238 : memref<1x64x136xf32, #tpu.memory_space<vmem>> -> memref<64x136xf32, #tpu.memory_space<vmem>>
      tpu.enqueue_dma source(%dma_start3A_239 : memref<64x136xf32, #tpu.memory_space<vmem>>) target(%dma_start3A_235 : memref<64x136xf32, #tpu.memory_space<vmem_shared>>) target_semaphore(%run_scoped3A_227 : memref<!tpu.dma_semaphore, #tpu.memory_space<semaphore_mem>>)
      %dma_wait3A_240 = arith.constant 0 : i32
      %dma_wait3A_241 = arith.constant 0 : i32
      %dma_wait3A_242 = tpu.memref_slice %arg12[%run_scoped3A, %dma_wait3A_240, %dma_wait3A_241] : memref<2x64x136xf32, #tpu.memory_space<vmem>> -> memref<1x64x136xf32, #tpu.memory_space<vmem>>
      %dma_wait3A_243 = tpu.memref_squeeze %dma_wait3A_242 : memref<1x64x136xf32, #tpu.memory_space<vmem>> -> memref<64x136xf32, #tpu.memory_space<vmem>>
      %dma_wait3A_244 = arith.constant 0 : i32
      %dma_wait3A_245 = tpu.memref_slice %arg13[%add3A_12, %dma_wait3A_244] : memref<10000x136xf32, #tpu.memory_space<vmem_shared>> -> memref<64x136xf32, #tpu.memory_space<vmem_shared>>
      %dma_wait3A_246 = arith.constant 0 : i32
      %dma_wait3A_247 = tpu.memref_slice %arg13[%add3A_12, %dma_wait3A_246] : memref<10000x136xf32, #tpu.memory_space<vmem_shared>> -> memref<64x136xf32, #tpu.memory_space<vmem_shared>>
      %dma_wait3A_248 = arith.constant 0 : i32
      %dma_wait3A_249 = arith.constant 0 : i32
      %dma_wait3A_250 = tpu.memref_slice %arg12[%run_scoped3A, %dma_wait3A_248, %dma_wait3A_249] : memref<2x64x136xf32, #tpu.memory_space<vmem>> -> memref<1x64x136xf32, #tpu.memory_space<vmem>>
      %dma_wait3A_251 = tpu.memref_squeeze %dma_wait3A_250 : memref<1x64x136xf32, #tpu.memory_space<vmem>> -> memref<64x136xf32, #tpu.memory_space<vmem>>
      tpu.wait_dma2 semaphore(%run_scoped3A_227 : memref<!tpu.dma_semaphore, #tpu.memory_space<semaphore_mem>>) src(%dma_wait3A_251 : memref<64x136xf32, #tpu.memory_space<vmem>>) dst(%dma_wait3A_247 : memref<64x136xf32, #tpu.memory_space<vmem_shared>>)
      tpu.yield
    }) : () -> ()
    %add3A_13 = arith.constant 64 : i32
    %add3A_14 = arith.addi %multiple_of3A, %add3A_13 : i32
    %run_scoped3A_15 = arith.constant 0 : i32
    "tpu.region"() ({
      %run_scoped3A_227 = tpu.sem_alloc : memref<!tpu.dma_semaphore, #tpu.memory_space<semaphore_mem>>
      %dma_start3A_228 = arith.constant 0 : i32
      %dma_start3A_229 = arith.constant 0 : i32
      %dma_start3A_230 = tpu.memref_slice %arg12[%run_scoped3A_15, %dma_start3A_228, %dma_start3A_229] : memref<2x64x136xf32, #tpu.memory_space<vmem>> -> memref<1x64x136xf32, #tpu.memory_space<vmem>>
      %dma_start3A_231 = tpu.memref_squeeze %dma_start3A_230 : memref<1x64x136xf32, #tpu.memory_space<vmem>> -> memref<64x136xf32, #tpu.memory_space<vmem>>
      %dma_start3A_232 = arith.constant 0 : i32
      %dma_start3A_233 = tpu.memref_slice %arg13[%add3A_14, %dma_start3A_232] : memref<10000x136xf32, #tpu.memory_space<vmem_shared>> -> memref<64x136xf32, #tpu.memory_space<vmem_shared>>
      %dma_start3A_234 = arith.constant 0 : i32
      %dma_start3A_235 = tpu.memref_slice %arg13[%add3A_14, %dma_start3A_234] : memref<10000x136xf32, #tpu.memory_space<vmem_shared>> -> memref<64x136xf32, #tpu.memory_space<vmem_shared>>
      %dma_start3A_236 = arith.constant 0 : i32
      %dma_start3A_237 = arith.constant 0 : i32
      %dma_start3A_238 = tpu.memref_slice %arg12[%run_scoped3A_15, %dma_start3A_236, %dma_start3A_237] : memref<2x64x136xf32, #tpu.memory_space<vmem>> -> memref<1x64x136xf32, #tpu.memory_space<vmem>>
      %dma_start3A_239 = tpu.memref_squeeze %dma_start3A_238 : memref<1x64x136xf32, #tpu.memory_space<vmem>> -> memref<64x136xf32, #tpu.memory_space<vmem>>
      tpu.enqueue_dma source(%dma_start3A_239 : memref<64x136xf32, #tpu.memory_space<vmem>>) target(%dma_start3A_235 : memref<64x136xf32, #tpu.memory_space<vmem_shared>>) target_semaphore(%run_scoped3A_227 : memref<!tpu.dma_semaphore, #tpu.memory_space<semaphore_mem>>)
      %dma_wait3A_240 = arith.constant 0 : i32
      %dma_wait3A_241 = arith.constant 0 : i32
      %dma_wait3A_242 = tpu.memref_slice %arg12[%run_scoped3A_15, %dma_wait3A_240, %dma_wait3A_241] : memref<2x64x136xf32, #tpu.memory_space<vmem>> -> memref<1x64x136xf32, #tpu.memory_space<vmem>>
      %dma_wait3A_243 = tpu.memref_squeeze %dma_wait3A_242 : memref<1x64x136xf32, #tpu.memory_space<vmem>> -> memref<64x136xf32, #tpu.memory_space<vmem>>
      %dma_wait3A_244 = arith.constant 0 : i32
      %dma_wait3A_245 = tpu.memref_slice %arg13[%add3A_14, %dma_wait3A_244] : memref<10000x136xf32, #tpu.memory_space<vmem_shared>> -> memref<64x136xf32, #tpu.memory_space<vmem_shared>>
      %dma_wait3A_246 = arith.constant 0 : i32
      %dma_wait3A_247 = tpu.memref_slice %arg13[%add3A_14, %dma_wait3A_246] : memref<10000x136xf32, #tpu.memory_space<vmem_shared>> -> memref<64x136xf32, #tpu.memory_space<vmem_shared>>
      %dma_wait3A_248 = arith.constant 0 : i32
      %dma_wait3A_249 = arith.constant 0 : i32
      %dma_wait3A_250 = tpu.memref_slice %arg12[%run_scoped3A_15, %dma_wait3A_248, %dma_wait3A_249] : memref<2x64x136xf32, #tpu.memory_space<vmem>> -> memref<1x64x136xf32, #tpu.memory_space<vmem>>
      %dma_wait3A_251 = tpu.memref_squeeze %dma_wait3A_250 : memref<1x64x136xf32, #tpu.memory_space<vmem>> -> memref<64x136xf32, #tpu.memory_space<vmem>>
      tpu.wait_dma2 semaphore(%run_scoped3A_227 : memref<!tpu.dma_semaphore, #tpu.memory_space<semaphore_mem>>) src(%dma_wait3A_251 : memref<64x136xf32, #tpu.memory_space<vmem>>) dst(%dma_wait3A_247 : memref<64x136xf32, #tpu.memory_space<vmem_shared>>)
      tpu.yield
    }) : () -> ()
    %add3A_16 = arith.constant 128 : i32
    %add3A_17 = arith.addi %multiple_of3A, %add3A_16 : i32
    %run_scoped3A_18 = arith.constant 0 : i32
    "tpu.region"() ({
      %run_scoped3A_227 = tpu.sem_alloc : memref<!tpu.dma_semaphore, #tpu.memory_space<semaphore_mem>>
      %dma_start3A_228 = arith.constant 0 : i32
      %dma_start3A_229 = arith.constant 0 : i32
      %dma_start3A_230 = tpu.memref_slice %arg12[%run_scoped3A_18, %dma_start3A_228, %dma_start3A_229] : memref<2x64x136xf32, #tpu.memory_space<vmem>> -> memref<1x64x136xf32, #tpu.memory_space<vmem>>
      %dma_start3A_231 = tpu.memref_squeeze %dma_start3A_230 : memref<1x64x136xf32, #tpu.memory_space<vmem>> -> memref<64x136xf32, #tpu.memory_space<vmem>>
      %dma_start3A_232 = arith.constant 0 : i32
      %dma_start3A_233 = tpu.memref_slice %arg13[%add3A_17, %dma_start3A_232] : memref<10000x136xf32, #tpu.memory_space<vmem_shared>> -> memref<64x136xf32, #tpu.memory_space<vmem_shared>>
      %dma_start3A_234 = arith.constant 0 : i32
      %dma_start3A_235 = tpu.memref_slice %arg13[%add3A_17, %dma_start3A_234] : memref<10000x136xf32, #tpu.memory_space<vmem_shared>> -> memref<64x136xf32, #tpu.memory_space<vmem_shared>>
      %dma_start3A_236 = arith.constant 0 : i32
      %dma_start3A_237 = arith.constant 0 : i32
      %dma_start3A_238 = tpu.memref_slice %arg12[%run_scoped3A_18, %dma_start3A_236, %dma_start3A_237] : memref<2x64x136xf32, #tpu.memory_space<vmem>> -> memref<1x64x136xf32, #tpu.memory_space<vmem>>
      %dma_start3A_239 = tpu.memref_squeeze %dma_start3A_238 : memref<1x64x136xf32, #tpu.memory_space<vmem>> -> memref<64x136xf32, #tpu.memory_space<vmem>>
      tpu.enqueue_dma source(%dma_start3A_239 : memref<64x136xf32, #tpu.memory_space<vmem>>) target(%dma_start3A_235 : memref<64x136xf32, #tpu.memory_space<vmem_shared>>) target_semaphore(%run_scoped3A_227 : memref<!tpu.dma_semaphore, #tpu.memory_space<semaphore_mem>>)
      %dma_wait3A_240 = arith.constant 0 : i32
      %dma_wait3A_241 = arith.constant 0 : i32
      %dma_wait3A_242 = tpu.memref_slice %arg12[%run_scoped3A_18, %dma_wait3A_240, %dma_wait3A_241] : memref<2x64x136xf32, #tpu.memory_space<vmem>> -> memref<1x64x136xf32, #tpu.memory_space<vmem>>
      %dma_wait3A_243 = tpu.memref_squeeze %dma_wait3A_242 : memref<1x64x136xf32, #tpu.memory_space<vmem>> -> memref<64x136xf32, #tpu.memory_space<vmem>>
      %dma_wait3A_244 = arith.constant 0 : i32
      %dma_wait3A_245 = tpu.memref_slice %arg13[%add3A_17, %dma_wait3A_244] : memref<10000x136xf32, #tpu.memory_space<vmem_shared>> -> memref<64x136xf32, #tpu.memory_space<vmem_shared>>
      %dma_wait3A_246 = arith.constant 0 : i32
      %dma_wait3A_247 = tpu.memref_slice %arg13[%add3A_17, %dma_wait3A_246] : memref<10000x136xf32, #tpu.memory_space<vmem_shared>> -> memref<64x136xf32, #tpu.memory_space<vmem_shared>>
      %dma_wait3A_248 = arith.constant 0 : i32
      %dma_wait3A_249 = arith.constant 0 : i32
      %dma_wait3A_250 = tpu.memref_slice %arg12[%run_scoped3A_18, %dma_wait3A_248, %dma_wait3A_249] : memref<2x64x136xf32, #tpu.memory_space<vmem>> -> memref<1x64x136xf32, #tpu.memory_space<vmem>>
      %dma_wait3A_251 = tpu.memref_squeeze %dma_wait3A_250 : memref<1x64x136xf32, #tpu.memory_space<vmem>> -> memref<64x136xf32, #tpu.memory_space<vmem>>
      tpu.wait_dma2 semaphore(%run_scoped3A_227 : memref<!tpu.dma_semaphore, #tpu.memory_space<semaphore_mem>>) src(%dma_wait3A_251 : memref<64x136xf32, #tpu.memory_space<vmem>>) dst(%dma_wait3A_247 : memref<64x136xf32, #tpu.memory_space<vmem_shared>>)
      tpu.yield
    }) : () -> ()
    %add3A_19 = arith.constant 192 : i32
    %add3A_20 = arith.addi %multiple_of3A, %add3A_19 : i32
    %run_scoped3A_21 = arith.constant 0 : i32
    "tpu.region"() ({
      %run_scoped3A_227 = tpu.sem_alloc : memref<!tpu.dma_semaphore, #tpu.memory_space<semaphore_mem>>
      %dma_start3A_228 = arith.constant 0 : i32
      %dma_start3A_229 = arith.constant 0 : i32
      %dma_start3A_230 = tpu.memref_slice %arg12[%run_scoped3A_21, %dma_start3A_228, %dma_start3A_229] : memref<2x64x136xf32, #tpu.memory_space<vmem>> -> memref<1x64x136xf32, #tpu.memory_space<vmem>>
      %dma_start3A_231 = tpu.memref_squeeze %dma_start3A_230 : memref<1x64x136xf32, #tpu.memory_space<vmem>> -> memref<64x136xf32, #tpu.memory_space<vmem>>
      %dma_start3A_232 = arith.constant 0 : i32
      %dma_start3A_233 = tpu.memref_slice %arg13[%add3A_20, %dma_start3A_232] : memref<10000x136xf32, #tpu.memory_space<vmem_shared>> -> memref<64x136xf32, #tpu.memory_space<vmem_shared>>
      %dma_start3A_234 = arith.constant 0 : i32
      %dma_start3A_235 = tpu.memref_slice %arg13[%add3A_20, %dma_start3A_234] : memref<10000x136xf32, #tpu.memory_space<vmem_shared>> -> memref<64x136xf32, #tpu.memory_space<vmem_shared>>
      %dma_start3A_236 = arith.constant 0 : i32
      %dma_start3A_237 = arith.constant 0 : i32
      %dma_start3A_238 = tpu.memref_slice %arg12[%run_scoped3A_21, %dma_start3A_236, %dma_start3A_237] : memref<2x64x136xf32, #tpu.memory_space<vmem>> -> memref<1x64x136xf32, #tpu.memory_space<vmem>>
      %dma_start3A_239 = tpu.memref_squeeze %dma_start3A_238 : memref<1x64x136xf32, #tpu.memory_space<vmem>> -> memref<64x136xf32, #tpu.memory_space<vmem>>
      tpu.enqueue_dma source(%dma_start3A_239 : memref<64x136xf32, #tpu.memory_space<vmem>>) target(%dma_start3A_235 : memref<64x136xf32, #tpu.memory_space<vmem_shared>>) target_semaphore(%run_scoped3A_227 : memref<!tpu.dma_semaphore, #tpu.memory_space<semaphore_mem>>)
      %dma_wait3A_240 = arith.constant 0 : i32
      %dma_wait3A_241 = arith.constant 0 : i32
      %dma_wait3A_242 = tpu.memref_slice %arg12[%run_scoped3A_21, %dma_wait3A_240, %dma_wait3A_241] : memref<2x64x136xf32, #tpu.memory_space<vmem>> -> memref<1x64x136xf32, #tpu.memory_space<vmem>>
      %dma_wait3A_243 = tpu.memref_squeeze %dma_wait3A_242 : memref<1x64x136xf32, #tpu.memory_space<vmem>> -> memref<64x136xf32, #tpu.memory_space<vmem>>
      %dma_wait3A_244 = arith.constant 0 : i32
      %dma_wait3A_245 = tpu.memref_slice %arg13[%add3A_20, %dma_wait3A_244] : memref<10000x136xf32, #tpu.memory_space<vmem_shared>> -> memref<64x136xf32, #tpu.memory_space<vmem_shared>>
      %dma_wait3A_246 = arith.constant 0 : i32
      %dma_wait3A_247 = tpu.memref_slice %arg13[%add3A_20, %dma_wait3A_246] : memref<10000x136xf32, #tpu.memory_space<vmem_shared>> -> memref<64x136xf32, #tpu.memory_space<vmem_shared>>
      %dma_wait3A_248 = arith.constant 0 : i32
      %dma_wait3A_249 = arith.constant 0 : i32
      %dma_wait3A_250 = tpu.memref_slice %arg12[%run_scoped3A_21, %dma_wait3A_248, %dma_wait3A_249] : memref<2x64x136xf32, #tpu.memory_space<vmem>> -> memref<1x64x136xf32, #tpu.memory_space<vmem>>
      %dma_wait3A_251 = tpu.memref_squeeze %dma_wait3A_250 : memref<1x64x136xf32, #tpu.memory_space<vmem>> -> memref<64x136xf32, #tpu.memory_space<vmem>>
      tpu.wait_dma2 semaphore(%run_scoped3A_227 : memref<!tpu.dma_semaphore, #tpu.memory_space<semaphore_mem>>) src(%dma_wait3A_251 : memref<64x136xf32, #tpu.memory_space<vmem>>) dst(%dma_wait3A_247 : memref<64x136xf32, #tpu.memory_space<vmem_shared>>)
      tpu.yield
    }) : () -> ()
    %add3A_22 = arith.constant 256 : i32
    %add3A_23 = arith.addi %multiple_of3A, %add3A_22 : i32
    %run_scoped3A_24 = arith.constant 0 : i32
    "tpu.region"() ({
      %run_scoped3A_227 = tpu.sem_alloc : memref<!tpu.dma_semaphore, #tpu.memory_space<semaphore_mem>>
      %dma_start3A_228 = arith.constant 0 : i32
      %dma_start3A_229 = arith.constant 0 : i32
      %dma_start3A_230 = tpu.memref_slice %arg12[%run_scoped3A_24, %dma_start3A_228, %dma_start3A_229] : memref<2x64x136xf32, #tpu.memory_space<vmem>> -> memref<1x64x136xf32, #tpu.memory_space<vmem>>
      %dma_start3A_231 = tpu.memref_squeeze %dma_start3A_230 : memref<1x64x136xf32, #tpu.memory_space<vmem>> -> memref<64x136xf32, #tpu.memory_space<vmem>>
      %dma_start3A_232 = arith.constant 0 : i32
      %dma_start3A_233 = tpu.memref_slice %arg13[%add3A_23, %dma_start3A_232] : memref<10000x136xf32, #tpu.memory_space<vmem_shared>> -> memref<64x136xf32, #tpu.memory_space<vmem_shared>>
      %dma_start3A_234 = arith.constant 0 : i32
      %dma_start3A_235 = tpu.memref_slice %arg13[%add3A_23, %dma_start3A_234] : memref<10000x136xf32, #tpu.memory_space<vmem_shared>> -> memref<64x136xf32, #tpu.memory_space<vmem_shared>>
      %dma_start3A_236 = arith.constant 0 : i32
      %dma_start3A_237 = arith.constant 0 : i32
      %dma_start3A_238 = tpu.memref_slice %arg12[%run_scoped3A_24, %dma_start3A_236, %dma_start3A_237] : memref<2x64x136xf32, #tpu.memory_space<vmem>> -> memref<1x64x136xf32, #tpu.memory_space<vmem>>
      %dma_start3A_239 = tpu.memref_squeeze %dma_start3A_238 : memref<1x64x136xf32, #tpu.memory_space<vmem>> -> memref<64x136xf32, #tpu.memory_space<vmem>>
      tpu.enqueue_dma source(%dma_start3A_239 : memref<64x136xf32, #tpu.memory_space<vmem>>) target(%dma_start3A_235 : memref<64x136xf32, #tpu.memory_space<vmem_shared>>) target_semaphore(%run_scoped3A_227 : memref<!tpu.dma_semaphore, #tpu.memory_space<semaphore_mem>>)
      %dma_wait3A_240 = arith.constant 0 : i32
      %dma_wait3A_241 = arith.constant 0 : i32
      %dma_wait3A_242 = tpu.memref_slice %arg12[%run_scoped3A_24, %dma_wait3A_240, %dma_wait3A_241] : memref<2x64x136xf32, #tpu.memory_space<vmem>> -> memref<1x64x136xf32, #tpu.memory_space<vmem>>
      %dma_wait3A_243 = tpu.memref_squeeze %dma_wait3A_242 : memref<1x64x136xf32, #tpu.memory_space<vmem>> -> memref<64x136xf32, #tpu.memory_space<vmem>>
      %dma_wait3A_244 = arith.constant 0 : i32
      %dma_wait3A_245 = tpu.memref_slice %arg13[%add3A_23, %dma_wait3A_244] : memref<10000x136xf32, #tpu.memory_space<vmem_shared>> -> memref<64x136xf32, #tpu.memory_space<vmem_shared>>
      %dma_wait3A_246 = arith.constant 0 : i32
      %dma_wait3A_247 = tpu.memref_slice %arg13[%add3A_23, %dma_wait3A_246] : memref<10000x136xf32, #tpu.memory_space<vmem_shared>> -> memref<64x136xf32, #tpu.memory_space<vmem_shared>>
      %dma_wait3A_248 = arith.constant 0 : i32
      %dma_wait3A_249 = arith.constant 0 : i32
      %dma_wait3A_250 = tpu.memref_slice %arg12[%run_scoped3A_24, %dma_wait3A_248, %dma_wait3A_249] : memref<2x64x136xf32, #tpu.memory_space<vmem>> -> memref<1x64x136xf32, #tpu.memory_space<vmem>>
      %dma_wait3A_251 = tpu.memref_squeeze %dma_wait3A_250 : memref<1x64x136xf32, #tpu.memory_space<vmem>> -> memref<64x136xf32, #tpu.memory_space<vmem>>
      tpu.wait_dma2 semaphore(%run_scoped3A_227 : memref<!tpu.dma_semaphore, #tpu.memory_space<semaphore_mem>>) src(%dma_wait3A_251 : memref<64x136xf32, #tpu.memory_space<vmem>>) dst(%dma_wait3A_247 : memref<64x136xf32, #tpu.memory_space<vmem_shared>>)
      tpu.yield
    }) : () -> ()
    %add3A_25 = arith.constant 320 : i32
    %add3A_26 = arith.addi %multiple_of3A, %add3A_25 : i32
    %run_scoped3A_27 = arith.constant 0 : i32
    "tpu.region"() ({
      %run_scoped3A_227 = tpu.sem_alloc : memref<!tpu.dma_semaphore, #tpu.memory_space<semaphore_mem>>
      %dma_start3A_228 = arith.constant 0 : i32
      %dma_start3A_229 = arith.constant 0 : i32
      %dma_start3A_230 = tpu.memref_slice %arg12[%run_scoped3A_27, %dma_start3A_228, %dma_start3A_229] : memref<2x64x136xf32, #tpu.memory_space<vmem>> -> memref<1x64x136xf32, #tpu.memory_space<vmem>>
      %dma_start3A_231 = tpu.memref_squeeze %dma_start3A_230 : memref<1x64x136xf32, #tpu.memory_space<vmem>> -> memref<64x136xf32, #tpu.memory_space<vmem>>
      %dma_start3A_232 = arith.constant 0 : i32
      %dma_start3A_233 = tpu.memref_slice %arg13[%add3A_26, %dma_start3A_232] : memref<10000x136xf32, #tpu.memory_space<vmem_shared>> -> memref<64x136xf32, #tpu.memory_space<vmem_shared>>
      %dma_start3A_234 = arith.constant 0 : i32
      %dma_start3A_235 = tpu.memref_slice %arg13[%add3A_26, %dma_start3A_234] : memref<10000x136xf32, #tpu.memory_space<vmem_shared>> -> memref<64x136xf32, #tpu.memory_space<vmem_shared>>
      %dma_start3A_236 = arith.constant 0 : i32
      %dma_start3A_237 = arith.constant 0 : i32
      %dma_start3A_238 = tpu.memref_slice %arg12[%run_scoped3A_27, %dma_start3A_236, %dma_start3A_237] : memref<2x64x136xf32, #tpu.memory_space<vmem>> -> memref<1x64x136xf32, #tpu.memory_space<vmem>>
      %dma_start3A_239 = tpu.memref_squeeze %dma_start3A_238 : memref<1x64x136xf32, #tpu.memory_space<vmem>> -> memref<64x136xf32, #tpu.memory_space<vmem>>
      tpu.enqueue_dma source(%dma_start3A_239 : memref<64x136xf32, #tpu.memory_space<vmem>>) target(%dma_start3A_235 : memref<64x136xf32, #tpu.memory_space<vmem_shared>>) target_semaphore(%run_scoped3A_227 : memref<!tpu.dma_semaphore, #tpu.memory_space<semaphore_mem>>)
      %dma_wait3A_240 = arith.constant 0 : i32
      %dma_wait3A_241 = arith.constant 0 : i32
      %dma_wait3A_242 = tpu.memref_slice %arg12[%run_scoped3A_27, %dma_wait3A_240, %dma_wait3A_241] : memref<2x64x136xf32, #tpu.memory_space<vmem>> -> memref<1x64x136xf32, #tpu.memory_space<vmem>>
      %dma_wait3A_243 = tpu.memref_squeeze %dma_wait3A_242 : memref<1x64x136xf32, #tpu.memory_space<vmem>> -> memref<64x136xf32, #tpu.memory_space<vmem>>
      %dma_wait3A_244 = arith.constant 0 : i32
      %dma_wait3A_245 = tpu.memref_slice %arg13[%add3A_26, %dma_wait3A_244] : memref<10000x136xf32, #tpu.memory_space<vmem_shared>> -> memref<64x136xf32, #tpu.memory_space<vmem_shared>>
      %dma_wait3A_246 = arith.constant 0 : i32
      %dma_wait3A_247 = tpu.memref_slice %arg13[%add3A_26, %dma_wait3A_246] : memref<10000x136xf32, #tpu.memory_space<vmem_shared>> -> memref<64x136xf32, #tpu.memory_space<vmem_shared>>
      %dma_wait3A_248 = arith.constant 0 : i32
      %dma_wait3A_249 = arith.constant 0 : i32
      %dma_wait3A_250 = tpu.memref_slice %arg12[%run_scoped3A_27, %dma_wait3A_248, %dma_wait3A_249] : memref<2x64x136xf32, #tpu.memory_space<vmem>> -> memref<1x64x136xf32, #tpu.memory_space<vmem>>
      %dma_wait3A_251 = tpu.memref_squeeze %dma_wait3A_250 : memref<1x64x136xf32, #tpu.memory_space<vmem>> -> memref<64x136xf32, #tpu.memory_space<vmem>>
      tpu.wait_dma2 semaphore(%run_scoped3A_227 : memref<!tpu.dma_semaphore, #tpu.memory_space<semaphore_mem>>) src(%dma_wait3A_251 : memref<64x136xf32, #tpu.memory_space<vmem>>) dst(%dma_wait3A_247 : memref<64x136xf32, #tpu.memory_space<vmem_shared>>)
      tpu.yield
    }) : () -> ()
    %add3A_28 = arith.constant 384 : i32
    %add3A_29 = arith.addi %multiple_of3A, %add3A_28 : i32
    %run_scoped3A_30 = arith.constant 0 : i32
    "tpu.region"() ({
      %run_scoped3A_227 = tpu.sem_alloc : memref<!tpu.dma_semaphore, #tpu.memory_space<semaphore_mem>>
      %dma_start3A_228 = arith.constant 0 : i32
      %dma_start3A_229 = arith.constant 0 : i32
      %dma_start3A_230 = tpu.memref_slice %arg12[%run_scoped3A_30, %dma_start3A_228, %dma_start3A_229] : memref<2x64x136xf32, #tpu.memory_space<vmem>> -> memref<1x64x136xf32, #tpu.memory_space<vmem>>
      %dma_start3A_231 = tpu.memref_squeeze %dma_start3A_230 : memref<1x64x136xf32, #tpu.memory_space<vmem>> -> memref<64x136xf32, #tpu.memory_space<vmem>>
      %dma_start3A_232 = arith.constant 0 : i32
      %dma_start3A_233 = tpu.memref_slice %arg13[%add3A_29, %dma_start3A_232] : memref<10000x136xf32, #tpu.memory_space<vmem_shared>> -> memref<64x136xf32, #tpu.memory_space<vmem_shared>>
      %dma_start3A_234 = arith.constant 0 : i32
      %dma_start3A_235 = tpu.memref_slice %arg13[%add3A_29, %dma_start3A_234] : memref<10000x136xf32, #tpu.memory_space<vmem_shared>> -> memref<64x136xf32, #tpu.memory_space<vmem_shared>>
      %dma_start3A_236 = arith.constant 0 : i32
      %dma_start3A_237 = arith.constant 0 : i32
      %dma_start3A_238 = tpu.memref_slice %arg12[%run_scoped3A_30, %dma_start3A_236, %dma_start3A_237] : memref<2x64x136xf32, #tpu.memory_space<vmem>> -> memref<1x64x136xf32, #tpu.memory_space<vmem>>
      %dma_start3A_239 = tpu.memref_squeeze %dma_start3A_238 : memref<1x64x136xf32, #tpu.memory_space<vmem>> -> memref<64x136xf32, #tpu.memory_space<vmem>>
      tpu.enqueue_dma source(%dma_start3A_239 : memref<64x136xf32, #tpu.memory_space<vmem>>) target(%dma_start3A_235 : memref<64x136xf32, #tpu.memory_space<vmem_shared>>) target_semaphore(%run_scoped3A_227 : memref<!tpu.dma_semaphore, #tpu.memory_space<semaphore_mem>>)
      %dma_wait3A_240 = arith.constant 0 : i32
      %dma_wait3A_241 = arith.constant 0 : i32
      %dma_wait3A_242 = tpu.memref_slice %arg12[%run_scoped3A_30, %dma_wait3A_240, %dma_wait3A_241] : memref<2x64x136xf32, #tpu.memory_space<vmem>> -> memref<1x64x136xf32, #tpu.memory_space<vmem>>
      %dma_wait3A_243 = tpu.memref_squeeze %dma_wait3A_242 : memref<1x64x136xf32, #tpu.memory_space<vmem>> -> memref<64x136xf32, #tpu.memory_space<vmem>>
      %dma_wait3A_244 = arith.constant 0 : i32
      %dma_wait3A_245 = tpu.memref_slice %arg13[%add3A_29, %dma_wait3A_244] : memref<10000x136xf32, #tpu.memory_space<vmem_shared>> -> memref<64x136xf32, #tpu.memory_space<vmem_shared>>
      %dma_wait3A_246 = arith.constant 0 : i32
      %dma_wait3A_247 = tpu.memref_slice %arg13[%add3A_29, %dma_wait3A_246] : memref<10000x136xf32, #tpu.memory_space<vmem_shared>> -> memref<64x136xf32, #tpu.memory_space<vmem_shared>>
      %dma_wait3A_248 = arith.constant 0 : i32
      %dma_wait3A_249 = arith.constant 0 : i32
      %dma_wait3A_250 = tpu.memref_slice %arg12[%run_scoped3A_30, %dma_wait3A_248, %dma_wait3A_249] : memref<2x64x136xf32, #tpu.memory_space<vmem>> -> memref<1x64x136xf32, #tpu.memory_space<vmem>>
      %dma_wait3A_251 = tpu.memref_squeeze %dma_wait3A_250 : memref<1x64x136xf32, #tpu.memory_space<vmem>> -> memref<64x136xf32, #tpu.memory_space<vmem>>
      tpu.wait_dma2 semaphore(%run_scoped3A_227 : memref<!tpu.dma_semaphore, #tpu.memory_space<semaphore_mem>>) src(%dma_wait3A_251 : memref<64x136xf32, #tpu.memory_space<vmem>>) dst(%dma_wait3A_247 : memref<64x136xf32, #tpu.memory_space<vmem_shared>>)
      tpu.yield
    }) : () -> ()
    %add3A_31 = arith.constant 448 : i32
    %add3A_32 = arith.addi %multiple_of3A, %add3A_31 : i32
    %run_scoped3A_33 = arith.constant 0 : i32
    "tpu.region"() ({
      %run_scoped3A_227 = tpu.sem_alloc : memref<!tpu.dma_semaphore, #tpu.memory_space<semaphore_mem>>
      %dma_start3A_228 = arith.constant 0 : i32
      %dma_start3A_229 = arith.constant 0 : i32
      %dma_start3A_230 = tpu.memref_slice %arg12[%run_scoped3A_33, %dma_start3A_228, %dma_start3A_229] : memref<2x64x136xf32, #tpu.memory_space<vmem>> -> memref<1x64x136xf32, #tpu.memory_space<vmem>>
      %dma_start3A_231 = tpu.memref_squeeze %dma_start3A_230 : memref<1x64x136xf32, #tpu.memory_space<vmem>> -> memref<64x136xf32, #tpu.memory_space<vmem>>
      %dma_start3A_232 = arith.constant 0 : i32
      %dma_start3A_233 = tpu.memref_slice %arg13[%add3A_32, %dma_start3A_232] : memref<10000x136xf32, #tpu.memory_space<vmem_shared>> -> memref<64x136xf32, #tpu.memory_space<vmem_shared>>
      %dma_start3A_234 = arith.constant 0 : i32
      %dma_start3A_235 = tpu.memref_slice %arg13[%add3A_32, %dma_start3A_234] : memref<10000x136xf32, #tpu.memory_space<vmem_shared>> -> memref<64x136xf32, #tpu.memory_space<vmem_shared>>
      %dma_start3A_236 = arith.constant 0 : i32
      %dma_start3A_237 = arith.constant 0 : i32
      %dma_start3A_238 = tpu.memref_slice %arg12[%run_scoped3A_33, %dma_start3A_236, %dma_start3A_237] : memref<2x64x136xf32, #tpu.memory_space<vmem>> -> memref<1x64x136xf32, #tpu.memory_space<vmem>>
      %dma_start3A_239 = tpu.memref_squeeze %dma_start3A_238 : memref<1x64x136xf32, #tpu.memory_space<vmem>> -> memref<64x136xf32, #tpu.memory_space<vmem>>
      tpu.enqueue_dma source(%dma_start3A_239 : memref<64x136xf32, #tpu.memory_space<vmem>>) target(%dma_start3A_235 : memref<64x136xf32, #tpu.memory_space<vmem_shared>>) target_semaphore(%run_scoped3A_227 : memref<!tpu.dma_semaphore, #tpu.memory_space<semaphore_mem>>)
      %dma_wait3A_240 = arith.constant 0 : i32
      %dma_wait3A_241 = arith.constant 0 : i32
      %dma_wait3A_242 = tpu.memref_slice %arg12[%run_scoped3A_33, %dma_wait3A_240, %dma_wait3A_241] : memref<2x64x136xf32, #tpu.memory_space<vmem>> -> memref<1x64x136xf32, #tpu.memory_space<vmem>>
      %dma_wait3A_243 = tpu.memref_squeeze %dma_wait3A_242 : memref<1x64x136xf32, #tpu.memory_space<vmem>> -> memref<64x136xf32, #tpu.memory_space<vmem>>
      %dma_wait3A_244 = arith.constant 0 : i32
      %dma_wait3A_245 = tpu.memref_slice %arg13[%add3A_32, %dma_wait3A_244] : memref<10000x136xf32, #tpu.memory_space<vmem_shared>> -> memref<64x136xf32, #tpu.memory_space<vmem_shared>>
      %dma_wait3A_246 = arith.constant 0 : i32
      %dma_wait3A_247 = tpu.memref_slice %arg13[%add3A_32, %dma_wait3A_246] : memref<10000x136xf32, #tpu.memory_space<vmem_shared>> -> memref<64x136xf32, #tpu.memory_space<vmem_shared>>
      %dma_wait3A_248 = arith.constant 0 : i32
      %dma_wait3A_249 = arith.constant 0 : i32
      %dma_wait3A_250 = tpu.memref_slice %arg12[%run_scoped3A_33, %dma_wait3A_248, %dma_wait3A_249] : memref<2x64x136xf32, #tpu.memory_space<vmem>> -> memref<1x64x136xf32, #tpu.memory_space<vmem>>
      %dma_wait3A_251 = tpu.memref_squeeze %dma_wait3A_250 : memref<1x64x136xf32, #tpu.memory_space<vmem>> -> memref<64x136xf32, #tpu.memory_space<vmem>>
      tpu.wait_dma2 semaphore(%run_scoped3A_227 : memref<!tpu.dma_semaphore, #tpu.memory_space<semaphore_mem>>) src(%dma_wait3A_251 : memref<64x136xf32, #tpu.memory_space<vmem>>) dst(%dma_wait3A_247 : memref<64x136xf32, #tpu.memory_space<vmem_shared>>)
      tpu.yield
    }) : () -> ()
    %add3A_34 = arith.constant 512 : i32
    %add3A_35 = arith.addi %multiple_of3A, %add3A_34 : i32
    %run_scoped3A_36 = arith.constant 0 : i32
    "tpu.region"() ({
      %run_scoped3A_227 = tpu.sem_alloc : memref<!tpu.dma_semaphore, #tpu.memory_space<semaphore_mem>>
      %dma_start3A_228 = arith.constant 0 : i32
      %dma_start3A_229 = arith.constant 0 : i32
      %dma_start3A_230 = tpu.memref_slice %arg12[%run_scoped3A_36, %dma_start3A_228, %dma_start3A_229] : memref<2x64x136xf32, #tpu.memory_space<vmem>> -> memref<1x64x136xf32, #tpu.memory_space<vmem>>
      %dma_start3A_231 = tpu.memref_squeeze %dma_start3A_230 : memref<1x64x136xf32, #tpu.memory_space<vmem>> -> memref<64x136xf32, #tpu.memory_space<vmem>>
      %dma_start3A_232 = arith.constant 0 : i32
      %dma_start3A_233 = tpu.memref_slice %arg13[%add3A_35, %dma_start3A_232] : memref<10000x136xf32, #tpu.memory_space<vmem_shared>> -> memref<64x136xf32, #tpu.memory_space<vmem_shared>>
      %dma_start3A_234 = arith.constant 0 : i32
      %dma_start3A_235 = tpu.memref_slice %arg13[%add3A_35, %dma_start3A_234] : memref<10000x136xf32, #tpu.memory_space<vmem_shared>> -> memref<64x136xf32, #tpu.memory_space<vmem_shared>>
      %dma_start3A_236 = arith.constant 0 : i32
      %dma_start3A_237 = arith.constant 0 : i32
      %dma_start3A_238 = tpu.memref_slice %arg12[%run_scoped3A_36, %dma_start3A_236, %dma_start3A_237] : memref<2x64x136xf32, #tpu.memory_space<vmem>> -> memref<1x64x136xf32, #tpu.memory_space<vmem>>
      %dma_start3A_239 = tpu.memref_squeeze %dma_start3A_238 : memref<1x64x136xf32, #tpu.memory_space<vmem>> -> memref<64x136xf32, #tpu.memory_space<vmem>>
      tpu.enqueue_dma source(%dma_start3A_239 : memref<64x136xf32, #tpu.memory_space<vmem>>) target(%dma_start3A_235 : memref<64x136xf32, #tpu.memory_space<vmem_shared>>) target_semaphore(%run_scoped3A_227 : memref<!tpu.dma_semaphore, #tpu.memory_space<semaphore_mem>>)
      %dma_wait3A_240 = arith.constant 0 : i32
      %dma_wait3A_241 = arith.constant 0 : i32
      %dma_wait3A_242 = tpu.memref_slice %arg12[%run_scoped3A_36, %dma_wait3A_240, %dma_wait3A_241] : memref<2x64x136xf32, #tpu.memory_space<vmem>> -> memref<1x64x136xf32, #tpu.memory_space<vmem>>
      %dma_wait3A_243 = tpu.memref_squeeze %dma_wait3A_242 : memref<1x64x136xf32, #tpu.memory_space<vmem>> -> memref<64x136xf32, #tpu.memory_space<vmem>>
      %dma_wait3A_244 = arith.constant 0 : i32
      %dma_wait3A_245 = tpu.memref_slice %arg13[%add3A_35, %dma_wait3A_244] : memref<10000x136xf32, #tpu.memory_space<vmem_shared>> -> memref<64x136xf32, #tpu.memory_space<vmem_shared>>
      %dma_wait3A_246 = arith.constant 0 : i32
      %dma_wait3A_247 = tpu.memref_slice %arg13[%add3A_35, %dma_wait3A_246] : memref<10000x136xf32, #tpu.memory_space<vmem_shared>> -> memref<64x136xf32, #tpu.memory_space<vmem_shared>>
      %dma_wait3A_248 = arith.constant 0 : i32
      %dma_wait3A_249 = arith.constant 0 : i32
      %dma_wait3A_250 = tpu.memref_slice %arg12[%run_scoped3A_36, %dma_wait3A_248, %dma_wait3A_249] : memref<2x64x136xf32, #tpu.memory_space<vmem>> -> memref<1x64x136xf32, #tpu.memory_space<vmem>>
      %dma_wait3A_251 = tpu.memref_squeeze %dma_wait3A_250 : memref<1x64x136xf32, #tpu.memory_space<vmem>> -> memref<64x136xf32, #tpu.memory_space<vmem>>
      tpu.wait_dma2 semaphore(%run_scoped3A_227 : memref<!tpu.dma_semaphore, #tpu.memory_space<semaphore_mem>>) src(%dma_wait3A_251 : memref<64x136xf32, #tpu.memory_space<vmem>>) dst(%dma_wait3A_247 : memref<64x136xf32, #tpu.memory_space<vmem_shared>>)
      tpu.yield
    }) : () -> ()
    %add3A_37 = arith.constant 576 : i32
    %add3A_38 = arith.addi %multiple_of3A, %add3A_37 : i32
    %run_scoped3A_39 = arith.constant 0 : i32
    "tpu.region"() ({
      %run_scoped3A_227 = tpu.sem_alloc : memref<!tpu.dma_semaphore, #tpu.memory_space<semaphore_mem>>
      %dma_start3A_228 = arith.constant 0 : i32
      %dma_start3A_229 = arith.constant 0 : i32
      %dma_start3A_230 = tpu.memref_slice %arg12[%run_scoped3A_39, %dma_start3A_228, %dma_start3A_229] : memref<2x64x136xf32, #tpu.memory_space<vmem>> -> memref<1x56x136xf32, #tpu.memory_space<vmem>>
      %dma_start3A_231 = tpu.memref_squeeze %dma_start3A_230 : memref<1x56x136xf32, #tpu.memory_space<vmem>> -> memref<56x136xf32, #tpu.memory_space<vmem>>
      %dma_start3A_232 = arith.constant 0 : i32
      %dma_start3A_233 = tpu.memref_slice %arg13[%add3A_38, %dma_start3A_232] : memref<10000x136xf32, #tpu.memory_space<vmem_shared>> -> memref<56x136xf32, #tpu.memory_space<vmem_shared>>
      %dma_start3A_234 = arith.constant 0 : i32
      %dma_start3A_235 = tpu.memref_slice %arg13[%add3A_38, %dma_start3A_234] : memref<10000x136xf32, #tpu.memory_space<vmem_shared>> -> memref<56x136xf32, #tpu.memory_space<vmem_shared>>
      %dma_start3A_236 = arith.constant 0 : i32
      %dma_start3A_237 = arith.constant 0 : i32
      %dma_start3A_238 = tpu.memref_slice %arg12[%run_scoped3A_39, %dma_start3A_236, %dma_start3A_237] : memref<2x64x136xf32, #tpu.memory_space<vmem>> -> memref<1x56x136xf32, #tpu.memory_space<vmem>>
      %dma_start3A_239 = tpu.memref_squeeze %dma_start3A_238 : memref<1x56x136xf32, #tpu.memory_space<vmem>> -> memref<56x136xf32, #tpu.memory_space<vmem>>
      tpu.enqueue_dma source(%dma_start3A_239 : memref<56x136xf32, #tpu.memory_space<vmem>>) target(%dma_start3A_235 : memref<56x136xf32, #tpu.memory_space<vmem_shared>>) target_semaphore(%run_scoped3A_227 : memref<!tpu.dma_semaphore, #tpu.memory_space<semaphore_mem>>)
      %dma_wait3A_240 = arith.constant 0 : i32
      %dma_wait3A_241 = arith.constant 0 : i32
      %dma_wait3A_242 = tpu.memref_slice %arg12[%run_scoped3A_39, %dma_wait3A_240, %dma_wait3A_241] : memref<2x64x136xf32, #tpu.memory_space<vmem>> -> memref<1x56x136xf32, #tpu.memory_space<vmem>>
      %dma_wait3A_243 = tpu.memref_squeeze %dma_wait3A_242 : memref<1x56x136xf32, #tpu.memory_space<vmem>> -> memref<56x136xf32, #tpu.memory_space<vmem>>
      %dma_wait3A_244 = arith.constant 0 : i32
      %dma_wait3A_245 = tpu.memref_slice %arg13[%add3A_38, %dma_wait3A_244] : memref<10000x136xf32, #tpu.memory_space<vmem_shared>> -> memref<56x136xf32, #tpu.memory_space<vmem_shared>>
      %dma_wait3A_246 = arith.constant 0 : i32
      %dma_wait3A_247 = tpu.memref_slice %arg13[%add3A_38, %dma_wait3A_246] : memref<10000x136xf32, #tpu.memory_space<vmem_shared>> -> memref<56x136xf32, #tpu.memory_space<vmem_shared>>
      %dma_wait3A_248 = arith.constant 0 : i32
      %dma_wait3A_249 = arith.constant 0 : i32
      %dma_wait3A_250 = tpu.memref_slice %arg12[%run_scoped3A_39, %dma_wait3A_248, %dma_wait3A_249] : memref<2x64x136xf32, #tpu.memory_space<vmem>> -> memref<1x56x136xf32, #tpu.memory_space<vmem>>
      %dma_wait3A_251 = tpu.memref_squeeze %dma_wait3A_250 : memref<1x56x136xf32, #tpu.memory_space<vmem>> -> memref<56x136xf32, #tpu.memory_space<vmem>>
      tpu.wait_dma2 semaphore(%run_scoped3A_227 : memref<!tpu.dma_semaphore, #tpu.memory_space<semaphore_mem>>) src(%dma_wait3A_251 : memref<56x136xf32, #tpu.memory_space<vmem>>) dst(%dma_wait3A_247 : memref<56x136xf32, #tpu.memory_space<vmem_shared>>)
      tpu.yield
    }) : () -> ()
    %barrier3A = arith.constant 0 : index
    tpu.barrier barrier_id(%barrier3A)
    %iota3A = tpu.iota {dimensions = array<i32: 0>} : vector<16xi32>
    %eq3A = arith.constant 0 : i32
    %eq3A_40 = vector.broadcast %eq3A : i32 to vector<16xi32>
    %eq3A_41 = arith.cmpi eq, %iota3A, %eq3A_40 : vector<16xi32>
    %xor3A = arith.constant 8 : i32
    %xor3A_42 = vector.broadcast %xor3A : i32 to vector<16xi32>
    %xor3A_43 = arith.xori %iota3A, %xor3A_42 : vector<16xi32>
    %xor3A_44 = arith.constant 4 : i32
    %xor3A_45 = vector.broadcast %xor3A_44 : i32 to vector<16xi32>
    %xor3A_46 = arith.xori %iota3A, %xor3A_45 : vector<16xi32>
    %xor3A_47 = arith.constant 2 : i32
    %xor3A_48 = vector.broadcast %xor3A_47 : i32 to vector<16xi32>
    %xor3A_49 = arith.xori %iota3A, %xor3A_48 : vector<16xi32>
    %xor3A_50 = arith.constant 1 : i32
    %xor3A_51 = vector.broadcast %xor3A_50 : i32 to vector<16xi32>
    %xor3A_52 = arith.xori %iota3A, %xor3A_51 : vector<16xi32>
    %get3A = arith.constant 0 : index
    %get3A_53 = tpu.vector_load %arg8[%get3A] {strides = array<i32>} : memref<128xbf16, #tpu.memory_space<vmem>>, vector<32xbf16>,
    %get3A_54 = arith.constant 32 : index
    %get3A_55 = tpu.vector_load %arg8[%get3A_54] {strides = array<i32>} : memref<128xbf16, #tpu.memory_space<vmem>>, vector<32xbf16>,
    %get3A_56 = arith.constant 64 : index
    %get3A_57 = tpu.vector_load %arg8[%get3A_56] {strides = array<i32>} : memref<128xbf16, #tpu.memory_space<vmem>>, vector<32xbf16>,
    %get3A_58 = arith.constant 96 : index
    %get3A_59 = tpu.vector_load %arg8[%get3A_58] {strides = array<i32>} : memref<128xbf16, #tpu.memory_space<vmem>>, vector<32xbf16>,
    %mul3A_60 = arith.constant 81 : i32
    %mul3A_61 = arith.muli %add3A, %mul3A_60 : i32
    %mul3A_62 = arith.constant 4 : i32
    %mul3A_63 = arith.muli %mul3A_61, %mul3A_62 : i32
    %run_scoped3A_64 = arith.constant 0 : i32
    "tpu.region"() ({
      %run_scoped3A_227 = tpu.sem_alloc : memref<!tpu.dma_semaphore, #tpu.memory_space<semaphore_mem>>
      %dma_start3A_228 = arith.constant 0 : i32
      %dma_start3A_229 = arith.constant 0 : i32
      %dma_start3A_230 = tpu.memref_slice %arg9[%run_scoped3A_64, %dma_start3A_228, %dma_start3A_229] : memref<3x4x64xi32, #tpu.memory_space<vmem>> -> memref<1x4x64xi32, #tpu.memory_space<vmem>>
      %dma_start3A_231 = tpu.memref_squeeze %dma_start3A_230 : memref<1x4x64xi32, #tpu.memory_space<vmem>> -> memref<4x64xi32, #tpu.memory_space<vmem>>
      %dma_start3A_232 = arith.constant 0 : i32
      %dma_start3A_233 = tpu.memref_slice %arg4[%mul3A_63, %dma_start3A_232] : memref<10368x64xi32, #tpu.memory_space<hbm>> -> memref<4x64xi32, #tpu.memory_space<hbm>>
      %dma_start3A_234 = arith.constant 0 : i32
      %dma_start3A_235 = arith.constant 0 : i32
      %dma_start3A_236 = tpu.memref_slice %arg9[%run_scoped3A_64, %dma_start3A_234, %dma_start3A_235] : memref<3x4x64xi32, #tpu.memory_space<vmem>> -> memref<1x4x64xi32, #tpu.memory_space<vmem>>
      %dma_start3A_237 = tpu.memref_squeeze %dma_start3A_236 : memref<1x4x64xi32, #tpu.memory_space<vmem>> -> memref<4x64xi32, #tpu.memory_space<vmem>>
      %dma_start3A_238 = arith.constant 0 : i32
      %dma_start3A_239 = tpu.memref_slice %arg4[%mul3A_63, %dma_start3A_238] : memref<10368x64xi32, #tpu.memory_space<hbm>> -> memref<4x64xi32, #tpu.memory_space<hbm>>
      tpu.enqueue_dma source(%dma_start3A_239 : memref<4x64xi32, #tpu.memory_space<hbm>>) target(%dma_start3A_237 : memref<4x64xi32, #tpu.memory_space<vmem>>) target_semaphore(%run_scoped3A_227 : memref<!tpu.dma_semaphore, #tpu.memory_space<semaphore_mem>>)
      %dma_wait3A_240 = arith.constant 0 : i32
      %dma_wait3A_241 = arith.constant 0 : i32
      %dma_wait3A_242 = tpu.memref_slice %arg9[%run_scoped3A_64, %dma_wait3A_240, %dma_wait3A_241] : memref<3x4x64xi32, #tpu.memory_space<vmem>> -> memref<1x4x64xi32, #tpu.memory_space<vmem>>
      %dma_wait3A_243 = tpu.memref_squeeze %dma_wait3A_242 : memref<1x4x64xi32, #tpu.memory_space<vmem>> -> memref<4x64xi32, #tpu.memory_space<vmem>>
      %dma_wait3A_244 = arith.constant 0 : i32
      %dma_wait3A_245 = tpu.memref_slice %arg4[%mul3A_63, %dma_wait3A_244] : memref<10368x64xi32, #tpu.memory_space<hbm>> -> memref<4x64xi32, #tpu.memory_space<hbm>>
      %dma_wait3A_246 = arith.constant 0 : i32
      %dma_wait3A_247 = arith.constant 0 : i32
      %dma_wait3A_248 = tpu.memref_slice %arg9[%run_scoped3A_64, %dma_wait3A_246, %dma_wait3A_247] : memref<3x4x64xi32, #tpu.memory_space<vmem>> -> memref<1x4x64xi32, #tpu.memory_space<vmem>>
      %dma_wait3A_249 = tpu.memref_squeeze %dma_wait3A_248 : memref<1x4x64xi32, #tpu.memory_space<vmem>> -> memref<4x64xi32, #tpu.memory_space<vmem>>
      %dma_wait3A_250 = arith.constant 0 : i32
      %dma_wait3A_251 = tpu.memref_slice %arg4[%mul3A_63, %dma_wait3A_250] : memref<10368x64xi32, #tpu.memory_space<hbm>> -> memref<4x64xi32, #tpu.memory_space<hbm>>
      tpu.wait_dma2 semaphore(%run_scoped3A_227 : memref<!tpu.dma_semaphore, #tpu.memory_space<semaphore_mem>>) src(%dma_wait3A_251 : memref<4x64xi32, #tpu.memory_space<hbm>>) dst(%dma_wait3A_249 : memref<4x64xi32, #tpu.memory_space<vmem>>)
      tpu.yield
    }) : () -> ()
    %dma_start3A = arith.constant 0 : i32
    %dma_start3A_65 = arith.constant 0 : i32
    %dma_start3A_66 = arith.constant 0 : i32
    %dma_start3A_67 = arith.constant 0 : i32
    %dma_start3A_68 = arith.constant 0 : i32
    %dma_start3A_69 = arith.constant 0 : i32
    %dma_start3A_70 = tpu.memref_slice %arg10[%dma_start3A_66, %dma_start3A_68, %dma_start3A_69] : memref<2x64x128xbf16, #tpu.memory_space<vmem>> -> memref<1x64x128xbf16, #tpu.memory_space<vmem>>
    %dma_start3A_71 = tpu.memref_squeeze %dma_start3A_70 : memref<1x64x128xbf16, #tpu.memory_space<vmem>> -> memref<64x128xbf16, #tpu.memory_space<vmem>>
    %dma_start3A_72 = arith.constant 0 : i32
    %dma_start3A_73 = tpu.memref_slice %arg9[%dma_start3A, %dma_start3A_65, %dma_start3A_72] : memref<3x4x64xi32, #tpu.memory_space<vmem>> -> memref<1x1x64xi32, #tpu.memory_space<vmem>>
    %dma_start3A_74 = tpu.memref_squeeze %dma_start3A_73 : memref<1x1x64xi32, #tpu.memory_space<vmem>> -> memref<64xi32, #tpu.memory_space<vmem>>
    %dma_start3A_75 = arith.constant 0 : i32
    %dma_start3A_76 = arith.constant 0 : i32
    %dma_start3A_77 = tpu.memref_slice %arg2[%dma_start3A_75, %dma_start3A_76] : memref<10000x128xbf16, #tpu.memory_space<hbm>> -> memref<10000x128xbf16, #tpu.memory_space<hbm>>
    %dma_start3A_78 = tpu.memref_slice %arg14[%dma_start3A_67] : memref<2x!tpu.dma_semaphore, #tpu.memory_space<semaphore_mem>> -> memref<1x!tpu.dma_semaphore, #tpu.memory_space<semaphore_mem>>
    %dma_start3A_79 = tpu.memref_squeeze %dma_start3A_78 : memref<1x!tpu.dma_semaphore, #tpu.memory_space<semaphore_mem>> -> memref<!tpu.dma_semaphore, #tpu.memory_space<semaphore_mem>>
    tpu.enqueue_indirect_dma source(%dma_start3A_77 : memref<10000x128xbf16, #tpu.memory_space<hbm>>) target(%dma_start3A_71 : memref<64x128xbf16, #tpu.memory_space<vmem>>) offsets(%dma_start3A_74 : memref<64xi32, #tpu.memory_space<vmem>>) semaphore(%dma_start3A_79 : memref<!tpu.dma_semaphore, #tpu.memory_space<semaphore_mem>>)
    %dma_start3A_80 = arith.constant 0 : i32
    %dma_start3A_81 = arith.constant 1 : i32
    %dma_start3A_82 = arith.constant 0 : i32
    %dma_start3A_83 = arith.constant 0 : i32
    %dma_start3A_84 = arith.constant 0 : i32
    %dma_start3A_85 = arith.constant 0 : i32
    %dma_start3A_86 = tpu.memref_slice %arg11[%dma_start3A_82, %dma_start3A_84, %dma_start3A_85] : memref<2x64x128xbf16, #tpu.memory_space<vmem>> -> memref<1x64x128xbf16, #tpu.memory_space<vmem>>
    %dma_start3A_87 = tpu.memref_squeeze %dma_start3A_86 : memref<1x64x128xbf16, #tpu.memory_space<vmem>> -> memref<64x128xbf16, #tpu.memory_space<vmem>>
    %dma_start3A_88 = arith.constant 0 : i32
    %dma_start3A_89 = tpu.memref_slice %arg9[%dma_start3A_80, %dma_start3A_81, %dma_start3A_88] : memref<3x4x64xi32, #tpu.memory_space<vmem>> -> memref<1x1x64xi32, #tpu.memory_space<vmem>>
    %dma_start3A_90 = tpu.memref_squeeze %dma_start3A_89 : memref<1x1x64xi32, #tpu.memory_space<vmem>> -> memref<64xi32, #tpu.memory_space<vmem>>
    %dma_start3A_91 = arith.constant 0 : i32
    %dma_start3A_92 = arith.constant 0 : i32
    %dma_start3A_93 = tpu.memref_slice %arg3[%dma_start3A_91, %dma_start3A_92] : memref<10000x128xbf16, #tpu.memory_space<hbm>> -> memref<10000x128xbf16, #tpu.memory_space<hbm>>
    %dma_start3A_94 = tpu.memref_slice %arg15[%dma_start3A_83] : memref<2x!tpu.dma_semaphore, #tpu.memory_space<semaphore_mem>> -> memref<1x!tpu.dma_semaphore, #tpu.memory_space<semaphore_mem>>
    %dma_start3A_95 = tpu.memref_squeeze %dma_start3A_94 : memref<1x!tpu.dma_semaphore, #tpu.memory_space<semaphore_mem>> -> memref<!tpu.dma_semaphore, #tpu.memory_space<semaphore_mem>>
    tpu.enqueue_indirect_dma source(%dma_start3A_93 : memref<10000x128xbf16, #tpu.memory_space<hbm>>) target(%dma_start3A_87 : memref<64x128xbf16, #tpu.memory_space<vmem>>) offsets(%dma_start3A_90 : memref<64xi32, #tpu.memory_space<vmem>>) semaphore(%dma_start3A_95 : memref<!tpu.dma_semaphore, #tpu.memory_space<semaphore_mem>>)
    %dma_start3A_96 = arith.constant 0 : i32
    %dma_start3A_97 = arith.constant 2 : i32
    %dma_start3A_98 = arith.constant 1 : i32
    %dma_start3A_99 = arith.constant 1 : i32
    %dma_start3A_100 = arith.constant 0 : i32
    %dma_start3A_101 = arith.constant 0 : i32
    %dma_start3A_102 = tpu.memref_slice %arg10[%dma_start3A_98, %dma_start3A_100, %dma_start3A_101] : memref<2x64x128xbf16, #tpu.memory_space<vmem>> -> memref<1x64x128xbf16, #tpu.memory_space<vmem>>
    %dma_start3A_103 = tpu.memref_squeeze %dma_start3A_102 : memref<1x64x128xbf16, #tpu.memory_space<vmem>> -> memref<64x128xbf16, #tpu.memory_space<vmem>>
    %dma_start3A_104 = arith.constant 0 : i32
    %dma_start3A_105 = tpu.memref_slice %arg9[%dma_start3A_96, %dma_start3A_97, %dma_start3A_104] : memref<3x4x64xi32, #tpu.memory_space<vmem>> -> memref<1x1x64xi32, #tpu.memory_space<vmem>>
    %dma_start3A_106 = tpu.memref_squeeze %dma_start3A_105 : memref<1x1x64xi32, #tpu.memory_space<vmem>> -> memref<64xi32, #tpu.memory_space<vmem>>
    %dma_start3A_107 = arith.constant 0 : i32
    %dma_start3A_108 = arith.constant 0 : i32
    %dma_start3A_109 = tpu.memref_slice %arg2[%dma_start3A_107, %dma_start3A_108] : memref<10000x128xbf16, #tpu.memory_space<hbm>> -> memref<10000x128xbf16, #tpu.memory_space<hbm>>
    %dma_start3A_110 = tpu.memref_slice %arg14[%dma_start3A_99] : memref<2x!tpu.dma_semaphore, #tpu.memory_space<semaphore_mem>> -> memref<1x!tpu.dma_semaphore, #tpu.memory_space<semaphore_mem>>
    %dma_start3A_111 = tpu.memref_squeeze %dma_start3A_110 : memref<1x!tpu.dma_semaphore, #tpu.memory_space<semaphore_mem>> -> memref<!tpu.dma_semaphore, #tpu.memory_space<semaphore_mem>>
    tpu.enqueue_indirect_dma source(%dma_start3A_109 : memref<10000x128xbf16, #tpu.memory_space<hbm>>) target(%dma_start3A_103 : memref<64x128xbf16, #tpu.memory_space<vmem>>) offsets(%dma_start3A_106 : memref<64xi32, #tpu.memory_space<vmem>>) semaphore(%dma_start3A_111 : memref<!tpu.dma_semaphore, #tpu.memory_space<semaphore_mem>>)
    %dma_start3A_112 = arith.constant 0 : i32
    %dma_start3A_113 = arith.constant 3 : i32
    %dma_start3A_114 = arith.constant 1 : i32
    %dma_start3A_115 = arith.constant 1 : i32
    %dma_start3A_116 = arith.constant 0 : i32
    %dma_start3A_117 = arith.constant 0 : i32
    %dma_start3A_118 = tpu.memref_slice %arg11[%dma_start3A_114, %dma_start3A_116, %dma_start3A_117] : memref<2x64x128xbf16, #tpu.memory_space<vmem>> -> memref<1x64x128xbf16, #tpu.memory_space<vmem>>
    %dma_start3A_119 = tpu.memref_squeeze %dma_start3A_118 : memref<1x64x128xbf16, #tpu.memory_space<vmem>> -> memref<64x128xbf16, #tpu.memory_space<vmem>>
    %dma_start3A_120 = arith.constant 0 : i32
    %dma_start3A_121 = tpu.memref_slice %arg9[%dma_start3A_112, %dma_start3A_113, %dma_start3A_120] : memref<3x4x64xi32, #tpu.memory_space<vmem>> -> memref<1x1x64xi32, #tpu.memory_space<vmem>>
    %dma_start3A_122 = tpu.memref_squeeze %dma_start3A_121 : memref<1x1x64xi32, #tpu.memory_space<vmem>> -> memref<64xi32, #tpu.memory_space<vmem>>
    %dma_start3A_123 = arith.constant 0 : i32
    %dma_start3A_124 = arith.constant 0 : i32
    %dma_start3A_125 = tpu.memref_slice %arg3[%dma_start3A_123, %dma_start3A_124] : memref<10000x128xbf16, #tpu.memory_space<hbm>> -> memref<10000x128xbf16, #tpu.memory_space<hbm>>
    %dma_start3A_126 = tpu.memref_slice %arg15[%dma_start3A_115] : memref<2x!tpu.dma_semaphore, #tpu.memory_space<semaphore_mem>> -> memref<1x!tpu.dma_semaphore, #tpu.memory_space<semaphore_mem>>
    %dma_start3A_127 = tpu.memref_squeeze %dma_start3A_126 : memref<1x!tpu.dma_semaphore, #tpu.memory_space<semaphore_mem>> -> memref<!tpu.dma_semaphore, #tpu.memory_space<semaphore_mem>>
    tpu.enqueue_indirect_dma source(%dma_start3A_125 : memref<10000x128xbf16, #tpu.memory_space<hbm>>) target(%dma_start3A_119 : memref<64x128xbf16, #tpu.memory_space<vmem>>) offsets(%dma_start3A_122 : memref<64xi32, #tpu.memory_space<vmem>>) semaphore(%dma_start3A_127 : memref<!tpu.dma_semaphore, #tpu.memory_space<semaphore_mem>>)
    %scan3A_128 = arith.constant 0 : i32
    %scan3A_129 = arith.constant 0 : i32
    %scan3A_130 = arith.constant 162 : i32
    %scan3A_131 = arith.addi %scan3A_129, %scan3A_130 : i32
    %scan3A_132 = arith.constant 1 : i32
    %scan3A_133 = scf.for %scan3A_227 = %scan3A_129 to %scan3A_131 step %scan3A_132 iter_args(%scan3A_228 = %scan3A_128) -> (i32)  : i32 {
      %and3A = arith.constant 1 : i32
      %and3A_229 = arith.andi %scan3A_227, %and3A : i32
      %jit3A = arith.constant 2 : i32
      %div3A = arith.divsi %scan3A_227, %jit3A : i32
      %sign3A = arith.constant 0 : i32
      %sign3A_230 = arith.cmpi sgt, %scan3A_227, %sign3A : i32
      %sign3A_231 = arith.extui %sign3A_230 : i1 to i32
      %sign3A_232 = arith.constant 0 : i32
      %sign3A_233 = arith.cmpi slt, %scan3A_227, %sign3A_232 : i32
      %sign3A_234 = arith.extui %sign3A_233 : i1 to i32
      %sign3A_235 = arith.subi %sign3A_231, %sign3A_234 : i32
      %sign3A_236 = arith.constant 0 : i32
      %sign3A_237 = arith.cmpi sgt, %jit3A, %sign3A_236 : i32
      %sign3A_238 = arith.extui %sign3A_237 : i1 to i32
      %sign3A_239 = arith.constant 0 : i32
      %sign3A_240 = arith.cmpi slt, %jit3A, %sign3A_239 : i32
      %sign3A_241 = arith.extui %sign3A_240 : i1 to i32
      %sign3A_242 = arith.subi %sign3A_238, %sign3A_241 : i32
      %ne3A = arith.cmpi ne, %sign3A_235, %sign3A_242 : i32
      %rem3A = arith.remsi %scan3A_227, %jit3A : i32
      %ne3A_243 = arith.constant 0 : i32
      %ne3A_244 = arith.cmpi ne, %rem3A, %ne3A_243 : i32
      %and3A_245 = arith.andi %ne3A, %ne3A_244 : i1
      %sub3A = arith.constant 1 : i32
      %sub3A_246 = arith.subi %div3A, %sub3A : i32
      %select_n3A = arith.select %and3A_245, %sub3A_246, %div3A : i32
      %jit3A_247 = arith.constant 3 : i32
      %eq3A_248 = arith.constant 0 : i32
      %eq3A_249 = arith.cmpi eq, %jit3A_247, %eq3A_248 : i32
      %jit3A_250 = arith.constant 1 : i32
      %select_n3A_251 = arith.select %eq3A_249, %jit3A_250, %jit3A_247 : i32
      %rem3A_252 = arith.remsi %select_n3A, %select_n3A_251 : i32
      %ne3A_253 = arith.constant 0 : i32
      %ne3A_254 = arith.cmpi ne, %rem3A_252, %ne3A_253 : i32
      %lt3A = arith.constant 0 : i32
      %lt3A_255 = arith.cmpi slt, %rem3A_252, %lt3A : i32
      %lt3A_256 = arith.constant 0 : i32
      %lt3A_257 = arith.cmpi slt, %select_n3A_251, %lt3A_256 : i32
      %ne3A_258 = arith.xori %lt3A_255, %lt3A_257 : i1
      %and3A_259 = arith.andi %ne3A_258, %ne3A_254 : i1
      %add3A_260 = arith.addi %rem3A_252, %select_n3A_251 : i32
      %select_n3A_261 = arith.select %and3A_259, %add3A_260, %rem3A_252 : i32
      %add3A_262 = arith.constant 1 : i32
      %add3A_263 = arith.addi %select_n3A, %add3A_262 : i32
      %jit3A_264 = arith.constant 3 : i32
      %eq3A_265 = arith.constant 0 : i32
      %eq3A_266 = arith.cmpi eq, %jit3A_264, %eq3A_265 : i32
      %jit3A_267 = arith.constant 1 : i32
      %select_n3A_268 = arith.select %eq3A_266, %jit3A_267, %jit3A_264 : i32
      %rem3A_269 = arith.remsi %add3A_263, %select_n3A_268 : i32
      %ne3A_270 = arith.constant 0 : i32
      %ne3A_271 = arith.cmpi ne, %rem3A_269, %ne3A_270 : i32
      %lt3A_272 = arith.constant 0 : i32
      %lt3A_273 = arith.cmpi slt, %rem3A_269, %lt3A_272 : i32
      %lt3A_274 = arith.constant 0 : i32
      %lt3A_275 = arith.cmpi slt, %select_n3A_268, %lt3A_274 : i32
      %ne3A_276 = arith.xori %lt3A_273, %lt3A_275 : i1
      %and3A_277 = arith.andi %ne3A_276, %ne3A_271 : i1
      %add3A_278 = arith.addi %rem3A_269, %select_n3A_268 : i32
      %select_n3A_279 = arith.select %and3A_277, %add3A_278, %rem3A_269 : i32
      %mul3A_280 = arith.constant 2 : i32
      %mul3A_281 = arith.muli %and3A_229, %mul3A_280 : i32
      %mul3A_282 = arith.constant 10368 : i32
      %mul3A_283 = arith.muli %add3A, %mul3A_282 : i32
      %mul3A_284 = arith.constant 64 : i32
      %mul3A_285 = arith.muli %scan3A_227, %mul3A_284 : i32
      %add3A_286 = arith.addi %mul3A_283, %mul3A_285 : i32
      %ge3A = arith.constant 2 : i32
      %ge3A_287 = arith.cmpi sge, %scan3A_227, %ge3A : i32
      %convert_element_type3A = arith.extui %ge3A_287 : i1 to i32
      %cond3A = arith.constant 0 : i32
      %cond3A_288 = arith.cmpi ne, %convert_element_type3A, %cond3A : i32
      scf.if %cond3A_288 {
        %add3A_349 = arith.constant 1 : i32
        %add3A_350 = arith.addi %mul3A_281, %add3A_349 : i32
        %dma_wait3A_351 = arith.constant 0 : i32
        %dma_wait3A_352 = arith.constant 0 : i32
        %dma_wait3A_353 = tpu.memref_slice %arg12[%and3A_229, %dma_wait3A_351, %dma_wait3A_352] : memref<2x64x136xf32, #tpu.memory_space<vmem>> -> memref<1x64x136xf32, #tpu.memory_space<vmem>>
        %dma_wait3A_354 = tpu.memref_squeeze %dma_wait3A_353 : memref<1x64x136xf32, #tpu.memory_space<vmem>> -> memref<64x136xf32, #tpu.memory_space<vmem>>
        %dma_wait3A_355 = arith.constant 0 : i32
        %dma_wait3A_356 = tpu.memref_slice %arg9[%select_n3A_261, %add3A_350, %dma_wait3A_355] : memref<3x4x64xi32, #tpu.memory_space<vmem>> -> memref<1x1x64xi32, #tpu.memory_space<vmem>>
        %dma_wait3A_357 = tpu.memref_squeeze %dma_wait3A_356 : memref<1x1x64xi32, #tpu.memory_space<vmem>> -> memref<64xi32, #tpu.memory_space<vmem>>
        %dma_wait3A_358 = arith.constant 0 : i32
        %dma_wait3A_359 = arith.constant 0 : i32
        %dma_wait3A_360 = tpu.memref_slice %arg13[%dma_wait3A_358, %dma_wait3A_359] : memref<10000x136xf32, #tpu.memory_space<vmem_shared>> -> memref<10000x136xf32, #tpu.memory_space<vmem_shared>>
        %dma_wait3A_361 = tpu.memref_slice %arg16[%and3A_229] : memref<2x!tpu.dma_semaphore, #tpu.memory_space<semaphore_mem>> -> memref<1x!tpu.dma_semaphore, #tpu.memory_space<semaphore_mem>>
        %dma_wait3A_362 = tpu.memref_squeeze %dma_wait3A_361 : memref<1x!tpu.dma_semaphore, #tpu.memory_space<semaphore_mem>> -> memref<!tpu.dma_semaphore, #tpu.memory_space<semaphore_mem>>
        tpu.wait_indirect_dma semaphore(%dma_wait3A_362 : memref<!tpu.dma_semaphore, #tpu.memory_space<semaphore_mem>>) src(%dma_wait3A_354 : memref<64x136xf32, #tpu.memory_space<vmem>>) dst(%dma_wait3A_360 : memref<10000x136xf32, #tpu.memory_space<vmem_shared>>)
      } else {
      }
      %dma_wait3A_289 = arith.constant 0 : i32
      %dma_wait3A_290 = arith.constant 0 : i32
      %dma_wait3A_291 = tpu.memref_slice %arg10[%and3A_229, %dma_wait3A_289, %dma_wait3A_290] : memref<2x64x128xbf16, #tpu.memory_space<vmem>> -> memref<1x64x128xbf16, #tpu.memory_space<vmem>>
      %dma_wait3A_292 = tpu.memref_squeeze %dma_wait3A_291 : memref<1x64x128xbf16, #tpu.memory_space<vmem>> -> memref<64x128xbf16, #tpu.memory_space<vmem>>
      %dma_wait3A_293 = arith.constant 0 : i32
      %dma_wait3A_294 = tpu.memref_slice %arg9[%select_n3A_261, %mul3A_281, %dma_wait3A_293] : memref<3x4x64xi32, #tpu.memory_space<vmem>> -> memref<1x1x64xi32, #tpu.memory_space<vmem>>
      %dma_wait3A_295 = tpu.memref_squeeze %dma_wait3A_294 : memref<1x1x64xi32, #tpu.memory_space<vmem>> -> memref<64xi32, #tpu.memory_space<vmem>>
      %dma_wait3A_296 = arith.constant 0 : i32
      %dma_wait3A_297 = arith.constant 0 : i32
      %dma_wait3A_298 = tpu.memref_slice %arg2[%dma_wait3A_296, %dma_wait3A_297] : memref<10000x128xbf16, #tpu.memory_space<hbm>> -> memref<10000x128xbf16, #tpu.memory_space<hbm>>
      %dma_wait3A_299 = tpu.memref_slice %arg14[%and3A_229] : memref<2x!tpu.dma_semaphore, #tpu.memory_space<semaphore_mem>> -> memref<1x!tpu.dma_semaphore, #tpu.memory_space<semaphore_mem>>
      %dma_wait3A_300 = tpu.memref_squeeze %dma_wait3A_299 : memref<1x!tpu.dma_semaphore, #tpu.memory_space<semaphore_mem>> -> memref<!tpu.dma_semaphore, #tpu.memory_space<semaphore_mem>>
      tpu.wait_indirect_dma semaphore(%dma_wait3A_300 : memref<!tpu.dma_semaphore, #tpu.memory_space<semaphore_mem>>) src(%dma_wait3A_298 : memref<10000x128xbf16, #tpu.memory_space<hbm>>) dst(%dma_wait3A_292 : memref<64x128xbf16, #tpu.memory_space<vmem>>)
      %add3A_301 = arith.constant 1 : i32
      %add3A_302 = arith.addi %mul3A_281, %add3A_301 : i32
      %dma_wait3A_303 = arith.constant 0 : i32
      %dma_wait3A_304 = arith.constant 0 : i32
      %dma_wait3A_305 = tpu.memref_slice %arg11[%and3A_229, %dma_wait3A_303, %dma_wait3A_304] : memref<2x64x128xbf16, #tpu.memory_space<vmem>> -> memref<1x64x128xbf16, #tpu.memory_space<vmem>>
      %dma_wait3A_306 = tpu.memref_squeeze %dma_wait3A_305 : memref<1x64x128xbf16, #tpu.memory_space<vmem>> -> memref<64x128xbf16, #tpu.memory_space<vmem>>
      %dma_wait3A_307 = arith.constant 0 : i32
      %dma_wait3A_308 = tpu.memref_slice %arg9[%select_n3A_261, %add3A_302, %dma_wait3A_307] : memref<3x4x64xi32, #tpu.memory_space<vmem>> -> memref<1x1x64xi32, #tpu.memory_space<vmem>>
      %dma_wait3A_309 = tpu.memref_squeeze %dma_wait3A_308 : memref<1x1x64xi32, #tpu.memory_space<vmem>> -> memref<64xi32, #tpu.memory_space<vmem>>
      %dma_wait3A_310 = arith.constant 0 : i32
      %dma_wait3A_311 = arith.constant 0 : i32
      %dma_wait3A_312 = tpu.memref_slice %arg3[%dma_wait3A_310, %dma_wait3A_311] : memref<10000x128xbf16, #tpu.memory_space<hbm>> -> memref<10000x128xbf16, #tpu.memory_space<hbm>>
      %dma_wait3A_313 = tpu.memref_slice %arg15[%and3A_229] : memref<2x!tpu.dma_semaphore, #tpu.memory_space<semaphore_mem>> -> memref<1x!tpu.dma_semaphore, #tpu.memory_space<semaphore_mem>>
      %dma_wait3A_314 = tpu.memref_squeeze %dma_wait3A_313 : memref<1x!tpu.dma_semaphore, #tpu.memory_space<semaphore_mem>> -> memref<!tpu.dma_semaphore, #tpu.memory_space<semaphore_mem>>
      tpu.wait_indirect_dma semaphore(%dma_wait3A_314 : memref<!tpu.dma_semaphore, #tpu.memory_space<semaphore_mem>>) src(%dma_wait3A_312 : memref<10000x128xbf16, #tpu.memory_space<hbm>>) dst(%dma_wait3A_306 : memref<64x128xbf16, #tpu.memory_space<vmem>>)
      %parallel_loop3A = arith.constant 0 : i32
      %parallel_loop3A_315 = arith.constant 64 : i32
      %parallel_loop3A_316 = arith.constant 1 : i32
      scf.for %parallel_loop3A_349 = %parallel_loop3A to %parallel_loop3A_315 step %parallel_loop3A_316  : i32 {
        %parallel_loop3A_350 = arith.index_cast %and3A_229 : i32 to index
        %parallel_loop3A_351 = arith.index_cast %parallel_loop3A_349 : i32 to index
        %parallel_loop3A_352 = arith.constant 0 : index
        %parallel_loop3A_353 = tpu.vector_load %arg10[%parallel_loop3A_350, %parallel_loop3A_351, %parallel_loop3A_352] {strides = array<i32>} : memref<2x64x128xbf16, #tpu.memory_space<vmem>>, vector<32xbf16>,
        %parallel_loop3A_354 = arith.index_cast %and3A_229 : i32 to index
        %parallel_loop3A_355 = arith.index_cast %parallel_loop3A_349 : i32 to index
        %parallel_loop3A_356 = arith.constant 32 : index
        %parallel_loop3A_357 = tpu.vector_load %arg10[%parallel_loop3A_354, %parallel_loop3A_355, %parallel_loop3A_356] {strides = array<i32>} : memref<2x64x128xbf16, #tpu.memory_space<vmem>>, vector<32xbf16>,
        %parallel_loop3A_358 = arith.index_cast %and3A_229 : i32 to index
        %parallel_loop3A_359 = arith.index_cast %parallel_loop3A_349 : i32 to index
        %parallel_loop3A_360 = arith.constant 64 : index
        %parallel_loop3A_361 = tpu.vector_load %arg10[%parallel_loop3A_358, %parallel_loop3A_359, %parallel_loop3A_360] {strides = array<i32>} : memref<2x64x128xbf16, #tpu.memory_space<vmem>>, vector<32xbf16>,
        %parallel_loop3A_362 = arith.index_cast %and3A_229 : i32 to index
        %parallel_loop3A_363 = arith.index_cast %parallel_loop3A_349 : i32 to index
        %parallel_loop3A_364 = arith.constant 96 : index
        %parallel_loop3A_365 = tpu.vector_load %arg10[%parallel_loop3A_362, %parallel_loop3A_363, %parallel_loop3A_364] {strides = array<i32>} : memref<2x64x128xbf16, #tpu.memory_space<vmem>>, vector<32xbf16>,
        %parallel_loop3A_366 = arith.index_cast %and3A_229 : i32 to index
        %parallel_loop3A_367 = arith.index_cast %parallel_loop3A_349 : i32 to index
        %parallel_loop3A_368 = arith.constant 0 : index
        %parallel_loop3A_369 = tpu.vector_load %arg11[%parallel_loop3A_366, %parallel_loop3A_367, %parallel_loop3A_368] {strides = array<i32>} : memref<2x64x128xbf16, #tpu.memory_space<vmem>>, vector<32xbf16>,
        %parallel_loop3A_370 = arith.addf %parallel_loop3A_353, %parallel_loop3A_369 : vector<32xbf16>
        %parallel_loop3A_371 = arith.constant 2.001950e-01 : bf16
        %parallel_loop3A_372 = vector.broadcast %parallel_loop3A_371 : bf16 to vector<32xbf16>
        %parallel_loop3A_373 = arith.mulf %parallel_loop3A_370, %parallel_loop3A_372 : vector<32xbf16>
        %parallel_loop3A_374 = arith.maximumf %parallel_loop3A_370, %parallel_loop3A_373 : vector<32xbf16>
        %parallel_loop3A_375 = arith.mulf %parallel_loop3A_374, %get3A_53 : vector<32xbf16>
        %parallel_loop3A_376 = tpu.unpack_subelements %parallel_loop3A_375, 0 {pack_format = #tpu.pack_format<interleaved>} : vector<32xbf16> -> vector<16xf32>
        %parallel_loop3A_377 = tpu.unpack_subelements %parallel_loop3A_375, 1 {pack_format = #tpu.pack_format<interleaved>} : vector<32xbf16> -> vector<16xf32>
        %parallel_loop3A_378 = arith.addf %broadcast_in_dim3A_1, %parallel_loop3A_376 : vector<16xf32>
        %parallel_loop3A_379 = arith.addf %parallel_loop3A_378, %parallel_loop3A_377 : vector<16xf32>
        %parallel_loop3A_380 = arith.index_cast %and3A_229 : i32 to index
        %parallel_loop3A_381 = arith.index_cast %parallel_loop3A_349 : i32 to index
        %parallel_loop3A_382 = arith.constant 32 : index
        %parallel_loop3A_383 = tpu.vector_load %arg11[%parallel_loop3A_380, %parallel_loop3A_381, %parallel_loop3A_382] {strides = array<i32>} : memref<2x64x128xbf16, #tpu.memory_space<vmem>>, vector<32xbf16>,
        %parallel_loop3A_384 = arith.addf %parallel_loop3A_357, %parallel_loop3A_383 : vector<32xbf16>
        %parallel_loop3A_385 = arith.constant 2.001950e-01 : bf16
        %parallel_loop3A_386 = vector.broadcast %parallel_loop3A_385 : bf16 to vector<32xbf16>
        %parallel_loop3A_387 = arith.mulf %parallel_loop3A_384, %parallel_loop3A_386 : vector<32xbf16>
        %parallel_loop3A_388 = arith.maximumf %parallel_loop3A_384, %parallel_loop3A_387 : vector<32xbf16>
        %parallel_loop3A_389 = arith.mulf %parallel_loop3A_388, %get3A_55 : vector<32xbf16>
        %parallel_loop3A_390 = tpu.unpack_subelements %parallel_loop3A_389, 0 {pack_format = #tpu.pack_format<interleaved>} : vector<32xbf16> -> vector<16xf32>
        %parallel_loop3A_391 = tpu.unpack_subelements %parallel_loop3A_389, 1 {pack_format = #tpu.pack_format<interleaved>} : vector<32xbf16> -> vector<16xf32>
        %parallel_loop3A_392 = arith.addf %parallel_loop3A_379, %parallel_loop3A_390 : vector<16xf32>
        %parallel_loop3A_393 = arith.addf %parallel_loop3A_392, %parallel_loop3A_391 : vector<16xf32>
        %parallel_loop3A_394 = arith.index_cast %and3A_229 : i32 to index
        %parallel_loop3A_395 = arith.index_cast %parallel_loop3A_349 : i32 to index
        %parallel_loop3A_396 = arith.constant 64 : index
        %parallel_loop3A_397 = tpu.vector_load %arg11[%parallel_loop3A_394, %parallel_loop3A_395, %parallel_loop3A_396] {strides = array<i32>} : memref<2x64x128xbf16, #tpu.memory_space<vmem>>, vector<32xbf16>,
        %parallel_loop3A_398 = arith.addf %parallel_loop3A_361, %parallel_loop3A_397 : vector<32xbf16>
        %parallel_loop3A_399 = arith.constant 2.001950e-01 : bf16
        %parallel_loop3A_400 = vector.broadcast %parallel_loop3A_399 : bf16 to vector<32xbf16>
        %parallel_loop3A_401 = arith.mulf %parallel_loop3A_398, %parallel_loop3A_400 : vector<32xbf16>
        %parallel_loop3A_402 = arith.maximumf %parallel_loop3A_398, %parallel_loop3A_401 : vector<32xbf16>
        %parallel_loop3A_403 = arith.mulf %parallel_loop3A_402, %get3A_57 : vector<32xbf16>
        %parallel_loop3A_404 = tpu.unpack_subelements %parallel_loop3A_403, 0 {pack_format = #tpu.pack_format<interleaved>} : vector<32xbf16> -> vector<16xf32>
        %parallel_loop3A_405 = tpu.unpack_subelements %parallel_loop3A_403, 1 {pack_format = #tpu.pack_format<interleaved>} : vector<32xbf16> -> vector<16xf32>
        %parallel_loop3A_406 = arith.addf %parallel_loop3A_393, %parallel_loop3A_404 : vector<16xf32>
        %parallel_loop3A_407 = arith.addf %parallel_loop3A_406, %parallel_loop3A_405 : vector<16xf32>
        %parallel_loop3A_408 = arith.index_cast %and3A_229 : i32 to index
        %parallel_loop3A_409 = arith.index_cast %parallel_loop3A_349 : i32 to index
        %parallel_loop3A_410 = arith.constant 96 : index
        %parallel_loop3A_411 = tpu.vector_load %arg11[%parallel_loop3A_408, %parallel_loop3A_409, %parallel_loop3A_410] {strides = array<i32>} : memref<2x64x128xbf16, #tpu.memory_space<vmem>>, vector<32xbf16>,
        %parallel_loop3A_412 = arith.addf %parallel_loop3A_365, %parallel_loop3A_411 : vector<32xbf16>
        %parallel_loop3A_413 = arith.constant 2.001950e-01 : bf16
        %parallel_loop3A_414 = vector.broadcast %parallel_loop3A_413 : bf16 to vector<32xbf16>
        %parallel_loop3A_415 = arith.mulf %parallel_loop3A_412, %parallel_loop3A_414 : vector<32xbf16>
        %parallel_loop3A_416 = arith.maximumf %parallel_loop3A_412, %parallel_loop3A_415 : vector<32xbf16>
        %parallel_loop3A_417 = arith.mulf %parallel_loop3A_416, %get3A_59 : vector<32xbf16>
        %parallel_loop3A_418 = tpu.unpack_subelements %parallel_loop3A_417, 0 {pack_format = #tpu.pack_format<interleaved>} : vector<32xbf16> -> vector<16xf32>
        %parallel_loop3A_419 = tpu.unpack_subelements %parallel_loop3A_417, 1 {pack_format = #tpu.pack_format<interleaved>} : vector<32xbf16> -> vector<16xf32>
        %parallel_loop3A_420 = arith.addf %parallel_loop3A_407, %parallel_loop3A_418 : vector<16xf32>
        %parallel_loop3A_421 = arith.addf %parallel_loop3A_420, %parallel_loop3A_419 : vector<16xf32>
        %parallel_loop3A_422 = vector.shape_cast %xor3A_43 : vector<16xi32> to vector<16x1xi32>
        %parallel_loop3A_423 = vector.shape_cast %parallel_loop3A_422 : vector<16x1xi32> to vector<16xi32>
        %parallel_loop3A_424 = tpu.dynamic_gather %parallel_loop3A_421[%parallel_loop3A_423] in [0] : vector<16xf32>, vector<16xi32> -> vector<16xf32>
        %parallel_loop3A_425 = arith.addf %parallel_loop3A_421, %parallel_loop3A_424 : vector<16xf32>
        %parallel_loop3A_426 = vector.shape_cast %xor3A_46 : vector<16xi32> to vector<16x1xi32>
        %parallel_loop3A_427 = vector.shape_cast %parallel_loop3A_426 : vector<16x1xi32> to vector<16xi32>
        %parallel_loop3A_428 = tpu.dynamic_gather %parallel_loop3A_425[%parallel_loop3A_427] in [0] : vector<16xf32>, vector<16xi32> -> vector<16xf32>
        %parallel_loop3A_429 = arith.addf %parallel_loop3A_425, %parallel_loop3A_428 : vector<16xf32>
        %parallel_loop3A_430 = vector.shape_cast %xor3A_49 : vector<16xi32> to vector<16x1xi32>
        %parallel_loop3A_431 = vector.shape_cast %parallel_loop3A_430 : vector<16x1xi32> to vector<16xi32>
        %parallel_loop3A_432 = tpu.dynamic_gather %parallel_loop3A_429[%parallel_loop3A_431] in [0] : vector<16xf32>, vector<16xi32> -> vector<16xf32>
        %parallel_loop3A_433 = arith.addf %parallel_loop3A_429, %parallel_loop3A_432 : vector<16xf32>
        %parallel_loop3A_434 = vector.shape_cast %xor3A_52 : vector<16xi32> to vector<16x1xi32>
        %parallel_loop3A_435 = vector.shape_cast %parallel_loop3A_434 : vector<16x1xi32> to vector<16xi32>
        %parallel_loop3A_436 = tpu.dynamic_gather %parallel_loop3A_433[%parallel_loop3A_435] in [0] : vector<16xf32>, vector<16xi32> -> vector<16xf32>
        %parallel_loop3A_437 = arith.addf %parallel_loop3A_433, %parallel_loop3A_436 : vector<16xf32>
        %parallel_loop3A_438 = math.exp %parallel_loop3A_437 : vector<16xf32>
        %parallel_loop3A_439 = arith.addi %add3A_286, %parallel_loop3A_349 : i32
        %parallel_loop3A_440 = arith.constant 330000 : i32
        %parallel_loop3A_441 = arith.cmpi slt, %parallel_loop3A_439, %parallel_loop3A_440 : i32
        %parallel_loop3A_442 = arith.constant 0.000000e+00 : f32
        %parallel_loop3A_443 = vector.broadcast %parallel_loop3A_442 : f32 to vector<16xf32>
        %parallel_loop3A_444 = arith.select %parallel_loop3A_441, %parallel_loop3A_438, %parallel_loop3A_443 : vector<16xf32>
        %parallel_loop3A_445 = arith.constant 8 : i32
        %parallel_loop3A_446 = vector.broadcast %parallel_loop3A_445 : i32 to vector<16xi32>
        %parallel_loop3A_447 = arith.cmpi eq, %iota3A, %parallel_loop3A_446 : vector<16xi32>
        %parallel_loop3A_448 = arith.constant 0.000000e+00 : f32
        %parallel_loop3A_449 = vector.broadcast %parallel_loop3A_448 : f32 to vector<16xf32>
        %parallel_loop3A_450 = arith.select %parallel_loop3A_447, %parallel_loop3A_444, %parallel_loop3A_449 : vector<16xi1>, vector<16xf32>
        %parallel_loop3A_451 = arith.index_cast %and3A_229 : i32 to index
        %parallel_loop3A_452 = arith.index_cast %parallel_loop3A_349 : i32 to index
        %parallel_loop3A_453 = arith.constant 120 : index
        %parallel_loop3A_454 = tpu.vector_load %arg12[%parallel_loop3A_451, %parallel_loop3A_452, %parallel_loop3A_453] {strides = array<i32>} : memref<2x64x136xf32, #tpu.memory_space<vmem>>, vector<16xf32>,
        tpu.vector_store %arg12[%parallel_loop3A_451, %parallel_loop3A_452, %parallel_loop3A_453], %parallel_loop3A_450 {strides = array<i32>} : memref<2x64x136xf32, #tpu.memory_space<vmem>>, vector<16xf32>,
        %parallel_loop3A_455 = tpu.unpack_subelements %parallel_loop3A_353, 0 {pack_format = #tpu.pack_format<interleaved>} : vector<32xbf16> -> vector<16xf32>
        %parallel_loop3A_456 = tpu.unpack_subelements %parallel_loop3A_353, 1 {pack_format = #tpu.pack_format<interleaved>} : vector<32xbf16> -> vector<16xf32>
        %parallel_loop3A_457 = arith.mulf %parallel_loop3A_455, %parallel_loop3A_444 : vector<16xf32>
        %parallel_loop3A_458 = arith.index_cast %and3A_229 : i32 to index
        %parallel_loop3A_459 = arith.index_cast %parallel_loop3A_349 : i32 to index
        %parallel_loop3A_460 = arith.constant 0 : index
        %parallel_loop3A_461 = tpu.vector_load %arg12[%parallel_loop3A_458, %parallel_loop3A_459, %parallel_loop3A_460] {strides = array<i32>} : memref<2x64x136xf32, #tpu.memory_space<vmem>>, vector<16xf32>,
        tpu.vector_store %arg12[%parallel_loop3A_458, %parallel_loop3A_459, %parallel_loop3A_460], %parallel_loop3A_457 {strides = array<i32>} : memref<2x64x136xf32, #tpu.memory_space<vmem>>, vector<16xf32>,
        %parallel_loop3A_462 = arith.mulf %parallel_loop3A_456, %parallel_loop3A_444 : vector<16xf32>
        %parallel_loop3A_463 = arith.index_cast %and3A_229 : i32 to index
        %parallel_loop3A_464 = arith.index_cast %parallel_loop3A_349 : i32 to index
        %parallel_loop3A_465 = arith.constant 16 : index
        %parallel_loop3A_466 = tpu.vector_load %arg12[%parallel_loop3A_463, %parallel_loop3A_464, %parallel_loop3A_465] {strides = array<i32>} : memref<2x64x136xf32, #tpu.memory_space<vmem>>, vector<16xf32>,
        tpu.vector_store %arg12[%parallel_loop3A_463, %parallel_loop3A_464, %parallel_loop3A_465], %parallel_loop3A_462 {strides = array<i32>} : memref<2x64x136xf32, #tpu.memory_space<vmem>>, vector<16xf32>,
        %parallel_loop3A_467 = tpu.unpack_subelements %parallel_loop3A_357, 0 {pack_format = #tpu.pack_format<interleaved>} : vector<32xbf16> -> vector<16xf32>
        %parallel_loop3A_468 = tpu.unpack_subelements %parallel_loop3A_357, 1 {pack_format = #tpu.pack_format<interleaved>} : vector<32xbf16> -> vector<16xf32>
        %parallel_loop3A_469 = arith.mulf %parallel_loop3A_467, %parallel_loop3A_444 : vector<16xf32>
        %parallel_loop3A_470 = arith.index_cast %and3A_229 : i32 to index
        %parallel_loop3A_471 = arith.index_cast %parallel_loop3A_349 : i32 to index
        %parallel_loop3A_472 = arith.constant 32 : index
        %parallel_loop3A_473 = tpu.vector_load %arg12[%parallel_loop3A_470, %parallel_loop3A_471, %parallel_loop3A_472] {strides = array<i32>} : memref<2x64x136xf32, #tpu.memory_space<vmem>>, vector<16xf32>,
        tpu.vector_store %arg12[%parallel_loop3A_470, %parallel_loop3A_471, %parallel_loop3A_472], %parallel_loop3A_469 {strides = array<i32>} : memref<2x64x136xf32, #tpu.memory_space<vmem>>, vector<16xf32>,
        %parallel_loop3A_474 = arith.mulf %parallel_loop3A_468, %parallel_loop3A_444 : vector<16xf32>
        %parallel_loop3A_475 = arith.index_cast %and3A_229 : i32 to index
        %parallel_loop3A_476 = arith.index_cast %parallel_loop3A_349 : i32 to index
        %parallel_loop3A_477 = arith.constant 48 : index
        %parallel_loop3A_478 = tpu.vector_load %arg12[%parallel_loop3A_475, %parallel_loop3A_476, %parallel_loop3A_477] {strides = array<i32>} : memref<2x64x136xf32, #tpu.memory_space<vmem>>, vector<16xf32>,
        tpu.vector_store %arg12[%parallel_loop3A_475, %parallel_loop3A_476, %parallel_loop3A_477], %parallel_loop3A_474 {strides = array<i32>} : memref<2x64x136xf32, #tpu.memory_space<vmem>>, vector<16xf32>,
        %parallel_loop3A_479 = tpu.unpack_subelements %parallel_loop3A_361, 0 {pack_format = #tpu.pack_format<interleaved>} : vector<32xbf16> -> vector<16xf32>
        %parallel_loop3A_480 = tpu.unpack_subelements %parallel_loop3A_361, 1 {pack_format = #tpu.pack_format<interleaved>} : vector<32xbf16> -> vector<16xf32>
        %parallel_loop3A_481 = arith.mulf %parallel_loop3A_479, %parallel_loop3A_444 : vector<16xf32>
        %parallel_loop3A_482 = arith.index_cast %and3A_229 : i32 to index
        %parallel_loop3A_483 = arith.index_cast %parallel_loop3A_349 : i32 to index
        %parallel_loop3A_484 = arith.constant 64 : index
        %parallel_loop3A_485 = tpu.vector_load %arg12[%parallel_loop3A_482, %parallel_loop3A_483, %parallel_loop3A_484] {strides = array<i32>} : memref<2x64x136xf32, #tpu.memory_space<vmem>>, vector<16xf32>,
        tpu.vector_store %arg12[%parallel_loop3A_482, %parallel_loop3A_483, %parallel_loop3A_484], %parallel_loop3A_481 {strides = array<i32>} : memref<2x64x136xf32, #tpu.memory_space<vmem>>, vector<16xf32>,
        %parallel_loop3A_486 = arith.mulf %parallel_loop3A_480, %parallel_loop3A_444 : vector<16xf32>
        %parallel_loop3A_487 = arith.index_cast %and3A_229 : i32 to index
        %parallel_loop3A_488 = arith.index_cast %parallel_loop3A_349 : i32 to index
        %parallel_loop3A_489 = arith.constant 80 : index
        %parallel_loop3A_490 = tpu.vector_load %arg12[%parallel_loop3A_487, %parallel_loop3A_488, %parallel_loop3A_489] {strides = array<i32>} : memref<2x64x136xf32, #tpu.memory_space<vmem>>, vector<16xf32>,
        tpu.vector_store %arg12[%parallel_loop3A_487, %parallel_loop3A_488, %parallel_loop3A_489], %parallel_loop3A_486 {strides = array<i32>} : memref<2x64x136xf32, #tpu.memory_space<vmem>>, vector<16xf32>,
        %parallel_loop3A_491 = tpu.unpack_subelements %parallel_loop3A_365, 0 {pack_format = #tpu.pack_format<interleaved>} : vector<32xbf16> -> vector<16xf32>
        %parallel_loop3A_492 = tpu.unpack_subelements %parallel_loop3A_365, 1 {pack_format = #tpu.pack_format<interleaved>} : vector<32xbf16> -> vector<16xf32>
        %parallel_loop3A_493 = arith.mulf %parallel_loop3A_491, %parallel_loop3A_444 : vector<16xf32>
        %parallel_loop3A_494 = arith.index_cast %and3A_229 : i32 to index
        %parallel_loop3A_495 = arith.index_cast %parallel_loop3A_349 : i32 to index
        %parallel_loop3A_496 = arith.constant 96 : index
        %parallel_loop3A_497 = tpu.vector_load %arg12[%parallel_loop3A_494, %parallel_loop3A_495, %parallel_loop3A_496] {strides = array<i32>} : memref<2x64x136xf32, #tpu.memory_space<vmem>>, vector<16xf32>,
        tpu.vector_store %arg12[%parallel_loop3A_494, %parallel_loop3A_495, %parallel_loop3A_496], %parallel_loop3A_493 {strides = array<i32>} : memref<2x64x136xf32, #tpu.memory_space<vmem>>, vector<16xf32>,
        %parallel_loop3A_498 = arith.mulf %parallel_loop3A_492, %parallel_loop3A_444 : vector<16xf32>
        %parallel_loop3A_499 = arith.index_cast %and3A_229 : i32 to index
        %parallel_loop3A_500 = arith.index_cast %parallel_loop3A_349 : i32 to index
        %parallel_loop3A_501 = arith.constant 112 : index
        %parallel_loop3A_502 = tpu.vector_load %arg12[%parallel_loop3A_499, %parallel_loop3A_500, %parallel_loop3A_501] {strides = array<i32>} : memref<2x64x136xf32, #tpu.memory_space<vmem>>, vector<16xf32>,
        tpu.vector_store %arg12[%parallel_loop3A_499, %parallel_loop3A_500, %parallel_loop3A_501], %parallel_loop3A_498 {strides = array<i32>} : memref<2x64x136xf32, #tpu.memory_space<vmem>>, vector<16xf32>,
      } {sc.loop_unroll_factor = 8 : i64, sc.parallel_access}
      %eq3A_317 = arith.constant 0 : i32
      %eq3A_318 = arith.cmpi eq, %and3A_229, %eq3A_317 : i32
      %add3A_319 = arith.constant 2 : i32
      %add3A_320 = arith.addi %scan3A_227, %add3A_319 : i32
      %lt3A_321 = arith.constant 162 : i32
      %lt3A_322 = arith.cmpi slt, %add3A_320, %lt3A_321 : i32
      %and3A_323 = arith.andi %eq3A_318, %lt3A_322 : i1
      %convert_element_type3A_324 = arith.extui %and3A_323 : i1 to i32
      %cond3A_325 = arith.constant 0 : i32
      %cond3A_326 = arith.cmpi ne, %convert_element_type3A_324, %cond3A_325 : i32
      scf.if %cond3A_326 {
        %add3A_349 = arith.constant 1 : i32
        %add3A_350 = arith.addi %select_n3A, %add3A_349 : i32
        %mul3A_351 = arith.constant 4 : i32
        %mul3A_352 = arith.muli %add3A_350, %mul3A_351 : i32
        %add3A_353 = arith.addi %mul3A_63, %mul3A_352 : i32
        "tpu.region"() ({
          %run_scoped3A_354 = tpu.sem_alloc : memref<!tpu.dma_semaphore, #tpu.memory_space<semaphore_mem>>
          %dma_start3A_355 = arith.constant 0 : i32
          %dma_start3A_356 = arith.constant 0 : i32
          %dma_start3A_357 = tpu.memref_slice %arg9[%select_n3A_279, %dma_start3A_355, %dma_start3A_356] : memref<3x4x64xi32, #tpu.memory_space<vmem>> -> memref<1x4x64xi32, #tpu.memory_space<vmem>>
          %dma_start3A_358 = tpu.memref_squeeze %dma_start3A_357 : memref<1x4x64xi32, #tpu.memory_space<vmem>> -> memref<4x64xi32, #tpu.memory_space<vmem>>
          %dma_start3A_359 = arith.constant 0 : i32
          %dma_start3A_360 = tpu.memref_slice %arg4[%add3A_353, %dma_start3A_359] : memref<10368x64xi32, #tpu.memory_space<hbm>> -> memref<4x64xi32, #tpu.memory_space<hbm>>
          %dma_start3A_361 = arith.constant 0 : i32
          %dma_start3A_362 = arith.constant 0 : i32
          %dma_start3A_363 = tpu.memref_slice %arg9[%select_n3A_279, %dma_start3A_361, %dma_start3A_362] : memref<3x4x64xi32, #tpu.memory_space<vmem>> -> memref<1x4x64xi32, #tpu.memory_space<vmem>>
          %dma_start3A_364 = tpu.memref_squeeze %dma_start3A_363 : memref<1x4x64xi32, #tpu.memory_space<vmem>> -> memref<4x64xi32, #tpu.memory_space<vmem>>
          %dma_start3A_365 = arith.constant 0 : i32
          %dma_start3A_366 = tpu.memref_slice %arg4[%add3A_353, %dma_start3A_365] : memref<10368x64xi32, #tpu.memory_space<hbm>> -> memref<4x64xi32, #tpu.memory_space<hbm>>
          tpu.enqueue_dma source(%dma_start3A_366 : memref<4x64xi32, #tpu.memory_space<hbm>>) target(%dma_start3A_364 : memref<4x64xi32, #tpu.memory_space<vmem>>) target_semaphore(%run_scoped3A_354 : memref<!tpu.dma_semaphore, #tpu.memory_space<semaphore_mem>>)
          %dma_wait3A_367 = arith.constant 0 : i32
          %dma_wait3A_368 = arith.constant 0 : i32
          %dma_wait3A_369 = tpu.memref_slice %arg9[%select_n3A_279, %dma_wait3A_367, %dma_wait3A_368] : memref<3x4x64xi32, #tpu.memory_space<vmem>> -> memref<1x4x64xi32, #tpu.memory_space<vmem>>
          %dma_wait3A_370 = tpu.memref_squeeze %dma_wait3A_369 : memref<1x4x64xi32, #tpu.memory_space<vmem>> -> memref<4x64xi32, #tpu.memory_space<vmem>>
          %dma_wait3A_371 = arith.constant 0 : i32
          %dma_wait3A_372 = tpu.memref_slice %arg4[%add3A_353, %dma_wait3A_371] : memref<10368x64xi32, #tpu.memory_space<hbm>> -> memref<4x64xi32, #tpu.memory_space<hbm>>
          %dma_wait3A_373 = arith.constant 0 : i32
          %dma_wait3A_374 = arith.constant 0 : i32
          %dma_wait3A_375 = tpu.memref_slice %arg9[%select_n3A_279, %dma_wait3A_373, %dma_wait3A_374] : memref<3x4x64xi32, #tpu.memory_space<vmem>> -> memref<1x4x64xi32, #tpu.memory_space<vmem>>
          %dma_wait3A_376 = tpu.memref_squeeze %dma_wait3A_375 : memref<1x4x64xi32, #tpu.memory_space<vmem>> -> memref<4x64xi32, #tpu.memory_space<vmem>>
          %dma_wait3A_377 = arith.constant 0 : i32
          %dma_wait3A_378 = tpu.memref_slice %arg4[%add3A_353, %dma_wait3A_377] : memref<10368x64xi32, #tpu.memory_space<hbm>> -> memref<4x64xi32, #tpu.memory_space<hbm>>
          tpu.wait_dma2 semaphore(%run_scoped3A_354 : memref<!tpu.dma_semaphore, #tpu.memory_space<semaphore_mem>>) src(%dma_wait3A_378 : memref<4x64xi32, #tpu.memory_space<hbm>>) dst(%dma_wait3A_376 : memref<4x64xi32, #tpu.memory_space<vmem>>)
          tpu.yield
        }) : () -> ()
      } else {
      }
      %add3A_327 = arith.constant 2 : i32
      %add3A_328 = arith.addi %scan3A_227, %add3A_327 : i32
      %lt3A_329 = arith.constant 162 : i32
      %lt3A_330 = arith.cmpi slt, %add3A_328, %lt3A_329 : i32
      %convert_element_type3A_331 = arith.extui %lt3A_330 : i1 to i32
      %cond3A_332 = arith.constant 0 : i32
      %cond3A_333 = arith.cmpi ne, %convert_element_type3A_331, %cond3A_332 : i32
      scf.if %cond3A_333 {
        %add3A_349 = arith.constant 2 : i32
        %add3A_350 = arith.addi %scan3A_227, %add3A_349 : i32
        %mul3A_351 = arith.constant 2 : i32
        %mul3A_352 = arith.muli %and3A_229, %mul3A_351 : i32
        %dma_start3A_353 = arith.constant 0 : i32
        %dma_start3A_354 = arith.constant 0 : i32
        %dma_start3A_355 = tpu.memref_slice %arg10[%and3A_229, %dma_start3A_353, %dma_start3A_354] : memref<2x64x128xbf16, #tpu.memory_space<vmem>> -> memref<1x64x128xbf16, #tpu.memory_space<vmem>>
        %dma_start3A_356 = tpu.memref_squeeze %dma_start3A_355 : memref<1x64x128xbf16, #tpu.memory_space<vmem>> -> memref<64x128xbf16, #tpu.memory_space<vmem>>
        %dma_start3A_357 = arith.constant 0 : i32
        %dma_start3A_358 = tpu.memref_slice %arg9[%select_n3A_279, %mul3A_352, %dma_start3A_357] : memref<3x4x64xi32, #tpu.memory_space<vmem>> -> memref<1x1x64xi32, #tpu.memory_space<vmem>>
        %dma_start3A_359 = tpu.memref_squeeze %dma_start3A_358 : memref<1x1x64xi32, #tpu.memory_space<vmem>> -> memref<64xi32, #tpu.memory_space<vmem>>
        %dma_start3A_360 = arith.constant 0 : i32
        %dma_start3A_361 = arith.constant 0 : i32
        %dma_start3A_362 = tpu.memref_slice %arg2[%dma_start3A_360, %dma_start3A_361] : memref<10000x128xbf16, #tpu.memory_space<hbm>> -> memref<10000x128xbf16, #tpu.memory_space<hbm>>
        %dma_start3A_363 = tpu.memref_slice %arg14[%and3A_229] : memref<2x!tpu.dma_semaphore, #tpu.memory_space<semaphore_mem>> -> memref<1x!tpu.dma_semaphore, #tpu.memory_space<semaphore_mem>>
        %dma_start3A_364 = tpu.memref_squeeze %dma_start3A_363 : memref<1x!tpu.dma_semaphore, #tpu.memory_space<semaphore_mem>> -> memref<!tpu.dma_semaphore, #tpu.memory_space<semaphore_mem>>
        tpu.enqueue_indirect_dma source(%dma_start3A_362 : memref<10000x128xbf16, #tpu.memory_space<hbm>>) target(%dma_start3A_356 : memref<64x128xbf16, #tpu.memory_space<vmem>>) offsets(%dma_start3A_359 : memref<64xi32, #tpu.memory_space<vmem>>) semaphore(%dma_start3A_364 : memref<!tpu.dma_semaphore, #tpu.memory_space<semaphore_mem>>)
        %add3A_365 = arith.constant 1 : i32
        %add3A_366 = arith.addi %mul3A_352, %add3A_365 : i32
        %dma_start3A_367 = arith.constant 0 : i32
        %dma_start3A_368 = arith.constant 0 : i32
        %dma_start3A_369 = tpu.memref_slice %arg11[%and3A_229, %dma_start3A_367, %dma_start3A_368] : memref<2x64x128xbf16, #tpu.memory_space<vmem>> -> memref<1x64x128xbf16, #tpu.memory_space<vmem>>
        %dma_start3A_370 = tpu.memref_squeeze %dma_start3A_369 : memref<1x64x128xbf16, #tpu.memory_space<vmem>> -> memref<64x128xbf16, #tpu.memory_space<vmem>>
        %dma_start3A_371 = arith.constant 0 : i32
        %dma_start3A_372 = tpu.memref_slice %arg9[%select_n3A_279, %add3A_366, %dma_start3A_371] : memref<3x4x64xi32, #tpu.memory_space<vmem>> -> memref<1x1x64xi32, #tpu.memory_space<vmem>>
        %dma_start3A_373 = tpu.memref_squeeze %dma_start3A_372 : memref<1x1x64xi32, #tpu.memory_space<vmem>> -> memref<64xi32, #tpu.memory_space<vmem>>
        %dma_start3A_374 = arith.constant 0 : i32
        %dma_start3A_375 = arith.constant 0 : i32
        %dma_start3A_376 = tpu.memref_slice %arg3[%dma_start3A_374, %dma_start3A_375] : memref<10000x128xbf16, #tpu.memory_space<hbm>> -> memref<10000x128xbf16, #tpu.memory_space<hbm>>
        %dma_start3A_377 = tpu.memref_slice %arg15[%and3A_229] : memref<2x!tpu.dma_semaphore, #tpu.memory_space<semaphore_mem>> -> memref<1x!tpu.dma_semaphore, #tpu.memory_space<semaphore_mem>>
        %dma_start3A_378 = tpu.memref_squeeze %dma_start3A_377 : memref<1x!tpu.dma_semaphore, #tpu.memory_space<semaphore_mem>> -> memref<!tpu.dma_semaphore, #tpu.memory_space<semaphore_mem>>
        tpu.enqueue_indirect_dma source(%dma_start3A_376 : memref<10000x128xbf16, #tpu.memory_space<hbm>>) target(%dma_start3A_370 : memref<64x128xbf16, #tpu.memory_space<vmem>>) offsets(%dma_start3A_373 : memref<64xi32, #tpu.memory_space<vmem>>) semaphore(%dma_start3A_378 : memref<!tpu.dma_semaphore, #tpu.memory_space<semaphore_mem>>)
      } else {
      }
      %add3A_334 = arith.constant 1 : i32
      %add3A_335 = arith.addi %mul3A_281, %add3A_334 : i32
      %dma_start3A_336 = arith.constant 0 : i32
      %dma_start3A_337 = arith.constant 0 : i32
      %dma_start3A_338 = tpu.memref_slice %arg12[%and3A_229, %dma_start3A_336, %dma_start3A_337] : memref<2x64x136xf32, #tpu.memory_space<vmem>> -> memref<1x64x136xf32, #tpu.memory_space<vmem>>
      %dma_start3A_339 = tpu.memref_squeeze %dma_start3A_338 : memref<1x64x136xf32, #tpu.memory_space<vmem>> -> memref<64x136xf32, #tpu.memory_space<vmem>>
      %dma_start3A_340 = arith.constant 0 : i32
      %dma_start3A_341 = tpu.memref_slice %arg9[%select_n3A_261, %add3A_335, %dma_start3A_340] : memref<3x4x64xi32, #tpu.memory_space<vmem>> -> memref<1x1x64xi32, #tpu.memory_space<vmem>>
      %dma_start3A_342 = tpu.memref_squeeze %dma_start3A_341 : memref<1x1x64xi32, #tpu.memory_space<vmem>> -> memref<64xi32, #tpu.memory_space<vmem>>
      %dma_start3A_343 = arith.constant 0 : i32
      %dma_start3A_344 = arith.constant 0 : i32
      %dma_start3A_345 = tpu.memref_slice %arg13[%dma_start3A_343, %dma_start3A_344] : memref<10000x136xf32, #tpu.memory_space<vmem_shared>> -> memref<10000x136xf32, #tpu.memory_space<vmem_shared>>
      %dma_start3A_346 = tpu.memref_slice %arg16[%and3A_229] : memref<2x!tpu.dma_semaphore, #tpu.memory_space<semaphore_mem>> -> memref<1x!tpu.dma_semaphore, #tpu.memory_space<semaphore_mem>>
      %dma_start3A_347 = tpu.memref_squeeze %dma_start3A_346 : memref<1x!tpu.dma_semaphore, #tpu.memory_space<semaphore_mem>> -> memref<!tpu.dma_semaphore, #tpu.memory_space<semaphore_mem>>
      tpu.enqueue_indirect_dma source(%dma_start3A_339 : memref<64x136xf32, #tpu.memory_space<vmem>>) target(%dma_start3A_345 : memref<10000x136xf32, #tpu.memory_space<vmem_shared>>) offsets(%dma_start3A_342 : memref<64xi32, #tpu.memory_space<vmem>>) semaphore(%dma_start3A_347 : memref<!tpu.dma_semaphore, #tpu.memory_space<semaphore_mem>>) {add = true}
      %scan3A_348 = arith.constant 0 : i32
      scf.yield %scan3A_348 : i32
    }
    %scan3A_134 = arith.constant 162 : i32
    %dma_wait3A = arith.constant 0 : i32
    %dma_wait3A_135 = arith.constant 0 : i32
    %dma_wait3A_136 = arith.constant 1 : i32
    %dma_wait3A_137 = arith.constant 0 : i32
    %dma_wait3A_138 = arith.constant 0 : i32
    %dma_wait3A_139 = arith.constant 0 : i32
    %dma_wait3A_140 = tpu.memref_slice %arg12[%dma_wait3A, %dma_wait3A_138, %dma_wait3A_139] : memref<2x64x136xf32, #tpu.memory_space<vmem>> -> memref<1x64x136xf32, #tpu.memory_space<vmem>>
    %dma_wait3A_141 = tpu.memref_squeeze %dma_wait3A_140 : memref<1x64x136xf32, #tpu.memory_space<vmem>> -> memref<64x136xf32, #tpu.memory_space<vmem>>
    %dma_wait3A_142 = arith.constant 0 : i32
    %dma_wait3A_143 = tpu.memref_slice %arg9[%dma_wait3A_135, %dma_wait3A_136, %dma_wait3A_142] : memref<3x4x64xi32, #tpu.memory_space<vmem>> -> memref<1x1x64xi32, #tpu.memory_space<vmem>>
    %dma_wait3A_144 = tpu.memref_squeeze %dma_wait3A_143 : memref<1x1x64xi32, #tpu.memory_space<vmem>> -> memref<64xi32, #tpu.memory_space<vmem>>
    %dma_wait3A_145 = arith.constant 0 : i32
    %dma_wait3A_146 = arith.constant 0 : i32
    %dma_wait3A_147 = tpu.memref_slice %arg13[%dma_wait3A_145, %dma_wait3A_146] : memref<10000x136xf32, #tpu.memory_space<vmem_shared>> -> memref<10000x136xf32, #tpu.memory_space<vmem_shared>>
    %dma_wait3A_148 = tpu.memref_slice %arg16[%dma_wait3A_137] : memref<2x!tpu.dma_semaphore, #tpu.memory_space<semaphore_mem>> -> memref<1x!tpu.dma_semaphore, #tpu.memory_space<semaphore_mem>>
    %dma_wait3A_149 = tpu.memref_squeeze %dma_wait3A_148 : memref<1x!tpu.dma_semaphore, #tpu.memory_space<semaphore_mem>> -> memref<!tpu.dma_semaphore, #tpu.memory_space<semaphore_mem>>
    tpu.wait_indirect_dma semaphore(%dma_wait3A_149 : memref<!tpu.dma_semaphore, #tpu.memory_space<semaphore_mem>>) src(%dma_wait3A_141 : memref<64x136xf32, #tpu.memory_space<vmem>>) dst(%dma_wait3A_147 : memref<10000x136xf32, #tpu.memory_space<vmem_shared>>)
    %dma_wait3A_150 = arith.constant 1 : i32
    %dma_wait3A_151 = arith.constant 0 : i32
    %dma_wait3A_152 = arith.constant 3 : i32
    %dma_wait3A_153 = arith.constant 1 : i32
    %dma_wait3A_154 = arith.constant 0 : i32
    %dma_wait3A_155 = arith.constant 0 : i32
    %dma_wait3A_156 = tpu.memref_slice %arg12[%dma_wait3A_150, %dma_wait3A_154, %dma_wait3A_155] : memref<2x64x136xf32, #tpu.memory_space<vmem>> -> memref<1x64x136xf32, #tpu.memory_space<vmem>>
    %dma_wait3A_157 = tpu.memref_squeeze %dma_wait3A_156 : memref<1x64x136xf32, #tpu.memory_space<vmem>> -> memref<64x136xf32, #tpu.memory_space<vmem>>
    %dma_wait3A_158 = arith.constant 0 : i32
    %dma_wait3A_159 = tpu.memref_slice %arg9[%dma_wait3A_151, %dma_wait3A_152, %dma_wait3A_158] : memref<3x4x64xi32, #tpu.memory_space<vmem>> -> memref<1x1x64xi32, #tpu.memory_space<vmem>>
    %dma_wait3A_160 = tpu.memref_squeeze %dma_wait3A_159 : memref<1x1x64xi32, #tpu.memory_space<vmem>> -> memref<64xi32, #tpu.memory_space<vmem>>
    %dma_wait3A_161 = arith.constant 0 : i32
    %dma_wait3A_162 = arith.constant 0 : i32
    %dma_wait3A_163 = tpu.memref_slice %arg13[%dma_wait3A_161, %dma_wait3A_162] : memref<10000x136xf32, #tpu.memory_space<vmem_shared>> -> memref<10000x136xf32, #tpu.memory_space<vmem_shared>>
    %dma_wait3A_164 = tpu.memref_slice %arg16[%dma_wait3A_153] : memref<2x!tpu.dma_semaphore, #tpu.memory_space<semaphore_mem>> -> memref<1x!tpu.dma_semaphore, #tpu.memory_space<semaphore_mem>>
    %dma_wait3A_165 = tpu.memref_squeeze %dma_wait3A_164 : memref<1x!tpu.dma_semaphore, #tpu.memory_space<semaphore_mem>> -> memref<!tpu.dma_semaphore, #tpu.memory_space<semaphore_mem>>
    tpu.wait_indirect_dma semaphore(%dma_wait3A_165 : memref<!tpu.dma_semaphore, #tpu.memory_space<semaphore_mem>>) src(%dma_wait3A_157 : memref<64x136xf32, #tpu.memory_space<vmem>>) dst(%dma_wait3A_163 : memref<10000x136xf32, #tpu.memory_space<vmem_shared>>)
    %barrier3A_166 = arith.constant 0 : index
    tpu.barrier barrier_id(%barrier3A_166)
    %add3A_167 = arith.constant 0 : i32
    %add3A_168 = arith.addi %multiple_of3A, %add3A_167 : i32
    %multiple_of3A_169 = tpu.assume_multiple %add3A_168, 8 : i32
    %mul3A_170 = arith.constant 10000 : i32
    %mul3A_171 = arith.muli %arg0, %mul3A_170 : i32
    %add3A_172 = arith.addi %mul3A_171, %multiple_of3A_169 : i32
    "tpu.region"() ({
      %run_scoped3A_227 = tpu.sem_alloc : memref<!tpu.dma_semaphore, #tpu.memory_space<semaphore_mem>>
      %dma_start3A_228 = arith.constant 0 : i32
      %dma_start3A_229 = tpu.memref_slice %arg6[%add3A_172, %dma_start3A_228] : memref<20000x128xf32, #tpu.memory_space<hbm>> -> memref<64x128xf32, #tpu.memory_space<hbm>>
      %dma_start3A_230 = arith.constant 0 : i32
      %dma_start3A_231 = tpu.memref_slice %arg13[%multiple_of3A_169, %dma_start3A_230] : memref<10000x136xf32, #tpu.memory_space<vmem_shared>> -> memref<64x128xf32, #tpu.memory_space<vmem_shared>>
      tpu.enqueue_dma source(%dma_start3A_231 : memref<64x128xf32, #tpu.memory_space<vmem_shared>>) target(%dma_start3A_229 : memref<64x128xf32, #tpu.memory_space<hbm>>) target_semaphore(%run_scoped3A_227 : memref<!tpu.dma_semaphore, #tpu.memory_space<semaphore_mem>>)
      %dma_wait3A_232 = arith.constant 0 : i32
      %dma_wait3A_233 = tpu.memref_slice %arg6[%add3A_172, %dma_wait3A_232] : memref<20000x128xf32, #tpu.memory_space<hbm>> -> memref<64x128xf32, #tpu.memory_space<hbm>>
      %dma_wait3A_234 = arith.constant 0 : i32
      %dma_wait3A_235 = tpu.memref_slice %arg13[%multiple_of3A_169, %dma_wait3A_234] : memref<10000x136xf32, #tpu.memory_space<vmem_shared>> -> memref<64x128xf32, #tpu.memory_space<vmem_shared>>
      tpu.wait_dma2 semaphore(%run_scoped3A_227 : memref<!tpu.dma_semaphore, #tpu.memory_space<semaphore_mem>>) src(%dma_wait3A_235 : memref<64x128xf32, #tpu.memory_space<vmem_shared>>) dst(%dma_wait3A_233 : memref<64x128xf32, #tpu.memory_space<hbm>>)
      tpu.yield
    }) : () -> ()
    "tpu.region"() ({
      %run_scoped3A_227 = tpu.sem_alloc : memref<!tpu.dma_semaphore, #tpu.memory_space<semaphore_mem>>
      %dma_start3A_228 = arith.constant 0 : i32
      %dma_start3A_229 = tpu.memref_slice %arg7[%add3A_172, %dma_start3A_228] : memref<20000x8xf32, #tpu.memory_space<hbm>> -> memref<64x8xf32, #tpu.memory_space<hbm>>
      %dma_start3A_230 = arith.constant 128 : i32
      %dma_start3A_231 = tpu.memref_slice %arg13[%multiple_of3A_169, %dma_start3A_230] : memref<10000x136xf32, #tpu.memory_space<vmem_shared>> -> memref<64x8xf32, #tpu.memory_space<vmem_shared>>
      tpu.enqueue_dma source(%dma_start3A_231 : memref<64x8xf32, #tpu.memory_space<vmem_shared>>) target(%dma_start3A_229 : memref<64x8xf32, #tpu.memory_space<hbm>>) target_semaphore(%run_scoped3A_227 : memref<!tpu.dma_semaphore, #tpu.memory_space<semaphore_mem>>)
      %dma_wait3A_232 = arith.constant 0 : i32
      %dma_wait3A_233 = tpu.memref_slice %arg7[%add3A_172, %dma_wait3A_232] : memref<20000x8xf32, #tpu.memory_space<hbm>> -> memref<64x8xf32, #tpu.memory_space<hbm>>
      %dma_wait3A_234 = arith.constant 128 : i32
      %dma_wait3A_235 = tpu.memref_slice %arg13[%multiple_of3A_169, %dma_wait3A_234] : memref<10000x136xf32, #tpu.memory_space<vmem_shared>> -> memref<64x8xf32, #tpu.memory_space<vmem_shared>>
      tpu.wait_dma2 semaphore(%run_scoped3A_227 : memref<!tpu.dma_semaphore, #tpu.memory_space<semaphore_mem>>) src(%dma_wait3A_235 : memref<64x8xf32, #tpu.memory_space<vmem_shared>>) dst(%dma_wait3A_233 : memref<64x8xf32, #tpu.memory_space<hbm>>)
      tpu.yield
    }) : () -> ()
    %add3A_173 = arith.constant 64 : i32
    %add3A_174 = arith.addi %multiple_of3A, %add3A_173 : i32
    %multiple_of3A_175 = tpu.assume_multiple %add3A_174, 8 : i32
    %mul3A_176 = arith.constant 10000 : i32
    %mul3A_177 = arith.muli %arg0, %mul3A_176 : i32
    %add3A_178 = arith.addi %mul3A_177, %multiple_of3A_175 : i32
    "tpu.region"() ({
      %run_scoped3A_227 = tpu.sem_alloc : memref<!tpu.dma_semaphore, #tpu.memory_space<semaphore_mem>>
      %dma_start3A_228 = arith.constant 0 : i32
      %dma_start3A_229 = tpu.memref_slice %arg6[%add3A_178, %dma_start3A_228] : memref<20000x128xf32, #tpu.memory_space<hbm>> -> memref<64x128xf32, #tpu.memory_space<hbm>>
      %dma_start3A_230 = arith.constant 0 : i32
      %dma_start3A_231 = tpu.memref_slice %arg13[%multiple_of3A_175, %dma_start3A_230] : memref<10000x136xf32, #tpu.memory_space<vmem_shared>> -> memref<64x128xf32, #tpu.memory_space<vmem_shared>>
      tpu.enqueue_dma source(%dma_start3A_231 : memref<64x128xf32, #tpu.memory_space<vmem_shared>>) target(%dma_start3A_229 : memref<64x128xf32, #tpu.memory_space<hbm>>) target_semaphore(%run_scoped3A_227 : memref<!tpu.dma_semaphore, #tpu.memory_space<semaphore_mem>>)
      %dma_wait3A_232 = arith.constant 0 : i32
      %dma_wait3A_233 = tpu.memref_slice %arg6[%add3A_178, %dma_wait3A_232] : memref<20000x128xf32, #tpu.memory_space<hbm>> -> memref<64x128xf32, #tpu.memory_space<hbm>>
      %dma_wait3A_234 = arith.constant 0 : i32
      %dma_wait3A_235 = tpu.memref_slice %arg13[%multiple_of3A_175, %dma_wait3A_234] : memref<10000x136xf32, #tpu.memory_space<vmem_shared>> -> memref<64x128xf32, #tpu.memory_space<vmem_shared>>
      tpu.wait_dma2 semaphore(%run_scoped3A_227 : memref<!tpu.dma_semaphore, #tpu.memory_space<semaphore_mem>>) src(%dma_wait3A_235 : memref<64x128xf32, #tpu.memory_space<vmem_shared>>) dst(%dma_wait3A_233 : memref<64x128xf32, #tpu.memory_space<hbm>>)
      tpu.yield
    }) : () -> ()
    "tpu.region"() ({
      %run_scoped3A_227 = tpu.sem_alloc : memref<!tpu.dma_semaphore, #tpu.memory_space<semaphore_mem>>
      %dma_start3A_228 = arith.constant 0 : i32
      %dma_start3A_229 = tpu.memref_slice %arg7[%add3A_178, %dma_start3A_228] : memref<20000x8xf32, #tpu.memory_space<hbm>> -> memref<64x8xf32, #tpu.memory_space<hbm>>
      %dma_start3A_230 = arith.constant 128 : i32
      %dma_start3A_231 = tpu.memref_slice %arg13[%multiple_of3A_175, %dma_start3A_230] : memref<10000x136xf32, #tpu.memory_space<vmem_shared>> -> memref<64x8xf32, #tpu.memory_space<vmem_shared>>
      tpu.enqueue_dma source(%dma_start3A_231 : memref<64x8xf32, #tpu.memory_space<vmem_shared>>) target(%dma_start3A_229 : memref<64x8xf32, #tpu.memory_space<hbm>>) target_semaphore(%run_scoped3A_227 : memref<!tpu.dma_semaphore, #tpu.memory_space<semaphore_mem>>)
      %dma_wait3A_232 = arith.constant 0 : i32
      %dma_wait3A_233 = tpu.memref_slice %arg7[%add3A_178, %dma_wait3A_232] : memref<20000x8xf32, #tpu.memory_space<hbm>> -> memref<64x8xf32, #tpu.memory_space<hbm>>
      %dma_wait3A_234 = arith.constant 128 : i32
      %dma_wait3A_235 = tpu.memref_slice %arg13[%multiple_of3A_175, %dma_wait3A_234] : memref<10000x136xf32, #tpu.memory_space<vmem_shared>> -> memref<64x8xf32, #tpu.memory_space<vmem_shared>>
      tpu.wait_dma2 semaphore(%run_scoped3A_227 : memref<!tpu.dma_semaphore, #tpu.memory_space<semaphore_mem>>) src(%dma_wait3A_235 : memref<64x8xf32, #tpu.memory_space<vmem_shared>>) dst(%dma_wait3A_233 : memref<64x8xf32, #tpu.memory_space<hbm>>)
      tpu.yield
    }) : () -> ()
    %add3A_179 = arith.constant 128 : i32
    %add3A_180 = arith.addi %multiple_of3A, %add3A_179 : i32
    %multiple_of3A_181 = tpu.assume_multiple %add3A_180, 8 : i32
    %mul3A_182 = arith.constant 10000 : i32
    %mul3A_183 = arith.muli %arg0, %mul3A_182 : i32
    %add3A_184 = arith.addi %mul3A_183, %multiple_of3A_181 : i32
    "tpu.region"() ({
      %run_scoped3A_227 = tpu.sem_alloc : memref<!tpu.dma_semaphore, #tpu.memory_space<semaphore_mem>>
      %dma_start3A_228 = arith.constant 0 : i32
      %dma_start3A_229 = tpu.memref_slice %arg6[%add3A_184, %dma_start3A_228] : memref<20000x128xf32, #tpu.memory_space<hbm>> -> memref<64x128xf32, #tpu.memory_space<hbm>>
      %dma_start3A_230 = arith.constant 0 : i32
      %dma_start3A_231 = tpu.memref_slice %arg13[%multiple_of3A_181, %dma_start3A_230] : memref<10000x136xf32, #tpu.memory_space<vmem_shared>> -> memref<64x128xf32, #tpu.memory_space<vmem_shared>>
      tpu.enqueue_dma source(%dma_start3A_231 : memref<64x128xf32, #tpu.memory_space<vmem_shared>>) target(%dma_start3A_229 : memref<64x128xf32, #tpu.memory_space<hbm>>) target_semaphore(%run_scoped3A_227 : memref<!tpu.dma_semaphore, #tpu.memory_space<semaphore_mem>>)
      %dma_wait3A_232 = arith.constant 0 : i32
      %dma_wait3A_233 = tpu.memref_slice %arg6[%add3A_184, %dma_wait3A_232] : memref<20000x128xf32, #tpu.memory_space<hbm>> -> memref<64x128xf32, #tpu.memory_space<hbm>>
      %dma_wait3A_234 = arith.constant 0 : i32
      %dma_wait3A_235 = tpu.memref_slice %arg13[%multiple_of3A_181, %dma_wait3A_234] : memref<10000x136xf32, #tpu.memory_space<vmem_shared>> -> memref<64x128xf32, #tpu.memory_space<vmem_shared>>
      tpu.wait_dma2 semaphore(%run_scoped3A_227 : memref<!tpu.dma_semaphore, #tpu.memory_space<semaphore_mem>>) src(%dma_wait3A_235 : memref<64x128xf32, #tpu.memory_space<vmem_shared>>) dst(%dma_wait3A_233 : memref<64x128xf32, #tpu.memory_space<hbm>>)
      tpu.yield
    }) : () -> ()
    "tpu.region"() ({
      %run_scoped3A_227 = tpu.sem_alloc : memref<!tpu.dma_semaphore, #tpu.memory_space<semaphore_mem>>
      %dma_start3A_228 = arith.constant 0 : i32
      %dma_start3A_229 = tpu.memref_slice %arg7[%add3A_184, %dma_start3A_228] : memref<20000x8xf32, #tpu.memory_space<hbm>> -> memref<64x8xf32, #tpu.memory_space<hbm>>
      %dma_start3A_230 = arith.constant 128 : i32
      %dma_start3A_231 = tpu.memref_slice %arg13[%multiple_of3A_181, %dma_start3A_230] : memref<10000x136xf32, #tpu.memory_space<vmem_shared>> -> memref<64x8xf32, #tpu.memory_space<vmem_shared>>
      tpu.enqueue_dma source(%dma_start3A_231 : memref<64x8xf32, #tpu.memory_space<vmem_shared>>) target(%dma_start3A_229 : memref<64x8xf32, #tpu.memory_space<hbm>>) target_semaphore(%run_scoped3A_227 : memref<!tpu.dma_semaphore, #tpu.memory_space<semaphore_mem>>)
      %dma_wait3A_232 = arith.constant 0 : i32
      %dma_wait3A_233 = tpu.memref_slice %arg7[%add3A_184, %dma_wait3A_232] : memref<20000x8xf32, #tpu.memory_space<hbm>> -> memref<64x8xf32, #tpu.memory_space<hbm>>
      %dma_wait3A_234 = arith.constant 128 : i32
      %dma_wait3A_235 = tpu.memref_slice %arg13[%multiple_of3A_181, %dma_wait3A_234] : memref<10000x136xf32, #tpu.memory_space<vmem_shared>> -> memref<64x8xf32, #tpu.memory_space<vmem_shared>>
      tpu.wait_dma2 semaphore(%run_scoped3A_227 : memref<!tpu.dma_semaphore, #tpu.memory_space<semaphore_mem>>) src(%dma_wait3A_235 : memref<64x8xf32, #tpu.memory_space<vmem_shared>>) dst(%dma_wait3A_233 : memref<64x8xf32, #tpu.memory_space<hbm>>)
      tpu.yield
    }) : () -> ()
    %add3A_185 = arith.constant 192 : i32
    %add3A_186 = arith.addi %multiple_of3A, %add3A_185 : i32
    %multiple_of3A_187 = tpu.assume_multiple %add3A_186, 8 : i32
    %mul3A_188 = arith.constant 10000 : i32
    %mul3A_189 = arith.muli %arg0, %mul3A_188 : i32
    %add3A_190 = arith.addi %mul3A_189, %multiple_of3A_187 : i32
    "tpu.region"() ({
      %run_scoped3A_227 = tpu.sem_alloc : memref<!tpu.dma_semaphore, #tpu.memory_space<semaphore_mem>>
      %dma_start3A_228 = arith.constant 0 : i32
      %dma_start3A_229 = tpu.memref_slice %arg6[%add3A_190, %dma_start3A_228] : memref<20000x128xf32, #tpu.memory_space<hbm>> -> memref<64x128xf32, #tpu.memory_space<hbm>>
      %dma_start3A_230 = arith.constant 0 : i32
      %dma_start3A_231 = tpu.memref_slice %arg13[%multiple_of3A_187, %dma_start3A_230] : memref<10000x136xf32, #tpu.memory_space<vmem_shared>> -> memref<64x128xf32, #tpu.memory_space<vmem_shared>>
      tpu.enqueue_dma source(%dma_start3A_231 : memref<64x128xf32, #tpu.memory_space<vmem_shared>>) target(%dma_start3A_229 : memref<64x128xf32, #tpu.memory_space<hbm>>) target_semaphore(%run_scoped3A_227 : memref<!tpu.dma_semaphore, #tpu.memory_space<semaphore_mem>>)
      %dma_wait3A_232 = arith.constant 0 : i32
      %dma_wait3A_233 = tpu.memref_slice %arg6[%add3A_190, %dma_wait3A_232] : memref<20000x128xf32, #tpu.memory_space<hbm>> -> memref<64x128xf32, #tpu.memory_space<hbm>>
      %dma_wait3A_234 = arith.constant 0 : i32
      %dma_wait3A_235 = tpu.memref_slice %arg13[%multiple_of3A_187, %dma_wait3A_234] : memref<10000x136xf32, #tpu.memory_space<vmem_shared>> -> memref<64x128xf32, #tpu.memory_space<vmem_shared>>
      tpu.wait_dma2 semaphore(%run_scoped3A_227 : memref<!tpu.dma_semaphore, #tpu.memory_space<semaphore_mem>>) src(%dma_wait3A_235 : memref<64x128xf32, #tpu.memory_space<vmem_shared>>) dst(%dma_wait3A_233 : memref<64x128xf32, #tpu.memory_space<hbm>>)
      tpu.yield
    }) : () -> ()
    "tpu.region"() ({
      %run_scoped3A_227 = tpu.sem_alloc : memref<!tpu.dma_semaphore, #tpu.memory_space<semaphore_mem>>
      %dma_start3A_228 = arith.constant 0 : i32
      %dma_start3A_229 = tpu.memref_slice %arg7[%add3A_190, %dma_start3A_228] : memref<20000x8xf32, #tpu.memory_space<hbm>> -> memref<64x8xf32, #tpu.memory_space<hbm>>
      %dma_start3A_230 = arith.constant 128 : i32
      %dma_start3A_231 = tpu.memref_slice %arg13[%multiple_of3A_187, %dma_start3A_230] : memref<10000x136xf32, #tpu.memory_space<vmem_shared>> -> memref<64x8xf32, #tpu.memory_space<vmem_shared>>
      tpu.enqueue_dma source(%dma_start3A_231 : memref<64x8xf32, #tpu.memory_space<vmem_shared>>) target(%dma_start3A_229 : memref<64x8xf32, #tpu.memory_space<hbm>>) target_semaphore(%run_scoped3A_227 : memref<!tpu.dma_semaphore, #tpu.memory_space<semaphore_mem>>)
      %dma_wait3A_232 = arith.constant 0 : i32
      %dma_wait3A_233 = tpu.memref_slice %arg7[%add3A_190, %dma_wait3A_232] : memref<20000x8xf32, #tpu.memory_space<hbm>> -> memref<64x8xf32, #tpu.memory_space<hbm>>
      %dma_wait3A_234 = arith.constant 128 : i32
      %dma_wait3A_235 = tpu.memref_slice %arg13[%multiple_of3A_187, %dma_wait3A_234] : memref<10000x136xf32, #tpu.memory_space<vmem_shared>> -> memref<64x8xf32, #tpu.memory_space<vmem_shared>>
      tpu.wait_dma2 semaphore(%run_scoped3A_227 : memref<!tpu.dma_semaphore, #tpu.memory_space<semaphore_mem>>) src(%dma_wait3A_235 : memref<64x8xf32, #tpu.memory_space<vmem_shared>>) dst(%dma_wait3A_233 : memref<64x8xf32, #tpu.memory_space<hbm>>)
      tpu.yield
    }) : () -> ()
    %add3A_191 = arith.constant 256 : i32
    %add3A_192 = arith.addi %multiple_of3A, %add3A_191 : i32
    %multiple_of3A_193 = tpu.assume_multiple %add3A_192, 8 : i32
    %mul3A_194 = arith.constant 10000 : i32
    %mul3A_195 = arith.muli %arg0, %mul3A_194 : i32
    %add3A_196 = arith.addi %mul3A_195, %multiple_of3A_193 : i32
    "tpu.region"() ({
      %run_scoped3A_227 = tpu.sem_alloc : memref<!tpu.dma_semaphore, #tpu.memory_space<semaphore_mem>>
      %dma_start3A_228 = arith.constant 0 : i32
      %dma_start3A_229 = tpu.memref_slice %arg6[%add3A_196, %dma_start3A_228] : memref<20000x128xf32, #tpu.memory_space<hbm>> -> memref<64x128xf32, #tpu.memory_space<hbm>>
      %dma_start3A_230 = arith.constant 0 : i32
      %dma_start3A_231 = tpu.memref_slice %arg13[%multiple_of3A_193, %dma_start3A_230] : memref<10000x136xf32, #tpu.memory_space<vmem_shared>> -> memref<64x128xf32, #tpu.memory_space<vmem_shared>>
      tpu.enqueue_dma source(%dma_start3A_231 : memref<64x128xf32, #tpu.memory_space<vmem_shared>>) target(%dma_start3A_229 : memref<64x128xf32, #tpu.memory_space<hbm>>) target_semaphore(%run_scoped3A_227 : memref<!tpu.dma_semaphore, #tpu.memory_space<semaphore_mem>>)
      %dma_wait3A_232 = arith.constant 0 : i32
      %dma_wait3A_233 = tpu.memref_slice %arg6[%add3A_196, %dma_wait3A_232] : memref<20000x128xf32, #tpu.memory_space<hbm>> -> memref<64x128xf32, #tpu.memory_space<hbm>>
      %dma_wait3A_234 = arith.constant 0 : i32
      %dma_wait3A_235 = tpu.memref_slice %arg13[%multiple_of3A_193, %dma_wait3A_234] : memref<10000x136xf32, #tpu.memory_space<vmem_shared>> -> memref<64x128xf32, #tpu.memory_space<vmem_shared>>
      tpu.wait_dma2 semaphore(%run_scoped3A_227 : memref<!tpu.dma_semaphore, #tpu.memory_space<semaphore_mem>>) src(%dma_wait3A_235 : memref<64x128xf32, #tpu.memory_space<vmem_shared>>) dst(%dma_wait3A_233 : memref<64x128xf32, #tpu.memory_space<hbm>>)
      tpu.yield
    }) : () -> ()
    "tpu.region"() ({
      %run_scoped3A_227 = tpu.sem_alloc : memref<!tpu.dma_semaphore, #tpu.memory_space<semaphore_mem>>
      %dma_start3A_228 = arith.constant 0 : i32
      %dma_start3A_229 = tpu.memref_slice %arg7[%add3A_196, %dma_start3A_228] : memref<20000x8xf32, #tpu.memory_space<hbm>> -> memref<64x8xf32, #tpu.memory_space<hbm>>
      %dma_start3A_230 = arith.constant 128 : i32
      %dma_start3A_231 = tpu.memref_slice %arg13[%multiple_of3A_193, %dma_start3A_230] : memref<10000x136xf32, #tpu.memory_space<vmem_shared>> -> memref<64x8xf32, #tpu.memory_space<vmem_shared>>
      tpu.enqueue_dma source(%dma_start3A_231 : memref<64x8xf32, #tpu.memory_space<vmem_shared>>) target(%dma_start3A_229 : memref<64x8xf32, #tpu.memory_space<hbm>>) target_semaphore(%run_scoped3A_227 : memref<!tpu.dma_semaphore, #tpu.memory_space<semaphore_mem>>)
      %dma_wait3A_232 = arith.constant 0 : i32
      %dma_wait3A_233 = tpu.memref_slice %arg7[%add3A_196, %dma_wait3A_232] : memref<20000x8xf32, #tpu.memory_space<hbm>> -> memref<64x8xf32, #tpu.memory_space<hbm>>
      %dma_wait3A_234 = arith.constant 128 : i32
      %dma_wait3A_235 = tpu.memref_slice %arg13[%multiple_of3A_193, %dma_wait3A_234] : memref<10000x136xf32, #tpu.memory_space<vmem_shared>> -> memref<64x8xf32, #tpu.memory_space<vmem_shared>>
      tpu.wait_dma2 semaphore(%run_scoped3A_227 : memref<!tpu.dma_semaphore, #tpu.memory_space<semaphore_mem>>) src(%dma_wait3A_235 : memref<64x8xf32, #tpu.memory_space<vmem_shared>>) dst(%dma_wait3A_233 : memref<64x8xf32, #tpu.memory_space<hbm>>)
      tpu.yield
    }) : () -> ()
    %add3A_197 = arith.constant 320 : i32
    %add3A_198 = arith.addi %multiple_of3A, %add3A_197 : i32
    %multiple_of3A_199 = tpu.assume_multiple %add3A_198, 8 : i32
    %mul3A_200 = arith.constant 10000 : i32
    %mul3A_201 = arith.muli %arg0, %mul3A_200 : i32
    %add3A_202 = arith.addi %mul3A_201, %multiple_of3A_199 : i32
    "tpu.region"() ({
      %run_scoped3A_227 = tpu.sem_alloc : memref<!tpu.dma_semaphore, #tpu.memory_space<semaphore_mem>>
      %dma_start3A_228 = arith.constant 0 : i32
      %dma_start3A_229 = tpu.memref_slice %arg6[%add3A_202, %dma_start3A_228] : memref<20000x128xf32, #tpu.memory_space<hbm>> -> memref<64x128xf32, #tpu.memory_space<hbm>>
      %dma_start3A_230 = arith.constant 0 : i32
      %dma_start3A_231 = tpu.memref_slice %arg13[%multiple_of3A_199, %dma_start3A_230] : memref<10000x136xf32, #tpu.memory_space<vmem_shared>> -> memref<64x128xf32, #tpu.memory_space<vmem_shared>>
      tpu.enqueue_dma source(%dma_start3A_231 : memref<64x128xf32, #tpu.memory_space<vmem_shared>>) target(%dma_start3A_229 : memref<64x128xf32, #tpu.memory_space<hbm>>) target_semaphore(%run_scoped3A_227 : memref<!tpu.dma_semaphore, #tpu.memory_space<semaphore_mem>>)
      %dma_wait3A_232 = arith.constant 0 : i32
      %dma_wait3A_233 = tpu.memref_slice %arg6[%add3A_202, %dma_wait3A_232] : memref<20000x128xf32, #tpu.memory_space<hbm>> -> memref<64x128xf32, #tpu.memory_space<hbm>>
      %dma_wait3A_234 = arith.constant 0 : i32
      %dma_wait3A_235 = tpu.memref_slice %arg13[%multiple_of3A_199, %dma_wait3A_234] : memref<10000x136xf32, #tpu.memory_space<vmem_shared>> -> memref<64x128xf32, #tpu.memory_space<vmem_shared>>
      tpu.wait_dma2 semaphore(%run_scoped3A_227 : memref<!tpu.dma_semaphore, #tpu.memory_space<semaphore_mem>>) src(%dma_wait3A_235 : memref<64x128xf32, #tpu.memory_space<vmem_shared>>) dst(%dma_wait3A_233 : memref<64x128xf32, #tpu.memory_space<hbm>>)
      tpu.yield
    }) : () -> ()
    "tpu.region"() ({
      %run_scoped3A_227 = tpu.sem_alloc : memref<!tpu.dma_semaphore, #tpu.memory_space<semaphore_mem>>
      %dma_start3A_228 = arith.constant 0 : i32
      %dma_start3A_229 = tpu.memref_slice %arg7[%add3A_202, %dma_start3A_228] : memref<20000x8xf32, #tpu.memory_space<hbm>> -> memref<64x8xf32, #tpu.memory_space<hbm>>
      %dma_start3A_230 = arith.constant 128 : i32
      %dma_start3A_231 = tpu.memref_slice %arg13[%multiple_of3A_199, %dma_start3A_230] : memref<10000x136xf32, #tpu.memory_space<vmem_shared>> -> memref<64x8xf32, #tpu.memory_space<vmem_shared>>
      tpu.enqueue_dma source(%dma_start3A_231 : memref<64x8xf32, #tpu.memory_space<vmem_shared>>) target(%dma_start3A_229 : memref<64x8xf32, #tpu.memory_space<hbm>>) target_semaphore(%run_scoped3A_227 : memref<!tpu.dma_semaphore, #tpu.memory_space<semaphore_mem>>)
      %dma_wait3A_232 = arith.constant 0 : i32
      %dma_wait3A_233 = tpu.memref_slice %arg7[%add3A_202, %dma_wait3A_232] : memref<20000x8xf32, #tpu.memory_space<hbm>> -> memref<64x8xf32, #tpu.memory_space<hbm>>
      %dma_wait3A_234 = arith.constant 128 : i32
      %dma_wait3A_235 = tpu.memref_slice %arg13[%multiple_of3A_199, %dma_wait3A_234] : memref<10000x136xf32, #tpu.memory_space<vmem_shared>> -> memref<64x8xf32, #tpu.memory_space<vmem_shared>>
      tpu.wait_dma2 semaphore(%run_scoped3A_227 : memref<!tpu.dma_semaphore, #tpu.memory_space<semaphore_mem>>) src(%dma_wait3A_235 : memref<64x8xf32, #tpu.memory_space<vmem_shared>>) dst(%dma_wait3A_233 : memref<64x8xf32, #tpu.memory_space<hbm>>)
      tpu.yield
    }) : () -> ()
    %add3A_203 = arith.constant 384 : i32
    %add3A_204 = arith.addi %multiple_of3A, %add3A_203 : i32
    %multiple_of3A_205 = tpu.assume_multiple %add3A_204, 8 : i32
    %mul3A_206 = arith.constant 10000 : i32
    %mul3A_207 = arith.muli %arg0, %mul3A_206 : i32
    %add3A_208 = arith.addi %mul3A_207, %multiple_of3A_205 : i32
    "tpu.region"() ({
      %run_scoped3A_227 = tpu.sem_alloc : memref<!tpu.dma_semaphore, #tpu.memory_space<semaphore_mem>>
      %dma_start3A_228 = arith.constant 0 : i32
      %dma_start3A_229 = tpu.memref_slice %arg6[%add3A_208, %dma_start3A_228] : memref<20000x128xf32, #tpu.memory_space<hbm>> -> memref<64x128xf32, #tpu.memory_space<hbm>>
      %dma_start3A_230 = arith.constant 0 : i32
      %dma_start3A_231 = tpu.memref_slice %arg13[%multiple_of3A_205, %dma_start3A_230] : memref<10000x136xf32, #tpu.memory_space<vmem_shared>> -> memref<64x128xf32, #tpu.memory_space<vmem_shared>>
      tpu.enqueue_dma source(%dma_start3A_231 : memref<64x128xf32, #tpu.memory_space<vmem_shared>>) target(%dma_start3A_229 : memref<64x128xf32, #tpu.memory_space<hbm>>) target_semaphore(%run_scoped3A_227 : memref<!tpu.dma_semaphore, #tpu.memory_space<semaphore_mem>>)
      %dma_wait3A_232 = arith.constant 0 : i32
      %dma_wait3A_233 = tpu.memref_slice %arg6[%add3A_208, %dma_wait3A_232] : memref<20000x128xf32, #tpu.memory_space<hbm>> -> memref<64x128xf32, #tpu.memory_space<hbm>>
      %dma_wait3A_234 = arith.constant 0 : i32
      %dma_wait3A_235 = tpu.memref_slice %arg13[%multiple_of3A_205, %dma_wait3A_234] : memref<10000x136xf32, #tpu.memory_space<vmem_shared>> -> memref<64x128xf32, #tpu.memory_space<vmem_shared>>
      tpu.wait_dma2 semaphore(%run_scoped3A_227 : memref<!tpu.dma_semaphore, #tpu.memory_space<semaphore_mem>>) src(%dma_wait3A_235 : memref<64x128xf32, #tpu.memory_space<vmem_shared>>) dst(%dma_wait3A_233 : memref<64x128xf32, #tpu.memory_space<hbm>>)
      tpu.yield
    }) : () -> ()
    "tpu.region"() ({
      %run_scoped3A_227 = tpu.sem_alloc : memref<!tpu.dma_semaphore, #tpu.memory_space<semaphore_mem>>
      %dma_start3A_228 = arith.constant 0 : i32
      %dma_start3A_229 = tpu.memref_slice %arg7[%add3A_208, %dma_start3A_228] : memref<20000x8xf32, #tpu.memory_space<hbm>> -> memref<64x8xf32, #tpu.memory_space<hbm>>
      %dma_start3A_230 = arith.constant 128 : i32
      %dma_start3A_231 = tpu.memref_slice %arg13[%multiple_of3A_205, %dma_start3A_230] : memref<10000x136xf32, #tpu.memory_space<vmem_shared>> -> memref<64x8xf32, #tpu.memory_space<vmem_shared>>
      tpu.enqueue_dma source(%dma_start3A_231 : memref<64x8xf32, #tpu.memory_space<vmem_shared>>) target(%dma_start3A_229 : memref<64x8xf32, #tpu.memory_space<hbm>>) target_semaphore(%run_scoped3A_227 : memref<!tpu.dma_semaphore, #tpu.memory_space<semaphore_mem>>)
      %dma_wait3A_232 = arith.constant 0 : i32
      %dma_wait3A_233 = tpu.memref_slice %arg7[%add3A_208, %dma_wait3A_232] : memref<20000x8xf32, #tpu.memory_space<hbm>> -> memref<64x8xf32, #tpu.memory_space<hbm>>
      %dma_wait3A_234 = arith.constant 128 : i32
      %dma_wait3A_235 = tpu.memref_slice %arg13[%multiple_of3A_205, %dma_wait3A_234] : memref<10000x136xf32, #tpu.memory_space<vmem_shared>> -> memref<64x8xf32, #tpu.memory_space<vmem_shared>>
      tpu.wait_dma2 semaphore(%run_scoped3A_227 : memref<!tpu.dma_semaphore, #tpu.memory_space<semaphore_mem>>) src(%dma_wait3A_235 : memref<64x8xf32, #tpu.memory_space<vmem_shared>>) dst(%dma_wait3A_233 : memref<64x8xf32, #tpu.memory_space<hbm>>)
      tpu.yield
    }) : () -> ()
    %add3A_209 = arith.constant 448 : i32
    %add3A_210 = arith.addi %multiple_of3A, %add3A_209 : i32
    %multiple_of3A_211 = tpu.assume_multiple %add3A_210, 8 : i32
    %mul3A_212 = arith.constant 10000 : i32
    %mul3A_213 = arith.muli %arg0, %mul3A_212 : i32
    %add3A_214 = arith.addi %mul3A_213, %multiple_of3A_211 : i32
    "tpu.region"() ({
      %run_scoped3A_227 = tpu.sem_alloc : memref<!tpu.dma_semaphore, #tpu.memory_space<semaphore_mem>>
      %dma_start3A_228 = arith.constant 0 : i32
      %dma_start3A_229 = tpu.memref_slice %arg6[%add3A_214, %dma_start3A_228] : memref<20000x128xf32, #tpu.memory_space<hbm>> -> memref<64x128xf32, #tpu.memory_space<hbm>>
      %dma_start3A_230 = arith.constant 0 : i32
      %dma_start3A_231 = tpu.memref_slice %arg13[%multiple_of3A_211, %dma_start3A_230] : memref<10000x136xf32, #tpu.memory_space<vmem_shared>> -> memref<64x128xf32, #tpu.memory_space<vmem_shared>>
      tpu.enqueue_dma source(%dma_start3A_231 : memref<64x128xf32, #tpu.memory_space<vmem_shared>>) target(%dma_start3A_229 : memref<64x128xf32, #tpu.memory_space<hbm>>) target_semaphore(%run_scoped3A_227 : memref<!tpu.dma_semaphore, #tpu.memory_space<semaphore_mem>>)
      %dma_wait3A_232 = arith.constant 0 : i32
      %dma_wait3A_233 = tpu.memref_slice %arg6[%add3A_214, %dma_wait3A_232] : memref<20000x128xf32, #tpu.memory_space<hbm>> -> memref<64x128xf32, #tpu.memory_space<hbm>>
      %dma_wait3A_234 = arith.constant 0 : i32
      %dma_wait3A_235 = tpu.memref_slice %arg13[%multiple_of3A_211, %dma_wait3A_234] : memref<10000x136xf32, #tpu.memory_space<vmem_shared>> -> memref<64x128xf32, #tpu.memory_space<vmem_shared>>
      tpu.wait_dma2 semaphore(%run_scoped3A_227 : memref<!tpu.dma_semaphore, #tpu.memory_space<semaphore_mem>>) src(%dma_wait3A_235 : memref<64x128xf32, #tpu.memory_space<vmem_shared>>) dst(%dma_wait3A_233 : memref<64x128xf32, #tpu.memory_space<hbm>>)
      tpu.yield
    }) : () -> ()
    "tpu.region"() ({
      %run_scoped3A_227 = tpu.sem_alloc : memref<!tpu.dma_semaphore, #tpu.memory_space<semaphore_mem>>
      %dma_start3A_228 = arith.constant 0 : i32
      %dma_start3A_229 = tpu.memref_slice %arg7[%add3A_214, %dma_start3A_228] : memref<20000x8xf32, #tpu.memory_space<hbm>> -> memref<64x8xf32, #tpu.memory_space<hbm>>
      %dma_start3A_230 = arith.constant 128 : i32
      %dma_start3A_231 = tpu.memref_slice %arg13[%multiple_of3A_211, %dma_start3A_230] : memref<10000x136xf32, #tpu.memory_space<vmem_shared>> -> memref<64x8xf32, #tpu.memory_space<vmem_shared>>
      tpu.enqueue_dma source(%dma_start3A_231 : memref<64x8xf32, #tpu.memory_space<vmem_shared>>) target(%dma_start3A_229 : memref<64x8xf32, #tpu.memory_space<hbm>>) target_semaphore(%run_scoped3A_227 : memref<!tpu.dma_semaphore, #tpu.memory_space<semaphore_mem>>)
      %dma_wait3A_232 = arith.constant 0 : i32
      %dma_wait3A_233 = tpu.memref_slice %arg7[%add3A_214, %dma_wait3A_232] : memref<20000x8xf32, #tpu.memory_space<hbm>> -> memref<64x8xf32, #tpu.memory_space<hbm>>
      %dma_wait3A_234 = arith.constant 128 : i32
      %dma_wait3A_235 = tpu.memref_slice %arg13[%multiple_of3A_211, %dma_wait3A_234] : memref<10000x136xf32, #tpu.memory_space<vmem_shared>> -> memref<64x8xf32, #tpu.memory_space<vmem_shared>>
      tpu.wait_dma2 semaphore(%run_scoped3A_227 : memref<!tpu.dma_semaphore, #tpu.memory_space<semaphore_mem>>) src(%dma_wait3A_235 : memref<64x8xf32, #tpu.memory_space<vmem_shared>>) dst(%dma_wait3A_233 : memref<64x8xf32, #tpu.memory_space<hbm>>)
      tpu.yield
    }) : () -> ()
    %add3A_215 = arith.constant 512 : i32
    %add3A_216 = arith.addi %multiple_of3A, %add3A_215 : i32
    %multiple_of3A_217 = tpu.assume_multiple %add3A_216, 8 : i32
    %mul3A_218 = arith.constant 10000 : i32
    %mul3A_219 = arith.muli %arg0, %mul3A_218 : i32
    %add3A_220 = arith.addi %mul3A_219, %multiple_of3A_217 : i32
    "tpu.region"() ({
      %run_scoped3A_227 = tpu.sem_alloc : memref<!tpu.dma_semaphore, #tpu.memory_space<semaphore_mem>>
      %dma_start3A_228 = arith.constant 0 : i32
      %dma_start3A_229 = tpu.memref_slice %arg6[%add3A_220, %dma_start3A_228] : memref<20000x128xf32, #tpu.memory_space<hbm>> -> memref<64x128xf32, #tpu.memory_space<hbm>>
      %dma_start3A_230 = arith.constant 0 : i32
      %dma_start3A_231 = tpu.memref_slice %arg13[%multiple_of3A_217, %dma_start3A_230] : memref<10000x136xf32, #tpu.memory_space<vmem_shared>> -> memref<64x128xf32, #tpu.memory_space<vmem_shared>>
      tpu.enqueue_dma source(%dma_start3A_231 : memref<64x128xf32, #tpu.memory_space<vmem_shared>>) target(%dma_start3A_229 : memref<64x128xf32, #tpu.memory_space<hbm>>) target_semaphore(%run_scoped3A_227 : memref<!tpu.dma_semaphore, #tpu.memory_space<semaphore_mem>>)
      %dma_wait3A_232 = arith.constant 0 : i32
      %dma_wait3A_233 = tpu.memref_slice %arg6[%add3A_220, %dma_wait3A_232] : memref<20000x128xf32, #tpu.memory_space<hbm>> -> memref<64x128xf32, #tpu.memory_space<hbm>>
      %dma_wait3A_234 = arith.constant 0 : i32
      %dma_wait3A_235 = tpu.memref_slice %arg13[%multiple_of3A_217, %dma_wait3A_234] : memref<10000x136xf32, #tpu.memory_space<vmem_shared>> -> memref<64x128xf32, #tpu.memory_space<vmem_shared>>
      tpu.wait_dma2 semaphore(%run_scoped3A_227 : memref<!tpu.dma_semaphore, #tpu.memory_space<semaphore_mem>>) src(%dma_wait3A_235 : memref<64x128xf32, #tpu.memory_space<vmem_shared>>) dst(%dma_wait3A_233 : memref<64x128xf32, #tpu.memory_space<hbm>>)
      tpu.yield
    }) : () -> ()
    "tpu.region"() ({
      %run_scoped3A_227 = tpu.sem_alloc : memref<!tpu.dma_semaphore, #tpu.memory_space<semaphore_mem>>
      %dma_start3A_228 = arith.constant 0 : i32
      %dma_start3A_229 = tpu.memref_slice %arg7[%add3A_220, %dma_start3A_228] : memref<20000x8xf32, #tpu.memory_space<hbm>> -> memref<64x8xf32, #tpu.memory_space<hbm>>
      %dma_start3A_230 = arith.constant 128 : i32
      %dma_start3A_231 = tpu.memref_slice %arg13[%multiple_of3A_217, %dma_start3A_230] : memref<10000x136xf32, #tpu.memory_space<vmem_shared>> -> memref<64x8xf32, #tpu.memory_space<vmem_shared>>
      tpu.enqueue_dma source(%dma_start3A_231 : memref<64x8xf32, #tpu.memory_space<vmem_shared>>) target(%dma_start3A_229 : memref<64x8xf32, #tpu.memory_space<hbm>>) target_semaphore(%run_scoped3A_227 : memref<!tpu.dma_semaphore, #tpu.memory_space<semaphore_mem>>)
      %dma_wait3A_232 = arith.constant 0 : i32
      %dma_wait3A_233 = tpu.memref_slice %arg7[%add3A_220, %dma_wait3A_232] : memref<20000x8xf32, #tpu.memory_space<hbm>> -> memref<64x8xf32, #tpu.memory_space<hbm>>
      %dma_wait3A_234 = arith.constant 128 : i32
      %dma_wait3A_235 = tpu.memref_slice %arg13[%multiple_of3A_217, %dma_wait3A_234] : memref<10000x136xf32, #tpu.memory_space<vmem_shared>> -> memref<64x8xf32, #tpu.memory_space<vmem_shared>>
      tpu.wait_dma2 semaphore(%run_scoped3A_227 : memref<!tpu.dma_semaphore, #tpu.memory_space<semaphore_mem>>) src(%dma_wait3A_235 : memref<64x8xf32, #tpu.memory_space<vmem_shared>>) dst(%dma_wait3A_233 : memref<64x8xf32, #tpu.memory_space<hbm>>)
      tpu.yield
    }) : () -> ()
    %add3A_221 = arith.constant 576 : i32
    %add3A_222 = arith.addi %multiple_of3A, %add3A_221 : i32
    %multiple_of3A_223 = tpu.assume_multiple %add3A_222, 8 : i32
    %mul3A_224 = arith.constant 10000 : i32
    %mul3A_225 = arith.muli %arg0, %mul3A_224 : i32
    %add3A_226 = arith.addi %mul3A_225, %multiple_of3A_223 : i32
    "tpu.region"() ({
      %run_scoped3A_227 = tpu.sem_alloc : memref<!tpu.dma_semaphore, #tpu.memory_space<semaphore_mem>>
      %dma_start3A_228 = arith.constant 0 : i32
      %dma_start3A_229 = tpu.memref_slice %arg6[%add3A_226, %dma_start3A_228] : memref<20000x128xf32, #tpu.memory_space<hbm>> -> memref<56x128xf32, #tpu.memory_space<hbm>>
      %dma_start3A_230 = arith.constant 0 : i32
      %dma_start3A_231 = tpu.memref_slice %arg13[%multiple_of3A_223, %dma_start3A_230] : memref<10000x136xf32, #tpu.memory_space<vmem_shared>> -> memref<56x128xf32, #tpu.memory_space<vmem_shared>>
      tpu.enqueue_dma source(%dma_start3A_231 : memref<56x128xf32, #tpu.memory_space<vmem_shared>>) target(%dma_start3A_229 : memref<56x128xf32, #tpu.memory_space<hbm>>) target_semaphore(%run_scoped3A_227 : memref<!tpu.dma_semaphore, #tpu.memory_space<semaphore_mem>>)
      %dma_wait3A_232 = arith.constant 0 : i32
      %dma_wait3A_233 = tpu.memref_slice %arg6[%add3A_226, %dma_wait3A_232] : memref<20000x128xf32, #tpu.memory_space<hbm>> -> memref<56x128xf32, #tpu.memory_space<hbm>>
      %dma_wait3A_234 = arith.constant 0 : i32
      %dma_wait3A_235 = tpu.memref_slice %arg13[%multiple_of3A_223, %dma_wait3A_234] : memref<10000x136xf32, #tpu.memory_space<vmem_shared>> -> memref<56x128xf32, #tpu.memory_space<vmem_shared>>
      tpu.wait_dma2 semaphore(%run_scoped3A_227 : memref<!tpu.dma_semaphore, #tpu.memory_space<semaphore_mem>>) src(%dma_wait3A_235 : memref<56x128xf32, #tpu.memory_space<vmem_shared>>) dst(%dma_wait3A_233 : memref<56x128xf32, #tpu.memory_space<hbm>>)
      tpu.yield
    }) : () -> ()
    "tpu.region"() ({
      %run_scoped3A_227 = tpu.sem_alloc : memref<!tpu.dma_semaphore, #tpu.memory_space<semaphore_mem>>
      %dma_start3A_228 = arith.constant 0 : i32
      %dma_start3A_229 = tpu.memref_slice %arg7[%add3A_226, %dma_start3A_228] : memref<20000x8xf32, #tpu.memory_space<hbm>> -> memref<56x8xf32, #tpu.memory_space<hbm>>
      %dma_start3A_230 = arith.constant 128 : i32
      %dma_start3A_231 = tpu.memref_slice %arg13[%multiple_of3A_223, %dma_start3A_230] : memref<10000x136xf32, #tpu.memory_space<vmem_shared>> -> memref<56x8xf32, #tpu.memory_space<vmem_shared>>
      tpu.enqueue_dma source(%dma_start3A_231 : memref<56x8xf32, #tpu.memory_space<vmem_shared>>) target(%dma_start3A_229 : memref<56x8xf32, #tpu.memory_space<hbm>>) target_semaphore(%run_scoped3A_227 : memref<!tpu.dma_semaphore, #tpu.memory_space<semaphore_mem>>)
      %dma_wait3A_232 = arith.constant 0 : i32
      %dma_wait3A_233 = tpu.memref_slice %arg7[%add3A_226, %dma_wait3A_232] : memref<20000x8xf32, #tpu.memory_space<hbm>> -> memref<56x8xf32, #tpu.memory_space<hbm>>
      %dma_wait3A_234 = arith.constant 128 : i32
      %dma_wait3A_235 = tpu.memref_slice %arg13[%multiple_of3A_223, %dma_wait3A_234] : memref<10000x136xf32, #tpu.memory_space<vmem_shared>> -> memref<56x8xf32, #tpu.memory_space<vmem_shared>>
      tpu.wait_dma2 semaphore(%run_scoped3A_227 : memref<!tpu.dma_semaphore, #tpu.memory_space<semaphore_mem>>) src(%dma_wait3A_235 : memref<56x8xf32, #tpu.memory_space<vmem_shared>>) dst(%dma_wait3A_233 : memref<56x8xf32, #tpu.memory_space<hbm>>)
      tpu.yield
    }) : () -> ()
    return
  }
}

#map = affine_map<(d0, d1) -> (0, 0)>
#map1 = affine_map<(d0, d1) -> (0)>
module attributes {stable_mosaic.version = 14 : i64} {
  func.func @edge_pass(%arg0: i32, %arg1: i32, %arg2: memref<10000x128xbf16, #tpu.memory_space<hbm>>, %arg3: memref<10000x128xbf16, #tpu.memory_space<hbm>>, %arg4: memref<10368x64xi32, #tpu.memory_space<hbm>>, %arg5: memref<128xbf16, #tpu.memory_space<hbm>>, %arg6: memref<20000x128xf32, #tpu.memory_space<hbm>>, %arg7: memref<20000x8xf32, #tpu.memory_space<hbm>>, %arg8: memref<128xbf16, #tpu.memory_space<vmem>>, %arg9: memref<3x4x64xi32, #tpu.memory_space<vmem>>, %arg10: memref<2x64x128xbf16, #tpu.memory_space<vmem>>, %arg11: memref<2x64x128xbf16, #tpu.memory_space<vmem>>, %arg12: memref<2x64x136xf32, #tpu.memory_space<vmem>>, %arg13: memref<10000x136xf32, #tpu.memory_space<vmem_shared>>, %arg14: memref<2x!tpu.dma_semaphore, #tpu.memory_space<semaphore_mem>>, %arg15: memref<2x!tpu.dma_semaphore, #tpu.memory_space<semaphore_mem>>, %arg16: memref<2x!tpu.dma_semaphore, #tpu.memory_space<semaphore_mem>>) attributes {dimension_semantics = [#tpu.dimension_semantics<core_parallel>, #tpu.dimension_semantics<subcore_parallel>], iteration_bounds = array<i64: 2, 16>, scalar_prefetch = 0 : i64, scratch_operands = 9 : i64, tpu.core_type = #tpu.core_type<sc_vector_subcore>, window_params = [{transform_indices = #map}, {transform_indices = #map}, {transform_indices = #map}, {transform_indices = #map1}, {transform_indices = #map}, {transform_indices = #map}]} {
    %mul3A = arith.constant 2 : i32
    %mul3A_0 = arith.muli %arg1, %mul3A : i32
    %add3A = arith.addi %mul3A_0, %arg0 : i32
    "tpu.region"() ({
      %run_scoped3A_227 = tpu.sem_alloc : memref<!tpu.dma_semaphore, #tpu.memory_space<semaphore_mem>>
      tpu.enqueue_dma source(%arg5 : memref<128xbf16, #tpu.memory_space<hbm>>) target(%arg8 : memref<128xbf16, #tpu.memory_space<vmem>>) target_semaphore(%run_scoped3A_227 : memref<!tpu.dma_semaphore, #tpu.memory_space<semaphore_mem>>)
      tpu.wait_dma2 semaphore(%run_scoped3A_227 : memref<!tpu.dma_semaphore, #tpu.memory_space<semaphore_mem>>) src(%arg5 : memref<128xbf16, #tpu.memory_space<hbm>>) dst(%arg8 : memref<128xbf16, #tpu.memory_space<vmem>>)
      tpu.yield
    }) : () -> ()
    %broadcast_in_dim3A = arith.constant 0.000000e+00 : f32
    %broadcast_in_dim3A_1 = vector.broadcast %broadcast_in_dim3A : f32 to vector<16xf32>
    %scan3A = arith.constant 0 : i32
    %scan3A_2 = arith.constant 0 : i32
    %scan3A_3 = arith.constant 64 : i32
    %scan3A_4 = arith.addi %scan3A_2, %scan3A_3 : i32
    %scan3A_5 = arith.constant 1 : i32
    %scan3A_6 = scf.for %scan3A_227 = %scan3A_2 to %scan3A_4 step %scan3A_5 iter_args(%scan3A_228 = %scan3A) -> (i32)  : i32 {
      %swap3A = arith.constant 0 : i32
      %swap3A_229 = arith.index_cast %swap3A : i32 to index
      %swap3A_230 = arith.index_cast %scan3A_227 : i32 to index
      %swap3A_231 = arith.constant 0 : index
      %swap3A_232 = tpu.vector_load %arg12[%swap3A_229, %swap3A_230, %swap3A_231] {strides = array<i32>} : memref<2x64x136xf32, #tpu.memory_space<vmem>>, vector<16xf32>,
      tpu.vector_store %arg12[%swap3A_229, %swap3A_230, %swap3A_231], %broadcast_in_dim3A_1 {strides = array<i32>} : memref<2x64x136xf32, #tpu.memory_space<vmem>>, vector<16xf32>,
      %swap3A_233 = arith.constant 0 : i32
      %swap3A_234 = arith.index_cast %swap3A_233 : i32 to index
      %swap3A_235 = arith.index_cast %scan3A_227 : i32 to index
      %swap3A_236 = arith.constant 16 : index
      %swap3A_237 = tpu.vector_load %arg12[%swap3A_234, %swap3A_235, %swap3A_236] {strides = array<i32>} : memref<2x64x136xf32, #tpu.memory_space<vmem>>, vector<16xf32>,
      tpu.vector_store %arg12[%swap3A_234, %swap3A_235, %swap3A_236], %broadcast_in_dim3A_1 {strides = array<i32>} : memref<2x64x136xf32, #tpu.memory_space<vmem>>, vector<16xf32>,
      %swap3A_238 = arith.constant 0 : i32
      %swap3A_239 = arith.index_cast %swap3A_238 : i32 to index
      %swap3A_240 = arith.index_cast %scan3A_227 : i32 to index
      %swap3A_241 = arith.constant 32 : index
      %swap3A_242 = tpu.vector_load %arg12[%swap3A_239, %swap3A_240, %swap3A_241] {strides = array<i32>} : memref<2x64x136xf32, #tpu.memory_space<vmem>>, vector<16xf32>,
      tpu.vector_store %arg12[%swap3A_239, %swap3A_240, %swap3A_241], %broadcast_in_dim3A_1 {strides = array<i32>} : memref<2x64x136xf32, #tpu.memory_space<vmem>>, vector<16xf32>,
      %swap3A_243 = arith.constant 0 : i32
      %swap3A_244 = arith.index_cast %swap3A_243 : i32 to index
      %swap3A_245 = arith.index_cast %scan3A_227 : i32 to index
      %swap3A_246 = arith.constant 48 : index
      %swap3A_247 = tpu.vector_load %arg12[%swap3A_244, %swap3A_245, %swap3A_246] {strides = array<i32>} : memref<2x64x136xf32, #tpu.memory_space<vmem>>, vector<16xf32>,
      tpu.vector_store %arg12[%swap3A_244, %swap3A_245, %swap3A_246], %broadcast_in_dim3A_1 {strides = array<i32>} : memref<2x64x136xf32, #tpu.memory_space<vmem>>, vector<16xf32>,
      %swap3A_248 = arith.constant 0 : i32
      %swap3A_249 = arith.index_cast %swap3A_248 : i32 to index
      %swap3A_250 = arith.index_cast %scan3A_227 : i32 to index
      %swap3A_251 = arith.constant 64 : index
      %swap3A_252 = tpu.vector_load %arg12[%swap3A_249, %swap3A_250, %swap3A_251] {strides = array<i32>} : memref<2x64x136xf32, #tpu.memory_space<vmem>>, vector<16xf32>,
      tpu.vector_store %arg12[%swap3A_249, %swap3A_250, %swap3A_251], %broadcast_in_dim3A_1 {strides = array<i32>} : memref<2x64x136xf32, #tpu.memory_space<vmem>>, vector<16xf32>,
      %swap3A_253 = arith.constant 0 : i32
      %swap3A_254 = arith.index_cast %swap3A_253 : i32 to index
      %swap3A_255 = arith.index_cast %scan3A_227 : i32 to index
      %swap3A_256 = arith.constant 80 : index
      %swap3A_257 = tpu.vector_load %arg12[%swap3A_254, %swap3A_255, %swap3A_256] {strides = array<i32>} : memref<2x64x136xf32, #tpu.memory_space<vmem>>, vector<16xf32>,
      tpu.vector_store %arg12[%swap3A_254, %swap3A_255, %swap3A_256], %broadcast_in_dim3A_1 {strides = array<i32>} : memref<2x64x136xf32, #tpu.memory_space<vmem>>, vector<16xf32>,
      %swap3A_258 = arith.constant 0 : i32
      %swap3A_259 = arith.index_cast %swap3A_258 : i32 to index
      %swap3A_260 = arith.index_cast %scan3A_227 : i32 to index
      %swap3A_261 = arith.constant 96 : index
      %swap3A_262 = tpu.vector_load %arg12[%swap3A_259, %swap3A_260, %swap3A_261] {strides = array<i32>} : memref<2x64x136xf32, #tpu.memory_space<vmem>>, vector<16xf32>,
      tpu.vector_store %arg12[%swap3A_259, %swap3A_260, %swap3A_261], %broadcast_in_dim3A_1 {strides = array<i32>} : memref<2x64x136xf32, #tpu.memory_space<vmem>>, vector<16xf32>,
      %swap3A_263 = arith.constant 0 : i32
      %swap3A_264 = arith.index_cast %swap3A_263 : i32 to index
      %swap3A_265 = arith.index_cast %scan3A_227 : i32 to index
      %swap3A_266 = arith.constant 112 : index
      %swap3A_267 = tpu.vector_load %arg12[%swap3A_264, %swap3A_265, %swap3A_266] {strides = array<i32>} : memref<2x64x136xf32, #tpu.memory_space<vmem>>, vector<16xf32>,
      tpu.vector_store %arg12[%swap3A_264, %swap3A_265, %swap3A_266], %broadcast_in_dim3A_1 {strides = array<i32>} : memref<2x64x136xf32, #tpu.memory_space<vmem>>, vector<16xf32>,
      %swap3A_268 = arith.constant 0 : i32
      %swap3A_269 = arith.index_cast %swap3A_268 : i32 to index
      %swap3A_270 = arith.index_cast %scan3A_227 : i32 to index
      %swap3A_271 = arith.constant 120 : index
      %swap3A_272 = tpu.vector_load %arg12[%swap3A_269, %swap3A_270, %swap3A_271] {strides = array<i32>} : memref<2x64x136xf32, #tpu.memory_space<vmem>>, vector<16xf32>,
      tpu.vector_store %arg12[%swap3A_269, %swap3A_270, %swap3A_271], %broadcast_in_dim3A_1 {strides = array<i32>} : memref<2x64x136xf32, #tpu.memory_space<vmem>>, vector<16xf32>,
      %swap3A_273 = arith.constant 1 : i32
      %swap3A_274 = arith.index_cast %swap3A_273 : i32 to index
      %swap3A_275 = arith.index_cast %scan3A_227 : i32 to index
      %swap3A_276 = arith.constant 0 : index
      %swap3A_277 = tpu.vector_load %arg12[%swap3A_274, %swap3A_275, %swap3A_276] {strides = array<i32>} : memref<2x64x136xf32, #tpu.memory_space<vmem>>, vector<16xf32>,
      tpu.vector_store %arg12[%swap3A_274, %swap3A_275, %swap3A_276], %broadcast_in_dim3A_1 {strides = array<i32>} : memref<2x64x136xf32, #tpu.memory_space<vmem>>, vector<16xf32>,
      %swap3A_278 = arith.constant 1 : i32
      %swap3A_279 = arith.index_cast %swap3A_278 : i32 to index
      %swap3A_280 = arith.index_cast %scan3A_227 : i32 to index
      %swap3A_281 = arith.constant 16 : index
      %swap3A_282 = tpu.vector_load %arg12[%swap3A_279, %swap3A_280, %swap3A_281] {strides = array<i32>} : memref<2x64x136xf32, #tpu.memory_space<vmem>>, vector<16xf32>,
      tpu.vector_store %arg12[%swap3A_279, %swap3A_280, %swap3A_281], %broadcast_in_dim3A_1 {strides = array<i32>} : memref<2x64x136xf32, #tpu.memory_space<vmem>>, vector<16xf32>,
      %swap3A_283 = arith.constant 1 : i32
      %swap3A_284 = arith.index_cast %swap3A_283 : i32 to index
      %swap3A_285 = arith.index_cast %scan3A_227 : i32 to index
      %swap3A_286 = arith.constant 32 : index
      %swap3A_287 = tpu.vector_load %arg12[%swap3A_284, %swap3A_285, %swap3A_286] {strides = array<i32>} : memref<2x64x136xf32, #tpu.memory_space<vmem>>, vector<16xf32>,
      tpu.vector_store %arg12[%swap3A_284, %swap3A_285, %swap3A_286], %broadcast_in_dim3A_1 {strides = array<i32>} : memref<2x64x136xf32, #tpu.memory_space<vmem>>, vector<16xf32>,
      %swap3A_288 = arith.constant 1 : i32
      %swap3A_289 = arith.index_cast %swap3A_288 : i32 to index
      %swap3A_290 = arith.index_cast %scan3A_227 : i32 to index
      %swap3A_291 = arith.constant 48 : index
      %swap3A_292 = tpu.vector_load %arg12[%swap3A_289, %swap3A_290, %swap3A_291] {strides = array<i32>} : memref<2x64x136xf32, #tpu.memory_space<vmem>>, vector<16xf32>,
      tpu.vector_store %arg12[%swap3A_289, %swap3A_290, %swap3A_291], %broadcast_in_dim3A_1 {strides = array<i32>} : memref<2x64x136xf32, #tpu.memory_space<vmem>>, vector<16xf32>,
      %swap3A_293 = arith.constant 1 : i32
      %swap3A_294 = arith.index_cast %swap3A_293 : i32 to index
      %swap3A_295 = arith.index_cast %scan3A_227 : i32 to index
      %swap3A_296 = arith.constant 64 : index
      %swap3A_297 = tpu.vector_load %arg12[%swap3A_294, %swap3A_295, %swap3A_296] {strides = array<i32>} : memref<2x64x136xf32, #tpu.memory_space<vmem>>, vector<16xf32>,
      tpu.vector_store %arg12[%swap3A_294, %swap3A_295, %swap3A_296], %broadcast_in_dim3A_1 {strides = array<i32>} : memref<2x64x136xf32, #tpu.memory_space<vmem>>, vector<16xf32>,
      %swap3A_298 = arith.constant 1 : i32
      %swap3A_299 = arith.index_cast %swap3A_298 : i32 to index
      %swap3A_300 = arith.index_cast %scan3A_227 : i32 to index
      %swap3A_301 = arith.constant 80 : index
      %swap3A_302 = tpu.vector_load %arg12[%swap3A_299, %swap3A_300, %swap3A_301] {strides = array<i32>} : memref<2x64x136xf32, #tpu.memory_space<vmem>>, vector<16xf32>,
      tpu.vector_store %arg12[%swap3A_299, %swap3A_300, %swap3A_301], %broadcast_in_dim3A_1 {strides = array<i32>} : memref<2x64x136xf32, #tpu.memory_space<vmem>>, vector<16xf32>,
      %swap3A_303 = arith.constant 1 : i32
      %swap3A_304 = arith.index_cast %swap3A_303 : i32 to index
      %swap3A_305 = arith.index_cast %scan3A_227 : i32 to index
      %swap3A_306 = arith.constant 96 : index
      %swap3A_307 = tpu.vector_load %arg12[%swap3A_304, %swap3A_305, %swap3A_306] {strides = array<i32>} : memref<2x64x136xf32, #tpu.memory_space<vmem>>, vector<16xf32>,
      tpu.vector_store %arg12[%swap3A_304, %swap3A_305, %swap3A_306], %broadcast_in_dim3A_1 {strides = array<i32>} : memref<2x64x136xf32, #tpu.memory_space<vmem>>, vector<16xf32>,
      %swap3A_308 = arith.constant 1 : i32
      %swap3A_309 = arith.index_cast %swap3A_308 : i32 to index
      %swap3A_310 = arith.index_cast %scan3A_227 : i32 to index
      %swap3A_311 = arith.constant 112 : index
      %swap3A_312 = tpu.vector_load %arg12[%swap3A_309, %swap3A_310, %swap3A_311] {strides = array<i32>} : memref<2x64x136xf32, #tpu.memory_space<vmem>>, vector<16xf32>,
      tpu.vector_store %arg12[%swap3A_309, %swap3A_310, %swap3A_311], %broadcast_in_dim3A_1 {strides = array<i32>} : memref<2x64x136xf32, #tpu.memory_space<vmem>>, vector<16xf32>,
      %swap3A_313 = arith.constant 1 : i32
      %swap3A_314 = arith.index_cast %swap3A_313 : i32 to index
      %swap3A_315 = arith.index_cast %scan3A_227 : i32 to index
      %swap3A_316 = arith.constant 120 : index
      %swap3A_317 = tpu.vector_load %arg12[%swap3A_314, %swap3A_315, %swap3A_316] {strides = array<i32>} : memref<2x64x136xf32, #tpu.memory_space<vmem>>, vector<16xf32>,
      tpu.vector_store %arg12[%swap3A_314, %swap3A_315, %swap3A_316], %broadcast_in_dim3A_1 {strides = array<i32>} : memref<2x64x136xf32, #tpu.memory_space<vmem>>, vector<16xf32>,
      %scan3A_318 = arith.constant 0 : i32
      scf.yield %scan3A_318 : i32
    }
    %scan3A_7 = arith.constant 64 : i32
    %mul3A_8 = arith.constant 632 : i32
    %mul3A_9 = arith.muli %arg1, %mul3A_8 : i32
    %min3A = arith.constant 9368 : i32
    %min3A_10 = arith.minsi %mul3A_9, %min3A : i32
    %multiple_of3A = tpu.assume_multiple %min3A_10, 8 : i32
    %add3A_11 = arith.constant 0 : i32
    %add3A_12 = arith.addi %multiple_of3A, %add3A_11 : i32
    %run_scoped3A = arith.constant 0 : i32
    "tpu.region"() ({
      %run_scoped3A_227 = tpu.sem_alloc : memref<!tpu.dma_semaphore, #tpu.memory_space<semaphore_mem>>
      %dma_start3A_228 = arith.constant 0 : i32
      %dma_start3A_229 = arith.constant 0 : i32
      %dma_start3A_230 = tpu.memref_slice %arg12[%run_scoped3A, %dma_start3A_228, %dma_start3A_229] : memref<2x64x136xf32, #tpu.memory_space<vmem>> -> memref<1x64x136xf32, #tpu.memory_space<vmem>>
      %dma_start3A_231 = tpu.memref_squeeze %dma_start3A_230 : memref<1x64x136xf32, #tpu.memory_space<vmem>> -> memref<64x136xf32, #tpu.memory_space<vmem>>
      %dma_start3A_232 = arith.constant 0 : i32
      %dma_start3A_233 = tpu.memref_slice %arg13[%add3A_12, %dma_start3A_232] : memref<10000x136xf32, #tpu.memory_space<vmem_shared>> -> memref<64x136xf32, #tpu.memory_space<vmem_shared>>
      %dma_start3A_234 = arith.constant 0 : i32
      %dma_start3A_235 = tpu.memref_slice %arg13[%add3A_12, %dma_start3A_234] : memref<10000x136xf32, #tpu.memory_space<vmem_shared>> -> memref<64x136xf32, #tpu.memory_space<vmem_shared>>
      %dma_start3A_236 = arith.constant 0 : i32
      %dma_start3A_237 = arith.constant 0 : i32
      %dma_start3A_238 = tpu.memref_slice %arg12[%run_scoped3A, %dma_start3A_236, %dma_start3A_237] : memref<2x64x136xf32, #tpu.memory_space<vmem>> -> memref<1x64x136xf32, #tpu.memory_space<vmem>>
      %dma_start3A_239 = tpu.memref_squeeze %dma_start3A_238 : memref<1x64x136xf32, #tpu.memory_space<vmem>> -> memref<64x136xf32, #tpu.memory_space<vmem>>
      tpu.enqueue_dma source(%dma_start3A_239 : memref<64x136xf32, #tpu.memory_space<vmem>>) target(%dma_start3A_235 : memref<64x136xf32, #tpu.memory_space<vmem_shared>>) target_semaphore(%run_scoped3A_227 : memref<!tpu.dma_semaphore, #tpu.memory_space<semaphore_mem>>)
      %dma_wait3A_240 = arith.constant 0 : i32
      %dma_wait3A_241 = arith.constant 0 : i32
      %dma_wait3A_242 = tpu.memref_slice %arg12[%run_scoped3A, %dma_wait3A_240, %dma_wait3A_241] : memref<2x64x136xf32, #tpu.memory_space<vmem>> -> memref<1x64x136xf32, #tpu.memory_space<vmem>>
      %dma_wait3A_243 = tpu.memref_squeeze %dma_wait3A_242 : memref<1x64x136xf32, #tpu.memory_space<vmem>> -> memref<64x136xf32, #tpu.memory_space<vmem>>
      %dma_wait3A_244 = arith.constant 0 : i32
      %dma_wait3A_245 = tpu.memref_slice %arg13[%add3A_12, %dma_wait3A_244] : memref<10000x136xf32, #tpu.memory_space<vmem_shared>> -> memref<64x136xf32, #tpu.memory_space<vmem_shared>>
      %dma_wait3A_246 = arith.constant 0 : i32
      %dma_wait3A_247 = tpu.memref_slice %arg13[%add3A_12, %dma_wait3A_246] : memref<10000x136xf32, #tpu.memory_space<vmem_shared>> -> memref<64x136xf32, #tpu.memory_space<vmem_shared>>
      %dma_wait3A_248 = arith.constant 0 : i32
      %dma_wait3A_249 = arith.constant 0 : i32
      %dma_wait3A_250 = tpu.memref_slice %arg12[%run_scoped3A, %dma_wait3A_248, %dma_wait3A_249] : memref<2x64x136xf32, #tpu.memory_space<vmem>> -> memref<1x64x136xf32, #tpu.memory_space<vmem>>
      %dma_wait3A_251 = tpu.memref_squeeze %dma_wait3A_250 : memref<1x64x136xf32, #tpu.memory_space<vmem>> -> memref<64x136xf32, #tpu.memory_space<vmem>>
      tpu.wait_dma2 semaphore(%run_scoped3A_227 : memref<!tpu.dma_semaphore, #tpu.memory_space<semaphore_mem>>) src(%dma_wait3A_251 : memref<64x136xf32, #tpu.memory_space<vmem>>) dst(%dma_wait3A_247 : memref<64x136xf32, #tpu.memory_space<vmem_shared>>)
      tpu.yield
    }) : () -> ()
    %add3A_13 = arith.constant 64 : i32
    %add3A_14 = arith.addi %multiple_of3A, %add3A_13 : i32
    %run_scoped3A_15 = arith.constant 0 : i32
    "tpu.region"() ({
      %run_scoped3A_227 = tpu.sem_alloc : memref<!tpu.dma_semaphore, #tpu.memory_space<semaphore_mem>>
      %dma_start3A_228 = arith.constant 0 : i32
      %dma_start3A_229 = arith.constant 0 : i32
      %dma_start3A_230 = tpu.memref_slice %arg12[%run_scoped3A_15, %dma_start3A_228, %dma_start3A_229] : memref<2x64x136xf32, #tpu.memory_space<vmem>> -> memref<1x64x136xf32, #tpu.memory_space<vmem>>
      %dma_start3A_231 = tpu.memref_squeeze %dma_start3A_230 : memref<1x64x136xf32, #tpu.memory_space<vmem>> -> memref<64x136xf32, #tpu.memory_space<vmem>>
      %dma_start3A_232 = arith.constant 0 : i32
      %dma_start3A_233 = tpu.memref_slice %arg13[%add3A_14, %dma_start3A_232] : memref<10000x136xf32, #tpu.memory_space<vmem_shared>> -> memref<64x136xf32, #tpu.memory_space<vmem_shared>>
      %dma_start3A_234 = arith.constant 0 : i32
      %dma_start3A_235 = tpu.memref_slice %arg13[%add3A_14, %dma_start3A_234] : memref<10000x136xf32, #tpu.memory_space<vmem_shared>> -> memref<64x136xf32, #tpu.memory_space<vmem_shared>>
      %dma_start3A_236 = arith.constant 0 : i32
      %dma_start3A_237 = arith.constant 0 : i32
      %dma_start3A_238 = tpu.memref_slice %arg12[%run_scoped3A_15, %dma_start3A_236, %dma_start3A_237] : memref<2x64x136xf32, #tpu.memory_space<vmem>> -> memref<1x64x136xf32, #tpu.memory_space<vmem>>
      %dma_start3A_239 = tpu.memref_squeeze %dma_start3A_238 : memref<1x64x136xf32, #tpu.memory_space<vmem>> -> memref<64x136xf32, #tpu.memory_space<vmem>>
      tpu.enqueue_dma source(%dma_start3A_239 : memref<64x136xf32, #tpu.memory_space<vmem>>) target(%dma_start3A_235 : memref<64x136xf32, #tpu.memory_space<vmem_shared>>) target_semaphore(%run_scoped3A_227 : memref<!tpu.dma_semaphore, #tpu.memory_space<semaphore_mem>>)
      %dma_wait3A_240 = arith.constant 0 : i32
      %dma_wait3A_241 = arith.constant 0 : i32
      %dma_wait3A_242 = tpu.memref_slice %arg12[%run_scoped3A_15, %dma_wait3A_240, %dma_wait3A_241] : memref<2x64x136xf32, #tpu.memory_space<vmem>> -> memref<1x64x136xf32, #tpu.memory_space<vmem>>
      %dma_wait3A_243 = tpu.memref_squeeze %dma_wait3A_242 : memref<1x64x136xf32, #tpu.memory_space<vmem>> -> memref<64x136xf32, #tpu.memory_space<vmem>>
      %dma_wait3A_244 = arith.constant 0 : i32
      %dma_wait3A_245 = tpu.memref_slice %arg13[%add3A_14, %dma_wait3A_244] : memref<10000x136xf32, #tpu.memory_space<vmem_shared>> -> memref<64x136xf32, #tpu.memory_space<vmem_shared>>
      %dma_wait3A_246 = arith.constant 0 : i32
      %dma_wait3A_247 = tpu.memref_slice %arg13[%add3A_14, %dma_wait3A_246] : memref<10000x136xf32, #tpu.memory_space<vmem_shared>> -> memref<64x136xf32, #tpu.memory_space<vmem_shared>>
      %dma_wait3A_248 = arith.constant 0 : i32
      %dma_wait3A_249 = arith.constant 0 : i32
      %dma_wait3A_250 = tpu.memref_slice %arg12[%run_scoped3A_15, %dma_wait3A_248, %dma_wait3A_249] : memref<2x64x136xf32, #tpu.memory_space<vmem>> -> memref<1x64x136xf32, #tpu.memory_space<vmem>>
      %dma_wait3A_251 = tpu.memref_squeeze %dma_wait3A_250 : memref<1x64x136xf32, #tpu.memory_space<vmem>> -> memref<64x136xf32, #tpu.memory_space<vmem>>
      tpu.wait_dma2 semaphore(%run_scoped3A_227 : memref<!tpu.dma_semaphore, #tpu.memory_space<semaphore_mem>>) src(%dma_wait3A_251 : memref<64x136xf32, #tpu.memory_space<vmem>>) dst(%dma_wait3A_247 : memref<64x136xf32, #tpu.memory_space<vmem_shared>>)
      tpu.yield
    }) : () -> ()
    %add3A_16 = arith.constant 128 : i32
    %add3A_17 = arith.addi %multiple_of3A, %add3A_16 : i32
    %run_scoped3A_18 = arith.constant 0 : i32
    "tpu.region"() ({
      %run_scoped3A_227 = tpu.sem_alloc : memref<!tpu.dma_semaphore, #tpu.memory_space<semaphore_mem>>
      %dma_start3A_228 = arith.constant 0 : i32
      %dma_start3A_229 = arith.constant 0 : i32
      %dma_start3A_230 = tpu.memref_slice %arg12[%run_scoped3A_18, %dma_start3A_228, %dma_start3A_229] : memref<2x64x136xf32, #tpu.memory_space<vmem>> -> memref<1x64x136xf32, #tpu.memory_space<vmem>>
      %dma_start3A_231 = tpu.memref_squeeze %dma_start3A_230 : memref<1x64x136xf32, #tpu.memory_space<vmem>> -> memref<64x136xf32, #tpu.memory_space<vmem>>
      %dma_start3A_232 = arith.constant 0 : i32
      %dma_start3A_233 = tpu.memref_slice %arg13[%add3A_17, %dma_start3A_232] : memref<10000x136xf32, #tpu.memory_space<vmem_shared>> -> memref<64x136xf32, #tpu.memory_space<vmem_shared>>
      %dma_start3A_234 = arith.constant 0 : i32
      %dma_start3A_235 = tpu.memref_slice %arg13[%add3A_17, %dma_start3A_234] : memref<10000x136xf32, #tpu.memory_space<vmem_shared>> -> memref<64x136xf32, #tpu.memory_space<vmem_shared>>
      %dma_start3A_236 = arith.constant 0 : i32
      %dma_start3A_237 = arith.constant 0 : i32
      %dma_start3A_238 = tpu.memref_slice %arg12[%run_scoped3A_18, %dma_start3A_236, %dma_start3A_237] : memref<2x64x136xf32, #tpu.memory_space<vmem>> -> memref<1x64x136xf32, #tpu.memory_space<vmem>>
      %dma_start3A_239 = tpu.memref_squeeze %dma_start3A_238 : memref<1x64x136xf32, #tpu.memory_space<vmem>> -> memref<64x136xf32, #tpu.memory_space<vmem>>
      tpu.enqueue_dma source(%dma_start3A_239 : memref<64x136xf32, #tpu.memory_space<vmem>>) target(%dma_start3A_235 : memref<64x136xf32, #tpu.memory_space<vmem_shared>>) target_semaphore(%run_scoped3A_227 : memref<!tpu.dma_semaphore, #tpu.memory_space<semaphore_mem>>)
      %dma_wait3A_240 = arith.constant 0 : i32
      %dma_wait3A_241 = arith.constant 0 : i32
      %dma_wait3A_242 = tpu.memref_slice %arg12[%run_scoped3A_18, %dma_wait3A_240, %dma_wait3A_241] : memref<2x64x136xf32, #tpu.memory_space<vmem>> -> memref<1x64x136xf32, #tpu.memory_space<vmem>>
      %dma_wait3A_243 = tpu.memref_squeeze %dma_wait3A_242 : memref<1x64x136xf32, #tpu.memory_space<vmem>> -> memref<64x136xf32, #tpu.memory_space<vmem>>
      %dma_wait3A_244 = arith.constant 0 : i32
      %dma_wait3A_245 = tpu.memref_slice %arg13[%add3A_17, %dma_wait3A_244] : memref<10000x136xf32, #tpu.memory_space<vmem_shared>> -> memref<64x136xf32, #tpu.memory_space<vmem_shared>>
      %dma_wait3A_246 = arith.constant 0 : i32
      %dma_wait3A_247 = tpu.memref_slice %arg13[%add3A_17, %dma_wait3A_246] : memref<10000x136xf32, #tpu.memory_space<vmem_shared>> -> memref<64x136xf32, #tpu.memory_space<vmem_shared>>
      %dma_wait3A_248 = arith.constant 0 : i32
      %dma_wait3A_249 = arith.constant 0 : i32
      %dma_wait3A_250 = tpu.memref_slice %arg12[%run_scoped3A_18, %dma_wait3A_248, %dma_wait3A_249] : memref<2x64x136xf32, #tpu.memory_space<vmem>> -> memref<1x64x136xf32, #tpu.memory_space<vmem>>
      %dma_wait3A_251 = tpu.memref_squeeze %dma_wait3A_250 : memref<1x64x136xf32, #tpu.memory_space<vmem>> -> memref<64x136xf32, #tpu.memory_space<vmem>>
      tpu.wait_dma2 semaphore(%run_scoped3A_227 : memref<!tpu.dma_semaphore, #tpu.memory_space<semaphore_mem>>) src(%dma_wait3A_251 : memref<64x136xf32, #tpu.memory_space<vmem>>) dst(%dma_wait3A_247 : memref<64x136xf32, #tpu.memory_space<vmem_shared>>)
      tpu.yield
    }) : () -> ()
    %add3A_19 = arith.constant 192 : i32
    %add3A_20 = arith.addi %multiple_of3A, %add3A_19 : i32
    %run_scoped3A_21 = arith.constant 0 : i32
    "tpu.region"() ({
      %run_scoped3A_227 = tpu.sem_alloc : memref<!tpu.dma_semaphore, #tpu.memory_space<semaphore_mem>>
      %dma_start3A_228 = arith.constant 0 : i32
      %dma_start3A_229 = arith.constant 0 : i32
      %dma_start3A_230 = tpu.memref_slice %arg12[%run_scoped3A_21, %dma_start3A_228, %dma_start3A_229] : memref<2x64x136xf32, #tpu.memory_space<vmem>> -> memref<1x64x136xf32, #tpu.memory_space<vmem>>
      %dma_start3A_231 = tpu.memref_squeeze %dma_start3A_230 : memref<1x64x136xf32, #tpu.memory_space<vmem>> -> memref<64x136xf32, #tpu.memory_space<vmem>>
      %dma_start3A_232 = arith.constant 0 : i32
      %dma_start3A_233 = tpu.memref_slice %arg13[%add3A_20, %dma_start3A_232] : memref<10000x136xf32, #tpu.memory_space<vmem_shared>> -> memref<64x136xf32, #tpu.memory_space<vmem_shared>>
      %dma_start3A_234 = arith.constant 0 : i32
      %dma_start3A_235 = tpu.memref_slice %arg13[%add3A_20, %dma_start3A_234] : memref<10000x136xf32, #tpu.memory_space<vmem_shared>> -> memref<64x136xf32, #tpu.memory_space<vmem_shared>>
      %dma_start3A_236 = arith.constant 0 : i32
      %dma_start3A_237 = arith.constant 0 : i32
      %dma_start3A_238 = tpu.memref_slice %arg12[%run_scoped3A_21, %dma_start3A_236, %dma_start3A_237] : memref<2x64x136xf32, #tpu.memory_space<vmem>> -> memref<1x64x136xf32, #tpu.memory_space<vmem>>
      %dma_start3A_239 = tpu.memref_squeeze %dma_start3A_238 : memref<1x64x136xf32, #tpu.memory_space<vmem>> -> memref<64x136xf32, #tpu.memory_space<vmem>>
      tpu.enqueue_dma source(%dma_start3A_239 : memref<64x136xf32, #tpu.memory_space<vmem>>) target(%dma_start3A_235 : memref<64x136xf32, #tpu.memory_space<vmem_shared>>) target_semaphore(%run_scoped3A_227 : memref<!tpu.dma_semaphore, #tpu.memory_space<semaphore_mem>>)
      %dma_wait3A_240 = arith.constant 0 : i32
      %dma_wait3A_241 = arith.constant 0 : i32
      %dma_wait3A_242 = tpu.memref_slice %arg12[%run_scoped3A_21, %dma_wait3A_240, %dma_wait3A_241] : memref<2x64x136xf32, #tpu.memory_space<vmem>> -> memref<1x64x136xf32, #tpu.memory_space<vmem>>
      %dma_wait3A_243 = tpu.memref_squeeze %dma_wait3A_242 : memref<1x64x136xf32, #tpu.memory_space<vmem>> -> memref<64x136xf32, #tpu.memory_space<vmem>>
      %dma_wait3A_244 = arith.constant 0 : i32
      %dma_wait3A_245 = tpu.memref_slice %arg13[%add3A_20, %dma_wait3A_244] : memref<10000x136xf32, #tpu.memory_space<vmem_shared>> -> memref<64x136xf32, #tpu.memory_space<vmem_shared>>
      %dma_wait3A_246 = arith.constant 0 : i32
      %dma_wait3A_247 = tpu.memref_slice %arg13[%add3A_20, %dma_wait3A_246] : memref<10000x136xf32, #tpu.memory_space<vmem_shared>> -> memref<64x136xf32, #tpu.memory_space<vmem_shared>>
      %dma_wait3A_248 = arith.constant 0 : i32
      %dma_wait3A_249 = arith.constant 0 : i32
      %dma_wait3A_250 = tpu.memref_slice %arg12[%run_scoped3A_21, %dma_wait3A_248, %dma_wait3A_249] : memref<2x64x136xf32, #tpu.memory_space<vmem>> -> memref<1x64x136xf32, #tpu.memory_space<vmem>>
      %dma_wait3A_251 = tpu.memref_squeeze %dma_wait3A_250 : memref<1x64x136xf32, #tpu.memory_space<vmem>> -> memref<64x136xf32, #tpu.memory_space<vmem>>
      tpu.wait_dma2 semaphore(%run_scoped3A_227 : memref<!tpu.dma_semaphore, #tpu.memory_space<semaphore_mem>>) src(%dma_wait3A_251 : memref<64x136xf32, #tpu.memory_space<vmem>>) dst(%dma_wait3A_247 : memref<64x136xf32, #tpu.memory_space<vmem_shared>>)
      tpu.yield
    }) : () -> ()
    %add3A_22 = arith.constant 256 : i32
    %add3A_23 = arith.addi %multiple_of3A, %add3A_22 : i32
    %run_scoped3A_24 = arith.constant 0 : i32
    "tpu.region"() ({
      %run_scoped3A_227 = tpu.sem_alloc : memref<!tpu.dma_semaphore, #tpu.memory_space<semaphore_mem>>
      %dma_start3A_228 = arith.constant 0 : i32
      %dma_start3A_229 = arith.constant 0 : i32
      %dma_start3A_230 = tpu.memref_slice %arg12[%run_scoped3A_24, %dma_start3A_228, %dma_start3A_229] : memref<2x64x136xf32, #tpu.memory_space<vmem>> -> memref<1x64x136xf32, #tpu.memory_space<vmem>>
      %dma_start3A_231 = tpu.memref_squeeze %dma_start3A_230 : memref<1x64x136xf32, #tpu.memory_space<vmem>> -> memref<64x136xf32, #tpu.memory_space<vmem>>
      %dma_start3A_232 = arith.constant 0 : i32
      %dma_start3A_233 = tpu.memref_slice %arg13[%add3A_23, %dma_start3A_232] : memref<10000x136xf32, #tpu.memory_space<vmem_shared>> -> memref<64x136xf32, #tpu.memory_space<vmem_shared>>
      %dma_start3A_234 = arith.constant 0 : i32
      %dma_start3A_235 = tpu.memref_slice %arg13[%add3A_23, %dma_start3A_234] : memref<10000x136xf32, #tpu.memory_space<vmem_shared>> -> memref<64x136xf32, #tpu.memory_space<vmem_shared>>
      %dma_start3A_236 = arith.constant 0 : i32
      %dma_start3A_237 = arith.constant 0 : i32
      %dma_start3A_238 = tpu.memref_slice %arg12[%run_scoped3A_24, %dma_start3A_236, %dma_start3A_237] : memref<2x64x136xf32, #tpu.memory_space<vmem>> -> memref<1x64x136xf32, #tpu.memory_space<vmem>>
      %dma_start3A_239 = tpu.memref_squeeze %dma_start3A_238 : memref<1x64x136xf32, #tpu.memory_space<vmem>> -> memref<64x136xf32, #tpu.memory_space<vmem>>
      tpu.enqueue_dma source(%dma_start3A_239 : memref<64x136xf32, #tpu.memory_space<vmem>>) target(%dma_start3A_235 : memref<64x136xf32, #tpu.memory_space<vmem_shared>>) target_semaphore(%run_scoped3A_227 : memref<!tpu.dma_semaphore, #tpu.memory_space<semaphore_mem>>)
      %dma_wait3A_240 = arith.constant 0 : i32
      %dma_wait3A_241 = arith.constant 0 : i32
      %dma_wait3A_242 = tpu.memref_slice %arg12[%run_scoped3A_24, %dma_wait3A_240, %dma_wait3A_241] : memref<2x64x136xf32, #tpu.memory_space<vmem>> -> memref<1x64x136xf32, #tpu.memory_space<vmem>>
      %dma_wait3A_243 = tpu.memref_squeeze %dma_wait3A_242 : memref<1x64x136xf32, #tpu.memory_space<vmem>> -> memref<64x136xf32, #tpu.memory_space<vmem>>
      %dma_wait3A_244 = arith.constant 0 : i32
      %dma_wait3A_245 = tpu.memref_slice %arg13[%add3A_23, %dma_wait3A_244] : memref<10000x136xf32, #tpu.memory_space<vmem_shared>> -> memref<64x136xf32, #tpu.memory_space<vmem_shared>>
      %dma_wait3A_246 = arith.constant 0 : i32
      %dma_wait3A_247 = tpu.memref_slice %arg13[%add3A_23, %dma_wait3A_246] : memref<10000x136xf32, #tpu.memory_space<vmem_shared>> -> memref<64x136xf32, #tpu.memory_space<vmem_shared>>
      %dma_wait3A_248 = arith.constant 0 : i32
      %dma_wait3A_249 = arith.constant 0 : i32
      %dma_wait3A_250 = tpu.memref_slice %arg12[%run_scoped3A_24, %dma_wait3A_248, %dma_wait3A_249] : memref<2x64x136xf32, #tpu.memory_space<vmem>> -> memref<1x64x136xf32, #tpu.memory_space<vmem>>
      %dma_wait3A_251 = tpu.memref_squeeze %dma_wait3A_250 : memref<1x64x136xf32, #tpu.memory_space<vmem>> -> memref<64x136xf32, #tpu.memory_space<vmem>>
      tpu.wait_dma2 semaphore(%run_scoped3A_227 : memref<!tpu.dma_semaphore, #tpu.memory_space<semaphore_mem>>) src(%dma_wait3A_251 : memref<64x136xf32, #tpu.memory_space<vmem>>) dst(%dma_wait3A_247 : memref<64x136xf32, #tpu.memory_space<vmem_shared>>)
      tpu.yield
    }) : () -> ()
    %add3A_25 = arith.constant 320 : i32
    %add3A_26 = arith.addi %multiple_of3A, %add3A_25 : i32
    %run_scoped3A_27 = arith.constant 0 : i32
    "tpu.region"() ({
      %run_scoped3A_227 = tpu.sem_alloc : memref<!tpu.dma_semaphore, #tpu.memory_space<semaphore_mem>>
      %dma_start3A_228 = arith.constant 0 : i32
      %dma_start3A_229 = arith.constant 0 : i32
      %dma_start3A_230 = tpu.memref_slice %arg12[%run_scoped3A_27, %dma_start3A_228, %dma_start3A_229] : memref<2x64x136xf32, #tpu.memory_space<vmem>> -> memref<1x64x136xf32, #tpu.memory_space<vmem>>
      %dma_start3A_231 = tpu.memref_squeeze %dma_start3A_230 : memref<1x64x136xf32, #tpu.memory_space<vmem>> -> memref<64x136xf32, #tpu.memory_space<vmem>>
      %dma_start3A_232 = arith.constant 0 : i32
      %dma_start3A_233 = tpu.memref_slice %arg13[%add3A_26, %dma_start3A_232] : memref<10000x136xf32, #tpu.memory_space<vmem_shared>> -> memref<64x136xf32, #tpu.memory_space<vmem_shared>>
      %dma_start3A_234 = arith.constant 0 : i32
      %dma_start3A_235 = tpu.memref_slice %arg13[%add3A_26, %dma_start3A_234] : memref<10000x136xf32, #tpu.memory_space<vmem_shared>> -> memref<64x136xf32, #tpu.memory_space<vmem_shared>>
      %dma_start3A_236 = arith.constant 0 : i32
      %dma_start3A_237 = arith.constant 0 : i32
      %dma_start3A_238 = tpu.memref_slice %arg12[%run_scoped3A_27, %dma_start3A_236, %dma_start3A_237] : memref<2x64x136xf32, #tpu.memory_space<vmem>> -> memref<1x64x136xf32, #tpu.memory_space<vmem>>
      %dma_start3A_239 = tpu.memref_squeeze %dma_start3A_238 : memref<1x64x136xf32, #tpu.memory_space<vmem>> -> memref<64x136xf32, #tpu.memory_space<vmem>>
      tpu.enqueue_dma source(%dma_start3A_239 : memref<64x136xf32, #tpu.memory_space<vmem>>) target(%dma_start3A_235 : memref<64x136xf32, #tpu.memory_space<vmem_shared>>) target_semaphore(%run_scoped3A_227 : memref<!tpu.dma_semaphore, #tpu.memory_space<semaphore_mem>>)
      %dma_wait3A_240 = arith.constant 0 : i32
      %dma_wait3A_241 = arith.constant 0 : i32
      %dma_wait3A_242 = tpu.memref_slice %arg12[%run_scoped3A_27, %dma_wait3A_240, %dma_wait3A_241] : memref<2x64x136xf32, #tpu.memory_space<vmem>> -> memref<1x64x136xf32, #tpu.memory_space<vmem>>
      %dma_wait3A_243 = tpu.memref_squeeze %dma_wait3A_242 : memref<1x64x136xf32, #tpu.memory_space<vmem>> -> memref<64x136xf32, #tpu.memory_space<vmem>>
      %dma_wait3A_244 = arith.constant 0 : i32
      %dma_wait3A_245 = tpu.memref_slice %arg13[%add3A_26, %dma_wait3A_244] : memref<10000x136xf32, #tpu.memory_space<vmem_shared>> -> memref<64x136xf32, #tpu.memory_space<vmem_shared>>
      %dma_wait3A_246 = arith.constant 0 : i32
      %dma_wait3A_247 = tpu.memref_slice %arg13[%add3A_26, %dma_wait3A_246] : memref<10000x136xf32, #tpu.memory_space<vmem_shared>> -> memref<64x136xf32, #tpu.memory_space<vmem_shared>>
      %dma_wait3A_248 = arith.constant 0 : i32
      %dma_wait3A_249 = arith.constant 0 : i32
      %dma_wait3A_250 = tpu.memref_slice %arg12[%run_scoped3A_27, %dma_wait3A_248, %dma_wait3A_249] : memref<2x64x136xf32, #tpu.memory_space<vmem>> -> memref<1x64x136xf32, #tpu.memory_space<vmem>>
      %dma_wait3A_251 = tpu.memref_squeeze %dma_wait3A_250 : memref<1x64x136xf32, #tpu.memory_space<vmem>> -> memref<64x136xf32, #tpu.memory_space<vmem>>
      tpu.wait_dma2 semaphore(%run_scoped3A_227 : memref<!tpu.dma_semaphore, #tpu.memory_space<semaphore_mem>>) src(%dma_wait3A_251 : memref<64x136xf32, #tpu.memory_space<vmem>>) dst(%dma_wait3A_247 : memref<64x136xf32, #tpu.memory_space<vmem_shared>>)
      tpu.yield
    }) : () -> ()
    %add3A_28 = arith.constant 384 : i32
    %add3A_29 = arith.addi %multiple_of3A, %add3A_28 : i32
    %run_scoped3A_30 = arith.constant 0 : i32
    "tpu.region"() ({
      %run_scoped3A_227 = tpu.sem_alloc : memref<!tpu.dma_semaphore, #tpu.memory_space<semaphore_mem>>
      %dma_start3A_228 = arith.constant 0 : i32
      %dma_start3A_229 = arith.constant 0 : i32
      %dma_start3A_230 = tpu.memref_slice %arg12[%run_scoped3A_30, %dma_start3A_228, %dma_start3A_229] : memref<2x64x136xf32, #tpu.memory_space<vmem>> -> memref<1x64x136xf32, #tpu.memory_space<vmem>>
      %dma_start3A_231 = tpu.memref_squeeze %dma_start3A_230 : memref<1x64x136xf32, #tpu.memory_space<vmem>> -> memref<64x136xf32, #tpu.memory_space<vmem>>
      %dma_start3A_232 = arith.constant 0 : i32
      %dma_start3A_233 = tpu.memref_slice %arg13[%add3A_29, %dma_start3A_232] : memref<10000x136xf32, #tpu.memory_space<vmem_shared>> -> memref<64x136xf32, #tpu.memory_space<vmem_shared>>
      %dma_start3A_234 = arith.constant 0 : i32
      %dma_start3A_235 = tpu.memref_slice %arg13[%add3A_29, %dma_start3A_234] : memref<10000x136xf32, #tpu.memory_space<vmem_shared>> -> memref<64x136xf32, #tpu.memory_space<vmem_shared>>
      %dma_start3A_236 = arith.constant 0 : i32
      %dma_start3A_237 = arith.constant 0 : i32
      %dma_start3A_238 = tpu.memref_slice %arg12[%run_scoped3A_30, %dma_start3A_236, %dma_start3A_237] : memref<2x64x136xf32, #tpu.memory_space<vmem>> -> memref<1x64x136xf32, #tpu.memory_space<vmem>>
      %dma_start3A_239 = tpu.memref_squeeze %dma_start3A_238 : memref<1x64x136xf32, #tpu.memory_space<vmem>> -> memref<64x136xf32, #tpu.memory_space<vmem>>
      tpu.enqueue_dma source(%dma_start3A_239 : memref<64x136xf32, #tpu.memory_space<vmem>>) target(%dma_start3A_235 : memref<64x136xf32, #tpu.memory_space<vmem_shared>>) target_semaphore(%run_scoped3A_227 : memref<!tpu.dma_semaphore, #tpu.memory_space<semaphore_mem>>)
      %dma_wait3A_240 = arith.constant 0 : i32
      %dma_wait3A_241 = arith.constant 0 : i32
      %dma_wait3A_242 = tpu.memref_slice %arg12[%run_scoped3A_30, %dma_wait3A_240, %dma_wait3A_241] : memref<2x64x136xf32, #tpu.memory_space<vmem>> -> memref<1x64x136xf32, #tpu.memory_space<vmem>>
      %dma_wait3A_243 = tpu.memref_squeeze %dma_wait3A_242 : memref<1x64x136xf32, #tpu.memory_space<vmem>> -> memref<64x136xf32, #tpu.memory_space<vmem>>
      %dma_wait3A_244 = arith.constant 0 : i32
      %dma_wait3A_245 = tpu.memref_slice %arg13[%add3A_29, %dma_wait3A_244] : memref<10000x136xf32, #tpu.memory_space<vmem_shared>> -> memref<64x136xf32, #tpu.memory_space<vmem_shared>>
      %dma_wait3A_246 = arith.constant 0 : i32
      %dma_wait3A_247 = tpu.memref_slice %arg13[%add3A_29, %dma_wait3A_246] : memref<10000x136xf32, #tpu.memory_space<vmem_shared>> -> memref<64x136xf32, #tpu.memory_space<vmem_shared>>
      %dma_wait3A_248 = arith.constant 0 : i32
      %dma_wait3A_249 = arith.constant 0 : i32
      %dma_wait3A_250 = tpu.memref_slice %arg12[%run_scoped3A_30, %dma_wait3A_248, %dma_wait3A_249] : memref<2x64x136xf32, #tpu.memory_space<vmem>> -> memref<1x64x136xf32, #tpu.memory_space<vmem>>
      %dma_wait3A_251 = tpu.memref_squeeze %dma_wait3A_250 : memref<1x64x136xf32, #tpu.memory_space<vmem>> -> memref<64x136xf32, #tpu.memory_space<vmem>>
      tpu.wait_dma2 semaphore(%run_scoped3A_227 : memref<!tpu.dma_semaphore, #tpu.memory_space<semaphore_mem>>) src(%dma_wait3A_251 : memref<64x136xf32, #tpu.memory_space<vmem>>) dst(%dma_wait3A_247 : memref<64x136xf32, #tpu.memory_space<vmem_shared>>)
      tpu.yield
    }) : () -> ()
    %add3A_31 = arith.constant 448 : i32
    %add3A_32 = arith.addi %multiple_of3A, %add3A_31 : i32
    %run_scoped3A_33 = arith.constant 0 : i32
    "tpu.region"() ({
      %run_scoped3A_227 = tpu.sem_alloc : memref<!tpu.dma_semaphore, #tpu.memory_space<semaphore_mem>>
      %dma_start3A_228 = arith.constant 0 : i32
      %dma_start3A_229 = arith.constant 0 : i32
      %dma_start3A_230 = tpu.memref_slice %arg12[%run_scoped3A_33, %dma_start3A_228, %dma_start3A_229] : memref<2x64x136xf32, #tpu.memory_space<vmem>> -> memref<1x64x136xf32, #tpu.memory_space<vmem>>
      %dma_start3A_231 = tpu.memref_squeeze %dma_start3A_230 : memref<1x64x136xf32, #tpu.memory_space<vmem>> -> memref<64x136xf32, #tpu.memory_space<vmem>>
      %dma_start3A_232 = arith.constant 0 : i32
      %dma_start3A_233 = tpu.memref_slice %arg13[%add3A_32, %dma_start3A_232] : memref<10000x136xf32, #tpu.memory_space<vmem_shared>> -> memref<64x136xf32, #tpu.memory_space<vmem_shared>>
      %dma_start3A_234 = arith.constant 0 : i32
      %dma_start3A_235 = tpu.memref_slice %arg13[%add3A_32, %dma_start3A_234] : memref<10000x136xf32, #tpu.memory_space<vmem_shared>> -> memref<64x136xf32, #tpu.memory_space<vmem_shared>>
      %dma_start3A_236 = arith.constant 0 : i32
      %dma_start3A_237 = arith.constant 0 : i32
      %dma_start3A_238 = tpu.memref_slice %arg12[%run_scoped3A_33, %dma_start3A_236, %dma_start3A_237] : memref<2x64x136xf32, #tpu.memory_space<vmem>> -> memref<1x64x136xf32, #tpu.memory_space<vmem>>
      %dma_start3A_239 = tpu.memref_squeeze %dma_start3A_238 : memref<1x64x136xf32, #tpu.memory_space<vmem>> -> memref<64x136xf32, #tpu.memory_space<vmem>>
      tpu.enqueue_dma source(%dma_start3A_239 : memref<64x136xf32, #tpu.memory_space<vmem>>) target(%dma_start3A_235 : memref<64x136xf32, #tpu.memory_space<vmem_shared>>) target_semaphore(%run_scoped3A_227 : memref<!tpu.dma_semaphore, #tpu.memory_space<semaphore_mem>>)
      %dma_wait3A_240 = arith.constant 0 : i32
      %dma_wait3A_241 = arith.constant 0 : i32
      %dma_wait3A_242 = tpu.memref_slice %arg12[%run_scoped3A_33, %dma_wait3A_240, %dma_wait3A_241] : memref<2x64x136xf32, #tpu.memory_space<vmem>> -> memref<1x64x136xf32, #tpu.memory_space<vmem>>
      %dma_wait3A_243 = tpu.memref_squeeze %dma_wait3A_242 : memref<1x64x136xf32, #tpu.memory_space<vmem>> -> memref<64x136xf32, #tpu.memory_space<vmem>>
      %dma_wait3A_244 = arith.constant 0 : i32
      %dma_wait3A_245 = tpu.memref_slice %arg13[%add3A_32, %dma_wait3A_244] : memref<10000x136xf32, #tpu.memory_space<vmem_shared>> -> memref<64x136xf32, #tpu.memory_space<vmem_shared>>
      %dma_wait3A_246 = arith.constant 0 : i32
      %dma_wait3A_247 = tpu.memref_slice %arg13[%add3A_32, %dma_wait3A_246] : memref<10000x136xf32, #tpu.memory_space<vmem_shared>> -> memref<64x136xf32, #tpu.memory_space<vmem_shared>>
      %dma_wait3A_248 = arith.constant 0 : i32
      %dma_wait3A_249 = arith.constant 0 : i32
      %dma_wait3A_250 = tpu.memref_slice %arg12[%run_scoped3A_33, %dma_wait3A_248, %dma_wait3A_249] : memref<2x64x136xf32, #tpu.memory_space<vmem>> -> memref<1x64x136xf32, #tpu.memory_space<vmem>>
      %dma_wait3A_251 = tpu.memref_squeeze %dma_wait3A_250 : memref<1x64x136xf32, #tpu.memory_space<vmem>> -> memref<64x136xf32, #tpu.memory_space<vmem>>
      tpu.wait_dma2 semaphore(%run_scoped3A_227 : memref<!tpu.dma_semaphore, #tpu.memory_space<semaphore_mem>>) src(%dma_wait3A_251 : memref<64x136xf32, #tpu.memory_space<vmem>>) dst(%dma_wait3A_247 : memref<64x136xf32, #tpu.memory_space<vmem_shared>>)
      tpu.yield
    }) : () -> ()
    %add3A_34 = arith.constant 512 : i32
    %add3A_35 = arith.addi %multiple_of3A, %add3A_34 : i32
    %run_scoped3A_36 = arith.constant 0 : i32
    "tpu.region"() ({
      %run_scoped3A_227 = tpu.sem_alloc : memref<!tpu.dma_semaphore, #tpu.memory_space<semaphore_mem>>
      %dma_start3A_228 = arith.constant 0 : i32
      %dma_start3A_229 = arith.constant 0 : i32
      %dma_start3A_230 = tpu.memref_slice %arg12[%run_scoped3A_36, %dma_start3A_228, %dma_start3A_229] : memref<2x64x136xf32, #tpu.memory_space<vmem>> -> memref<1x64x136xf32, #tpu.memory_space<vmem>>
      %dma_start3A_231 = tpu.memref_squeeze %dma_start3A_230 : memref<1x64x136xf32, #tpu.memory_space<vmem>> -> memref<64x136xf32, #tpu.memory_space<vmem>>
      %dma_start3A_232 = arith.constant 0 : i32
      %dma_start3A_233 = tpu.memref_slice %arg13[%add3A_35, %dma_start3A_232] : memref<10000x136xf32, #tpu.memory_space<vmem_shared>> -> memref<64x136xf32, #tpu.memory_space<vmem_shared>>
      %dma_start3A_234 = arith.constant 0 : i32
      %dma_start3A_235 = tpu.memref_slice %arg13[%add3A_35, %dma_start3A_234] : memref<10000x136xf32, #tpu.memory_space<vmem_shared>> -> memref<64x136xf32, #tpu.memory_space<vmem_shared>>
      %dma_start3A_236 = arith.constant 0 : i32
      %dma_start3A_237 = arith.constant 0 : i32
      %dma_start3A_238 = tpu.memref_slice %arg12[%run_scoped3A_36, %dma_start3A_236, %dma_start3A_237] : memref<2x64x136xf32, #tpu.memory_space<vmem>> -> memref<1x64x136xf32, #tpu.memory_space<vmem>>
      %dma_start3A_239 = tpu.memref_squeeze %dma_start3A_238 : memref<1x64x136xf32, #tpu.memory_space<vmem>> -> memref<64x136xf32, #tpu.memory_space<vmem>>
      tpu.enqueue_dma source(%dma_start3A_239 : memref<64x136xf32, #tpu.memory_space<vmem>>) target(%dma_start3A_235 : memref<64x136xf32, #tpu.memory_space<vmem_shared>>) target_semaphore(%run_scoped3A_227 : memref<!tpu.dma_semaphore, #tpu.memory_space<semaphore_mem>>)
      %dma_wait3A_240 = arith.constant 0 : i32
      %dma_wait3A_241 = arith.constant 0 : i32
      %dma_wait3A_242 = tpu.memref_slice %arg12[%run_scoped3A_36, %dma_wait3A_240, %dma_wait3A_241] : memref<2x64x136xf32, #tpu.memory_space<vmem>> -> memref<1x64x136xf32, #tpu.memory_space<vmem>>
      %dma_wait3A_243 = tpu.memref_squeeze %dma_wait3A_242 : memref<1x64x136xf32, #tpu.memory_space<vmem>> -> memref<64x136xf32, #tpu.memory_space<vmem>>
      %dma_wait3A_244 = arith.constant 0 : i32
      %dma_wait3A_245 = tpu.memref_slice %arg13[%add3A_35, %dma_wait3A_244] : memref<10000x136xf32, #tpu.memory_space<vmem_shared>> -> memref<64x136xf32, #tpu.memory_space<vmem_shared>>
      %dma_wait3A_246 = arith.constant 0 : i32
      %dma_wait3A_247 = tpu.memref_slice %arg13[%add3A_35, %dma_wait3A_246] : memref<10000x136xf32, #tpu.memory_space<vmem_shared>> -> memref<64x136xf32, #tpu.memory_space<vmem_shared>>
      %dma_wait3A_248 = arith.constant 0 : i32
      %dma_wait3A_249 = arith.constant 0 : i32
      %dma_wait3A_250 = tpu.memref_slice %arg12[%run_scoped3A_36, %dma_wait3A_248, %dma_wait3A_249] : memref<2x64x136xf32, #tpu.memory_space<vmem>> -> memref<1x64x136xf32, #tpu.memory_space<vmem>>
      %dma_wait3A_251 = tpu.memref_squeeze %dma_wait3A_250 : memref<1x64x136xf32, #tpu.memory_space<vmem>> -> memref<64x136xf32, #tpu.memory_space<vmem>>
      tpu.wait_dma2 semaphore(%run_scoped3A_227 : memref<!tpu.dma_semaphore, #tpu.memory_space<semaphore_mem>>) src(%dma_wait3A_251 : memref<64x136xf32, #tpu.memory_space<vmem>>) dst(%dma_wait3A_247 : memref<64x136xf32, #tpu.memory_space<vmem_shared>>)
      tpu.yield
    }) : () -> ()
    %add3A_37 = arith.constant 576 : i32
    %add3A_38 = arith.addi %multiple_of3A, %add3A_37 : i32
    %run_scoped3A_39 = arith.constant 0 : i32
    "tpu.region"() ({
      %run_scoped3A_227 = tpu.sem_alloc : memref<!tpu.dma_semaphore, #tpu.memory_space<semaphore_mem>>
      %dma_start3A_228 = arith.constant 0 : i32
      %dma_start3A_229 = arith.constant 0 : i32
      %dma_start3A_230 = tpu.memref_slice %arg12[%run_scoped3A_39, %dma_start3A_228, %dma_start3A_229] : memref<2x64x136xf32, #tpu.memory_space<vmem>> -> memref<1x56x136xf32, #tpu.memory_space<vmem>>
      %dma_start3A_231 = tpu.memref_squeeze %dma_start3A_230 : memref<1x56x136xf32, #tpu.memory_space<vmem>> -> memref<56x136xf32, #tpu.memory_space<vmem>>
      %dma_start3A_232 = arith.constant 0 : i32
      %dma_start3A_233 = tpu.memref_slice %arg13[%add3A_38, %dma_start3A_232] : memref<10000x136xf32, #tpu.memory_space<vmem_shared>> -> memref<56x136xf32, #tpu.memory_space<vmem_shared>>
      %dma_start3A_234 = arith.constant 0 : i32
      %dma_start3A_235 = tpu.memref_slice %arg13[%add3A_38, %dma_start3A_234] : memref<10000x136xf32, #tpu.memory_space<vmem_shared>> -> memref<56x136xf32, #tpu.memory_space<vmem_shared>>
      %dma_start3A_236 = arith.constant 0 : i32
      %dma_start3A_237 = arith.constant 0 : i32
      %dma_start3A_238 = tpu.memref_slice %arg12[%run_scoped3A_39, %dma_start3A_236, %dma_start3A_237] : memref<2x64x136xf32, #tpu.memory_space<vmem>> -> memref<1x56x136xf32, #tpu.memory_space<vmem>>
      %dma_start3A_239 = tpu.memref_squeeze %dma_start3A_238 : memref<1x56x136xf32, #tpu.memory_space<vmem>> -> memref<56x136xf32, #tpu.memory_space<vmem>>
      tpu.enqueue_dma source(%dma_start3A_239 : memref<56x136xf32, #tpu.memory_space<vmem>>) target(%dma_start3A_235 : memref<56x136xf32, #tpu.memory_space<vmem_shared>>) target_semaphore(%run_scoped3A_227 : memref<!tpu.dma_semaphore, #tpu.memory_space<semaphore_mem>>)
      %dma_wait3A_240 = arith.constant 0 : i32
      %dma_wait3A_241 = arith.constant 0 : i32
      %dma_wait3A_242 = tpu.memref_slice %arg12[%run_scoped3A_39, %dma_wait3A_240, %dma_wait3A_241] : memref<2x64x136xf32, #tpu.memory_space<vmem>> -> memref<1x56x136xf32, #tpu.memory_space<vmem>>
      %dma_wait3A_243 = tpu.memref_squeeze %dma_wait3A_242 : memref<1x56x136xf32, #tpu.memory_space<vmem>> -> memref<56x136xf32, #tpu.memory_space<vmem>>
      %dma_wait3A_244 = arith.constant 0 : i32
      %dma_wait3A_245 = tpu.memref_slice %arg13[%add3A_38, %dma_wait3A_244] : memref<10000x136xf32, #tpu.memory_space<vmem_shared>> -> memref<56x136xf32, #tpu.memory_space<vmem_shared>>
      %dma_wait3A_246 = arith.constant 0 : i32
      %dma_wait3A_247 = tpu.memref_slice %arg13[%add3A_38, %dma_wait3A_246] : memref<10000x136xf32, #tpu.memory_space<vmem_shared>> -> memref<56x136xf32, #tpu.memory_space<vmem_shared>>
      %dma_wait3A_248 = arith.constant 0 : i32
      %dma_wait3A_249 = arith.constant 0 : i32
      %dma_wait3A_250 = tpu.memref_slice %arg12[%run_scoped3A_39, %dma_wait3A_248, %dma_wait3A_249] : memref<2x64x136xf32, #tpu.memory_space<vmem>> -> memref<1x56x136xf32, #tpu.memory_space<vmem>>
      %dma_wait3A_251 = tpu.memref_squeeze %dma_wait3A_250 : memref<1x56x136xf32, #tpu.memory_space<vmem>> -> memref<56x136xf32, #tpu.memory_space<vmem>>
      tpu.wait_dma2 semaphore(%run_scoped3A_227 : memref<!tpu.dma_semaphore, #tpu.memory_space<semaphore_mem>>) src(%dma_wait3A_251 : memref<56x136xf32, #tpu.memory_space<vmem>>) dst(%dma_wait3A_247 : memref<56x136xf32, #tpu.memory_space<vmem_shared>>)
      tpu.yield
    }) : () -> ()
    %barrier3A = arith.constant 0 : index
    tpu.barrier barrier_id(%barrier3A)
    %iota3A = tpu.iota {dimensions = array<i32: 0>} : vector<16xi32>
    %eq3A = arith.constant 0 : i32
    %eq3A_40 = vector.broadcast %eq3A : i32 to vector<16xi32>
    %eq3A_41 = arith.cmpi eq, %iota3A, %eq3A_40 : vector<16xi32>
    %xor3A = arith.constant 8 : i32
    %xor3A_42 = vector.broadcast %xor3A : i32 to vector<16xi32>
    %xor3A_43 = arith.xori %iota3A, %xor3A_42 : vector<16xi32>
    %xor3A_44 = arith.constant 4 : i32
    %xor3A_45 = vector.broadcast %xor3A_44 : i32 to vector<16xi32>
    %xor3A_46 = arith.xori %iota3A, %xor3A_45 : vector<16xi32>
    %xor3A_47 = arith.constant 2 : i32
    %xor3A_48 = vector.broadcast %xor3A_47 : i32 to vector<16xi32>
    %xor3A_49 = arith.xori %iota3A, %xor3A_48 : vector<16xi32>
    %xor3A_50 = arith.constant 1 : i32
    %xor3A_51 = vector.broadcast %xor3A_50 : i32 to vector<16xi32>
    %xor3A_52 = arith.xori %iota3A, %xor3A_51 : vector<16xi32>
    %get3A = arith.constant 0 : index
    %get3A_53 = tpu.vector_load %arg8[%get3A] {strides = array<i32>} : memref<128xbf16, #tpu.memory_space<vmem>>, vector<32xbf16>,
    %get3A_54 = arith.constant 32 : index
    %get3A_55 = tpu.vector_load %arg8[%get3A_54] {strides = array<i32>} : memref<128xbf16, #tpu.memory_space<vmem>>, vector<32xbf16>,
    %get3A_56 = arith.constant 64 : index
    %get3A_57 = tpu.vector_load %arg8[%get3A_56] {strides = array<i32>} : memref<128xbf16, #tpu.memory_space<vmem>>, vector<32xbf16>,
    %get3A_58 = arith.constant 96 : index
    %get3A_59 = tpu.vector_load %arg8[%get3A_58] {strides = array<i32>} : memref<128xbf16, #tpu.memory_space<vmem>>, vector<32xbf16>,
    %mul3A_60 = arith.constant 81 : i32
    %mul3A_61 = arith.muli %add3A, %mul3A_60 : i32
    %mul3A_62 = arith.constant 4 : i32
    %mul3A_63 = arith.muli %mul3A_61, %mul3A_62 : i32
    %run_scoped3A_64 = arith.constant 0 : i32
    "tpu.region"() ({
      %run_scoped3A_227 = tpu.sem_alloc : memref<!tpu.dma_semaphore, #tpu.memory_space<semaphore_mem>>
      %dma_start3A_228 = arith.constant 0 : i32
      %dma_start3A_229 = arith.constant 0 : i32
      %dma_start3A_230 = tpu.memref_slice %arg9[%run_scoped3A_64, %dma_start3A_228, %dma_start3A_229] : memref<3x4x64xi32, #tpu.memory_space<vmem>> -> memref<1x4x64xi32, #tpu.memory_space<vmem>>
      %dma_start3A_231 = tpu.memref_squeeze %dma_start3A_230 : memref<1x4x64xi32, #tpu.memory_space<vmem>> -> memref<4x64xi32, #tpu.memory_space<vmem>>
      %dma_start3A_232 = arith.constant 0 : i32
      %dma_start3A_233 = tpu.memref_slice %arg4[%mul3A_63, %dma_start3A_232] : memref<10368x64xi32, #tpu.memory_space<hbm>> -> memref<4x64xi32, #tpu.memory_space<hbm>>
      %dma_start3A_234 = arith.constant 0 : i32
      %dma_start3A_235 = arith.constant 0 : i32
      %dma_start3A_236 = tpu.memref_slice %arg9[%run_scoped3A_64, %dma_start3A_234, %dma_start3A_235] : memref<3x4x64xi32, #tpu.memory_space<vmem>> -> memref<1x4x64xi32, #tpu.memory_space<vmem>>
      %dma_start3A_237 = tpu.memref_squeeze %dma_start3A_236 : memref<1x4x64xi32, #tpu.memory_space<vmem>> -> memref<4x64xi32, #tpu.memory_space<vmem>>
      %dma_start3A_238 = arith.constant 0 : i32
      %dma_start3A_239 = tpu.memref_slice %arg4[%mul3A_63, %dma_start3A_238] : memref<10368x64xi32, #tpu.memory_space<hbm>> -> memref<4x64xi32, #tpu.memory_space<hbm>>
      tpu.enqueue_dma source(%dma_start3A_239 : memref<4x64xi32, #tpu.memory_space<hbm>>) target(%dma_start3A_237 : memref<4x64xi32, #tpu.memory_space<vmem>>) target_semaphore(%run_scoped3A_227 : memref<!tpu.dma_semaphore, #tpu.memory_space<semaphore_mem>>)
      %dma_wait3A_240 = arith.constant 0 : i32
      %dma_wait3A_241 = arith.constant 0 : i32
      %dma_wait3A_242 = tpu.memref_slice %arg9[%run_scoped3A_64, %dma_wait3A_240, %dma_wait3A_241] : memref<3x4x64xi32, #tpu.memory_space<vmem>> -> memref<1x4x64xi32, #tpu.memory_space<vmem>>
      %dma_wait3A_243 = tpu.memref_squeeze %dma_wait3A_242 : memref<1x4x64xi32, #tpu.memory_space<vmem>> -> memref<4x64xi32, #tpu.memory_space<vmem>>
      %dma_wait3A_244 = arith.constant 0 : i32
      %dma_wait3A_245 = tpu.memref_slice %arg4[%mul3A_63, %dma_wait3A_244] : memref<10368x64xi32, #tpu.memory_space<hbm>> -> memref<4x64xi32, #tpu.memory_space<hbm>>
      %dma_wait3A_246 = arith.constant 0 : i32
      %dma_wait3A_247 = arith.constant 0 : i32
      %dma_wait3A_248 = tpu.memref_slice %arg9[%run_scoped3A_64, %dma_wait3A_246, %dma_wait3A_247] : memref<3x4x64xi32, #tpu.memory_space<vmem>> -> memref<1x4x64xi32, #tpu.memory_space<vmem>>
      %dma_wait3A_249 = tpu.memref_squeeze %dma_wait3A_248 : memref<1x4x64xi32, #tpu.memory_space<vmem>> -> memref<4x64xi32, #tpu.memory_space<vmem>>
      %dma_wait3A_250 = arith.constant 0 : i32
      %dma_wait3A_251 = tpu.memref_slice %arg4[%mul3A_63, %dma_wait3A_250] : memref<10368x64xi32, #tpu.memory_space<hbm>> -> memref<4x64xi32, #tpu.memory_space<hbm>>
      tpu.wait_dma2 semaphore(%run_scoped3A_227 : memref<!tpu.dma_semaphore, #tpu.memory_space<semaphore_mem>>) src(%dma_wait3A_251 : memref<4x64xi32, #tpu.memory_space<hbm>>) dst(%dma_wait3A_249 : memref<4x64xi32, #tpu.memory_space<vmem>>)
      tpu.yield
    }) : () -> ()
    %dma_start3A = arith.constant 0 : i32
    %dma_start3A_65 = arith.constant 0 : i32
    %dma_start3A_66 = arith.constant 0 : i32
    %dma_start3A_67 = arith.constant 0 : i32
    %dma_start3A_68 = arith.constant 0 : i32
    %dma_start3A_69 = arith.constant 0 : i32
    %dma_start3A_70 = tpu.memref_slice %arg10[%dma_start3A_66, %dma_start3A_68, %dma_start3A_69] : memref<2x64x128xbf16, #tpu.memory_space<vmem>> -> memref<1x64x128xbf16, #tpu.memory_space<vmem>>
    %dma_start3A_71 = tpu.memref_squeeze %dma_start3A_70 : memref<1x64x128xbf16, #tpu.memory_space<vmem>> -> memref<64x128xbf16, #tpu.memory_space<vmem>>
    %dma_start3A_72 = arith.constant 0 : i32
    %dma_start3A_73 = tpu.memref_slice %arg9[%dma_start3A, %dma_start3A_65, %dma_start3A_72] : memref<3x4x64xi32, #tpu.memory_space<vmem>> -> memref<1x1x64xi32, #tpu.memory_space<vmem>>
    %dma_start3A_74 = tpu.memref_squeeze %dma_start3A_73 : memref<1x1x64xi32, #tpu.memory_space<vmem>> -> memref<64xi32, #tpu.memory_space<vmem>>
    %dma_start3A_75 = arith.constant 0 : i32
    %dma_start3A_76 = arith.constant 0 : i32
    %dma_start3A_77 = tpu.memref_slice %arg2[%dma_start3A_75, %dma_start3A_76] : memref<10000x128xbf16, #tpu.memory_space<hbm>> -> memref<10000x128xbf16, #tpu.memory_space<hbm>>
    %dma_start3A_78 = tpu.memref_slice %arg14[%dma_start3A_67] : memref<2x!tpu.dma_semaphore, #tpu.memory_space<semaphore_mem>> -> memref<1x!tpu.dma_semaphore, #tpu.memory_space<semaphore_mem>>
    %dma_start3A_79 = tpu.memref_squeeze %dma_start3A_78 : memref<1x!tpu.dma_semaphore, #tpu.memory_space<semaphore_mem>> -> memref<!tpu.dma_semaphore, #tpu.memory_space<semaphore_mem>>
    tpu.enqueue_indirect_dma source(%dma_start3A_77 : memref<10000x128xbf16, #tpu.memory_space<hbm>>) target(%dma_start3A_71 : memref<64x128xbf16, #tpu.memory_space<vmem>>) offsets(%dma_start3A_74 : memref<64xi32, #tpu.memory_space<vmem>>) semaphore(%dma_start3A_79 : memref<!tpu.dma_semaphore, #tpu.memory_space<semaphore_mem>>)
    %dma_start3A_80 = arith.constant 0 : i32
    %dma_start3A_81 = arith.constant 1 : i32
    %dma_start3A_82 = arith.constant 0 : i32
    %dma_start3A_83 = arith.constant 0 : i32
    %dma_start3A_84 = arith.constant 0 : i32
    %dma_start3A_85 = arith.constant 0 : i32
    %dma_start3A_86 = tpu.memref_slice %arg11[%dma_start3A_82, %dma_start3A_84, %dma_start3A_85] : memref<2x64x128xbf16, #tpu.memory_space<vmem>> -> memref<1x64x128xbf16, #tpu.memory_space<vmem>>
    %dma_start3A_87 = tpu.memref_squeeze %dma_start3A_86 : memref<1x64x128xbf16, #tpu.memory_space<vmem>> -> memref<64x128xbf16, #tpu.memory_space<vmem>>
    %dma_start3A_88 = arith.constant 0 : i32
    %dma_start3A_89 = tpu.memref_slice %arg9[%dma_start3A_80, %dma_start3A_81, %dma_start3A_88] : memref<3x4x64xi32, #tpu.memory_space<vmem>> -> memref<1x1x64xi32, #tpu.memory_space<vmem>>
    %dma_start3A_90 = tpu.memref_squeeze %dma_start3A_89 : memref<1x1x64xi32, #tpu.memory_space<vmem>> -> memref<64xi32, #tpu.memory_space<vmem>>
    %dma_start3A_91 = arith.constant 0 : i32
    %dma_start3A_92 = arith.constant 0 : i32
    %dma_start3A_93 = tpu.memref_slice %arg3[%dma_start3A_91, %dma_start3A_92] : memref<10000x128xbf16, #tpu.memory_space<hbm>> -> memref<10000x128xbf16, #tpu.memory_space<hbm>>
    %dma_start3A_94 = tpu.memref_slice %arg15[%dma_start3A_83] : memref<2x!tpu.dma_semaphore, #tpu.memory_space<semaphore_mem>> -> memref<1x!tpu.dma_semaphore, #tpu.memory_space<semaphore_mem>>
    %dma_start3A_95 = tpu.memref_squeeze %dma_start3A_94 : memref<1x!tpu.dma_semaphore, #tpu.memory_space<semaphore_mem>> -> memref<!tpu.dma_semaphore, #tpu.memory_space<semaphore_mem>>
    tpu.enqueue_indirect_dma source(%dma_start3A_93 : memref<10000x128xbf16, #tpu.memory_space<hbm>>) target(%dma_start3A_87 : memref<64x128xbf16, #tpu.memory_space<vmem>>) offsets(%dma_start3A_90 : memref<64xi32, #tpu.memory_space<vmem>>) semaphore(%dma_start3A_95 : memref<!tpu.dma_semaphore, #tpu.memory_space<semaphore_mem>>)
    %dma_start3A_96 = arith.constant 0 : i32
    %dma_start3A_97 = arith.constant 2 : i32
    %dma_start3A_98 = arith.constant 1 : i32
    %dma_start3A_99 = arith.constant 1 : i32
    %dma_start3A_100 = arith.constant 0 : i32
    %dma_start3A_101 = arith.constant 0 : i32
    %dma_start3A_102 = tpu.memref_slice %arg10[%dma_start3A_98, %dma_start3A_100, %dma_start3A_101] : memref<2x64x128xbf16, #tpu.memory_space<vmem>> -> memref<1x64x128xbf16, #tpu.memory_space<vmem>>
    %dma_start3A_103 = tpu.memref_squeeze %dma_start3A_102 : memref<1x64x128xbf16, #tpu.memory_space<vmem>> -> memref<64x128xbf16, #tpu.memory_space<vmem>>
    %dma_start3A_104 = arith.constant 0 : i32
    %dma_start3A_105 = tpu.memref_slice %arg9[%dma_start3A_96, %dma_start3A_97, %dma_start3A_104] : memref<3x4x64xi32, #tpu.memory_space<vmem>> -> memref<1x1x64xi32, #tpu.memory_space<vmem>>
    %dma_start3A_106 = tpu.memref_squeeze %dma_start3A_105 : memref<1x1x64xi32, #tpu.memory_space<vmem>> -> memref<64xi32, #tpu.memory_space<vmem>>
    %dma_start3A_107 = arith.constant 0 : i32
    %dma_start3A_108 = arith.constant 0 : i32
    %dma_start3A_109 = tpu.memref_slice %arg2[%dma_start3A_107, %dma_start3A_108] : memref<10000x128xbf16, #tpu.memory_space<hbm>> -> memref<10000x128xbf16, #tpu.memory_space<hbm>>
    %dma_start3A_110 = tpu.memref_slice %arg14[%dma_start3A_99] : memref<2x!tpu.dma_semaphore, #tpu.memory_space<semaphore_mem>> -> memref<1x!tpu.dma_semaphore, #tpu.memory_space<semaphore_mem>>
    %dma_start3A_111 = tpu.memref_squeeze %dma_start3A_110 : memref<1x!tpu.dma_semaphore, #tpu.memory_space<semaphore_mem>> -> memref<!tpu.dma_semaphore, #tpu.memory_space<semaphore_mem>>
    tpu.enqueue_indirect_dma source(%dma_start3A_109 : memref<10000x128xbf16, #tpu.memory_space<hbm>>) target(%dma_start3A_103 : memref<64x128xbf16, #tpu.memory_space<vmem>>) offsets(%dma_start3A_106 : memref<64xi32, #tpu.memory_space<vmem>>) semaphore(%dma_start3A_111 : memref<!tpu.dma_semaphore, #tpu.memory_space<semaphore_mem>>)
    %dma_start3A_112 = arith.constant 0 : i32
    %dma_start3A_113 = arith.constant 3 : i32
    %dma_start3A_114 = arith.constant 1 : i32
    %dma_start3A_115 = arith.constant 1 : i32
    %dma_start3A_116 = arith.constant 0 : i32
    %dma_start3A_117 = arith.constant 0 : i32
    %dma_start3A_118 = tpu.memref_slice %arg11[%dma_start3A_114, %dma_start3A_116, %dma_start3A_117] : memref<2x64x128xbf16, #tpu.memory_space<vmem>> -> memref<1x64x128xbf16, #tpu.memory_space<vmem>>
    %dma_start3A_119 = tpu.memref_squeeze %dma_start3A_118 : memref<1x64x128xbf16, #tpu.memory_space<vmem>> -> memref<64x128xbf16, #tpu.memory_space<vmem>>
    %dma_start3A_120 = arith.constant 0 : i32
    %dma_start3A_121 = tpu.memref_slice %arg9[%dma_start3A_112, %dma_start3A_113, %dma_start3A_120] : memref<3x4x64xi32, #tpu.memory_space<vmem>> -> memref<1x1x64xi32, #tpu.memory_space<vmem>>
    %dma_start3A_122 = tpu.memref_squeeze %dma_start3A_121 : memref<1x1x64xi32, #tpu.memory_space<vmem>> -> memref<64xi32, #tpu.memory_space<vmem>>
    %dma_start3A_123 = arith.constant 0 : i32
    %dma_start3A_124 = arith.constant 0 : i32
    %dma_start3A_125 = tpu.memref_slice %arg3[%dma_start3A_123, %dma_start3A_124] : memref<10000x128xbf16, #tpu.memory_space<hbm>> -> memref<10000x128xbf16, #tpu.memory_space<hbm>>
    %dma_start3A_126 = tpu.memref_slice %arg15[%dma_start3A_115] : memref<2x!tpu.dma_semaphore, #tpu.memory_space<semaphore_mem>> -> memref<1x!tpu.dma_semaphore, #tpu.memory_space<semaphore_mem>>
    %dma_start3A_127 = tpu.memref_squeeze %dma_start3A_126 : memref<1x!tpu.dma_semaphore, #tpu.memory_space<semaphore_mem>> -> memref<!tpu.dma_semaphore, #tpu.memory_space<semaphore_mem>>
    tpu.enqueue_indirect_dma source(%dma_start3A_125 : memref<10000x128xbf16, #tpu.memory_space<hbm>>) target(%dma_start3A_119 : memref<64x128xbf16, #tpu.memory_space<vmem>>) offsets(%dma_start3A_122 : memref<64xi32, #tpu.memory_space<vmem>>) semaphore(%dma_start3A_127 : memref<!tpu.dma_semaphore, #tpu.memory_space<semaphore_mem>>)
    %scan3A_128 = arith.constant 0 : i32
    %scan3A_129 = arith.constant 0 : i32
    %scan3A_130 = arith.constant 162 : i32
    %scan3A_131 = arith.addi %scan3A_129, %scan3A_130 : i32
    %scan3A_132 = arith.constant 1 : i32
    %scan3A_133 = scf.for %scan3A_227 = %scan3A_129 to %scan3A_131 step %scan3A_132 iter_args(%scan3A_228 = %scan3A_128) -> (i32)  : i32 {
      %and3A = arith.constant 1 : i32
      %and3A_229 = arith.andi %scan3A_227, %and3A : i32
      %jit3A = arith.constant 2 : i32
      %div3A = arith.divsi %scan3A_227, %jit3A : i32
      %sign3A = arith.constant 0 : i32
      %sign3A_230 = arith.cmpi sgt, %scan3A_227, %sign3A : i32
      %sign3A_231 = arith.extui %sign3A_230 : i1 to i32
      %sign3A_232 = arith.constant 0 : i32
      %sign3A_233 = arith.cmpi slt, %scan3A_227, %sign3A_232 : i32
      %sign3A_234 = arith.extui %sign3A_233 : i1 to i32
      %sign3A_235 = arith.subi %sign3A_231, %sign3A_234 : i32
      %sign3A_236 = arith.constant 0 : i32
      %sign3A_237 = arith.cmpi sgt, %jit3A, %sign3A_236 : i32
      %sign3A_238 = arith.extui %sign3A_237 : i1 to i32
      %sign3A_239 = arith.constant 0 : i32
      %sign3A_240 = arith.cmpi slt, %jit3A, %sign3A_239 : i32
      %sign3A_241 = arith.extui %sign3A_240 : i1 to i32
      %sign3A_242 = arith.subi %sign3A_238, %sign3A_241 : i32
      %ne3A = arith.cmpi ne, %sign3A_235, %sign3A_242 : i32
      %rem3A = arith.remsi %scan3A_227, %jit3A : i32
      %ne3A_243 = arith.constant 0 : i32
      %ne3A_244 = arith.cmpi ne, %rem3A, %ne3A_243 : i32
      %and3A_245 = arith.andi %ne3A, %ne3A_244 : i1
      %sub3A = arith.constant 1 : i32
      %sub3A_246 = arith.subi %div3A, %sub3A : i32
      %select_n3A = arith.select %and3A_245, %sub3A_246, %div3A : i32
      %jit3A_247 = arith.constant 3 : i32
      %eq3A_248 = arith.constant 0 : i32
      %eq3A_249 = arith.cmpi eq, %jit3A_247, %eq3A_248 : i32
      %jit3A_250 = arith.constant 1 : i32
      %select_n3A_251 = arith.select %eq3A_249, %jit3A_250, %jit3A_247 : i32
      %rem3A_252 = arith.remsi %select_n3A, %select_n3A_251 : i32
      %ne3A_253 = arith.constant 0 : i32
      %ne3A_254 = arith.cmpi ne, %rem3A_252, %ne3A_253 : i32
      %lt3A = arith.constant 0 : i32
      %lt3A_255 = arith.cmpi slt, %rem3A_252, %lt3A : i32
      %lt3A_256 = arith.constant 0 : i32
      %lt3A_257 = arith.cmpi slt, %select_n3A_251, %lt3A_256 : i32
      %ne3A_258 = arith.xori %lt3A_255, %lt3A_257 : i1
      %and3A_259 = arith.andi %ne3A_258, %ne3A_254 : i1
      %add3A_260 = arith.addi %rem3A_252, %select_n3A_251 : i32
      %select_n3A_261 = arith.select %and3A_259, %add3A_260, %rem3A_252 : i32
      %add3A_262 = arith.constant 1 : i32
      %add3A_263 = arith.addi %select_n3A, %add3A_262 : i32
      %jit3A_264 = arith.constant 3 : i32
      %eq3A_265 = arith.constant 0 : i32
      %eq3A_266 = arith.cmpi eq, %jit3A_264, %eq3A_265 : i32
      %jit3A_267 = arith.constant 1 : i32
      %select_n3A_268 = arith.select %eq3A_266, %jit3A_267, %jit3A_264 : i32
      %rem3A_269 = arith.remsi %add3A_263, %select_n3A_268 : i32
      %ne3A_270 = arith.constant 0 : i32
      %ne3A_271 = arith.cmpi ne, %rem3A_269, %ne3A_270 : i32
      %lt3A_272 = arith.constant 0 : i32
      %lt3A_273 = arith.cmpi slt, %rem3A_269, %lt3A_272 : i32
      %lt3A_274 = arith.constant 0 : i32
      %lt3A_275 = arith.cmpi slt, %select_n3A_268, %lt3A_274 : i32
      %ne3A_276 = arith.xori %lt3A_273, %lt3A_275 : i1
      %and3A_277 = arith.andi %ne3A_276, %ne3A_271 : i1
      %add3A_278 = arith.addi %rem3A_269, %select_n3A_268 : i32
      %select_n3A_279 = arith.select %and3A_277, %add3A_278, %rem3A_269 : i32
      %mul3A_280 = arith.constant 2 : i32
      %mul3A_281 = arith.muli %and3A_229, %mul3A_280 : i32
      %mul3A_282 = arith.constant 10368 : i32
      %mul3A_283 = arith.muli %add3A, %mul3A_282 : i32
      %mul3A_284 = arith.constant 64 : i32
      %mul3A_285 = arith.muli %scan3A_227, %mul3A_284 : i32
      %add3A_286 = arith.addi %mul3A_283, %mul3A_285 : i32
      %ge3A = arith.constant 2 : i32
      %ge3A_287 = arith.cmpi sge, %scan3A_227, %ge3A : i32
      %convert_element_type3A = arith.extui %ge3A_287 : i1 to i32
      %cond3A = arith.constant 0 : i32
      %cond3A_288 = arith.cmpi ne, %convert_element_type3A, %cond3A : i32
      scf.if %cond3A_288 {
        %add3A_349 = arith.constant 1 : i32
        %add3A_350 = arith.addi %mul3A_281, %add3A_349 : i32
        %dma_wait3A_351 = arith.constant 0 : i32
        %dma_wait3A_352 = arith.constant 0 : i32
        %dma_wait3A_353 = tpu.memref_slice %arg12[%and3A_229, %dma_wait3A_351, %dma_wait3A_352] : memref<2x64x136xf32, #tpu.memory_space<vmem>> -> memref<1x64x136xf32, #tpu.memory_space<vmem>>
        %dma_wait3A_354 = tpu.memref_squeeze %dma_wait3A_353 : memref<1x64x136xf32, #tpu.memory_space<vmem>> -> memref<64x136xf32, #tpu.memory_space<vmem>>
        %dma_wait3A_355 = arith.constant 0 : i32
        %dma_wait3A_356 = tpu.memref_slice %arg9[%select_n3A_261, %add3A_350, %dma_wait3A_355] : memref<3x4x64xi32, #tpu.memory_space<vmem>> -> memref<1x1x64xi32, #tpu.memory_space<vmem>>
        %dma_wait3A_357 = tpu.memref_squeeze %dma_wait3A_356 : memref<1x1x64xi32, #tpu.memory_space<vmem>> -> memref<64xi32, #tpu.memory_space<vmem>>
        %dma_wait3A_358 = arith.constant 0 : i32
        %dma_wait3A_359 = arith.constant 0 : i32
        %dma_wait3A_360 = tpu.memref_slice %arg13[%dma_wait3A_358, %dma_wait3A_359] : memref<10000x136xf32, #tpu.memory_space<vmem_shared>> -> memref<10000x136xf32, #tpu.memory_space<vmem_shared>>
        %dma_wait3A_361 = tpu.memref_slice %arg16[%and3A_229] : memref<2x!tpu.dma_semaphore, #tpu.memory_space<semaphore_mem>> -> memref<1x!tpu.dma_semaphore, #tpu.memory_space<semaphore_mem>>
        %dma_wait3A_362 = tpu.memref_squeeze %dma_wait3A_361 : memref<1x!tpu.dma_semaphore, #tpu.memory_space<semaphore_mem>> -> memref<!tpu.dma_semaphore, #tpu.memory_space<semaphore_mem>>
        tpu.wait_indirect_dma semaphore(%dma_wait3A_362 : memref<!tpu.dma_semaphore, #tpu.memory_space<semaphore_mem>>) src(%dma_wait3A_354 : memref<64x136xf32, #tpu.memory_space<vmem>>) dst(%dma_wait3A_360 : memref<10000x136xf32, #tpu.memory_space<vmem_shared>>)
      } else {
      }
      %dma_wait3A_289 = arith.constant 0 : i32
      %dma_wait3A_290 = arith.constant 0 : i32
      %dma_wait3A_291 = tpu.memref_slice %arg10[%and3A_229, %dma_wait3A_289, %dma_wait3A_290] : memref<2x64x128xbf16, #tpu.memory_space<vmem>> -> memref<1x64x128xbf16, #tpu.memory_space<vmem>>
      %dma_wait3A_292 = tpu.memref_squeeze %dma_wait3A_291 : memref<1x64x128xbf16, #tpu.memory_space<vmem>> -> memref<64x128xbf16, #tpu.memory_space<vmem>>
      %dma_wait3A_293 = arith.constant 0 : i32
      %dma_wait3A_294 = tpu.memref_slice %arg9[%select_n3A_261, %mul3A_281, %dma_wait3A_293] : memref<3x4x64xi32, #tpu.memory_space<vmem>> -> memref<1x1x64xi32, #tpu.memory_space<vmem>>
      %dma_wait3A_295 = tpu.memref_squeeze %dma_wait3A_294 : memref<1x1x64xi32, #tpu.memory_space<vmem>> -> memref<64xi32, #tpu.memory_space<vmem>>
      %dma_wait3A_296 = arith.constant 0 : i32
      %dma_wait3A_297 = arith.constant 0 : i32
      %dma_wait3A_298 = tpu.memref_slice %arg2[%dma_wait3A_296, %dma_wait3A_297] : memref<10000x128xbf16, #tpu.memory_space<hbm>> -> memref<10000x128xbf16, #tpu.memory_space<hbm>>
      %dma_wait3A_299 = tpu.memref_slice %arg14[%and3A_229] : memref<2x!tpu.dma_semaphore, #tpu.memory_space<semaphore_mem>> -> memref<1x!tpu.dma_semaphore, #tpu.memory_space<semaphore_mem>>
      %dma_wait3A_300 = tpu.memref_squeeze %dma_wait3A_299 : memref<1x!tpu.dma_semaphore, #tpu.memory_space<semaphore_mem>> -> memref<!tpu.dma_semaphore, #tpu.memory_space<semaphore_mem>>
      tpu.wait_indirect_dma semaphore(%dma_wait3A_300 : memref<!tpu.dma_semaphore, #tpu.memory_space<semaphore_mem>>) src(%dma_wait3A_298 : memref<10000x128xbf16, #tpu.memory_space<hbm>>) dst(%dma_wait3A_292 : memref<64x128xbf16, #tpu.memory_space<vmem>>)
      %add3A_301 = arith.constant 1 : i32
      %add3A_302 = arith.addi %mul3A_281, %add3A_301 : i32
      %dma_wait3A_303 = arith.constant 0 : i32
      %dma_wait3A_304 = arith.constant 0 : i32
      %dma_wait3A_305 = tpu.memref_slice %arg11[%and3A_229, %dma_wait3A_303, %dma_wait3A_304] : memref<2x64x128xbf16, #tpu.memory_space<vmem>> -> memref<1x64x128xbf16, #tpu.memory_space<vmem>>
      %dma_wait3A_306 = tpu.memref_squeeze %dma_wait3A_305 : memref<1x64x128xbf16, #tpu.memory_space<vmem>> -> memref<64x128xbf16, #tpu.memory_space<vmem>>
      %dma_wait3A_307 = arith.constant 0 : i32
      %dma_wait3A_308 = tpu.memref_slice %arg9[%select_n3A_261, %add3A_302, %dma_wait3A_307] : memref<3x4x64xi32, #tpu.memory_space<vmem>> -> memref<1x1x64xi32, #tpu.memory_space<vmem>>
      %dma_wait3A_309 = tpu.memref_squeeze %dma_wait3A_308 : memref<1x1x64xi32, #tpu.memory_space<vmem>> -> memref<64xi32, #tpu.memory_space<vmem>>
      %dma_wait3A_310 = arith.constant 0 : i32
      %dma_wait3A_311 = arith.constant 0 : i32
      %dma_wait3A_312 = tpu.memref_slice %arg3[%dma_wait3A_310, %dma_wait3A_311] : memref<10000x128xbf16, #tpu.memory_space<hbm>> -> memref<10000x128xbf16, #tpu.memory_space<hbm>>
      %dma_wait3A_313 = tpu.memref_slice %arg15[%and3A_229] : memref<2x!tpu.dma_semaphore, #tpu.memory_space<semaphore_mem>> -> memref<1x!tpu.dma_semaphore, #tpu.memory_space<semaphore_mem>>
      %dma_wait3A_314 = tpu.memref_squeeze %dma_wait3A_313 : memref<1x!tpu.dma_semaphore, #tpu.memory_space<semaphore_mem>> -> memref<!tpu.dma_semaphore, #tpu.memory_space<semaphore_mem>>
      tpu.wait_indirect_dma semaphore(%dma_wait3A_314 : memref<!tpu.dma_semaphore, #tpu.memory_space<semaphore_mem>>) src(%dma_wait3A_312 : memref<10000x128xbf16, #tpu.memory_space<hbm>>) dst(%dma_wait3A_306 : memref<64x128xbf16, #tpu.memory_space<vmem>>)
      %parallel_loop3A = arith.constant 0 : i32
      %parallel_loop3A_315 = arith.constant 64 : i32
      %parallel_loop3A_316 = arith.constant 1 : i32
      scf.for %parallel_loop3A_349 = %parallel_loop3A to %parallel_loop3A_315 step %parallel_loop3A_316  : i32 {
        %parallel_loop3A_350 = arith.index_cast %and3A_229 : i32 to index
        %parallel_loop3A_351 = arith.index_cast %parallel_loop3A_349 : i32 to index
        %parallel_loop3A_352 = arith.constant 0 : index
        %parallel_loop3A_353 = tpu.vector_load %arg10[%parallel_loop3A_350, %parallel_loop3A_351, %parallel_loop3A_352] {strides = array<i32>} : memref<2x64x128xbf16, #tpu.memory_space<vmem>>, vector<32xbf16>,
        %parallel_loop3A_354 = arith.index_cast %and3A_229 : i32 to index
        %parallel_loop3A_355 = arith.index_cast %parallel_loop3A_349 : i32 to index
        %parallel_loop3A_356 = arith.constant 32 : index
        %parallel_loop3A_357 = tpu.vector_load %arg10[%parallel_loop3A_354, %parallel_loop3A_355, %parallel_loop3A_356] {strides = array<i32>} : memref<2x64x128xbf16, #tpu.memory_space<vmem>>, vector<32xbf16>,
        %parallel_loop3A_358 = arith.index_cast %and3A_229 : i32 to index
        %parallel_loop3A_359 = arith.index_cast %parallel_loop3A_349 : i32 to index
        %parallel_loop3A_360 = arith.constant 64 : index
        %parallel_loop3A_361 = tpu.vector_load %arg10[%parallel_loop3A_358, %parallel_loop3A_359, %parallel_loop3A_360] {strides = array<i32>} : memref<2x64x128xbf16, #tpu.memory_space<vmem>>, vector<32xbf16>,
        %parallel_loop3A_362 = arith.index_cast %and3A_229 : i32 to index
        %parallel_loop3A_363 = arith.index_cast %parallel_loop3A_349 : i32 to index
        %parallel_loop3A_364 = arith.constant 96 : index
        %parallel_loop3A_365 = tpu.vector_load %arg10[%parallel_loop3A_362, %parallel_loop3A_363, %parallel_loop3A_364] {strides = array<i32>} : memref<2x64x128xbf16, #tpu.memory_space<vmem>>, vector<32xbf16>,
        %parallel_loop3A_366 = arith.index_cast %and3A_229 : i32 to index
        %parallel_loop3A_367 = arith.index_cast %parallel_loop3A_349 : i32 to index
        %parallel_loop3A_368 = arith.constant 0 : index
        %parallel_loop3A_369 = tpu.vector_load %arg11[%parallel_loop3A_366, %parallel_loop3A_367, %parallel_loop3A_368] {strides = array<i32>} : memref<2x64x128xbf16, #tpu.memory_space<vmem>>, vector<32xbf16>,
        %parallel_loop3A_370 = arith.addf %parallel_loop3A_353, %parallel_loop3A_369 : vector<32xbf16>
        %parallel_loop3A_371 = arith.constant 2.001950e-01 : bf16
        %parallel_loop3A_372 = vector.broadcast %parallel_loop3A_371 : bf16 to vector<32xbf16>
        %parallel_loop3A_373 = arith.mulf %parallel_loop3A_370, %parallel_loop3A_372 : vector<32xbf16>
        %parallel_loop3A_374 = arith.maximumf %parallel_loop3A_370, %parallel_loop3A_373 : vector<32xbf16>
        %parallel_loop3A_375 = arith.mulf %parallel_loop3A_374, %get3A_53 : vector<32xbf16>
        %parallel_loop3A_376 = tpu.unpack_subelements %parallel_loop3A_375, 0 {pack_format = #tpu.pack_format<interleaved>} : vector<32xbf16> -> vector<16xf32>
        %parallel_loop3A_377 = tpu.unpack_subelements %parallel_loop3A_375, 1 {pack_format = #tpu.pack_format<interleaved>} : vector<32xbf16> -> vector<16xf32>
        %parallel_loop3A_378 = arith.addf %broadcast_in_dim3A_1, %parallel_loop3A_376 : vector<16xf32>
        %parallel_loop3A_379 = arith.addf %parallel_loop3A_378, %parallel_loop3A_377 : vector<16xf32>
        %parallel_loop3A_380 = arith.index_cast %and3A_229 : i32 to index
        %parallel_loop3A_381 = arith.index_cast %parallel_loop3A_349 : i32 to index
        %parallel_loop3A_382 = arith.constant 32 : index
        %parallel_loop3A_383 = tpu.vector_load %arg11[%parallel_loop3A_380, %parallel_loop3A_381, %parallel_loop3A_382] {strides = array<i32>} : memref<2x64x128xbf16, #tpu.memory_space<vmem>>, vector<32xbf16>,
        %parallel_loop3A_384 = arith.addf %parallel_loop3A_357, %parallel_loop3A_383 : vector<32xbf16>
        %parallel_loop3A_385 = arith.constant 2.001950e-01 : bf16
        %parallel_loop3A_386 = vector.broadcast %parallel_loop3A_385 : bf16 to vector<32xbf16>
        %parallel_loop3A_387 = arith.mulf %parallel_loop3A_384, %parallel_loop3A_386 : vector<32xbf16>
        %parallel_loop3A_388 = arith.maximumf %parallel_loop3A_384, %parallel_loop3A_387 : vector<32xbf16>
        %parallel_loop3A_389 = arith.mulf %parallel_loop3A_388, %get3A_55 : vector<32xbf16>
        %parallel_loop3A_390 = tpu.unpack_subelements %parallel_loop3A_389, 0 {pack_format = #tpu.pack_format<interleaved>} : vector<32xbf16> -> vector<16xf32>
        %parallel_loop3A_391 = tpu.unpack_subelements %parallel_loop3A_389, 1 {pack_format = #tpu.pack_format<interleaved>} : vector<32xbf16> -> vector<16xf32>
        %parallel_loop3A_392 = arith.addf %parallel_loop3A_379, %parallel_loop3A_390 : vector<16xf32>
        %parallel_loop3A_393 = arith.addf %parallel_loop3A_392, %parallel_loop3A_391 : vector<16xf32>
        %parallel_loop3A_394 = arith.index_cast %and3A_229 : i32 to index
        %parallel_loop3A_395 = arith.index_cast %parallel_loop3A_349 : i32 to index
        %parallel_loop3A_396 = arith.constant 64 : index
        %parallel_loop3A_397 = tpu.vector_load %arg11[%parallel_loop3A_394, %parallel_loop3A_395, %parallel_loop3A_396] {strides = array<i32>} : memref<2x64x128xbf16, #tpu.memory_space<vmem>>, vector<32xbf16>,
        %parallel_loop3A_398 = arith.addf %parallel_loop3A_361, %parallel_loop3A_397 : vector<32xbf16>
        %parallel_loop3A_399 = arith.constant 2.001950e-01 : bf16
        %parallel_loop3A_400 = vector.broadcast %parallel_loop3A_399 : bf16 to vector<32xbf16>
        %parallel_loop3A_401 = arith.mulf %parallel_loop3A_398, %parallel_loop3A_400 : vector<32xbf16>
        %parallel_loop3A_402 = arith.maximumf %parallel_loop3A_398, %parallel_loop3A_401 : vector<32xbf16>
        %parallel_loop3A_403 = arith.mulf %parallel_loop3A_402, %get3A_57 : vector<32xbf16>
        %parallel_loop3A_404 = tpu.unpack_subelements %parallel_loop3A_403, 0 {pack_format = #tpu.pack_format<interleaved>} : vector<32xbf16> -> vector<16xf32>
        %parallel_loop3A_405 = tpu.unpack_subelements %parallel_loop3A_403, 1 {pack_format = #tpu.pack_format<interleaved>} : vector<32xbf16> -> vector<16xf32>
        %parallel_loop3A_406 = arith.addf %parallel_loop3A_393, %parallel_loop3A_404 : vector<16xf32>
        %parallel_loop3A_407 = arith.addf %parallel_loop3A_406, %parallel_loop3A_405 : vector<16xf32>
        %parallel_loop3A_408 = arith.index_cast %and3A_229 : i32 to index
        %parallel_loop3A_409 = arith.index_cast %parallel_loop3A_349 : i32 to index
        %parallel_loop3A_410 = arith.constant 96 : index
        %parallel_loop3A_411 = tpu.vector_load %arg11[%parallel_loop3A_408, %parallel_loop3A_409, %parallel_loop3A_410] {strides = array<i32>} : memref<2x64x128xbf16, #tpu.memory_space<vmem>>, vector<32xbf16>,
        %parallel_loop3A_412 = arith.addf %parallel_loop3A_365, %parallel_loop3A_411 : vector<32xbf16>
        %parallel_loop3A_413 = arith.constant 2.001950e-01 : bf16
        %parallel_loop3A_414 = vector.broadcast %parallel_loop3A_413 : bf16 to vector<32xbf16>
        %parallel_loop3A_415 = arith.mulf %parallel_loop3A_412, %parallel_loop3A_414 : vector<32xbf16>
        %parallel_loop3A_416 = arith.maximumf %parallel_loop3A_412, %parallel_loop3A_415 : vector<32xbf16>
        %parallel_loop3A_417 = arith.mulf %parallel_loop3A_416, %get3A_59 : vector<32xbf16>
        %parallel_loop3A_418 = tpu.unpack_subelements %parallel_loop3A_417, 0 {pack_format = #tpu.pack_format<interleaved>} : vector<32xbf16> -> vector<16xf32>
        %parallel_loop3A_419 = tpu.unpack_subelements %parallel_loop3A_417, 1 {pack_format = #tpu.pack_format<interleaved>} : vector<32xbf16> -> vector<16xf32>
        %parallel_loop3A_420 = arith.addf %parallel_loop3A_407, %parallel_loop3A_418 : vector<16xf32>
        %parallel_loop3A_421 = arith.addf %parallel_loop3A_420, %parallel_loop3A_419 : vector<16xf32>
        %parallel_loop3A_422 = vector.shape_cast %xor3A_43 : vector<16xi32> to vector<16x1xi32>
        %parallel_loop3A_423 = vector.shape_cast %parallel_loop3A_422 : vector<16x1xi32> to vector<16xi32>
        %parallel_loop3A_424 = tpu.dynamic_gather %parallel_loop3A_421[%parallel_loop3A_423] in [0] : vector<16xf32>, vector<16xi32> -> vector<16xf32>
        %parallel_loop3A_425 = arith.addf %parallel_loop3A_421, %parallel_loop3A_424 : vector<16xf32>
        %parallel_loop3A_426 = vector.shape_cast %xor3A_46 : vector<16xi32> to vector<16x1xi32>
        %parallel_loop3A_427 = vector.shape_cast %parallel_loop3A_426 : vector<16x1xi32> to vector<16xi32>
        %parallel_loop3A_428 = tpu.dynamic_gather %parallel_loop3A_425[%parallel_loop3A_427] in [0] : vector<16xf32>, vector<16xi32> -> vector<16xf32>
        %parallel_loop3A_429 = arith.addf %parallel_loop3A_425, %parallel_loop3A_428 : vector<16xf32>
        %parallel_loop3A_430 = vector.shape_cast %xor3A_49 : vector<16xi32> to vector<16x1xi32>
        %parallel_loop3A_431 = vector.shape_cast %parallel_loop3A_430 : vector<16x1xi32> to vector<16xi32>
        %parallel_loop3A_432 = tpu.dynamic_gather %parallel_loop3A_429[%parallel_loop3A_431] in [0] : vector<16xf32>, vector<16xi32> -> vector<16xf32>
        %parallel_loop3A_433 = arith.addf %parallel_loop3A_429, %parallel_loop3A_432 : vector<16xf32>
        %parallel_loop3A_434 = vector.shape_cast %xor3A_52 : vector<16xi32> to vector<16x1xi32>
        %parallel_loop3A_435 = vector.shape_cast %parallel_loop3A_434 : vector<16x1xi32> to vector<16xi32>
        %parallel_loop3A_436 = tpu.dynamic_gather %parallel_loop3A_433[%parallel_loop3A_435] in [0] : vector<16xf32>, vector<16xi32> -> vector<16xf32>
        %parallel_loop3A_437 = arith.addf %parallel_loop3A_433, %parallel_loop3A_436 : vector<16xf32>
        %parallel_loop3A_438 = math.exp %parallel_loop3A_437 : vector<16xf32>
        %parallel_loop3A_439 = arith.addi %add3A_286, %parallel_loop3A_349 : i32
        %parallel_loop3A_440 = arith.constant 330000 : i32
        %parallel_loop3A_441 = arith.cmpi slt, %parallel_loop3A_439, %parallel_loop3A_440 : i32
        %parallel_loop3A_442 = arith.constant 0.000000e+00 : f32
        %parallel_loop3A_443 = vector.broadcast %parallel_loop3A_442 : f32 to vector<16xf32>
        %parallel_loop3A_444 = arith.select %parallel_loop3A_441, %parallel_loop3A_438, %parallel_loop3A_443 : vector<16xf32>
        %parallel_loop3A_445 = arith.constant 8 : i32
        %parallel_loop3A_446 = vector.broadcast %parallel_loop3A_445 : i32 to vector<16xi32>
        %parallel_loop3A_447 = arith.cmpi eq, %iota3A, %parallel_loop3A_446 : vector<16xi32>
        %parallel_loop3A_448 = arith.constant 0.000000e+00 : f32
        %parallel_loop3A_449 = vector.broadcast %parallel_loop3A_448 : f32 to vector<16xf32>
        %parallel_loop3A_450 = arith.select %parallel_loop3A_447, %parallel_loop3A_444, %parallel_loop3A_449 : vector<16xi1>, vector<16xf32>
        %parallel_loop3A_451 = arith.index_cast %and3A_229 : i32 to index
        %parallel_loop3A_452 = arith.index_cast %parallel_loop3A_349 : i32 to index
        %parallel_loop3A_453 = arith.constant 120 : index
        %parallel_loop3A_454 = tpu.vector_load %arg12[%parallel_loop3A_451, %parallel_loop3A_452, %parallel_loop3A_453] {strides = array<i32>} : memref<2x64x136xf32, #tpu.memory_space<vmem>>, vector<16xf32>,
        tpu.vector_store %arg12[%parallel_loop3A_451, %parallel_loop3A_452, %parallel_loop3A_453], %parallel_loop3A_450 {strides = array<i32>} : memref<2x64x136xf32, #tpu.memory_space<vmem>>, vector<16xf32>,
        %parallel_loop3A_455 = tpu.unpack_subelements %parallel_loop3A_353, 0 {pack_format = #tpu.pack_format<interleaved>} : vector<32xbf16> -> vector<16xf32>
        %parallel_loop3A_456 = tpu.unpack_subelements %parallel_loop3A_353, 1 {pack_format = #tpu.pack_format<interleaved>} : vector<32xbf16> -> vector<16xf32>
        %parallel_loop3A_457 = arith.mulf %parallel_loop3A_455, %parallel_loop3A_444 : vector<16xf32>
        %parallel_loop3A_458 = arith.index_cast %and3A_229 : i32 to index
        %parallel_loop3A_459 = arith.index_cast %parallel_loop3A_349 : i32 to index
        %parallel_loop3A_460 = arith.constant 0 : index
        %parallel_loop3A_461 = tpu.vector_load %arg12[%parallel_loop3A_458, %parallel_loop3A_459, %parallel_loop3A_460] {strides = array<i32>} : memref<2x64x136xf32, #tpu.memory_space<vmem>>, vector<16xf32>,
        tpu.vector_store %arg12[%parallel_loop3A_458, %parallel_loop3A_459, %parallel_loop3A_460], %parallel_loop3A_457 {strides = array<i32>} : memref<2x64x136xf32, #tpu.memory_space<vmem>>, vector<16xf32>,
        %parallel_loop3A_462 = arith.mulf %parallel_loop3A_456, %parallel_loop3A_444 : vector<16xf32>
        %parallel_loop3A_463 = arith.index_cast %and3A_229 : i32 to index
        %parallel_loop3A_464 = arith.index_cast %parallel_loop3A_349 : i32 to index
        %parallel_loop3A_465 = arith.constant 16 : index
        %parallel_loop3A_466 = tpu.vector_load %arg12[%parallel_loop3A_463, %parallel_loop3A_464, %parallel_loop3A_465] {strides = array<i32>} : memref<2x64x136xf32, #tpu.memory_space<vmem>>, vector<16xf32>,
        tpu.vector_store %arg12[%parallel_loop3A_463, %parallel_loop3A_464, %parallel_loop3A_465], %parallel_loop3A_462 {strides = array<i32>} : memref<2x64x136xf32, #tpu.memory_space<vmem>>, vector<16xf32>,
        %parallel_loop3A_467 = tpu.unpack_subelements %parallel_loop3A_357, 0 {pack_format = #tpu.pack_format<interleaved>} : vector<32xbf16> -> vector<16xf32>
        %parallel_loop3A_468 = tpu.unpack_subelements %parallel_loop3A_357, 1 {pack_format = #tpu.pack_format<interleaved>} : vector<32xbf16> -> vector<16xf32>
        %parallel_loop3A_469 = arith.mulf %parallel_loop3A_467, %parallel_loop3A_444 : vector<16xf32>
        %parallel_loop3A_470 = arith.index_cast %and3A_229 : i32 to index
        %parallel_loop3A_471 = arith.index_cast %parallel_loop3A_349 : i32 to index
        %parallel_loop3A_472 = arith.constant 32 : index
        %parallel_loop3A_473 = tpu.vector_load %arg12[%parallel_loop3A_470, %parallel_loop3A_471, %parallel_loop3A_472] {strides = array<i32>} : memref<2x64x136xf32, #tpu.memory_space<vmem>>, vector<16xf32>,
        tpu.vector_store %arg12[%parallel_loop3A_470, %parallel_loop3A_471, %parallel_loop3A_472], %parallel_loop3A_469 {strides = array<i32>} : memref<2x64x136xf32, #tpu.memory_space<vmem>>, vector<16xf32>,
        %parallel_loop3A_474 = arith.mulf %parallel_loop3A_468, %parallel_loop3A_444 : vector<16xf32>
        %parallel_loop3A_475 = arith.index_cast %and3A_229 : i32 to index
        %parallel_loop3A_476 = arith.index_cast %parallel_loop3A_349 : i32 to index
        %parallel_loop3A_477 = arith.constant 48 : index
        %parallel_loop3A_478 = tpu.vector_load %arg12[%parallel_loop3A_475, %parallel_loop3A_476, %parallel_loop3A_477] {strides = array<i32>} : memref<2x64x136xf32, #tpu.memory_space<vmem>>, vector<16xf32>,
        tpu.vector_store %arg12[%parallel_loop3A_475, %parallel_loop3A_476, %parallel_loop3A_477], %parallel_loop3A_474 {strides = array<i32>} : memref<2x64x136xf32, #tpu.memory_space<vmem>>, vector<16xf32>,
        %parallel_loop3A_479 = tpu.unpack_subelements %parallel_loop3A_361, 0 {pack_format = #tpu.pack_format<interleaved>} : vector<32xbf16> -> vector<16xf32>
        %parallel_loop3A_480 = tpu.unpack_subelements %parallel_loop3A_361, 1 {pack_format = #tpu.pack_format<interleaved>} : vector<32xbf16> -> vector<16xf32>
        %parallel_loop3A_481 = arith.mulf %parallel_loop3A_479, %parallel_loop3A_444 : vector<16xf32>
        %parallel_loop3A_482 = arith.index_cast %and3A_229 : i32 to index
        %parallel_loop3A_483 = arith.index_cast %parallel_loop3A_349 : i32 to index
        %parallel_loop3A_484 = arith.constant 64 : index
        %parallel_loop3A_485 = tpu.vector_load %arg12[%parallel_loop3A_482, %parallel_loop3A_483, %parallel_loop3A_484] {strides = array<i32>} : memref<2x64x136xf32, #tpu.memory_space<vmem>>, vector<16xf32>,
        tpu.vector_store %arg12[%parallel_loop3A_482, %parallel_loop3A_483, %parallel_loop3A_484], %parallel_loop3A_481 {strides = array<i32>} : memref<2x64x136xf32, #tpu.memory_space<vmem>>, vector<16xf32>,
        %parallel_loop3A_486 = arith.mulf %parallel_loop3A_480, %parallel_loop3A_444 : vector<16xf32>
        %parallel_loop3A_487 = arith.index_cast %and3A_229 : i32 to index
        %parallel_loop3A_488 = arith.index_cast %parallel_loop3A_349 : i32 to index
        %parallel_loop3A_489 = arith.constant 80 : index
        %parallel_loop3A_490 = tpu.vector_load %arg12[%parallel_loop3A_487, %parallel_loop3A_488, %parallel_loop3A_489] {strides = array<i32>} : memref<2x64x136xf32, #tpu.memory_space<vmem>>, vector<16xf32>,
        tpu.vector_store %arg12[%parallel_loop3A_487, %parallel_loop3A_488, %parallel_loop3A_489], %parallel_loop3A_486 {strides = array<i32>} : memref<2x64x136xf32, #tpu.memory_space<vmem>>, vector<16xf32>,
        %parallel_loop3A_491 = tpu.unpack_subelements %parallel_loop3A_365, 0 {pack_format = #tpu.pack_format<interleaved>} : vector<32xbf16> -> vector<16xf32>
        %parallel_loop3A_492 = tpu.unpack_subelements %parallel_loop3A_365, 1 {pack_format = #tpu.pack_format<interleaved>} : vector<32xbf16> -> vector<16xf32>
        %parallel_loop3A_493 = arith.mulf %parallel_loop3A_491, %parallel_loop3A_444 : vector<16xf32>
        %parallel_loop3A_494 = arith.index_cast %and3A_229 : i32 to index
        %parallel_loop3A_495 = arith.index_cast %parallel_loop3A_349 : i32 to index
        %parallel_loop3A_496 = arith.constant 96 : index
        %parallel_loop3A_497 = tpu.vector_load %arg12[%parallel_loop3A_494, %parallel_loop3A_495, %parallel_loop3A_496] {strides = array<i32>} : memref<2x64x136xf32, #tpu.memory_space<vmem>>, vector<16xf32>,
        tpu.vector_store %arg12[%parallel_loop3A_494, %parallel_loop3A_495, %parallel_loop3A_496], %parallel_loop3A_493 {strides = array<i32>} : memref<2x64x136xf32, #tpu.memory_space<vmem>>, vector<16xf32>,
        %parallel_loop3A_498 = arith.mulf %parallel_loop3A_492, %parallel_loop3A_444 : vector<16xf32>
        %parallel_loop3A_499 = arith.index_cast %and3A_229 : i32 to index
        %parallel_loop3A_500 = arith.index_cast %parallel_loop3A_349 : i32 to index
        %parallel_loop3A_501 = arith.constant 112 : index
        %parallel_loop3A_502 = tpu.vector_load %arg12[%parallel_loop3A_499, %parallel_loop3A_500, %parallel_loop3A_501] {strides = array<i32>} : memref<2x64x136xf32, #tpu.memory_space<vmem>>, vector<16xf32>,
        tpu.vector_store %arg12[%parallel_loop3A_499, %parallel_loop3A_500, %parallel_loop3A_501], %parallel_loop3A_498 {strides = array<i32>} : memref<2x64x136xf32, #tpu.memory_space<vmem>>, vector<16xf32>,
      } {sc.loop_unroll_factor = 8 : i64, sc.parallel_access}
      %eq3A_317 = arith.constant 0 : i32
      %eq3A_318 = arith.cmpi eq, %and3A_229, %eq3A_317 : i32
      %add3A_319 = arith.constant 2 : i32
      %add3A_320 = arith.addi %scan3A_227, %add3A_319 : i32
      %lt3A_321 = arith.constant 162 : i32
      %lt3A_322 = arith.cmpi slt, %add3A_320, %lt3A_321 : i32
      %and3A_323 = arith.andi %eq3A_318, %lt3A_322 : i1
      %convert_element_type3A_324 = arith.extui %and3A_323 : i1 to i32
      %cond3A_325 = arith.constant 0 : i32
      %cond3A_326 = arith.cmpi ne, %convert_element_type3A_324, %cond3A_325 : i32
      scf.if %cond3A_326 {
        %add3A_349 = arith.constant 1 : i32
        %add3A_350 = arith.addi %select_n3A, %add3A_349 : i32
        %mul3A_351 = arith.constant 4 : i32
        %mul3A_352 = arith.muli %add3A_350, %mul3A_351 : i32
        %add3A_353 = arith.addi %mul3A_63, %mul3A_352 : i32
        "tpu.region"() ({
          %run_scoped3A_354 = tpu.sem_alloc : memref<!tpu.dma_semaphore, #tpu.memory_space<semaphore_mem>>
          %dma_start3A_355 = arith.constant 0 : i32
          %dma_start3A_356 = arith.constant 0 : i32
          %dma_start3A_357 = tpu.memref_slice %arg9[%select_n3A_279, %dma_start3A_355, %dma_start3A_356] : memref<3x4x64xi32, #tpu.memory_space<vmem>> -> memref<1x4x64xi32, #tpu.memory_space<vmem>>
          %dma_start3A_358 = tpu.memref_squeeze %dma_start3A_357 : memref<1x4x64xi32, #tpu.memory_space<vmem>> -> memref<4x64xi32, #tpu.memory_space<vmem>>
          %dma_start3A_359 = arith.constant 0 : i32
          %dma_start3A_360 = tpu.memref_slice %arg4[%add3A_353, %dma_start3A_359] : memref<10368x64xi32, #tpu.memory_space<hbm>> -> memref<4x64xi32, #tpu.memory_space<hbm>>
          %dma_start3A_361 = arith.constant 0 : i32
          %dma_start3A_362 = arith.constant 0 : i32
          %dma_start3A_363 = tpu.memref_slice %arg9[%select_n3A_279, %dma_start3A_361, %dma_start3A_362] : memref<3x4x64xi32, #tpu.memory_space<vmem>> -> memref<1x4x64xi32, #tpu.memory_space<vmem>>
          %dma_start3A_364 = tpu.memref_squeeze %dma_start3A_363 : memref<1x4x64xi32, #tpu.memory_space<vmem>> -> memref<4x64xi32, #tpu.memory_space<vmem>>
          %dma_start3A_365 = arith.constant 0 : i32
          %dma_start3A_366 = tpu.memref_slice %arg4[%add3A_353, %dma_start3A_365] : memref<10368x64xi32, #tpu.memory_space<hbm>> -> memref<4x64xi32, #tpu.memory_space<hbm>>
          tpu.enqueue_dma source(%dma_start3A_366 : memref<4x64xi32, #tpu.memory_space<hbm>>) target(%dma_start3A_364 : memref<4x64xi32, #tpu.memory_space<vmem>>) target_semaphore(%run_scoped3A_354 : memref<!tpu.dma_semaphore, #tpu.memory_space<semaphore_mem>>)
          %dma_wait3A_367 = arith.constant 0 : i32
          %dma_wait3A_368 = arith.constant 0 : i32
          %dma_wait3A_369 = tpu.memref_slice %arg9[%select_n3A_279, %dma_wait3A_367, %dma_wait3A_368] : memref<3x4x64xi32, #tpu.memory_space<vmem>> -> memref<1x4x64xi32, #tpu.memory_space<vmem>>
          %dma_wait3A_370 = tpu.memref_squeeze %dma_wait3A_369 : memref<1x4x64xi32, #tpu.memory_space<vmem>> -> memref<4x64xi32, #tpu.memory_space<vmem>>
          %dma_wait3A_371 = arith.constant 0 : i32
          %dma_wait3A_372 = tpu.memref_slice %arg4[%add3A_353, %dma_wait3A_371] : memref<10368x64xi32, #tpu.memory_space<hbm>> -> memref<4x64xi32, #tpu.memory_space<hbm>>
          %dma_wait3A_373 = arith.constant 0 : i32
          %dma_wait3A_374 = arith.constant 0 : i32
          %dma_wait3A_375 = tpu.memref_slice %arg9[%select_n3A_279, %dma_wait3A_373, %dma_wait3A_374] : memref<3x4x64xi32, #tpu.memory_space<vmem>> -> memref<1x4x64xi32, #tpu.memory_space<vmem>>
          %dma_wait3A_376 = tpu.memref_squeeze %dma_wait3A_375 : memref<1x4x64xi32, #tpu.memory_space<vmem>> -> memref<4x64xi32, #tpu.memory_space<vmem>>
          %dma_wait3A_377 = arith.constant 0 : i32
          %dma_wait3A_378 = tpu.memref_slice %arg4[%add3A_353, %dma_wait3A_377] : memref<10368x64xi32, #tpu.memory_space<hbm>> -> memref<4x64xi32, #tpu.memory_space<hbm>>
          tpu.wait_dma2 semaphore(%run_scoped3A_354 : memref<!tpu.dma_semaphore, #tpu.memory_space<semaphore_mem>>) src(%dma_wait3A_378 : memref<4x64xi32, #tpu.memory_space<hbm>>) dst(%dma_wait3A_376 : memref<4x64xi32, #tpu.memory_space<vmem>>)
          tpu.yield
        }) : () -> ()
      } else {
      }
      %add3A_327 = arith.constant 2 : i32
      %add3A_328 = arith.addi %scan3A_227, %add3A_327 : i32
      %lt3A_329 = arith.constant 162 : i32
      %lt3A_330 = arith.cmpi slt, %add3A_328, %lt3A_329 : i32
      %convert_element_type3A_331 = arith.extui %lt3A_330 : i1 to i32
      %cond3A_332 = arith.constant 0 : i32
      %cond3A_333 = arith.cmpi ne, %convert_element_type3A_331, %cond3A_332 : i32
      scf.if %cond3A_333 {
        %add3A_349 = arith.constant 2 : i32
        %add3A_350 = arith.addi %scan3A_227, %add3A_349 : i32
        %mul3A_351 = arith.constant 2 : i32
        %mul3A_352 = arith.muli %and3A_229, %mul3A_351 : i32
        %dma_start3A_353 = arith.constant 0 : i32
        %dma_start3A_354 = arith.constant 0 : i32
        %dma_start3A_355 = tpu.memref_slice %arg10[%and3A_229, %dma_start3A_353, %dma_start3A_354] : memref<2x64x128xbf16, #tpu.memory_space<vmem>> -> memref<1x64x128xbf16, #tpu.memory_space<vmem>>
        %dma_start3A_356 = tpu.memref_squeeze %dma_start3A_355 : memref<1x64x128xbf16, #tpu.memory_space<vmem>> -> memref<64x128xbf16, #tpu.memory_space<vmem>>
        %dma_start3A_357 = arith.constant 0 : i32
        %dma_start3A_358 = tpu.memref_slice %arg9[%select_n3A_279, %mul3A_352, %dma_start3A_357] : memref<3x4x64xi32, #tpu.memory_space<vmem>> -> memref<1x1x64xi32, #tpu.memory_space<vmem>>
        %dma_start3A_359 = tpu.memref_squeeze %dma_start3A_358 : memref<1x1x64xi32, #tpu.memory_space<vmem>> -> memref<64xi32, #tpu.memory_space<vmem>>
        %dma_start3A_360 = arith.constant 0 : i32
        %dma_start3A_361 = arith.constant 0 : i32
        %dma_start3A_362 = tpu.memref_slice %arg2[%dma_start3A_360, %dma_start3A_361] : memref<10000x128xbf16, #tpu.memory_space<hbm>> -> memref<10000x128xbf16, #tpu.memory_space<hbm>>
        %dma_start3A_363 = tpu.memref_slice %arg14[%and3A_229] : memref<2x!tpu.dma_semaphore, #tpu.memory_space<semaphore_mem>> -> memref<1x!tpu.dma_semaphore, #tpu.memory_space<semaphore_mem>>
        %dma_start3A_364 = tpu.memref_squeeze %dma_start3A_363 : memref<1x!tpu.dma_semaphore, #tpu.memory_space<semaphore_mem>> -> memref<!tpu.dma_semaphore, #tpu.memory_space<semaphore_mem>>
        tpu.enqueue_indirect_dma source(%dma_start3A_362 : memref<10000x128xbf16, #tpu.memory_space<hbm>>) target(%dma_start3A_356 : memref<64x128xbf16, #tpu.memory_space<vmem>>) offsets(%dma_start3A_359 : memref<64xi32, #tpu.memory_space<vmem>>) semaphore(%dma_start3A_364 : memref<!tpu.dma_semaphore, #tpu.memory_space<semaphore_mem>>)
        %add3A_365 = arith.constant 1 : i32
        %add3A_366 = arith.addi %mul3A_352, %add3A_365 : i32
        %dma_start3A_367 = arith.constant 0 : i32
        %dma_start3A_368 = arith.constant 0 : i32
        %dma_start3A_369 = tpu.memref_slice %arg11[%and3A_229, %dma_start3A_367, %dma_start3A_368] : memref<2x64x128xbf16, #tpu.memory_space<vmem>> -> memref<1x64x128xbf16, #tpu.memory_space<vmem>>
        %dma_start3A_370 = tpu.memref_squeeze %dma_start3A_369 : memref<1x64x128xbf16, #tpu.memory_space<vmem>> -> memref<64x128xbf16, #tpu.memory_space<vmem>>
        %dma_start3A_371 = arith.constant 0 : i32
        %dma_start3A_372 = tpu.memref_slice %arg9[%select_n3A_279, %add3A_366, %dma_start3A_371] : memref<3x4x64xi32, #tpu.memory_space<vmem>> -> memref<1x1x64xi32, #tpu.memory_space<vmem>>
        %dma_start3A_373 = tpu.memref_squeeze %dma_start3A_372 : memref<1x1x64xi32, #tpu.memory_space<vmem>> -> memref<64xi32, #tpu.memory_space<vmem>>
        %dma_start3A_374 = arith.constant 0 : i32
        %dma_start3A_375 = arith.constant 0 : i32
        %dma_start3A_376 = tpu.memref_slice %arg3[%dma_start3A_374, %dma_start3A_375] : memref<10000x128xbf16, #tpu.memory_space<hbm>> -> memref<10000x128xbf16, #tpu.memory_space<hbm>>
        %dma_start3A_377 = tpu.memref_slice %arg15[%and3A_229] : memref<2x!tpu.dma_semaphore, #tpu.memory_space<semaphore_mem>> -> memref<1x!tpu.dma_semaphore, #tpu.memory_space<semaphore_mem>>
        %dma_start3A_378 = tpu.memref_squeeze %dma_start3A_377 : memref<1x!tpu.dma_semaphore, #tpu.memory_space<semaphore_mem>> -> memref<!tpu.dma_semaphore, #tpu.memory_space<semaphore_mem>>
        tpu.enqueue_indirect_dma source(%dma_start3A_376 : memref<10000x128xbf16, #tpu.memory_space<hbm>>) target(%dma_start3A_370 : memref<64x128xbf16, #tpu.memory_space<vmem>>) offsets(%dma_start3A_373 : memref<64xi32, #tpu.memory_space<vmem>>) semaphore(%dma_start3A_378 : memref<!tpu.dma_semaphore, #tpu.memory_space<semaphore_mem>>)
      } else {
      }
      %add3A_334 = arith.constant 1 : i32
      %add3A_335 = arith.addi %mul3A_281, %add3A_334 : i32
      %dma_start3A_336 = arith.constant 0 : i32
      %dma_start3A_337 = arith.constant 0 : i32
      %dma_start3A_338 = tpu.memref_slice %arg12[%and3A_229, %dma_start3A_336, %dma_start3A_337] : memref<2x64x136xf32, #tpu.memory_space<vmem>> -> memref<1x64x136xf32, #tpu.memory_space<vmem>>
      %dma_start3A_339 = tpu.memref_squeeze %dma_start3A_338 : memref<1x64x136xf32, #tpu.memory_space<vmem>> -> memref<64x136xf32, #tpu.memory_space<vmem>>
      %dma_start3A_340 = arith.constant 0 : i32
      %dma_start3A_341 = tpu.memref_slice %arg9[%select_n3A_261, %add3A_335, %dma_start3A_340] : memref<3x4x64xi32, #tpu.memory_space<vmem>> -> memref<1x1x64xi32, #tpu.memory_space<vmem>>
      %dma_start3A_342 = tpu.memref_squeeze %dma_start3A_341 : memref<1x1x64xi32, #tpu.memory_space<vmem>> -> memref<64xi32, #tpu.memory_space<vmem>>
      %dma_start3A_343 = arith.constant 0 : i32
      %dma_start3A_344 = arith.constant 0 : i32
      %dma_start3A_345 = tpu.memref_slice %arg13[%dma_start3A_343, %dma_start3A_344] : memref<10000x136xf32, #tpu.memory_space<vmem_shared>> -> memref<10000x136xf32, #tpu.memory_space<vmem_shared>>
      %dma_start3A_346 = tpu.memref_slice %arg16[%and3A_229] : memref<2x!tpu.dma_semaphore, #tpu.memory_space<semaphore_mem>> -> memref<1x!tpu.dma_semaphore, #tpu.memory_space<semaphore_mem>>
      %dma_start3A_347 = tpu.memref_squeeze %dma_start3A_346 : memref<1x!tpu.dma_semaphore, #tpu.memory_space<semaphore_mem>> -> memref<!tpu.dma_semaphore, #tpu.memory_space<semaphore_mem>>
      tpu.enqueue_indirect_dma source(%dma_start3A_339 : memref<64x136xf32, #tpu.memory_space<vmem>>) target(%dma_start3A_345 : memref<10000x136xf32, #tpu.memory_space<vmem_shared>>) offsets(%dma_start3A_342 : memref<64xi32, #tpu.memory_space<vmem>>) semaphore(%dma_start3A_347 : memref<!tpu.dma_semaphore, #tpu.memory_space<semaphore_mem>>) {add = true}
      %scan3A_348 = arith.constant 0 : i32
      scf.yield %scan3A_348 : i32
    }
    %scan3A_134 = arith.constant 162 : i32
    %dma_wait3A = arith.constant 0 : i32
    %dma_wait3A_135 = arith.constant 0 : i32
    %dma_wait3A_136 = arith.constant 1 : i32
    %dma_wait3A_137 = arith.constant 0 : i32
    %dma_wait3A_138 = arith.constant 0 : i32
    %dma_wait3A_139 = arith.constant 0 : i32
    %dma_wait3A_140 = tpu.memref_slice %arg12[%dma_wait3A, %dma_wait3A_138, %dma_wait3A_139] : memref<2x64x136xf32, #tpu.memory_space<vmem>> -> memref<1x64x136xf32, #tpu.memory_space<vmem>>
    %dma_wait3A_141 = tpu.memref_squeeze %dma_wait3A_140 : memref<1x64x136xf32, #tpu.memory_space<vmem>> -> memref<64x136xf32, #tpu.memory_space<vmem>>
    %dma_wait3A_142 = arith.constant 0 : i32
    %dma_wait3A_143 = tpu.memref_slice %arg9[%dma_wait3A_135, %dma_wait3A_136, %dma_wait3A_142] : memref<3x4x64xi32, #tpu.memory_space<vmem>> -> memref<1x1x64xi32, #tpu.memory_space<vmem>>
    %dma_wait3A_144 = tpu.memref_squeeze %dma_wait3A_143 : memref<1x1x64xi32, #tpu.memory_space<vmem>> -> memref<64xi32, #tpu.memory_space<vmem>>
    %dma_wait3A_145 = arith.constant 0 : i32
    %dma_wait3A_146 = arith.constant 0 : i32
    %dma_wait3A_147 = tpu.memref_slice %arg13[%dma_wait3A_145, %dma_wait3A_146] : memref<10000x136xf32, #tpu.memory_space<vmem_shared>> -> memref<10000x136xf32, #tpu.memory_space<vmem_shared>>
    %dma_wait3A_148 = tpu.memref_slice %arg16[%dma_wait3A_137] : memref<2x!tpu.dma_semaphore, #tpu.memory_space<semaphore_mem>> -> memref<1x!tpu.dma_semaphore, #tpu.memory_space<semaphore_mem>>
    %dma_wait3A_149 = tpu.memref_squeeze %dma_wait3A_148 : memref<1x!tpu.dma_semaphore, #tpu.memory_space<semaphore_mem>> -> memref<!tpu.dma_semaphore, #tpu.memory_space<semaphore_mem>>
    tpu.wait_indirect_dma semaphore(%dma_wait3A_149 : memref<!tpu.dma_semaphore, #tpu.memory_space<semaphore_mem>>) src(%dma_wait3A_141 : memref<64x136xf32, #tpu.memory_space<vmem>>) dst(%dma_wait3A_147 : memref<10000x136xf32, #tpu.memory_space<vmem_shared>>)
    %dma_wait3A_150 = arith.constant 1 : i32
    %dma_wait3A_151 = arith.constant 0 : i32
    %dma_wait3A_152 = arith.constant 3 : i32
    %dma_wait3A_153 = arith.constant 1 : i32
    %dma_wait3A_154 = arith.constant 0 : i32
    %dma_wait3A_155 = arith.constant 0 : i32
    %dma_wait3A_156 = tpu.memref_slice %arg12[%dma_wait3A_150, %dma_wait3A_154, %dma_wait3A_155] : memref<2x64x136xf32, #tpu.memory_space<vmem>> -> memref<1x64x136xf32, #tpu.memory_space<vmem>>
    %dma_wait3A_157 = tpu.memref_squeeze %dma_wait3A_156 : memref<1x64x136xf32, #tpu.memory_space<vmem>> -> memref<64x136xf32, #tpu.memory_space<vmem>>
    %dma_wait3A_158 = arith.constant 0 : i32
    %dma_wait3A_159 = tpu.memref_slice %arg9[%dma_wait3A_151, %dma_wait3A_152, %dma_wait3A_158] : memref<3x4x64xi32, #tpu.memory_space<vmem>> -> memref<1x1x64xi32, #tpu.memory_space<vmem>>
    %dma_wait3A_160 = tpu.memref_squeeze %dma_wait3A_159 : memref<1x1x64xi32, #tpu.memory_space<vmem>> -> memref<64xi32, #tpu.memory_space<vmem>>
    %dma_wait3A_161 = arith.constant 0 : i32
    %dma_wait3A_162 = arith.constant 0 : i32
    %dma_wait3A_163 = tpu.memref_slice %arg13[%dma_wait3A_161, %dma_wait3A_162] : memref<10000x136xf32, #tpu.memory_space<vmem_shared>> -> memref<10000x136xf32, #tpu.memory_space<vmem_shared>>
    %dma_wait3A_164 = tpu.memref_slice %arg16[%dma_wait3A_153] : memref<2x!tpu.dma_semaphore, #tpu.memory_space<semaphore_mem>> -> memref<1x!tpu.dma_semaphore, #tpu.memory_space<semaphore_mem>>
    %dma_wait3A_165 = tpu.memref_squeeze %dma_wait3A_164 : memref<1x!tpu.dma_semaphore, #tpu.memory_space<semaphore_mem>> -> memref<!tpu.dma_semaphore, #tpu.memory_space<semaphore_mem>>
    tpu.wait_indirect_dma semaphore(%dma_wait3A_165 : memref<!tpu.dma_semaphore, #tpu.memory_space<semaphore_mem>>) src(%dma_wait3A_157 : memref<64x136xf32, #tpu.memory_space<vmem>>) dst(%dma_wait3A_163 : memref<10000x136xf32, #tpu.memory_space<vmem_shared>>)
    %barrier3A_166 = arith.constant 0 : index
    tpu.barrier barrier_id(%barrier3A_166)
    %add3A_167 = arith.constant 0 : i32
    %add3A_168 = arith.addi %multiple_of3A, %add3A_167 : i32
    %multiple_of3A_169 = tpu.assume_multiple %add3A_168, 8 : i32
    %mul3A_170 = arith.constant 10000 : i32
    %mul3A_171 = arith.muli %arg0, %mul3A_170 : i32
    %add3A_172 = arith.addi %mul3A_171, %multiple_of3A_169 : i32
    "tpu.region"() ({
      %run_scoped3A_227 = tpu.sem_alloc : memref<!tpu.dma_semaphore, #tpu.memory_space<semaphore_mem>>
      %dma_start3A_228 = arith.constant 0 : i32
      %dma_start3A_229 = tpu.memref_slice %arg6[%add3A_172, %dma_start3A_228] : memref<20000x128xf32, #tpu.memory_space<hbm>> -> memref<64x128xf32, #tpu.memory_space<hbm>>
      %dma_start3A_230 = arith.constant 0 : i32
      %dma_start3A_231 = tpu.memref_slice %arg13[%multiple_of3A_169, %dma_start3A_230] : memref<10000x136xf32, #tpu.memory_space<vmem_shared>> -> memref<64x128xf32, #tpu.memory_space<vmem_shared>>
      tpu.enqueue_dma source(%dma_start3A_231 : memref<64x128xf32, #tpu.memory_space<vmem_shared>>) target(%dma_start3A_229 : memref<64x128xf32, #tpu.memory_space<hbm>>) target_semaphore(%run_scoped3A_227 : memref<!tpu.dma_semaphore, #tpu.memory_space<semaphore_mem>>)
      %dma_wait3A_232 = arith.constant 0 : i32
      %dma_wait3A_233 = tpu.memref_slice %arg6[%add3A_172, %dma_wait3A_232] : memref<20000x128xf32, #tpu.memory_space<hbm>> -> memref<64x128xf32, #tpu.memory_space<hbm>>
      %dma_wait3A_234 = arith.constant 0 : i32
      %dma_wait3A_235 = tpu.memref_slice %arg13[%multiple_of3A_169, %dma_wait3A_234] : memref<10000x136xf32, #tpu.memory_space<vmem_shared>> -> memref<64x128xf32, #tpu.memory_space<vmem_shared>>
      tpu.wait_dma2 semaphore(%run_scoped3A_227 : memref<!tpu.dma_semaphore, #tpu.memory_space<semaphore_mem>>) src(%dma_wait3A_235 : memref<64x128xf32, #tpu.memory_space<vmem_shared>>) dst(%dma_wait3A_233 : memref<64x128xf32, #tpu.memory_space<hbm>>)
      tpu.yield
    }) : () -> ()
    "tpu.region"() ({
      %run_scoped3A_227 = tpu.sem_alloc : memref<!tpu.dma_semaphore, #tpu.memory_space<semaphore_mem>>
      %dma_start3A_228 = arith.constant 0 : i32
      %dma_start3A_229 = tpu.memref_slice %arg7[%add3A_172, %dma_start3A_228] : memref<20000x8xf32, #tpu.memory_space<hbm>> -> memref<64x8xf32, #tpu.memory_space<hbm>>
      %dma_start3A_230 = arith.constant 128 : i32
      %dma_start3A_231 = tpu.memref_slice %arg13[%multiple_of3A_169, %dma_start3A_230] : memref<10000x136xf32, #tpu.memory_space<vmem_shared>> -> memref<64x8xf32, #tpu.memory_space<vmem_shared>>
      tpu.enqueue_dma source(%dma_start3A_231 : memref<64x8xf32, #tpu.memory_space<vmem_shared>>) target(%dma_start3A_229 : memref<64x8xf32, #tpu.memory_space<hbm>>) target_semaphore(%run_scoped3A_227 : memref<!tpu.dma_semaphore, #tpu.memory_space<semaphore_mem>>)
      %dma_wait3A_232 = arith.constant 0 : i32
      %dma_wait3A_233 = tpu.memref_slice %arg7[%add3A_172, %dma_wait3A_232] : memref<20000x8xf32, #tpu.memory_space<hbm>> -> memref<64x8xf32, #tpu.memory_space<hbm>>
      %dma_wait3A_234 = arith.constant 128 : i32
      %dma_wait3A_235 = tpu.memref_slice %arg13[%multiple_of3A_169, %dma_wait3A_234] : memref<10000x136xf32, #tpu.memory_space<vmem_shared>> -> memref<64x8xf32, #tpu.memory_space<vmem_shared>>
      tpu.wait_dma2 semaphore(%run_scoped3A_227 : memref<!tpu.dma_semaphore, #tpu.memory_space<semaphore_mem>>) src(%dma_wait3A_235 : memref<64x8xf32, #tpu.memory_space<vmem_shared>>) dst(%dma_wait3A_233 : memref<64x8xf32, #tpu.memory_space<hbm>>)
      tpu.yield
    }) : () -> ()
    %add3A_173 = arith.constant 64 : i32
    %add3A_174 = arith.addi %multiple_of3A, %add3A_173 : i32
    %multiple_of3A_175 = tpu.assume_multiple %add3A_174, 8 : i32
    %mul3A_176 = arith.constant 10000 : i32
    %mul3A_177 = arith.muli %arg0, %mul3A_176 : i32
    %add3A_178 = arith.addi %mul3A_177, %multiple_of3A_175 : i32
    "tpu.region"() ({
      %run_scoped3A_227 = tpu.sem_alloc : memref<!tpu.dma_semaphore, #tpu.memory_space<semaphore_mem>>
      %dma_start3A_228 = arith.constant 0 : i32
      %dma_start3A_229 = tpu.memref_slice %arg6[%add3A_178, %dma_start3A_228] : memref<20000x128xf32, #tpu.memory_space<hbm>> -> memref<64x128xf32, #tpu.memory_space<hbm>>
      %dma_start3A_230 = arith.constant 0 : i32
      %dma_start3A_231 = tpu.memref_slice %arg13[%multiple_of3A_175, %dma_start3A_230] : memref<10000x136xf32, #tpu.memory_space<vmem_shared>> -> memref<64x128xf32, #tpu.memory_space<vmem_shared>>
      tpu.enqueue_dma source(%dma_start3A_231 : memref<64x128xf32, #tpu.memory_space<vmem_shared>>) target(%dma_start3A_229 : memref<64x128xf32, #tpu.memory_space<hbm>>) target_semaphore(%run_scoped3A_227 : memref<!tpu.dma_semaphore, #tpu.memory_space<semaphore_mem>>)
      %dma_wait3A_232 = arith.constant 0 : i32
      %dma_wait3A_233 = tpu.memref_slice %arg6[%add3A_178, %dma_wait3A_232] : memref<20000x128xf32, #tpu.memory_space<hbm>> -> memref<64x128xf32, #tpu.memory_space<hbm>>
      %dma_wait3A_234 = arith.constant 0 : i32
      %dma_wait3A_235 = tpu.memref_slice %arg13[%multiple_of3A_175, %dma_wait3A_234] : memref<10000x136xf32, #tpu.memory_space<vmem_shared>> -> memref<64x128xf32, #tpu.memory_space<vmem_shared>>
      tpu.wait_dma2 semaphore(%run_scoped3A_227 : memref<!tpu.dma_semaphore, #tpu.memory_space<semaphore_mem>>) src(%dma_wait3A_235 : memref<64x128xf32, #tpu.memory_space<vmem_shared>>) dst(%dma_wait3A_233 : memref<64x128xf32, #tpu.memory_space<hbm>>)
      tpu.yield
    }) : () -> ()
    "tpu.region"() ({
      %run_scoped3A_227 = tpu.sem_alloc : memref<!tpu.dma_semaphore, #tpu.memory_space<semaphore_mem>>
      %dma_start3A_228 = arith.constant 0 : i32
      %dma_start3A_229 = tpu.memref_slice %arg7[%add3A_178, %dma_start3A_228] : memref<20000x8xf32, #tpu.memory_space<hbm>> -> memref<64x8xf32, #tpu.memory_space<hbm>>
      %dma_start3A_230 = arith.constant 128 : i32
      %dma_start3A_231 = tpu.memref_slice %arg13[%multiple_of3A_175, %dma_start3A_230] : memref<10000x136xf32, #tpu.memory_space<vmem_shared>> -> memref<64x8xf32, #tpu.memory_space<vmem_shared>>
      tpu.enqueue_dma source(%dma_start3A_231 : memref<64x8xf32, #tpu.memory_space<vmem_shared>>) target(%dma_start3A_229 : memref<64x8xf32, #tpu.memory_space<hbm>>) target_semaphore(%run_scoped3A_227 : memref<!tpu.dma_semaphore, #tpu.memory_space<semaphore_mem>>)
      %dma_wait3A_232 = arith.constant 0 : i32
      %dma_wait3A_233 = tpu.memref_slice %arg7[%add3A_178, %dma_wait3A_232] : memref<20000x8xf32, #tpu.memory_space<hbm>> -> memref<64x8xf32, #tpu.memory_space<hbm>>
      %dma_wait3A_234 = arith.constant 128 : i32
      %dma_wait3A_235 = tpu.memref_slice %arg13[%multiple_of3A_175, %dma_wait3A_234] : memref<10000x136xf32, #tpu.memory_space<vmem_shared>> -> memref<64x8xf32, #tpu.memory_space<vmem_shared>>
      tpu.wait_dma2 semaphore(%run_scoped3A_227 : memref<!tpu.dma_semaphore, #tpu.memory_space<semaphore_mem>>) src(%dma_wait3A_235 : memref<64x8xf32, #tpu.memory_space<vmem_shared>>) dst(%dma_wait3A_233 : memref<64x8xf32, #tpu.memory_space<hbm>>)
      tpu.yield
    }) : () -> ()
    %add3A_179 = arith.constant 128 : i32
    %add3A_180 = arith.addi %multiple_of3A, %add3A_179 : i32
    %multiple_of3A_181 = tpu.assume_multiple %add3A_180, 8 : i32
    %mul3A_182 = arith.constant 10000 : i32
    %mul3A_183 = arith.muli %arg0, %mul3A_182 : i32
    %add3A_184 = arith.addi %mul3A_183, %multiple_of3A_181 : i32
    "tpu.region"() ({
      %run_scoped3A_227 = tpu.sem_alloc : memref<!tpu.dma_semaphore, #tpu.memory_space<semaphore_mem>>
      %dma_start3A_228 = arith.constant 0 : i32
      %dma_start3A_229 = tpu.memref_slice %arg6[%add3A_184, %dma_start3A_228] : memref<20000x128xf32, #tpu.memory_space<hbm>> -> memref<64x128xf32, #tpu.memory_space<hbm>>
      %dma_start3A_230 = arith.constant 0 : i32
      %dma_start3A_231 = tpu.memref_slice %arg13[%multiple_of3A_181, %dma_start3A_230] : memref<10000x136xf32, #tpu.memory_space<vmem_shared>> -> memref<64x128xf32, #tpu.memory_space<vmem_shared>>
      tpu.enqueue_dma source(%dma_start3A_231 : memref<64x128xf32, #tpu.memory_space<vmem_shared>>) target(%dma_start3A_229 : memref<64x128xf32, #tpu.memory_space<hbm>>) target_semaphore(%run_scoped3A_227 : memref<!tpu.dma_semaphore, #tpu.memory_space<semaphore_mem>>)
      %dma_wait3A_232 = arith.constant 0 : i32
      %dma_wait3A_233 = tpu.memref_slice %arg6[%add3A_184, %dma_wait3A_232] : memref<20000x128xf32, #tpu.memory_space<hbm>> -> memref<64x128xf32, #tpu.memory_space<hbm>>
      %dma_wait3A_234 = arith.constant 0 : i32
      %dma_wait3A_235 = tpu.memref_slice %arg13[%multiple_of3A_181, %dma_wait3A_234] : memref<10000x136xf32, #tpu.memory_space<vmem_shared>> -> memref<64x128xf32, #tpu.memory_space<vmem_shared>>
      tpu.wait_dma2 semaphore(%run_scoped3A_227 : memref<!tpu.dma_semaphore, #tpu.memory_space<semaphore_mem>>) src(%dma_wait3A_235 : memref<64x128xf32, #tpu.memory_space<vmem_shared>>) dst(%dma_wait3A_233 : memref<64x128xf32, #tpu.memory_space<hbm>>)
      tpu.yield
    }) : () -> ()
    "tpu.region"() ({
      %run_scoped3A_227 = tpu.sem_alloc : memref<!tpu.dma_semaphore, #tpu.memory_space<semaphore_mem>>
      %dma_start3A_228 = arith.constant 0 : i32
      %dma_start3A_229 = tpu.memref_slice %arg7[%add3A_184, %dma_start3A_228] : memref<20000x8xf32, #tpu.memory_space<hbm>> -> memref<64x8xf32, #tpu.memory_space<hbm>>
      %dma_start3A_230 = arith.constant 128 : i32
      %dma_start3A_231 = tpu.memref_slice %arg13[%multiple_of3A_181, %dma_start3A_230] : memref<10000x136xf32, #tpu.memory_space<vmem_shared>> -> memref<64x8xf32, #tpu.memory_space<vmem_shared>>
      tpu.enqueue_dma source(%dma_start3A_231 : memref<64x8xf32, #tpu.memory_space<vmem_shared>>) target(%dma_start3A_229 : memref<64x8xf32, #tpu.memory_space<hbm>>) target_semaphore(%run_scoped3A_227 : memref<!tpu.dma_semaphore, #tpu.memory_space<semaphore_mem>>)
      %dma_wait3A_232 = arith.constant 0 : i32
      %dma_wait3A_233 = tpu.memref_slice %arg7[%add3A_184, %dma_wait3A_232] : memref<20000x8xf32, #tpu.memory_space<hbm>> -> memref<64x8xf32, #tpu.memory_space<hbm>>
      %dma_wait3A_234 = arith.constant 128 : i32
      %dma_wait3A_235 = tpu.memref_slice %arg13[%multiple_of3A_181, %dma_wait3A_234] : memref<10000x136xf32, #tpu.memory_space<vmem_shared>> -> memref<64x8xf32, #tpu.memory_space<vmem_shared>>
      tpu.wait_dma2 semaphore(%run_scoped3A_227 : memref<!tpu.dma_semaphore, #tpu.memory_space<semaphore_mem>>) src(%dma_wait3A_235 : memref<64x8xf32, #tpu.memory_space<vmem_shared>>) dst(%dma_wait3A_233 : memref<64x8xf32, #tpu.memory_space<hbm>>)
      tpu.yield
    }) : () -> ()
    %add3A_185 = arith.constant 192 : i32
    %add3A_186 = arith.addi %multiple_of3A, %add3A_185 : i32
    %multiple_of3A_187 = tpu.assume_multiple %add3A_186, 8 : i32
    %mul3A_188 = arith.constant 10000 : i32
    %mul3A_189 = arith.muli %arg0, %mul3A_188 : i32
    %add3A_190 = arith.addi %mul3A_189, %multiple_of3A_187 : i32
    "tpu.region"() ({
      %run_scoped3A_227 = tpu.sem_alloc : memref<!tpu.dma_semaphore, #tpu.memory_space<semaphore_mem>>
      %dma_start3A_228 = arith.constant 0 : i32
      %dma_start3A_229 = tpu.memref_slice %arg6[%add3A_190, %dma_start3A_228] : memref<20000x128xf32, #tpu.memory_space<hbm>> -> memref<64x128xf32, #tpu.memory_space<hbm>>
      %dma_start3A_230 = arith.constant 0 : i32
      %dma_start3A_231 = tpu.memref_slice %arg13[%multiple_of3A_187, %dma_start3A_230] : memref<10000x136xf32, #tpu.memory_space<vmem_shared>> -> memref<64x128xf32, #tpu.memory_space<vmem_shared>>
      tpu.enqueue_dma source(%dma_start3A_231 : memref<64x128xf32, #tpu.memory_space<vmem_shared>>) target(%dma_start3A_229 : memref<64x128xf32, #tpu.memory_space<hbm>>) target_semaphore(%run_scoped3A_227 : memref<!tpu.dma_semaphore, #tpu.memory_space<semaphore_mem>>)
      %dma_wait3A_232 = arith.constant 0 : i32
      %dma_wait3A_233 = tpu.memref_slice %arg6[%add3A_190, %dma_wait3A_232] : memref<20000x128xf32, #tpu.memory_space<hbm>> -> memref<64x128xf32, #tpu.memory_space<hbm>>
      %dma_wait3A_234 = arith.constant 0 : i32
      %dma_wait3A_235 = tpu.memref_slice %arg13[%multiple_of3A_187, %dma_wait3A_234] : memref<10000x136xf32, #tpu.memory_space<vmem_shared>> -> memref<64x128xf32, #tpu.memory_space<vmem_shared>>
      tpu.wait_dma2 semaphore(%run_scoped3A_227 : memref<!tpu.dma_semaphore, #tpu.memory_space<semaphore_mem>>) src(%dma_wait3A_235 : memref<64x128xf32, #tpu.memory_space<vmem_shared>>) dst(%dma_wait3A_233 : memref<64x128xf32, #tpu.memory_space<hbm>>)
      tpu.yield
    }) : () -> ()
    "tpu.region"() ({
      %run_scoped3A_227 = tpu.sem_alloc : memref<!tpu.dma_semaphore, #tpu.memory_space<semaphore_mem>>
      %dma_start3A_228 = arith.constant 0 : i32
      %dma_start3A_229 = tpu.memref_slice %arg7[%add3A_190, %dma_start3A_228] : memref<20000x8xf32, #tpu.memory_space<hbm>> -> memref<64x8xf32, #tpu.memory_space<hbm>>
      %dma_start3A_230 = arith.constant 128 : i32
      %dma_start3A_231 = tpu.memref_slice %arg13[%multiple_of3A_187, %dma_start3A_230] : memref<10000x136xf32, #tpu.memory_space<vmem_shared>> -> memref<64x8xf32, #tpu.memory_space<vmem_shared>>
      tpu.enqueue_dma source(%dma_start3A_231 : memref<64x8xf32, #tpu.memory_space<vmem_shared>>) target(%dma_start3A_229 : memref<64x8xf32, #tpu.memory_space<hbm>>) target_semaphore(%run_scoped3A_227 : memref<!tpu.dma_semaphore, #tpu.memory_space<semaphore_mem>>)
      %dma_wait3A_232 = arith.constant 0 : i32
      %dma_wait3A_233 = tpu.memref_slice %arg7[%add3A_190, %dma_wait3A_232] : memref<20000x8xf32, #tpu.memory_space<hbm>> -> memref<64x8xf32, #tpu.memory_space<hbm>>
      %dma_wait3A_234 = arith.constant 128 : i32
      %dma_wait3A_235 = tpu.memref_slice %arg13[%multiple_of3A_187, %dma_wait3A_234] : memref<10000x136xf32, #tpu.memory_space<vmem_shared>> -> memref<64x8xf32, #tpu.memory_space<vmem_shared>>
      tpu.wait_dma2 semaphore(%run_scoped3A_227 : memref<!tpu.dma_semaphore, #tpu.memory_space<semaphore_mem>>) src(%dma_wait3A_235 : memref<64x8xf32, #tpu.memory_space<vmem_shared>>) dst(%dma_wait3A_233 : memref<64x8xf32, #tpu.memory_space<hbm>>)
      tpu.yield
    }) : () -> ()
    %add3A_191 = arith.constant 256 : i32
    %add3A_192 = arith.addi %multiple_of3A, %add3A_191 : i32
    %multiple_of3A_193 = tpu.assume_multiple %add3A_192, 8 : i32
    %mul3A_194 = arith.constant 10000 : i32
    %mul3A_195 = arith.muli %arg0, %mul3A_194 : i32
    %add3A_196 = arith.addi %mul3A_195, %multiple_of3A_193 : i32
    "tpu.region"() ({
      %run_scoped3A_227 = tpu.sem_alloc : memref<!tpu.dma_semaphore, #tpu.memory_space<semaphore_mem>>
      %dma_start3A_228 = arith.constant 0 : i32
      %dma_start3A_229 = tpu.memref_slice %arg6[%add3A_196, %dma_start3A_228] : memref<20000x128xf32, #tpu.memory_space<hbm>> -> memref<64x128xf32, #tpu.memory_space<hbm>>
      %dma_start3A_230 = arith.constant 0 : i32
      %dma_start3A_231 = tpu.memref_slice %arg13[%multiple_of3A_193, %dma_start3A_230] : memref<10000x136xf32, #tpu.memory_space<vmem_shared>> -> memref<64x128xf32, #tpu.memory_space<vmem_shared>>
      tpu.enqueue_dma source(%dma_start3A_231 : memref<64x128xf32, #tpu.memory_space<vmem_shared>>) target(%dma_start3A_229 : memref<64x128xf32, #tpu.memory_space<hbm>>) target_semaphore(%run_scoped3A_227 : memref<!tpu.dma_semaphore, #tpu.memory_space<semaphore_mem>>)
      %dma_wait3A_232 = arith.constant 0 : i32
      %dma_wait3A_233 = tpu.memref_slice %arg6[%add3A_196, %dma_wait3A_232] : memref<20000x128xf32, #tpu.memory_space<hbm>> -> memref<64x128xf32, #tpu.memory_space<hbm>>
      %dma_wait3A_234 = arith.constant 0 : i32
      %dma_wait3A_235 = tpu.memref_slice %arg13[%multiple_of3A_193, %dma_wait3A_234] : memref<10000x136xf32, #tpu.memory_space<vmem_shared>> -> memref<64x128xf32, #tpu.memory_space<vmem_shared>>
      tpu.wait_dma2 semaphore(%run_scoped3A_227 : memref<!tpu.dma_semaphore, #tpu.memory_space<semaphore_mem>>) src(%dma_wait3A_235 : memref<64x128xf32, #tpu.memory_space<vmem_shared>>) dst(%dma_wait3A_233 : memref<64x128xf32, #tpu.memory_space<hbm>>)
      tpu.yield
    }) : () -> ()
    "tpu.region"() ({
      %run_scoped3A_227 = tpu.sem_alloc : memref<!tpu.dma_semaphore, #tpu.memory_space<semaphore_mem>>
      %dma_start3A_228 = arith.constant 0 : i32
      %dma_start3A_229 = tpu.memref_slice %arg7[%add3A_196, %dma_start3A_228] : memref<20000x8xf32, #tpu.memory_space<hbm>> -> memref<64x8xf32, #tpu.memory_space<hbm>>
      %dma_start3A_230 = arith.constant 128 : i32
      %dma_start3A_231 = tpu.memref_slice %arg13[%multiple_of3A_193, %dma_start3A_230] : memref<10000x136xf32, #tpu.memory_space<vmem_shared>> -> memref<64x8xf32, #tpu.memory_space<vmem_shared>>
      tpu.enqueue_dma source(%dma_start3A_231 : memref<64x8xf32, #tpu.memory_space<vmem_shared>>) target(%dma_start3A_229 : memref<64x8xf32, #tpu.memory_space<hbm>>) target_semaphore(%run_scoped3A_227 : memref<!tpu.dma_semaphore, #tpu.memory_space<semaphore_mem>>)
      %dma_wait3A_232 = arith.constant 0 : i32
      %dma_wait3A_233 = tpu.memref_slice %arg7[%add3A_196, %dma_wait3A_232] : memref<20000x8xf32, #tpu.memory_space<hbm>> -> memref<64x8xf32, #tpu.memory_space<hbm>>
      %dma_wait3A_234 = arith.constant 128 : i32
      %dma_wait3A_235 = tpu.memref_slice %arg13[%multiple_of3A_193, %dma_wait3A_234] : memref<10000x136xf32, #tpu.memory_space<vmem_shared>> -> memref<64x8xf32, #tpu.memory_space<vmem_shared>>
      tpu.wait_dma2 semaphore(%run_scoped3A_227 : memref<!tpu.dma_semaphore, #tpu.memory_space<semaphore_mem>>) src(%dma_wait3A_235 : memref<64x8xf32, #tpu.memory_space<vmem_shared>>) dst(%dma_wait3A_233 : memref<64x8xf32, #tpu.memory_space<hbm>>)
      tpu.yield
    }) : () -> ()
    %add3A_197 = arith.constant 320 : i32
    %add3A_198 = arith.addi %multiple_of3A, %add3A_197 : i32
    %multiple_of3A_199 = tpu.assume_multiple %add3A_198, 8 : i32
    %mul3A_200 = arith.constant 10000 : i32
    %mul3A_201 = arith.muli %arg0, %mul3A_200 : i32
    %add3A_202 = arith.addi %mul3A_201, %multiple_of3A_199 : i32
    "tpu.region"() ({
      %run_scoped3A_227 = tpu.sem_alloc : memref<!tpu.dma_semaphore, #tpu.memory_space<semaphore_mem>>
      %dma_start3A_228 = arith.constant 0 : i32
      %dma_start3A_229 = tpu.memref_slice %arg6[%add3A_202, %dma_start3A_228] : memref<20000x128xf32, #tpu.memory_space<hbm>> -> memref<64x128xf32, #tpu.memory_space<hbm>>
      %dma_start3A_230 = arith.constant 0 : i32
      %dma_start3A_231 = tpu.memref_slice %arg13[%multiple_of3A_199, %dma_start3A_230] : memref<10000x136xf32, #tpu.memory_space<vmem_shared>> -> memref<64x128xf32, #tpu.memory_space<vmem_shared>>
      tpu.enqueue_dma source(%dma_start3A_231 : memref<64x128xf32, #tpu.memory_space<vmem_shared>>) target(%dma_start3A_229 : memref<64x128xf32, #tpu.memory_space<hbm>>) target_semaphore(%run_scoped3A_227 : memref<!tpu.dma_semaphore, #tpu.memory_space<semaphore_mem>>)
      %dma_wait3A_232 = arith.constant 0 : i32
      %dma_wait3A_233 = tpu.memref_slice %arg6[%add3A_202, %dma_wait3A_232] : memref<20000x128xf32, #tpu.memory_space<hbm>> -> memref<64x128xf32, #tpu.memory_space<hbm>>
      %dma_wait3A_234 = arith.constant 0 : i32
      %dma_wait3A_235 = tpu.memref_slice %arg13[%multiple_of3A_199, %dma_wait3A_234] : memref<10000x136xf32, #tpu.memory_space<vmem_shared>> -> memref<64x128xf32, #tpu.memory_space<vmem_shared>>
      tpu.wait_dma2 semaphore(%run_scoped3A_227 : memref<!tpu.dma_semaphore, #tpu.memory_space<semaphore_mem>>) src(%dma_wait3A_235 : memref<64x128xf32, #tpu.memory_space<vmem_shared>>) dst(%dma_wait3A_233 : memref<64x128xf32, #tpu.memory_space<hbm>>)
      tpu.yield
    }) : () -> ()
    "tpu.region"() ({
      %run_scoped3A_227 = tpu.sem_alloc : memref<!tpu.dma_semaphore, #tpu.memory_space<semaphore_mem>>
      %dma_start3A_228 = arith.constant 0 : i32
      %dma_start3A_229 = tpu.memref_slice %arg7[%add3A_202, %dma_start3A_228] : memref<20000x8xf32, #tpu.memory_space<hbm>> -> memref<64x8xf32, #tpu.memory_space<hbm>>
      %dma_start3A_230 = arith.constant 128 : i32
      %dma_start3A_231 = tpu.memref_slice %arg13[%multiple_of3A_199, %dma_start3A_230] : memref<10000x136xf32, #tpu.memory_space<vmem_shared>> -> memref<64x8xf32, #tpu.memory_space<vmem_shared>>
      tpu.enqueue_dma source(%dma_start3A_231 : memref<64x8xf32, #tpu.memory_space<vmem_shared>>) target(%dma_start3A_229 : memref<64x8xf32, #tpu.memory_space<hbm>>) target_semaphore(%run_scoped3A_227 : memref<!tpu.dma_semaphore, #tpu.memory_space<semaphore_mem>>)
      %dma_wait3A_232 = arith.constant 0 : i32
      %dma_wait3A_233 = tpu.memref_slice %arg7[%add3A_202, %dma_wait3A_232] : memref<20000x8xf32, #tpu.memory_space<hbm>> -> memref<64x8xf32, #tpu.memory_space<hbm>>
      %dma_wait3A_234 = arith.constant 128 : i32
      %dma_wait3A_235 = tpu.memref_slice %arg13[%multiple_of3A_199, %dma_wait3A_234] : memref<10000x136xf32, #tpu.memory_space<vmem_shared>> -> memref<64x8xf32, #tpu.memory_space<vmem_shared>>
      tpu.wait_dma2 semaphore(%run_scoped3A_227 : memref<!tpu.dma_semaphore, #tpu.memory_space<semaphore_mem>>) src(%dma_wait3A_235 : memref<64x8xf32, #tpu.memory_space<vmem_shared>>) dst(%dma_wait3A_233 : memref<64x8xf32, #tpu.memory_space<hbm>>)
      tpu.yield
    }) : () -> ()
    %add3A_203 = arith.constant 384 : i32
    %add3A_204 = arith.addi %multiple_of3A, %add3A_203 : i32
    %multiple_of3A_205 = tpu.assume_multiple %add3A_204, 8 : i32
    %mul3A_206 = arith.constant 10000 : i32
    %mul3A_207 = arith.muli %arg0, %mul3A_206 : i32
    %add3A_208 = arith.addi %mul3A_207, %multiple_of3A_205 : i32
    "tpu.region"() ({
      %run_scoped3A_227 = tpu.sem_alloc : memref<!tpu.dma_semaphore, #tpu.memory_space<semaphore_mem>>
      %dma_start3A_228 = arith.constant 0 : i32
      %dma_start3A_229 = tpu.memref_slice %arg6[%add3A_208, %dma_start3A_228] : memref<20000x128xf32, #tpu.memory_space<hbm>> -> memref<64x128xf32, #tpu.memory_space<hbm>>
      %dma_start3A_230 = arith.constant 0 : i32
      %dma_start3A_231 = tpu.memref_slice %arg13[%multiple_of3A_205, %dma_start3A_230] : memref<10000x136xf32, #tpu.memory_space<vmem_shared>> -> memref<64x128xf32, #tpu.memory_space<vmem_shared>>
      tpu.enqueue_dma source(%dma_start3A_231 : memref<64x128xf32, #tpu.memory_space<vmem_shared>>) target(%dma_start3A_229 : memref<64x128xf32, #tpu.memory_space<hbm>>) target_semaphore(%run_scoped3A_227 : memref<!tpu.dma_semaphore, #tpu.memory_space<semaphore_mem>>)
      %dma_wait3A_232 = arith.constant 0 : i32
      %dma_wait3A_233 = tpu.memref_slice %arg6[%add3A_208, %dma_wait3A_232] : memref<20000x128xf32, #tpu.memory_space<hbm>> -> memref<64x128xf32, #tpu.memory_space<hbm>>
      %dma_wait3A_234 = arith.constant 0 : i32
      %dma_wait3A_235 = tpu.memref_slice %arg13[%multiple_of3A_205, %dma_wait3A_234] : memref<10000x136xf32, #tpu.memory_space<vmem_shared>> -> memref<64x128xf32, #tpu.memory_space<vmem_shared>>
      tpu.wait_dma2 semaphore(%run_scoped3A_227 : memref<!tpu.dma_semaphore, #tpu.memory_space<semaphore_mem>>) src(%dma_wait3A_235 : memref<64x128xf32, #tpu.memory_space<vmem_shared>>) dst(%dma_wait3A_233 : memref<64x128xf32, #tpu.memory_space<hbm>>)
      tpu.yield
    }) : () -> ()
    "tpu.region"() ({
      %run_scoped3A_227 = tpu.sem_alloc : memref<!tpu.dma_semaphore, #tpu.memory_space<semaphore_mem>>
      %dma_start3A_228 = arith.constant 0 : i32
      %dma_start3A_229 = tpu.memref_slice %arg7[%add3A_208, %dma_start3A_228] : memref<20000x8xf32, #tpu.memory_space<hbm>> -> memref<64x8xf32, #tpu.memory_space<hbm>>
      %dma_start3A_230 = arith.constant 128 : i32
      %dma_start3A_231 = tpu.memref_slice %arg13[%multiple_of3A_205, %dma_start3A_230] : memref<10000x136xf32, #tpu.memory_space<vmem_shared>> -> memref<64x8xf32, #tpu.memory_space<vmem_shared>>
      tpu.enqueue_dma source(%dma_start3A_231 : memref<64x8xf32, #tpu.memory_space<vmem_shared>>) target(%dma_start3A_229 : memref<64x8xf32, #tpu.memory_space<hbm>>) target_semaphore(%run_scoped3A_227 : memref<!tpu.dma_semaphore, #tpu.memory_space<semaphore_mem>>)
      %dma_wait3A_232 = arith.constant 0 : i32
      %dma_wait3A_233 = tpu.memref_slice %arg7[%add3A_208, %dma_wait3A_232] : memref<20000x8xf32, #tpu.memory_space<hbm>> -> memref<64x8xf32, #tpu.memory_space<hbm>>
      %dma_wait3A_234 = arith.constant 128 : i32
      %dma_wait3A_235 = tpu.memref_slice %arg13[%multiple_of3A_205, %dma_wait3A_234] : memref<10000x136xf32, #tpu.memory_space<vmem_shared>> -> memref<64x8xf32, #tpu.memory_space<vmem_shared>>
      tpu.wait_dma2 semaphore(%run_scoped3A_227 : memref<!tpu.dma_semaphore, #tpu.memory_space<semaphore_mem>>) src(%dma_wait3A_235 : memref<64x8xf32, #tpu.memory_space<vmem_shared>>) dst(%dma_wait3A_233 : memref<64x8xf32, #tpu.memory_space<hbm>>)
      tpu.yield
    }) : () -> ()
    %add3A_209 = arith.constant 448 : i32
    %add3A_210 = arith.addi %multiple_of3A, %add3A_209 : i32
    %multiple_of3A_211 = tpu.assume_multiple %add3A_210, 8 : i32
    %mul3A_212 = arith.constant 10000 : i32
    %mul3A_213 = arith.muli %arg0, %mul3A_212 : i32
    %add3A_214 = arith.addi %mul3A_213, %multiple_of3A_211 : i32
    "tpu.region"() ({
      %run_scoped3A_227 = tpu.sem_alloc : memref<!tpu.dma_semaphore, #tpu.memory_space<semaphore_mem>>
      %dma_start3A_228 = arith.constant 0 : i32
      %dma_start3A_229 = tpu.memref_slice %arg6[%add3A_214, %dma_start3A_228] : memref<20000x128xf32, #tpu.memory_space<hbm>> -> memref<64x128xf32, #tpu.memory_space<hbm>>
      %dma_start3A_230 = arith.constant 0 : i32
      %dma_start3A_231 = tpu.memref_slice %arg13[%multiple_of3A_211, %dma_start3A_230] : memref<10000x136xf32, #tpu.memory_space<vmem_shared>> -> memref<64x128xf32, #tpu.memory_space<vmem_shared>>
      tpu.enqueue_dma source(%dma_start3A_231 : memref<64x128xf32, #tpu.memory_space<vmem_shared>>) target(%dma_start3A_229 : memref<64x128xf32, #tpu.memory_space<hbm>>) target_semaphore(%run_scoped3A_227 : memref<!tpu.dma_semaphore, #tpu.memory_space<semaphore_mem>>)
      %dma_wait3A_232 = arith.constant 0 : i32
      %dma_wait3A_233 = tpu.memref_slice %arg6[%add3A_214, %dma_wait3A_232] : memref<20000x128xf32, #tpu.memory_space<hbm>> -> memref<64x128xf32, #tpu.memory_space<hbm>>
      %dma_wait3A_234 = arith.constant 0 : i32
      %dma_wait3A_235 = tpu.memref_slice %arg13[%multiple_of3A_211, %dma_wait3A_234] : memref<10000x136xf32, #tpu.memory_space<vmem_shared>> -> memref<64x128xf32, #tpu.memory_space<vmem_shared>>
      tpu.wait_dma2 semaphore(%run_scoped3A_227 : memref<!tpu.dma_semaphore, #tpu.memory_space<semaphore_mem>>) src(%dma_wait3A_235 : memref<64x128xf32, #tpu.memory_space<vmem_shared>>) dst(%dma_wait3A_233 : memref<64x128xf32, #tpu.memory_space<hbm>>)
      tpu.yield
    }) : () -> ()
    "tpu.region"() ({
      %run_scoped3A_227 = tpu.sem_alloc : memref<!tpu.dma_semaphore, #tpu.memory_space<semaphore_mem>>
      %dma_start3A_228 = arith.constant 0 : i32
      %dma_start3A_229 = tpu.memref_slice %arg7[%add3A_214, %dma_start3A_228] : memref<20000x8xf32, #tpu.memory_space<hbm>> -> memref<64x8xf32, #tpu.memory_space<hbm>>
      %dma_start3A_230 = arith.constant 128 : i32
      %dma_start3A_231 = tpu.memref_slice %arg13[%multiple_of3A_211, %dma_start3A_230] : memref<10000x136xf32, #tpu.memory_space<vmem_shared>> -> memref<64x8xf32, #tpu.memory_space<vmem_shared>>
      tpu.enqueue_dma source(%dma_start3A_231 : memref<64x8xf32, #tpu.memory_space<vmem_shared>>) target(%dma_start3A_229 : memref<64x8xf32, #tpu.memory_space<hbm>>) target_semaphore(%run_scoped3A_227 : memref<!tpu.dma_semaphore, #tpu.memory_space<semaphore_mem>>)
      %dma_wait3A_232 = arith.constant 0 : i32
      %dma_wait3A_233 = tpu.memref_slice %arg7[%add3A_214, %dma_wait3A_232] : memref<20000x8xf32, #tpu.memory_space<hbm>> -> memref<64x8xf32, #tpu.memory_space<hbm>>
      %dma_wait3A_234 = arith.constant 128 : i32
      %dma_wait3A_235 = tpu.memref_slice %arg13[%multiple_of3A_211, %dma_wait3A_234] : memref<10000x136xf32, #tpu.memory_space<vmem_shared>> -> memref<64x8xf32, #tpu.memory_space<vmem_shared>>
      tpu.wait_dma2 semaphore(%run_scoped3A_227 : memref<!tpu.dma_semaphore, #tpu.memory_space<semaphore_mem>>) src(%dma_wait3A_235 : memref<64x8xf32, #tpu.memory_space<vmem_shared>>) dst(%dma_wait3A_233 : memref<64x8xf32, #tpu.memory_space<hbm>>)
      tpu.yield
    }) : () -> ()
    %add3A_215 = arith.constant 512 : i32
    %add3A_216 = arith.addi %multiple_of3A, %add3A_215 : i32
    %multiple_of3A_217 = tpu.assume_multiple %add3A_216, 8 : i32
    %mul3A_218 = arith.constant 10000 : i32
    %mul3A_219 = arith.muli %arg0, %mul3A_218 : i32
    %add3A_220 = arith.addi %mul3A_219, %multiple_of3A_217 : i32
    "tpu.region"() ({
      %run_scoped3A_227 = tpu.sem_alloc : memref<!tpu.dma_semaphore, #tpu.memory_space<semaphore_mem>>
      %dma_start3A_228 = arith.constant 0 : i32
      %dma_start3A_229 = tpu.memref_slice %arg6[%add3A_220, %dma_start3A_228] : memref<20000x128xf32, #tpu.memory_space<hbm>> -> memref<64x128xf32, #tpu.memory_space<hbm>>
      %dma_start3A_230 = arith.constant 0 : i32
      %dma_start3A_231 = tpu.memref_slice %arg13[%multiple_of3A_217, %dma_start3A_230] : memref<10000x136xf32, #tpu.memory_space<vmem_shared>> -> memref<64x128xf32, #tpu.memory_space<vmem_shared>>
      tpu.enqueue_dma source(%dma_start3A_231 : memref<64x128xf32, #tpu.memory_space<vmem_shared>>) target(%dma_start3A_229 : memref<64x128xf32, #tpu.memory_space<hbm>>) target_semaphore(%run_scoped3A_227 : memref<!tpu.dma_semaphore, #tpu.memory_space<semaphore_mem>>)
      %dma_wait3A_232 = arith.constant 0 : i32
      %dma_wait3A_233 = tpu.memref_slice %arg6[%add3A_220, %dma_wait3A_232] : memref<20000x128xf32, #tpu.memory_space<hbm>> -> memref<64x128xf32, #tpu.memory_space<hbm>>
      %dma_wait3A_234 = arith.constant 0 : i32
      %dma_wait3A_235 = tpu.memref_slice %arg13[%multiple_of3A_217, %dma_wait3A_234] : memref<10000x136xf32, #tpu.memory_space<vmem_shared>> -> memref<64x128xf32, #tpu.memory_space<vmem_shared>>
      tpu.wait_dma2 semaphore(%run_scoped3A_227 : memref<!tpu.dma_semaphore, #tpu.memory_space<semaphore_mem>>) src(%dma_wait3A_235 : memref<64x128xf32, #tpu.memory_space<vmem_shared>>) dst(%dma_wait3A_233 : memref<64x128xf32, #tpu.memory_space<hbm>>)
      tpu.yield
    }) : () -> ()
    "tpu.region"() ({
      %run_scoped3A_227 = tpu.sem_alloc : memref<!tpu.dma_semaphore, #tpu.memory_space<semaphore_mem>>
      %dma_start3A_228 = arith.constant 0 : i32
      %dma_start3A_229 = tpu.memref_slice %arg7[%add3A_220, %dma_start3A_228] : memref<20000x8xf32, #tpu.memory_space<hbm>> -> memref<64x8xf32, #tpu.memory_space<hbm>>
      %dma_start3A_230 = arith.constant 128 : i32
      %dma_start3A_231 = tpu.memref_slice %arg13[%multiple_of3A_217, %dma_start3A_230] : memref<10000x136xf32, #tpu.memory_space<vmem_shared>> -> memref<64x8xf32, #tpu.memory_space<vmem_shared>>
      tpu.enqueue_dma source(%dma_start3A_231 : memref<64x8xf32, #tpu.memory_space<vmem_shared>>) target(%dma_start3A_229 : memref<64x8xf32, #tpu.memory_space<hbm>>) target_semaphore(%run_scoped3A_227 : memref<!tpu.dma_semaphore, #tpu.memory_space<semaphore_mem>>)
      %dma_wait3A_232 = arith.constant 0 : i32
      %dma_wait3A_233 = tpu.memref_slice %arg7[%add3A_220, %dma_wait3A_232] : memref<20000x8xf32, #tpu.memory_space<hbm>> -> memref<64x8xf32, #tpu.memory_space<hbm>>
      %dma_wait3A_234 = arith.constant 128 : i32
      %dma_wait3A_235 = tpu.memref_slice %arg13[%multiple_of3A_217, %dma_wait3A_234] : memref<10000x136xf32, #tpu.memory_space<vmem_shared>> -> memref<64x8xf32, #tpu.memory_space<vmem_shared>>
      tpu.wait_dma2 semaphore(%run_scoped3A_227 : memref<!tpu.dma_semaphore, #tpu.memory_space<semaphore_mem>>) src(%dma_wait3A_235 : memref<64x8xf32, #tpu.memory_space<vmem_shared>>) dst(%dma_wait3A_233 : memref<64x8xf32, #tpu.memory_space<hbm>>)
      tpu.yield
    }) : () -> ()
    %add3A_221 = arith.constant 576 : i32
    %add3A_222 = arith.addi %multiple_of3A, %add3A_221 : i32
    %multiple_of3A_223 = tpu.assume_multiple %add3A_222, 8 : i32
    %mul3A_224 = arith.constant 10000 : i32
    %mul3A_225 = arith.muli %arg0, %mul3A_224 : i32
    %add3A_226 = arith.addi %mul3A_225, %multiple_of3A_223 : i32
    "tpu.region"() ({
      %run_scoped3A_227 = tpu.sem_alloc : memref<!tpu.dma_semaphore, #tpu.memory_space<semaphore_mem>>
      %dma_start3A_228 = arith.constant 0 : i32
      %dma_start3A_229 = tpu.memref_slice %arg6[%add3A_226, %dma_start3A_228] : memref<20000x128xf32, #tpu.memory_space<hbm>> -> memref<56x128xf32, #tpu.memory_space<hbm>>
      %dma_start3A_230 = arith.constant 0 : i32
      %dma_start3A_231 = tpu.memref_slice %arg13[%multiple_of3A_223, %dma_start3A_230] : memref<10000x136xf32, #tpu.memory_space<vmem_shared>> -> memref<56x128xf32, #tpu.memory_space<vmem_shared>>
      tpu.enqueue_dma source(%dma_start3A_231 : memref<56x128xf32, #tpu.memory_space<vmem_shared>>) target(%dma_start3A_229 : memref<56x128xf32, #tpu.memory_space<hbm>>) target_semaphore(%run_scoped3A_227 : memref<!tpu.dma_semaphore, #tpu.memory_space<semaphore_mem>>)
      %dma_wait3A_232 = arith.constant 0 : i32
      %dma_wait3A_233 = tpu.memref_slice %arg6[%add3A_226, %dma_wait3A_232] : memref<20000x128xf32, #tpu.memory_space<hbm>> -> memref<56x128xf32, #tpu.memory_space<hbm>>
      %dma_wait3A_234 = arith.constant 0 : i32
      %dma_wait3A_235 = tpu.memref_slice %arg13[%multiple_of3A_223, %dma_wait3A_234] : memref<10000x136xf32, #tpu.memory_space<vmem_shared>> -> memref<56x128xf32, #tpu.memory_space<vmem_shared>>
      tpu.wait_dma2 semaphore(%run_scoped3A_227 : memref<!tpu.dma_semaphore, #tpu.memory_space<semaphore_mem>>) src(%dma_wait3A_235 : memref<56x128xf32, #tpu.memory_space<vmem_shared>>) dst(%dma_wait3A_233 : memref<56x128xf32, #tpu.memory_space<hbm>>)
      tpu.yield
    }) : () -> ()
    "tpu.region"() ({
      %run_scoped3A_227 = tpu.sem_alloc : memref<!tpu.dma_semaphore, #tpu.memory_space<semaphore_mem>>
      %dma_start3A_228 = arith.constant 0 : i32
      %dma_start3A_229 = tpu.memref_slice %arg7[%add3A_226, %dma_start3A_228] : memref<20000x8xf32, #tpu.memory_space<hbm>> -> memref<56x8xf32, #tpu.memory_space<hbm>>
      %dma_start3A_230 = arith.constant 128 : i32
      %dma_start3A_231 = tpu.memref_slice %arg13[%multiple_of3A_223, %dma_start3A_230] : memref<10000x136xf32, #tpu.memory_space<vmem_shared>> -> memref<56x8xf32, #tpu.memory_space<vmem_shared>>
      tpu.enqueue_dma source(%dma_start3A_231 : memref<56x8xf32, #tpu.memory_space<vmem_shared>>) target(%dma_start3A_229 : memref<56x8xf32, #tpu.memory_space<hbm>>) target_semaphore(%run_scoped3A_227 : memref<!tpu.dma_semaphore, #tpu.memory_space<semaphore_mem>>)
      %dma_wait3A_232 = arith.constant 0 : i32
      %dma_wait3A_233 = tpu.memref_slice %arg7[%add3A_226, %dma_wait3A_232] : memref<20000x8xf32, #tpu.memory_space<hbm>> -> memref<56x8xf32, #tpu.memory_space<hbm>>
      %dma_wait3A_234 = arith.constant 128 : i32
      %dma_wait3A_235 = tpu.memref_slice %arg13[%multiple_of3A_223, %dma_wait3A_234] : memref<10000x136xf32, #tpu.memory_space<vmem_shared>> -> memref<56x8xf32, #tpu.memory_space<vmem_shared>>
      tpu.wait_dma2 semaphore(%run_scoped3A_227 : memref<!tpu.dma_semaphore, #tpu.memory_space<semaphore_mem>>) src(%dma_wait3A_235 : memref<56x8xf32, #tpu.memory_space<vmem_shared>>) dst(%dma_wait3A_233 : memref<56x8xf32, #tpu.memory_space<hbm>>)
      tpu.yield
    }) : () -> ()
    return
  }
}

module attributes {stable_mosaic.version = 14 : i64} {
  func.func @_mm2_body(%arg0: i32, %arg1: memref<2000x128xf32, #tpu.memory_space<vmem>>, %arg2: memref<128x128xf32, #tpu.memory_space<vmem>>, %arg3: memref<128x128xf32, #tpu.memory_space<vmem>>, %arg4: memref<2000x128xbf16, #tpu.memory_space<vmem>>, %arg5: memref<2000x128xbf16, #tpu.memory_space<vmem>>) attributes {dimension_semantics = [#tpu.dimension_semantics<arbitrary>], iteration_bounds = array<i64: 5>, scalar_prefetch = 0 : i64, scratch_operands = 0 : i64, tpu.core_type = #tpu.core_type<tc>, window_params = [{transform_indices = @transform_0, window_bounds = array<i64: 2000, 128>}, {pipeline_mode = #tpu.pipeline_mode<synchronous>, transform_indices = @transform_1, window_bounds = array<i64: 128, 128>}, {pipeline_mode = #tpu.pipeline_mode<synchronous>, transform_indices = @transform_2, window_bounds = array<i64: 128, 128>}, {transform_indices = @transform_3, window_bounds = array<i64: 2000, 128>}, {transform_indices = @transform_4, window_bounds = array<i64: 2000, 128>}]} {
    %get3A = arith.constant 0 : index
    %get3A_0 = arith.constant 0 : index
    %get3A_1 = vector.load %arg1[%get3A, %get3A_0] : memref<2000x128xf32, #tpu.memory_space<vmem>>, vector<2000x128xf32>
    %get3A_2 = arith.constant 0 : index
    %get3A_3 = arith.constant 0 : index
    %get3A_4 = vector.load %arg2[%get3A_2, %get3A_3] : memref<128x128xf32, #tpu.memory_space<vmem>>, vector<128x128xf32>
    %dot_general3A = arith.constant dense<0.000000e+00> : vector<2000x128xf32>
    %dot_general3A_5 = tpu.matmul %get3A_1, %get3A_4, %dot_general3A {dimension_numbers = #tpu.dot_dimension_numbers<[1], [0], [0], [1], [0, 0, 1, 1], [], []>, transpose_lhs_hint = false} : vector<2000x128xf32>, vector<128x128xf32>, vector<2000x128xf32> -> vector<2000x128xf32>
    %convert_element_type3A = arith.truncf %dot_general3A_5 : vector<2000x128xf32> to vector<2000x128xbf16>
    %swap3A = arith.constant 0 : index
    %swap3A_6 = arith.constant 0 : index
    %swap3A_7 = vector.load %arg4[%swap3A, %swap3A_6] : memref<2000x128xbf16, #tpu.memory_space<vmem>>, vector<2000x128xbf16>
    tpu.vector_store %arg4[%swap3A, %swap3A_6], %convert_element_type3A {strides = array<i32>} : memref<2000x128xbf16, #tpu.memory_space<vmem>>, vector<2000x128xbf16>,
    %get3A_8 = arith.constant 0 : index
    %get3A_9 = arith.constant 0 : index
    %get3A_10 = vector.load %arg3[%get3A_8, %get3A_9] : memref<128x128xf32, #tpu.memory_space<vmem>>, vector<128x128xf32>
    %dot_general3A_11 = arith.constant dense<0.000000e+00> : vector<2000x128xf32>
    %dot_general3A_12 = tpu.matmul %get3A_1, %get3A_10, %dot_general3A_11 {dimension_numbers = #tpu.dot_dimension_numbers<[1], [0], [0], [1], [0, 0, 1, 1], [], []>, transpose_lhs_hint = false} : vector<2000x128xf32>, vector<128x128xf32>, vector<2000x128xf32> -> vector<2000x128xf32>
    %convert_element_type3A_13 = arith.truncf %dot_general3A_12 : vector<2000x128xf32> to vector<2000x128xbf16>
    %swap3A_14 = arith.constant 0 : index
    %swap3A_15 = arith.constant 0 : index
    %swap3A_16 = vector.load %arg5[%swap3A_14, %swap3A_15] : memref<2000x128xbf16, #tpu.memory_space<vmem>>, vector<2000x128xbf16>
    tpu.vector_store %arg5[%swap3A_14, %swap3A_15], %convert_element_type3A_13 {strides = array<i32>} : memref<2000x128xbf16, #tpu.memory_space<vmem>>, vector<2000x128xbf16>,
    return
  }
  func.func @transform_0(%arg0: i32) -> (i32, i32) {
    %c0_i32 = arith.constant 0 : i32
    %c0_i32_0 = arith.constant 0 : i32
    return %arg0, %c0_i32 : i32, i32
  }
  func.func @transform_1(%arg0: i32) -> (i32, i32) {
    %c0_i32 = arith.constant 0 : i32
    %c0_i32_0 = arith.constant 0 : i32
    %c0_i32_1 = arith.constant 0 : i32
    return %c0_i32, %c0_i32_0 : i32, i32
  }
  func.func @transform_2(%arg0: i32) -> (i32, i32) {
    %c0_i32 = arith.constant 0 : i32
    %c0_i32_0 = arith.constant 0 : i32
    %c0_i32_1 = arith.constant 0 : i32
    return %c0_i32, %c0_i32_0 : i32, i32
  }
  func.func @transform_3(%arg0: i32) -> (i32, i32) {
    %c0_i32 = arith.constant 0 : i32
    %c0_i32_0 = arith.constant 0 : i32
    return %arg0, %c0_i32 : i32, i32
  }
  func.func @transform_4(%arg0: i32) -> (i32, i32) {
    %c0_i32 = arith.constant 0 : i32
    %c0_i32_0 = arith.constant 0 : i32
    return %arg0, %c0_i32 : i32, i32
  }
}

module attributes {stable_mosaic.version = 14 : i64} {
  func.func @_combine_mm2_body(%arg0: i32, %arg1: memref<2000x128xf32, #tpu.memory_space<vmem>>, %arg2: memref<2000x128xf32, #tpu.memory_space<vmem>>, %arg3: memref<2000x8xf32, #tpu.memory_space<vmem>>, %arg4: memref<2000x8xf32, #tpu.memory_space<vmem>>, %arg5: memref<1x128xf32, #tpu.memory_space<vmem>>, %arg6: memref<128x128xf32, #tpu.memory_space<vmem>>, %arg7: memref<128x128xf32, #tpu.memory_space<vmem>>, %arg8: memref<2000x128xbf16, #tpu.memory_space<vmem>>, %arg9: memref<2000x128xbf16, #tpu.memory_space<vmem>>) attributes {dimension_semantics = [#tpu.dimension_semantics<arbitrary>], iteration_bounds = array<i64: 5>, scalar_prefetch = 0 : i64, scratch_operands = 0 : i64, tpu.core_type = #tpu.core_type<tc>, window_params = [{transform_indices = @transform_0, window_bounds = array<i64: 2000, 128>}, {transform_indices = @transform_1, window_bounds = array<i64: 2000, 128>}, {transform_indices = @transform_2, window_bounds = array<i64: 2000, 8>}, {transform_indices = @transform_3, window_bounds = array<i64: 2000, 8>}, {pipeline_mode = #tpu.pipeline_mode<synchronous>, transform_indices = @transform_4, window_bounds = array<i64: 1, 128>}, {pipeline_mode = #tpu.pipeline_mode<synchronous>, transform_indices = @transform_5, window_bounds = array<i64: 128, 128>}, {pipeline_mode = #tpu.pipeline_mode<synchronous>, transform_indices = @transform_6, window_bounds = array<i64: 128, 128>}, {transform_indices = @transform_7, window_bounds = array<i64: 2000, 128>}, {transform_indices = @transform_8, window_bounds = array<i64: 2000, 128>}]} {
    %get3A = arith.constant 0 : index
    %get3A_0 = arith.constant 0 : index
    %get3A_1 = vector.load %arg1[%get3A, %get3A_0] : memref<2000x128xf32, #tpu.memory_space<vmem>>, vector<2000x128xf32>
    %get3A_2 = arith.constant 0 : index
    %get3A_3 = arith.constant 0 : index
    %get3A_4 = vector.load %arg2[%get3A_2, %get3A_3] : memref<2000x128xf32, #tpu.memory_space<vmem>>, vector<2000x128xf32>
    %add3A = arith.addf %get3A_1, %get3A_4 : vector<2000x128xf32>
    %get3A_5 = arith.constant 0 : index
    %get3A_6 = arith.constant 0 : index
    %get3A_7 = vector.load %arg3[%get3A_5, %get3A_6] : memref<2000x8xf32, #tpu.memory_space<vmem>>, vector<2000x8xf32>
    %get3A_8 = arith.constant 0 : index
    %get3A_9 = arith.constant 0 : index
    %get3A_10 = vector.load %arg4[%get3A_8, %get3A_9] : memref<2000x8xf32, #tpu.memory_space<vmem>>, vector<2000x8xf32>
    %add3A_11 = arith.addf %get3A_7, %get3A_10 : vector<2000x8xf32>
    %slice3A = vector.extract_strided_slice %add3A_11 {offsets = [0, 0], sizes = [2000, 1], strides = [1, 1]} : vector<2000x8xf32> to vector<2000x1xf32>
    %div3A = vector.broadcast %slice3A : vector<2000x1xf32> to vector<2000x128xf32>
    %div3A_12 = arith.divf %add3A, %div3A : vector<2000x128xf32>
    %get3A_13 = arith.constant 0 : index
    %get3A_14 = arith.constant 0 : index
    %get3A_15 = vector.load %arg5[%get3A_13, %get3A_14] : memref<1x128xf32, #tpu.memory_space<vmem>>, vector<1x128xf32>
    %add3A_16 = vector.broadcast %get3A_15 : vector<1x128xf32> to vector<2000x128xf32>
    %add3A_17 = arith.addf %div3A_12, %add3A_16 : vector<2000x128xf32>
    %max3A = arith.constant 0.000000e+00 : f32
    %max3A_18 = vector.broadcast %max3A : f32 to vector<2000x128xf32>
    %max3A_19 = arith.maximumf %add3A_17, %max3A_18 : vector<2000x128xf32>
    %get3A_20 = arith.constant 0 : index
    %get3A_21 = arith.constant 0 : index
    %get3A_22 = vector.load %arg6[%get3A_20, %get3A_21] : memref<128x128xf32, #tpu.memory_space<vmem>>, vector<128x128xf32>
    %dot_general3A = arith.constant dense<0.000000e+00> : vector<2000x128xf32>
    %dot_general3A_23 = tpu.matmul %max3A_19, %get3A_22, %dot_general3A {dimension_numbers = #tpu.dot_dimension_numbers<[1], [0], [0], [1], [0, 0, 1, 1], [], []>, transpose_lhs_hint = false} : vector<2000x128xf32>, vector<128x128xf32>, vector<2000x128xf32> -> vector<2000x128xf32>
    %convert_element_type3A = arith.truncf %dot_general3A_23 : vector<2000x128xf32> to vector<2000x128xbf16>
    %swap3A = arith.constant 0 : index
    %swap3A_24 = arith.constant 0 : index
    %swap3A_25 = vector.load %arg8[%swap3A, %swap3A_24] : memref<2000x128xbf16, #tpu.memory_space<vmem>>, vector<2000x128xbf16>
    tpu.vector_store %arg8[%swap3A, %swap3A_24], %convert_element_type3A {strides = array<i32>} : memref<2000x128xbf16, #tpu.memory_space<vmem>>, vector<2000x128xbf16>,
    %get3A_26 = arith.constant 0 : index
    %get3A_27 = arith.constant 0 : index
    %get3A_28 = vector.load %arg7[%get3A_26, %get3A_27] : memref<128x128xf32, #tpu.memory_space<vmem>>, vector<128x128xf32>
    %dot_general3A_29 = arith.constant dense<0.000000e+00> : vector<2000x128xf32>
    %dot_general3A_30 = tpu.matmul %max3A_19, %get3A_28, %dot_general3A_29 {dimension_numbers = #tpu.dot_dimension_numbers<[1], [0], [0], [1], [0, 0, 1, 1], [], []>, transpose_lhs_hint = false} : vector<2000x128xf32>, vector<128x128xf32>, vector<2000x128xf32> -> vector<2000x128xf32>
    %convert_element_type3A_31 = arith.truncf %dot_general3A_30 : vector<2000x128xf32> to vector<2000x128xbf16>
    %swap3A_32 = arith.constant 0 : index
    %swap3A_33 = arith.constant 0 : index
    %swap3A_34 = vector.load %arg9[%swap3A_32, %swap3A_33] : memref<2000x128xbf16, #tpu.memory_space<vmem>>, vector<2000x128xbf16>
    tpu.vector_store %arg9[%swap3A_32, %swap3A_33], %convert_element_type3A_31 {strides = array<i32>} : memref<2000x128xbf16, #tpu.memory_space<vmem>>, vector<2000x128xbf16>,
    return
  }
  func.func @transform_0(%arg0: i32) -> (i32, i32) {
    %c0_i32 = arith.constant 0 : i32
    %c0_i32_0 = arith.constant 0 : i32
    return %arg0, %c0_i32 : i32, i32
  }
  func.func @transform_1(%arg0: i32) -> (i32, i32) {
    %add3A = arith.constant 5 : i32
    %add3A_0 = arith.addi %add3A, %arg0 : i32
    %c0_i32 = arith.constant 0 : i32
    %c0_i32_1 = arith.constant 0 : i32
    return %add3A_0, %c0_i32 : i32, i32
  }
  func.func @transform_2(%arg0: i32) -> (i32, i32) {
    %c0_i32 = arith.constant 0 : i32
    %c0_i32_0 = arith.constant 0 : i32
    return %arg0, %c0_i32 : i32, i32
  }
  func.func @transform_3(%arg0: i32) -> (i32, i32) {
    %add3A = arith.constant 5 : i32
    %add3A_0 = arith.addi %add3A, %arg0 : i32
    %c0_i32 = arith.constant 0 : i32
    %c0_i32_1 = arith.constant 0 : i32
    return %add3A_0, %c0_i32 : i32, i32
  }
  func.func @transform_4(%arg0: i32) -> (i32, i32) {
    %c0_i32 = arith.constant 0 : i32
    %c0_i32_0 = arith.constant 0 : i32
    %c0_i32_1 = arith.constant 0 : i32
    return %c0_i32, %c0_i32_0 : i32, i32
  }
  func.func @transform_5(%arg0: i32) -> (i32, i32) {
    %c0_i32 = arith.constant 0 : i32
    %c0_i32_0 = arith.constant 0 : i32
    %c0_i32_1 = arith.constant 0 : i32
    return %c0_i32, %c0_i32_0 : i32, i32
  }
  func.func @transform_6(%arg0: i32) -> (i32, i32) {
    %c0_i32 = arith.constant 0 : i32
    %c0_i32_0 = arith.constant 0 : i32
    %c0_i32_1 = arith.constant 0 : i32
    return %c0_i32, %c0_i32_0 : i32, i32
  }
  func.func @transform_7(%arg0: i32) -> (i32, i32) {
    %c0_i32 = arith.constant 0 : i32
    %c0_i32_0 = arith.constant 0 : i32
    return %arg0, %c0_i32 : i32, i32
  }
  func.func @transform_8(%arg0: i32) -> (i32, i32) {
    %c0_i32 = arith.constant 0 : i32
    %c0_i32_0 = arith.constant 0 : i32
    return %arg0, %c0_i32 : i32, i32
  }
}

module attributes {stable_mosaic.version = 14 : i64} {
  func.func @_final_body(%arg0: i32, %arg1: memref<2000x128xf32, #tpu.memory_space<vmem>>, %arg2: memref<2000x128xf32, #tpu.memory_space<vmem>>, %arg3: memref<2000x8xf32, #tpu.memory_space<vmem>>, %arg4: memref<2000x8xf32, #tpu.memory_space<vmem>>, %arg5: memref<1x128xf32, #tpu.memory_space<vmem>>, %arg6: memref<2000x128xf32, #tpu.memory_space<vmem>>) attributes {dimension_semantics = [#tpu.dimension_semantics<arbitrary>], iteration_bounds = array<i64: 5>, scalar_prefetch = 0 : i64, scratch_operands = 0 : i64, tpu.core_type = #tpu.core_type<tc>, window_params = [{transform_indices = @transform_0, window_bounds = array<i64: 2000, 128>}, {transform_indices = @transform_1, window_bounds = array<i64: 2000, 128>}, {transform_indices = @transform_2, window_bounds = array<i64: 2000, 8>}, {transform_indices = @transform_3, window_bounds = array<i64: 2000, 8>}, {pipeline_mode = #tpu.pipeline_mode<synchronous>, transform_indices = @transform_4, window_bounds = array<i64: 1, 128>}, {transform_indices = @transform_5, window_bounds = array<i64: 2000, 128>}]} {
    %get3A = arith.constant 0 : index
    %get3A_0 = arith.constant 0 : index
    %get3A_1 = vector.load %arg1[%get3A, %get3A_0] : memref<2000x128xf32, #tpu.memory_space<vmem>>, vector<2000x128xf32>
    %get3A_2 = arith.constant 0 : index
    %get3A_3 = arith.constant 0 : index
    %get3A_4 = vector.load %arg2[%get3A_2, %get3A_3] : memref<2000x128xf32, #tpu.memory_space<vmem>>, vector<2000x128xf32>
    %add3A = arith.addf %get3A_1, %get3A_4 : vector<2000x128xf32>
    %get3A_5 = arith.constant 0 : index
    %get3A_6 = arith.constant 0 : index
    %get3A_7 = vector.load %arg3[%get3A_5, %get3A_6] : memref<2000x8xf32, #tpu.memory_space<vmem>>, vector<2000x8xf32>
    %get3A_8 = arith.constant 0 : index
    %get3A_9 = arith.constant 0 : index
    %get3A_10 = vector.load %arg4[%get3A_8, %get3A_9] : memref<2000x8xf32, #tpu.memory_space<vmem>>, vector<2000x8xf32>
    %add3A_11 = arith.addf %get3A_7, %get3A_10 : vector<2000x8xf32>
    %slice3A = vector.extract_strided_slice %add3A_11 {offsets = [0, 0], sizes = [2000, 1], strides = [1, 1]} : vector<2000x8xf32> to vector<2000x1xf32>
    %div3A = vector.broadcast %slice3A : vector<2000x1xf32> to vector<2000x128xf32>
    %div3A_12 = arith.divf %add3A, %div3A : vector<2000x128xf32>
    %get3A_13 = arith.constant 0 : index
    %get3A_14 = arith.constant 0 : index
    %get3A_15 = vector.load %arg5[%get3A_13, %get3A_14] : memref<1x128xf32, #tpu.memory_space<vmem>>, vector<1x128xf32>
    %add3A_16 = vector.broadcast %get3A_15 : vector<1x128xf32> to vector<2000x128xf32>
    %add3A_17 = arith.addf %div3A_12, %add3A_16 : vector<2000x128xf32>
    %swap3A = arith.constant 0 : index
    %swap3A_18 = arith.constant 0 : index
    %swap3A_19 = vector.load %arg6[%swap3A, %swap3A_18] : memref<2000x128xf32, #tpu.memory_space<vmem>>, vector<2000x128xf32>
    tpu.vector_store %arg6[%swap3A, %swap3A_18], %add3A_17 {strides = array<i32>} : memref<2000x128xf32, #tpu.memory_space<vmem>>, vector<2000x128xf32>,
    return
  }
  func.func @transform_0(%arg0: i32) -> (i32, i32) {
    %c0_i32 = arith.constant 0 : i32
    %c0_i32_0 = arith.constant 0 : i32
    return %arg0, %c0_i32 : i32, i32
  }
  func.func @transform_1(%arg0: i32) -> (i32, i32) {
    %add3A = arith.constant 5 : i32
    %add3A_0 = arith.addi %add3A, %arg0 : i32
    %c0_i32 = arith.constant 0 : i32
    %c0_i32_1 = arith.constant 0 : i32
    return %add3A_0, %c0_i32 : i32, i32
  }
  func.func @transform_2(%arg0: i32) -> (i32, i32) {
    %c0_i32 = arith.constant 0 : i32
    %c0_i32_0 = arith.constant 0 : i32
    return %arg0, %c0_i32 : i32, i32
  }
  func.func @transform_3(%arg0: i32) -> (i32, i32) {
    %add3A = arith.constant 5 : i32
    %add3A_0 = arith.addi %add3A, %arg0 : i32
    %c0_i32 = arith.constant 0 : i32
    %c0_i32_1 = arith.constant 0 : i32
    return %add3A_0, %c0_i32 : i32, i32
  }
  func.func @transform_4(%arg0: i32) -> (i32, i32) {
    %c0_i32 = arith.constant 0 : i32
    %c0_i32_0 = arith.constant 0 : i32
    %c0_i32_1 = arith.constant 0 : i32
    return %c0_i32, %c0_i32_0 : i32, i32
  }
  func.func @transform_5(%arg0: i32) -> (i32, i32) {
    %c0_i32 = arith.constant 0 : i32
    %c0_i32_0 = arith.constant 0 : i32
    return %arg0, %c0_i32 : i32, i32
  }
}

</mosaic_0001>

<sc_bundles>
// kernel: kernel.10.cloned.1.call-start
scs
__scs_entry_jumppad:
0x0: {  	(pc) =	sbr.rel $0x88, $3  }
0x1: {  	(tag) =	ssettag $0x0;
	lr =	simm.s32 $0x1  }
0x2: {  	[smem:$0x3F97] =	sst lr;
	_ =	strace $0xD0000000  }
0x3: {  	_ = 	snop  }
0x4: {  	_ = 	snop  }
0x5: {  	_ = 	snop  }
0x6: {  	_ = 	snop  }
0x7: {  	_ = 	snop  }
__scs_overlays_trampoline_lowered:
0x8: {  	[smem:$0x3FA6] =	sst s0  }
0x9: {  	[smem:$0x3FA7] =	sst s1  }
0xa: {  	[smem:$0x3FA8] =	sst s2  }
0xb: {  	[smem:$0x3FA9] =	sst s3  }
0xc: {  	[smem:$0x3FAA] =	sst s4  }
0xd: {  	[smem:$0x3FAB] =	sst s5  }
0xe: {  	[smem:$0x3FAC] =	sst s6  }
0xf: {  	[smem:$0x3FAD] =	sst s7  }
0x10: {  	[smem:$0x3FAE] =	sst s8  }
0x11: {  	[smem:$0x3FAF] =	sst s9;
	s0 =	simm.s32 @!p0 $0x0  }
0x12: {  	s1 =	sld [smem:$0x3F95];
	s0 =	simm.s32 @p0 $0x1  }
0x13: {  	[smem:$0x3FB0] =	sst s0;
	s0 =	simm.s32 @!p1 $0x0  }
0x14: {  	s2 =	sld [smem:$0x3F94];
	s0 =	simm.s32 @p1 $0x1  }
0x15: {  	[smem:$0x3FB1] =	sst s0;
	s0 =	simm.s32 @!p2 $0x0  }
0x16: {  	s3 =	sld [smem:$0x3FDB];
	s0 =	simm.s32 @p2 $0x1  }
0x17: {  	s4 =	simm.s32 $0x1BF5;
	[smem:$0x3FB3] =	sst s0  }
0x18: {  	s0 =	sld [smem:$0x3F96];
	_ =	swait.ge [sflag:s4], $0x0  }
0x19: {  	s7 =	sld [smem:$0x3F97]  }
0x1a: {  	s8 =	sadd.s32 $0xFFFFE003, lr  }
0x1b: {  	s9 =	sadd.s32 $0xFFFFFEF7, lr;
	s5 =	simm.s32 $0xFFFFFFFF;
	p2 =	slt.u32 s8, $0xFFFFF086  }
0x1c: {  	p1 =	slt.u32 s9, $0xF7A;
	s5 =	simm.s32 @!p2 $0x0  }
0x1d: {  	s5 =	simm.s32 @p1 $0x1;
	p0 =	seq.s32 s7, s2  }
0x1e: {  	s7 =	smul.u32 @!p0 $0xF7A, s2;
	p2 =	seq.s32 @!p0 s5, $0x0  }
0x1f: {  	s9 =	smul.u32 $0xF7A, s1;
	s8 =	simm.s32 @!p0 $0x1BF5;
	p2 =	por !p2, p0  }
0x20: {  	[sflag:s8] =	ssyncset.s32 @!p0 $0xFFFFF086;
	s6 =	sadd.s32 @!p0 s3, s7;
	s7 =	simm.s32 @!p0 $0x108  }
0x21: {  	s3 =	sadd.s32 s3, s9;
	s6 =	sadd.s32 @!p0 $0x88, s6;
	s7 =	simm.s32 @p2 $0x1082  }
0x22: {  	[simem:s7], [sflag:s8] =	dma.local @!p0 [hbm:s6], $0xF7A  }
0x23: {  	s9 =	sor.u32 $0xD0000000, s2;
	s6 =	simm.s32 $0x108;
	_ =	swait.ge @!p0 [sflag:s8], $0x0  }
0x24: {  	s3 =	sadd.s32 $0x88, s3;
	s6 =	simm.s32 @!p1 $0x1082;
	[sflag:s4] =	ssyncset.s32 $0xFFFFF086  }
0x25: {  	[simem:s6], [sflag:s4] =	dma.local [hbm:s3], $0xF7A  }
0x26: {  	[smem:$0x3F97] =	sst s1;
	(tag) =	ssettag s2;
	_ =	strace s9  }
0x27: {  	s1 =	sld [smem:$0x3FA7]  }
0x28: {  	s2 =	sld [smem:$0x3FA8]  }
0x29: {  	s4 =	sld [smem:$0x3FAA]  }
0x2a: {  	p0 =	seq.s32 s5, $0x0;
	s5 =	sld [smem:$0x3FAB]  }
0x2b: {  	s6 =	sld [smem:$0x3FAC]  }
0x2c: {  	s7 =	sld [smem:$0x3FAD]  }
0x2d: {  	s3 =	simm.s32 $0x108;
	s8 =	sld [smem:$0x3FAE]  }
0x2e: {  	s3 =	simm.s32 @!p0 $0x1082;
	s9 =	sld [smem:$0x3FAF]  }
0x2f: {  	lr =	sadd.s32 s0, s3;
	s0 =	sld [smem:$0x3FA6]  }
0x30: {  	s3 =	sld [smem:$0x3FA9]  }
0x31: {  	[smem:$0x3FB2] =	sst s10  }
0x32: {  	s10 =	sld [smem:$0x3FB0];
	_ =	sdelay $0x3  }
0x33: {  	p0 =	seq.s32 s10, $0x1;
	s10 =	sld [smem:$0x3FB2];
	_ =	sdelay $0x3  }
0x34: {  	[smem:$0x3FB2] =	sst s10  }
0x35: {  	s10 =	sld [smem:$0x3FB1];
	_ =	sdelay $0x3  }
0x36: {  	p1 =	seq.s32 s10, $0x1;
	s10 =	sld [smem:$0x3FB2];
	_ =	sdelay $0x3  }
0x37: {  	[smem:$0x3FB2] =	sst s10  }
0x38: {  	s10 =	sld [smem:$0x3FB3]  }
0x39: {  	_ = 	snop;
	(pc) =	sbr.ind lr, $3  }
0x3a: {  	_ = 	snop  }
0x3b: {  	_ = 	snop  }
0x3c: {  	p2 =	seq.s32 s10, $0x1;
	s10 =	sld [smem:$0x3FB2]  }
0x3d: {  	_ =	shalt  }
0x3e: {  	_ =	shalt  }
0x3f: {  	_ =	shalt  }
0x40: {  	_ =	shalt  }
0x41: {  	_ =	shalt  }
0x42: {  	_ =	shalt  }
0x43: {  	_ =	shalt  }
0x44: {  	_ =	shalt  }
0x45: {  	_ =	shalt  }
0x46: {  	_ =	shalt  }
0x47: {  	_ =	shalt  }
0x48: {  	_ =	shalt  }
0x49: {  	_ =	shalt  }
0x4a: {  	_ =	shalt  }
0x4b: {  	_ =	shalt  }
0x4c: {  	_ =	shalt  }
0x4d: {  	_ =	shalt  }
0x4e: {  	_ =	shalt  }
0x4f: {  	_ =	shalt  }
0x50: {  	_ =	shalt  }
0x51: {  	_ =	shalt  }
0x52: {  	_ =	shalt  }
0x53: {  	_ =	shalt  }
0x54: {  	_ =	shalt  }
0x55: {  	_ =	shalt  }
0x56: {  	_ =	shalt  }
0x57: {  	_ =	shalt  }
0x58: {  	_ =	shalt  }
0x59: {  	_ =	shalt  }
0x5a: {  	_ =	shalt  }
0x5b: {  	_ =	shalt  }
0x5c: {  	_ =	shalt  }
0x5d: {  	_ =	shalt  }
0x5e: {  	_ =	shalt  }
0x5f: {  	_ =	shalt  }
0x60: {  	_ =	shalt  }
0x61: {  	_ =	shalt  }
0x62: {  	_ =	shalt  }
0x63: {  	_ =	shalt  }
0x64: {  	_ =	shalt  }
0x65: {  	_ =	shalt  }
0x66: {  	_ =	shalt  }
0x67: {  	_ =	shalt  }
0x68: {  	_ =	shalt  }
0x69: {  	_ =	shalt  }
0x6a: {  	_ =	shalt  }
0x6b: {  	_ =	shalt  }
0x6c: {  	_ =	shalt  }
0x6d: {  	_ =	shalt  }
0x6e: {  	_ =	shalt  }
0x6f: {  	_ =	shalt  }
0x70: {  	_ =	shalt  }
0x71: {  	_ =	shalt  }
0x72: {  	_ =	shalt  }
0x73: {  	_ =	shalt  }
0x74: {  	_ =	shalt  }
0x75: {  	_ =	shalt  }
0x76: {  	_ =	shalt  }
0x77: {  	_ =	shalt  }
0x78: {  	_ =	shalt  }
0x79: {  	_ =	shalt  }
0x7a: {  	_ =	shalt  }
0x7b: {  	_ =	shalt  }
0x7c: {  	_ =	shalt  }
0x7d: {  	_ =	shalt  }
0x7e: {  	_ =	shalt  }
0x7f: {  	_ =	shalt  }
0x80: {  	_ =	shalt  }
0x81: {  	_ =	shalt  }
0x82: {  	_ =	shalt  }
0x83: {  	_ =	shalt  }
0x84: {  	_ =	shalt  }
0x85: {  	_ =	shalt  }
0x86: {  	_ =	shalt  }
0x87: {  	_ =	shalt  }
.Lfunc_end0:
.L_simem_size_0:
called_computation.1_lowered:
.L_overlay_start_0:
0x88: {  	s2 =	sld [smem:$0x3FD9]  }
0x89: {  	s3 =	sld [smem:$0x3FFE];
	_ =	sdelay $0x1  }
0x8a: {  	s1 =	srdreg.scid  }
0x8b: {  	s0 =	sand.u32 $0x1, s1  }
0x8c: {  	s17 =	sshll.u32 s0, $0xA;
	s2 =	sadd.s32 s3, s2  }
0x8d: {  	s2 =	sadd.s32 s2, s17  }
0x8e: {  	[smem:$0x3FBE] =	sst s2  }
0x8f: {  	_ = 	snop  }
0x90: {  	s2 =	sld [smem:$0x3FD0];
	(tm) =	ssettm $0x1  }
0x91: {  	s18 =	sld [smem:$0x3FFB];
	_ =	sdelay $0x3  }
0x92: {  	_ =	strace s18  }
0x93: {  	s3 =	sld [smem:$0x3FFC];
	_ =	sdelay $0x3  }
0x94: {  	_ =	strace s3  }
0x95: {  	s3 =	sld [smem:$0x3FFD];
	_ =	sdelay $0x3  }
0x96: {  	_ =	strace s3  }
0x97: {  	_ =	strace $0x8FFFFFFF  }
0x98: {  	s19 =	sld [smem:$0x3FDB];
	_ =	sdelay $0x1  }
0x99: {  	s4 =	simm.s32 $_scs_section_size  }
0x9a: {  	s5 =	simm.s32 $_size__tile_overlayer_lowered;
	s6 =	simm.s32 $_tile_overlayer_lowered  }
0x9b: {  	s22 =	simm.s32 $0x1BFF;
	s21 =	sshll.u32 s6, $0x1;
	s3 =	sadd.s32 s4, s19  }
0x9c: {  	s7 =	simm.s32 $0x0;
	s20 =	sshll.u32 s5, $0x1;
	s5 =	sadd.s32 s21, s3  }
0x9d: {  	[timem:s7], [sflag:s22] =	dma.local [hbm:s5], s20  }
0x9e: {  	_ =	swait.ge [sflag:s22], s20  }
0x9f: {  	s4 =	ssub.s32 $0x0, s20;
	[sflag:s22] =	ssyncset.done $0x0  }
0xa0: {  	[sflag:s22] =	ssyncadd.s32 s4;
	_ =	sdelay $0x1  }
0xa1: {  	s23 =	simm.s32 $0x1B8B  }
0xa2: {  	_ =	swait.ge [sflag:s23], $0x1  }
0xa3: {  	[sflag:s23] =	ssyncset.done $0x0  }
0xa4: {  	s25 =	simm.s32 $0x1B8E;
	s24 =	sld [smem:$0x3FFE];
	[sflag:s23] =	ssyncadd.s32 $0xFFFFFFFF  }
0xa5: {  	s26 =	simm.s32 $execute0_lowered;
	[smem:$0x3FD2] =	sst s25  }
0xa6: {  	s5 =	sshll.u32 s26, $0x1;
	_ =	strace $0x80000049;
	[dreg:$0x1] =	wrdreg $0xFFFFFFFF  }
0xa7: {  	s28 =	simm.s32 $_size_execute0_lowered;
	s3 =	sadd.s32 s3, s5;
	[dreg:$0x0] =	wrdreg $0x0  }
0xa8: {  	s5 =	sshll.u32 s28, $0x1;
	[dreg:$0x2] =	wrdreg s3  }
0xa9: {  	[dreg:$0x3] =	wrdreg s5  }
0xaa: {  	[dreg:$0x4] =	wrdreg $0xC0  }
0xab: {  	_ =	task [dreg:s7], $0x5FFFF  }
0xac: {  	[dreg:$0x1] =	wrdreg $0xFFFFFFFF  }
0xad: {  	[dreg:$0x0] =	wrdreg $0x60  }
0xae: {  	[dreg:$0x2] =	wrdreg s24  }
0xaf: {  	[dreg:$0x3] =	wrdreg s2  }
0xb0: {  	[dreg:$0x4] =	wrdreg $0x87400  }
0xb1: {  	[dreg:$0x5] =	wrdreg $0x9  }
0xb2: {  	_ =	task.clear_ibuf [dreg:s7], $0x6FFFF;
	_ =	strace $0x90000049  }
0xb3: {  	s29 =	simm.s32 $0x9;
	_ =	strace $0x8000004B  }
0xb4: {  	_ =	swait.ge [sflag:s29], $0x1  }
0xb5: {  	[sflag:s29] =	ssyncadd.s32 $0xFFFFFFFF  }
0xb6: {  	_ =	strace $0x9000004B  }
0xb7: {  	_ =	sfence  }
0xb8: {  	s30 =	sld [smem:$0x0];
	_ =	sdelay $0x2  }
0xb9: {  	s31 =	sshll.u32 s1, $0xD;
	s1 =	sshrl.u32 s1, $0x2  }
0xba: {  	s3 =	sand.u32 $0x4000, s31;
	s1 =	sadd.s32 s1, s30  }
0xbb: {  	s0 =	sor.u32 s3, s0;
	s1 =	sshll.u32 s1, $0x11  }
0xbc: {  	s0 =	sor.u32 s1, s0  }
0xbd: {  	s0 =	sadd.s32 $0x8F2B, s0  }
0xbe: {  	[sflag:s0] =	ssyncadd.remote.s32 $0x1  }
0xbf: {  	_ =	sfence.sel $0xFFFF  }
0xc0: {  	[dreg:$0x0] =	wrdreg $0xFFFFFFFF;
	(pc) =	sbr.abs _section_cstart, $3  }
0xc1: {  	[dreg:$0x1] =	wrdreg $0xFFFFFFFF  }
0xc2: {  	_ =	task.clear_ibuf [dreg:s7], $0x2FFFF;
	_ =	strace $0x9FFFFFFF  }
0xc3: {  	(tm) =	ssettm $0x7FFFFFFF  }
tec
execute0_lowered:
.L_overlay_start_1:
0x0: {  	(tag) =	ssettag $0x1  }
0x1: {  	s0 =	srdreg.scid  }
0x2: {  	s17 =	stileid.u32;
	s5 =	rddreg [dreg:$0x0]  }
0x3: {  	s29 =	simm.s32 $0x4340;
	s1 =	sand.u32 $0x1, s0;
	s24 =	smul.u32 $0x278, s17  }
0x4: {  	s6 =	sadd.s32 $0x2EA00, s5;
	s2 =	smul.u32 $0x2710, s1;
	s3 =	ssub.s32 $0x2, s1  }
0x5: {  	s28 =	sadd.s32 $0x16000, s5;
	s4 =	smin.u32 s24, $0x2498;
	s25 =	sshrl.u32 s3, $0x1  }
0x6: {  	s24 =	sshll.u32 s17, $0x1;
	s2 =	sadd.s32 s2, s4;
	s0 =	ssub.s32 s3, s25  }
0x7: {  	s25 =	sadd.s32 $0x29A00, s5;
	s4 =	smul.u32 $0x220, s4;
	s26 =	sshll.u32 s2, $0x4  }
0x8: {  	s31 =	sadd.s32 $0x40, s2;
	s7 =	sadd.s32 $0x80, s2;
	s10 =	sadd.s32 $0xC0, s2  }
0x9: {  	s13 =	sadd.s32 $0x180, s2;
	s20 =	sadd.s32 $0x1C0, s2;
	s14 =	sadd.s32 $0x200, s2  }
0xa: {  	s0 =	smax.u32 s0, $0x1;
	s3 =	sadd.s32 s6, s26;
	s8 =	sshll.u32 s31, $0x4  }
0xb: {  	s9 =	sshll.u32 s7, $0x4;
	s16 =	sshll.u32 s10, $0x4;
	s19 =	sshll.u32 s13, $0x4  }
0xc: {  	s21 =	sshll.u32 s20, $0x4;
	s26 =	sadd.s32 s25, s31;
	[dreg:$0x4] =	wrdreg s3  }
0xd: {  	s31 =	sadd.s32 s25, s7;
	s8 =	sadd.s32 s6, s8;
	[dreg:$0xf] =	wrdreg s26  }
0xe: {  	s15 =	sadd.s32 s6, s9;
	s9 =	sadd.s32 $0x140, s2;
	[dreg:$0x10] =	wrdreg s31  }
0xf: {  	s3 =	sadd.s32 s25, s10;
	s10 =	smul.u32 $0x5100, s17;
	[dreg:$0x5] =	wrdreg s8  }
0x10: {  	s26 =	sadd.s32 $0x2600, s5;
	[dreg:$0x6] =	wrdreg s15;
	s8 =	sadd.s32 s6, s16  }
0x11: {  	s12 =	sshll.u32 s9, $0x4;
	s15 =	sshll.u32 s14, $0x4;
	[dreg:$0x11] =	wrdreg s3  }
0x12: {  	s16 =	sadd.s32 $0x240, s2;
	s14 =	sadd.s32 s25, s14;
	[dreg:$0x7] =	wrdreg s8  }
0x13: {  	s3 =	sadd.s32 $0x22000, s4;
	s18 =	sadd.s32 s6, s12;
	[dreg:$0x16] =	wrdreg s14  }
0x14: {  	s8 =	sadd.s32 $0x100, s2;
	s22 =	sadd.s32 s6, s15;
	[dreg:$0x9] =	wrdreg s18  }
0x15: {  	s23 =	sshll.u32 s16, $0x4;
	s2 =	sadd.s32 s25, s2;
	[dreg:$0xc] =	wrdreg s22  }
0x16: {  	s15 =	sor.u32 s1, s24;
	s17 =	sadd.s32 s25, s16;
	[dreg:$0xe] =	wrdreg s2  }
0x17: {  	s1 =	smul.u32 $0x2880, s1;
	s7 =	sadd.s32 s25, s8;
	[dreg:$0x17] =	wrdreg s17  }
0x18: {  	s11 =	sshll.u32 s8, $0x4;
	s8 =	sadd.s32 s25, s9;
	[dreg:$0x12] =	wrdreg s7  }
0x19: {  	s24 =	sadd.s32 $0x19800, s4;
	s9 =	sadd.s32 s25, s13;
	[dreg:$0x13] =	wrdreg s8  }
0x1a: {  	s12 =	sadd.s32 $0x3B800, s4;
	s13 =	sadd.s32 s25, s20;
	[dreg:$0x14] =	wrdreg s9  }
0x1b: {  	s18 =	sshrl.u32 s4, $0x2;
	s11 =	sadd.s32 s6, s11;
	[dreg:$0x15] =	wrdreg s13  }
0x1c: {  	s20 =	sadd.s32 $0x7CE00, s5;
	s22 =	sadd.s32 $0x8800, s4;
	[dreg:$0x8] =	wrdreg s11  }
0x1d: {  	s1 =	sadd.s32 s1, s10;
	s11 =	sadd.s32 s6, s19;
	s19 =	rddreg [dreg:$0x1]  }
0x1e: {  	s31 =	sshrl.u32 s24, $0x2;
	s5 =	sadd.s32 $0x2A800, s4;
	[dreg:$0x18] =	wrdreg s1  }
0x1f: {  	s24 =	smul.u32 $0xA20, s15;
	s7 =	sshrl.u32 s5, $0x2;
	[dreg:$0xa] =	wrdreg s11  }
0x20: {  	s13 =	sadd.s32 $0x44000, s4;
	s11 =	sadd.s32 s6, s21;
	s21 =	rddreg [dreg:$0x2]  }
0x21: {  	s1 =	sshrl.u32 s22, $0x2;
	s6 =	sadd.s32 s6, s23;
	[dreg:$0xb] =	wrdreg s11  }
0x22: {  	s2 =	sshrl.u32 s13, $0x2;
	s23 =	sadd.s32 $0x11000, s4;
	[dreg:$0xd] =	wrdreg s6  }
0x23: {  	s11 =	simm.s32 $0x0;
	s9 =	sadd.s32 s18, s21;
	s10 =	sadd.s32 s1, s21  }
0x24: {  	s25 =	sshrl.u32 s23, $0x2;
	s17 =	sadd.s32 s31, s21;
	s1 =	sshrl.u32 s3, $0x2  }
0x25: {  	s6 =	sadd.s32 $0x33000, s4;
	[smem:$0x7FF] =	sst s11;
	s16 =	sadd.s32 s25, s21  }
0x26: {  	s25 =	sadd.s32 s19, s24;
	_ =	strace $0x8000004A;
	[dreg:$0x19] =	wrdreg s20  }
0x27: {  	s3 =	sadd.s32 s7, s21;
	s4 =	sadd.s32 $0x4C800, s4;
	[smem:$0x7F1] =	sst s25  }
0x28: {  	s23 =	sadd.s32 s2, s21;
	s18 =	sadd.s32 s1, s21;
	[smem:$0x7F2] =	sst s0  }
0x29: {  	s8 =	sshrl.u32 s6, $0x2;
	s1 =	sshrl.u32 s12, $0x2;
	[dreg:$0x1a] =	wrdreg s17  }
0x2a: {  	s14 =	sshrl.u32 s4, $0x2;
	s31 =	sadd.s32 $0x80, s9;
	[dreg:$0x1b] =	wrdreg s18  }
0x2b: {  	s2 =	sadd.s32 $0x80, s10;
	s5 =	sadd.s32 $0x80, s17;
	[dreg:$0x1c] =	wrdreg s3  }
0x2c: {  	s22 =	sadd.s32 s1, s21;
	s1 =	sshrl.u32 s31, $0x3;
	[dreg:$0x1f] =	wrdreg s23  }
0x2d: {  	v0 =	vimm.s32 $0x76543210;
	v1 =	vimm.s32 $0xFEDCBA98;
	s12 =	sadd.s32 $0x80, s3;
	s0 =	sshrl.u32 s2, $0x3;
	[smem:$0x7F3] =	sst s1  }
0x2e: {  	v2 =	vimm.s32 $0xBA98FEDC;
	v3 =	vimm.s32 $0x32107654;
	s24 =	sadd.s32 $0x80, s23;
	s6 =	sshrl.u32 s5, $0x3;
	[smem:$0x7F4] =	sst s0  }
0x2f: {  	v4 =	vimm.s32 $0xDCFE98BA;
	v5 =	vimm.s32 $0x54761032;
	s20 =	sadd.s32 s8, s21;
	s30 =	sadd.s32 s14, s21;
	[smem:$0x7F6] =	sst s6  }
0x30: {  	v6 =	vimm.s32 $0xEFCDAB89;
	v7 =	vimm.s32 $0x67452301;
	s8 =	smul.u32 $0x5100, s15;
	s4 =	sadd.s32 $0x80, s16;
	[dreg:$0x1d] =	wrdreg s20  }
0x31: {  	v0 =	vunpack.c.l.s4.s8 v0;
	v1 =	vunpack.c.l.s4.s8 v1;
	v2 =	vunpack.c.l.s4.s8 v2;
	s7 =	sadd.s32 $0x80, s18;
	s0 =	sshrl.u32 s4, $0x3;
	[dreg:$0x1e] =	wrdreg s22  }
0x32: {  	v3 =	vunpack.c.l.s4.s8 v3;
	v4 =	vunpack.c.l.s4.s8 v4;
	v5 =	vunpack.c.l.s4.s8 v5;
	s13 =	sadd.s32 $0x80, s20;
	s15 =	sadd.s32 $0x80, s22;
	[smem:$0x7FD] =	sst s30  }
0x33: {  	v6 =	vunpack.c.l.s4.s8 v6;
	v7 =	vunpack.c.l.s4.s8 v7;
	v2 =	vunpack.c.0.s8.s32 v2;
	s25 =	sadd.s32 $0x80, s30;
	[smem:$0x7F5] =	sst s0;
	s0 =	sshrl.u32 s7, $0x3  }
0x34: {  	v3 =	vunpack.c.0.s8.s32 v3;
	v4 =	vunpack.c.0.s8.s32 v4;
	v5 =	vunpack.c.0.s8.s32 v5;
	s14 =	sshrl.u32 s13, $0x3;
	s31 =	sshrl.u32 s25, $0x3;
	[smem:$0x7F7] =	sst s0  }
.Ltmp0:
0x35: {  	v1 =	vunpack.c.0.s8.s32 v1;
	v6 =	vunpack.c.0.s8.s32 v6;
	v7 =	vunpack.c.0.s8.s32 v7;
	s25 =	simm.s32 $0x40;
	[smem:$0x7F9] =	sst s14;
	(pc) =	sbr.rel .LBB2_1-.Ltmp0, $4  }
0x36: {  	vm0 =	vcmask $0x1F24;
	v3 =	vcombine.low v3, v2;
	v2 =	vunpack.c.0.s8.s32 v0;
	s7 =	simm.s32 $0x1;
	s0 =	sshrl.u32 s12, $0x3;
	[smem:$0x7FC] =	sst s31  }
0x37: {  	v4 =	vcombine.low v5, v4;
	v5 =	vand.u32 $0xF, v1;
	v6 =	vcombine.low v7, v6;
	s13 =	simm.s32 $0x11;
	[smem:$0x7F8] =	sst s0;
	s0 =	sshrl.u32 s15, $0x3  }
0x38: {  	v0 =	vimm.f32 $0.0e+00;
	v1 =	vimm.bf16 $2.0020e-01;
	v2 =	vcombine.low v5, v2;
	s12 =	simm.s32 $0x10;
	[smem:$0x7FA] =	sst s0;
	s0 =	sshrl.u32 s24, $0x3  }
0x39: {  	v3 =	vand.u32 $0xF, v3;
	v4 =	vand.u32 $0xF, v4;
	v5 =	vand.u32 $0xF, v6;
	s14 =	simm.s32 $0x0;
	s24 =	simm.s32 $0x7;
	[smem:$0x7FB] =	sst s0  }
.LBB2_12:
0x3a: {  	s0 =	simm.s32 $0x5  }
0x3b: {  	_ =	swait.ge [sflag:s0], $0x2200  }
0x3c: {  	[sflag:s0] =	ssyncset.done $0x0  }
0x3d: {  	s2 =	simm.s32 $0x6;
	[sflag:s0] =	ssyncadd.s32 $0xFFFFDE00  }
0x3e: {  	_ =	swait.ge [sflag:s2], $0x2200  }
0x3f: {  	[sflag:s2] =	ssyncset.done $0x0  }
0x40: {  	s3 =	stileid.u32;
	[sflag:s2] =	ssyncadd.s32 $0xFFFFDE00  }
0x41: {  	s0 =	sshll.u32 s3, $0x6;
	[bflag:$0x0] =	sbarrier.arrive $0xFFFF  }
0x42: {  	s1 =	sshrl.u32 s4, $0x3;
	s0 =	sor.u32 $0x1C07, s0;
	s2 =	rddreg [dreg:$0x4]  }
0x43: {  	[hbm:s2@s12], [sflag:s0] =	dma.strided [spmem:s1@s13], $0x400, s7, $0x10   }
0x44: {  	_ =	swait.ge [sflag:s24], $0x400  }
0x45: {  	s10 =	sld [smem:$0x7F3]  }
0x46: {  	[sflag:s24] =	ssyncset.done $0x0  }
0x47: {  	s9 =	smov.u32 s4;
	s4 =	rddreg [dreg:$0xe];
	[sflag:s24] =	ssyncadd.s32 $0xFFFFFC00  }
0x48: {  	[hbm:s4@s7], [sflag:s0] =	dma.strided [spmem:s10@s13], $0x40, s7, $0x1   }
0x49: {  	_ =	swait.ge [sflag:s24], $0x40  }
0x4a: {  	[sflag:s24] =	ssyncset.done $0x0  }
0x4b: {  	s15 =	sshrl.u32 s5, $0x3;
	s16 =	rddreg [dreg:$0x5];
	[sflag:s24] =	ssyncadd.s32 $0xFFFFFFC0  }
0x4c: {  	[hbm:s16@s12], [sflag:s0] =	dma.strided [spmem:s15@s13], $0x400, s7, $0x10   }
0x4d: {  	_ =	swait.ge [sflag:s24], $0x400  }
0x4e: {  	s18 =	sld [smem:$0x7F4]  }
0x4f: {  	[sflag:s24] =	ssyncset.done $0x0  }
0x50: {  	s17 =	rddreg [dreg:$0xf];
	[sflag:s24] =	ssyncadd.s32 $0xFFFFFC00  }
0x51: {  	[hbm:s17@s7], [sflag:s0] =	dma.strided [spmem:s18@s13], $0x40, s7, $0x1   }
0x52: {  	_ =	swait.ge [sflag:s24], $0x40  }
0x53: {  	[sflag:s24] =	ssyncset.done $0x0  }
0x54: {  	s20 =	sshrl.u32 s6, $0x3;
	s22 =	rddreg [dreg:$0x6];
	[sflag:s24] =	ssyncadd.s32 $0xFFFFFFC0  }
0x55: {  	[hbm:s22@s12], [sflag:s0] =	dma.strided [spmem:s20@s13], $0x400, s7, $0x10   }
0x56: {  	_ =	swait.ge [sflag:s24], $0x400  }
0x57: {  	s31 =	sld [smem:$0x7F5]  }
0x58: {  	[sflag:s24] =	ssyncset.done $0x0  }
0x59: {  	s23 =	rddreg [dreg:$0x10];
	[sflag:s24] =	ssyncadd.s32 $0xFFFFFC00  }
0x5a: {  	[hbm:s23@s7], [sflag:s0] =	dma.strided [spmem:s31@s13], $0x40, s7, $0x1   }
0x5b: {  	_ =	swait.ge [sflag:s24], $0x40  }
0x5c: {  	[sflag:s24] =	ssyncset.done $0x0;
	s17 =	rddreg [dreg:$0x1a]  }
0x5d: {  	s3 =	rddreg [dreg:$0x7];
	[sflag:s24] =	ssyncadd.s32 $0xFFFFFFC0;
	s2 =	sshrl.u32 s17, $0x3  }
0x5e: {  	[hbm:s3@s12], [sflag:s0] =	dma.strided [spmem:s2@s13], $0x400, s7, $0x10   }
0x5f: {  	_ =	swait.ge [sflag:s24], $0x400  }
0x60: {  	s10 =	smov.u32 s5;
	s5 =	sld [smem:$0x7F6]  }
0x61: {  	[sflag:s24] =	ssyncset.done $0x0  }
0x62: {  	s4 =	rddreg [dreg:$0x11];
	[sflag:s24] =	ssyncadd.s32 $0xFFFFFC00  }
0x63: {  	[hbm:s4@s7], [sflag:s0] =	dma.strided [spmem:s5@s13], $0x40, s7, $0x1   }
0x64: {  	_ =	swait.ge [sflag:s24], $0x40  }
0x65: {  	s16 =	smov.u32 s6;
	[sflag:s24] =	ssyncset.done $0x0;
	s18 =	rddreg [dreg:$0x1b]  }
0x66: {  	s15 =	rddreg [dreg:$0x8];
	[sflag:s24] =	ssyncadd.s32 $0xFFFFFFC0;
	s6 =	sshrl.u32 s18, $0x3  }
0x67: {  	[hbm:s15@s12], [sflag:s0] =	dma.strided [spmem:s6@s13], $0x400, s7, $0x10   }
0x68: {  	_ =	swait.ge [sflag:s24], $0x400  }
0x69: {  	s22 =	sld [smem:$0x7F7]  }
0x6a: {  	[sflag:s24] =	ssyncset.done $0x0  }
0x6b: {  	s20 =	rddreg [dreg:$0x12];
	[sflag:s24] =	ssyncadd.s32 $0xFFFFFC00  }
0x6c: {  	[hbm:s20@s7], [sflag:s0] =	dma.strided [spmem:s22@s13], $0x40, s7, $0x1   }
0x6d: {  	_ =	swait.ge [sflag:s24], $0x40  }
0x6e: {  	[sflag:s24] =	ssyncset.done $0x0;
	s3 =	rddreg [dreg:$0x1c]  }
0x6f: {  	s31 =	rddreg [dreg:$0x9];
	[sflag:s24] =	ssyncadd.s32 $0xFFFFFFC0;
	s23 =	sshrl.u32 s3, $0x3  }
0x70: {  	[hbm:s31@s12], [sflag:s0] =	dma.strided [spmem:s23@s13], $0x400, s7, $0x10   }
0x71: {  	_ =	swait.ge [sflag:s24], $0x400  }
0x72: {  	s4 =	sld [smem:$0x7F8]  }
0x73: {  	[sflag:s24] =	ssyncset.done $0x0  }
0x74: {  	s2 =	rddreg [dreg:$0x13];
	[sflag:s24] =	ssyncadd.s32 $0xFFFFFC00  }
0x75: {  	[hbm:s2@s7], [sflag:s0] =	dma.strided [spmem:s4@s13], $0x40, s7, $0x1   }
0x76: {  	_ =	swait.ge [sflag:s24], $0x40  }
0x77: {  	[sflag:s24] =	ssyncset.done $0x0;
	s20 =	rddreg [dreg:$0x1d]  }
0x78: {  	s6 =	rddreg [dreg:$0xa];
	[sflag:s24] =	ssyncadd.s32 $0xFFFFFFC0;
	s5 =	sshrl.u32 s20, $0x3  }
0x79: {  	[hbm:s6@s12], [sflag:s0] =	dma.strided [spmem:s5@s13], $0x400, s7, $0x10   }
0x7a: {  	_ =	swait.ge [sflag:s24], $0x400  }
0x7b: {  	s22 =	sld [smem:$0x7F9]  }
0x7c: {  	[sflag:s24] =	ssyncset.done $0x0  }
0x7d: {  	s15 =	rddreg [dreg:$0x14];
	[sflag:s24] =	ssyncadd.s32 $0xFFFFFC00  }
0x7e: {  	[hbm:s15@s7], [sflag:s0] =	dma.strided [spmem:s22@s13], $0x40, s7, $0x1   }
0x7f: {  	_ =	swait.ge [sflag:s24], $0x40  }
0x80: {  	[sflag:s24] =	ssyncset.done $0x0;
	s22 =	rddreg [dreg:$0x1e]  }
0x81: {  	s31 =	rddreg [dreg:$0xb];
	[sflag:s24] =	ssyncadd.s32 $0xFFFFFFC0;
	s23 =	sshrl.u32 s22, $0x3  }
0x82: {  	[hbm:s31@s12], [sflag:s0] =	dma.strided [spmem:s23@s13], $0x400, s7, $0x10   }
0x83: {  	_ =	swait.ge [sflag:s24], $0x400  }
0x84: {  	s4 =	sld [smem:$0x7FA]  }
0x85: {  	[sflag:s24] =	ssyncset.done $0x0  }
0x86: {  	s2 =	rddreg [dreg:$0x15];
	[sflag:s24] =	ssyncadd.s32 $0xFFFFFC00  }
0x87: {  	[hbm:s2@s7], [sflag:s0] =	dma.strided [spmem:s4@s13], $0x40, s7, $0x1   }
0x88: {  	_ =	swait.ge [sflag:s24], $0x40  }
0x89: {  	[sflag:s24] =	ssyncset.done $0x0;
	s23 =	rddreg [dreg:$0x1f]  }
0x8a: {  	s6 =	rddreg [dreg:$0xc];
	[sflag:s24] =	ssyncadd.s32 $0xFFFFFFC0;
	s5 =	sshrl.u32 s23, $0x3  }
0x8b: {  	[hbm:s6@s12], [sflag:s0] =	dma.strided [spmem:s5@s13], $0x400, s7, $0x10   }
0x8c: {  	_ =	swait.ge [sflag:s24], $0x400  }
0x8d: {  	s31 =	sld [smem:$0x7FB]  }
0x8e: {  	[sflag:s24] =	ssyncset.done $0x0  }
0x8f: {  	s15 =	rddreg [dreg:$0x16];
	[sflag:s24] =	ssyncadd.s32 $0xFFFFFC00  }
0x90: {  	[hbm:s15@s7], [sflag:s0] =	dma.strided [spmem:s31@s13], $0x40, s7, $0x1   }
0x91: {  	_ =	swait.ge [sflag:s24], $0x40  }
0x92: {  	s30 =	sld [smem:$0x7FD];
	_ =	sdelay $0x1  }
0x93: {  	[sflag:s24] =	ssyncset.done $0x0  }
0x94: {  	s5 =	rddreg [dreg:$0xd];
	[sflag:s24] =	ssyncadd.s32 $0xFFFFFFC0;
	s4 =	sshrl.u32 s30, $0x3  }
0x95: {  	[hbm:s5@s12], [sflag:s0] =	dma.strided [spmem:s4@s13], $0x380, s7, $0x10   }
0x96: {  	_ =	swait.ge [sflag:s24], $0x380  }
0x97: {  	s15 =	sld [smem:$0x7FC]  }
0x98: {  	[sflag:s24] =	ssyncset.done $0x0  }
0x99: {  	s6 =	rddreg [dreg:$0x17];
	[sflag:s24] =	ssyncadd.s32 $0xFFFFFC80  }
0x9a: {  	[hbm:s6@s7], [sflag:s0] =	dma.strided [spmem:s15@s13], $0x38, s7, $0x1   }
0x9b: {  	_ =	swait.ge [sflag:s24], $0x38  }
0x9c: {  	s31 =	sld [smem:$0x7F2];
	_ =	sdelay $0x1  }
0x9d: {  	s14 =	sadd.s32 $0x1, s14  }
0x9e: {  	p0 =	sne.s32 s14, s31  }
.Ltmp1:
0x9f: {  	_ = 	snop;
	(pc) =	sbr.rel @!p0 .LBB2_13-.Ltmp1, $3  }
0xa0: {  	_ =	sdelay $0x1  }
0xa1: {  	[sflag:s24] =	ssyncset.done $0x0  }
0xa2: {  	[sflag:s24] =	ssyncadd.s32 $0xFFFFFFC8  }
.LBB2_1:
0xa3: {  	s0 =	rddreg [dreg:$0x19]  }
0xa4: {  	[tilespmem:s11], [sflag:$0x7] =	stream.linear.gather [hbm4b:s0+s11], $0x40, $0x38;
	[tilespmem:$0x1D348] =	vst v63  }
0xa5: {  	_ =	swait.ge [sflag:s24], $0x40  }
0xa6: {  	[sflag:s24] =	ssyncset.done $0x0  }
0xa7: {  	s0 =	simm.s32 $0x40;
	[sflag:s24] =	ssyncadd.s32 $0xFFFFFFC0  }
0xa8: {  	[tilespmem:s0+$0x4370] =	vst v0  }
0xa9: {  	[tilespmem:s0+$0x6570] =	vst v0  }
0xaa: {  	s1 =	simm.s32 $0x320;
	[tilespmem:s0+$0x4378] =	vst v0  }
.LBB2_2:
0xab: {  	p0 =	sne.s32 s1, $0x86E0;
	[tilespmem:s0+$0x6578] =	vst v0  }
0xac: {  	[tilespmem:s0+$0x4300] =	vst v0  }
0xad: {  	[tilespmem:s0+$0x4310] =	vst v0  }
0xae: {  	[tilespmem:s0+$0x4320] =	vst v0  }
0xaf: {  	[tilespmem:s0+$0x4330] =	vst v0  }
0xb0: {  	[tilespmem:s0+$0x4340] =	vst v0  }
0xb1: {  	[tilespmem:s0+$0x4350] =	vst v0  }
0xb2: {  	[tilespmem:s0+$0x4360] =	vst v0  }
0xb3: {  	[tilespmem:s0+$0x6500] =	vst v0  }
0xb4: {  	[tilespmem:s0+$0x6510] =	vst v0  }
0xb5: {  	[tilespmem:s0+$0x6520] =	vst v0  }
0xb6: {  	[tilespmem:s0+$0x6530] =	vst v0  }
0xb7: {  	[tilespmem:s0+$0x6540] =	vst v0  }
.Ltmp2:
0xb8: {  	[tilespmem:s0+$0x6550] =	vst v0;
	(pc) =	sbr.rel @p0 .LBB2_2-.Ltmp2, $4  }
0xb9: {  	[tilespmem:s0+$0x6560] =	vst v0;
	s0 =	sshra.s32 s1, $0x2  }
0xba: {  	[tilespmem:s0+$0x4370] =	vst v0  }
0xbb: {  	[tilespmem:s0+$0x4378] =	vst v0  }
0xbc: {  	s1 =	sadd.s32 $0x220, s1;
	[tilespmem:s0+$0x6570] =	vst v0  }
0xbd: {  	[tilespmem:s0+$0x6578] =	vst v0  }
0xbe: {  	[tilespmem:s0+$0x4300] =	vst v0  }
0xbf: {  	[tilespmem:s0+$0x4310] =	vst v0  }
0xc0: {  	[tilespmem:s0+$0x4320] =	vst v0  }
0xc1: {  	[tilespmem:s0+$0x4330] =	vst v0  }
0xc2: {  	[tilespmem:s0+$0x4340] =	vst v0  }
0xc3: {  	[tilespmem:s0+$0x4350] =	vst v0  }
0xc4: {  	[tilespmem:s0+$0x4360] =	vst v0  }
0xc5: {  	[tilespmem:s0+$0x6500] =	vst v0  }
0xc6: {  	[tilespmem:s0+$0x6510] =	vst v0  }
0xc7: {  	[tilespmem:s0+$0x6520] =	vst v0  }
0xc8: {  	[tilespmem:s0+$0x6530] =	vst v0  }
0xc9: {  	[tilespmem:s0+$0x6540] =	vst v0  }
0xca: {  	[tilespmem:s0+$0x6550] =	vst v0  }
0xcb: {  	[tilespmem:s0+$0x6560] =	vst v0  }
0xcc: {  	[spmem:s9] =	stream.linear.scatter [tilespmem:s29], [sflag:$0x7], $0x2200, $0x38;
	[tilespmem:$0x1D348] =	vst v63  }
0xcd: {  	_ =	swait.ge [sflag:s24], $0x2200  }
0xce: {  	[sflag:s24] =	ssyncset.done $0x0  }
0xcf: {  	[sflag:s24] =	ssyncadd.s32 $0xFFFFDE00  }
0xd0: {  	[spmem:s10] =	stream.linear.scatter [tilespmem:s29], [sflag:$0x7], $0x2200, $0x38;
	[tilespmem:$0x1D348] =	vst v63  }
0xd1: {  	_ =	swait.ge [sflag:s24], $0x2200  }
0xd2: {  	[sflag:s24] =	ssyncset.done $0x0  }
0xd3: {  	[sflag:s24] =	ssyncadd.s32 $0xFFFFDE00  }
0xd4: {  	[spmem:s16] =	stream.linear.scatter [tilespmem:s29], [sflag:$0x7], $0x2200, $0x38;
	[tilespmem:$0x1D348] =	vst v63  }
0xd5: {  	_ =	swait.ge [sflag:s24], $0x2200  }
0xd6: {  	[sflag:s24] =	ssyncset.done $0x0  }
0xd7: {  	[sflag:s24] =	ssyncadd.s32 $0xFFFFDE00  }
0xd8: {  	[spmem:s17] =	stream.linear.scatter [tilespmem:s29], [sflag:$0x7], $0x2200, $0x38;
	[tilespmem:$0x1D348] =	vst v63  }
0xd9: {  	_ =	swait.ge [sflag:s24], $0x2200  }
0xda: {  	[sflag:s24] =	ssyncset.done $0x0  }
0xdb: {  	[sflag:s24] =	ssyncadd.s32 $0xFFFFDE00  }
0xdc: {  	[spmem:s18] =	stream.linear.scatter [tilespmem:s29], [sflag:$0x7], $0x2200, $0x38;
	[tilespmem:$0x1D348] =	vst v63  }
0xdd: {  	_ =	swait.ge [sflag:s24], $0x2200  }
0xde: {  	[sflag:s24] =	ssyncset.done $0x0  }
0xdf: {  	[sflag:s24] =	ssyncadd.s32 $0xFFFFDE00  }
0xe0: {  	[spmem:s3] =	stream.linear.scatter [tilespmem:s29], [sflag:$0x7], $0x2200, $0x38;
	[tilespmem:$0x1D348] =	vst v63  }
0xe1: {  	_ =	swait.ge [sflag:s24], $0x2200  }
0xe2: {  	[sflag:s24] =	ssyncset.done $0x0  }
0xe3: {  	[sflag:s24] =	ssyncadd.s32 $0xFFFFDE00  }
0xe4: {  	[spmem:s20] =	stream.linear.scatter [tilespmem:s29], [sflag:$0x7], $0x2200, $0x38;
	[tilespmem:$0x1D348] =	vst v63  }
0xe5: {  	_ =	swait.ge [sflag:s24], $0x2200  }
0xe6: {  	[sflag:s24] =	ssyncset.done $0x0  }
0xe7: {  	[sflag:s24] =	ssyncadd.s32 $0xFFFFDE00  }
0xe8: {  	[spmem:s22] =	stream.linear.scatter [tilespmem:s29], [sflag:$0x7], $0x2200, $0x38;
	[tilespmem:$0x1D348] =	vst v63  }
0xe9: {  	_ =	swait.ge [sflag:s24], $0x2200  }
0xea: {  	[sflag:s24] =	ssyncset.done $0x0  }
0xeb: {  	[sflag:s24] =	ssyncadd.s32 $0xFFFFDE00  }
0xec: {  	[spmem:s23] =	stream.linear.scatter [tilespmem:s29], [sflag:$0x7], $0x2200, $0x38;
	[tilespmem:$0x1D348] =	vst v63  }
0xed: {  	_ =	swait.ge [sflag:s24], $0x2200  }
0xee: {  	[sflag:s24] =	ssyncset.done $0x0  }
0xef: {  	[sflag:s24] =	ssyncadd.s32 $0xFFFFDE00  }
0xf0: {  	[spmem:s30] =	stream.linear.scatter [tilespmem:s29], [sflag:$0x7], $0x1DC0, $0x38;
	[tilespmem:$0x1D348] =	vst v63  }
0xf1: {  	_ =	swait.ge [sflag:s24], $0x1DC0  }
0xf2: {  	[sflag:s24] =	ssyncset.done $0x0  }
0xf3: {  	[sflag:s24] =	ssyncadd.s32 $0xFFFFE240  }
0xf4: {  	[bflag:$0x0] =	sbarrier.arrive $0xFFFF  }
0xf5: {  	v6 =	vld [tilespmem:$0x0];
	s17 =	sld [smem:$0x7F1]  }
0xf6: {  	v7 =	vld [tilespmem:$0x10]  }
0xf7: {  	s15 =	simm.s32 $0x0;
	v8 =	vld [tilespmem:$0x20]  }
0xf8: {  	v9 =	vld [tilespmem:$0x30];
	[tilespmem:s25], [sflag:$0x7] =	stream.linear.gather [hbm4b:s17+s15], $0x100, $0x38  }
0xf9: {  	_ =	swait.ge [sflag:s24], $0x100  }
0xfa: {  	[sflag:s24] =	ssyncset.done $0x0  }
0xfb: {  	s18 =	simm.s32 $0x340;
	[sflag:s24] =	ssyncadd.s32 $0xFFFFFF00  }
0xfc: {  	[tilespmem:s18], [sflag:$0x1] =	stream.indirect.gather [hbm4b:s26+s25], $0x40, s25, s25, $0xb8;
	[tilespmem:$0x1D348] =	vst v63  }
0xfd: {  	s4 =	smov.u32 s9;
	s1 =	simm.s32 $0x2340;
	s20 =	simm.s32 $0x80  }
0xfe: {  	[tilespmem:s1], [sflag:$0x3] =	stream.indirect.gather [hbm4b:s28+s25], $0x40, s20, s25, $0xb8;
	[tilespmem:$0x1D348] =	vst v63  }
.Ltmp3:
0xff: {  	s5 =	smov.u32 s10;
	s6 =	smov.u32 s16;
	(pc) =	sbr.rel .LBB2_4-.Ltmp3, $4  }
0x100: {  	s31 =	simm.s32 $0x3340;
	s22 =	simm.s32 $0xC0;
	s23 =	simm.s32 $0x1340  }
0x101: {  	[tilespmem:s23], [sflag:$0x2] =	stream.indirect.gather [hbm4b:s26+s25], $0x40, s22, s25, $0xb8;
	[tilespmem:$0x1D348] =	vst v63  }
0x102: {  	p0 =	por $0x0, $0x0;
	s30 =	simm.s32 $0x100;
	s16 =	rddreg [dreg:$0x18]  }
0x103: {  	[tilespmem:s31], [sflag:$0x4] =	stream.indirect.gather [hbm4b:s28+s25], $0x40, s30, s25, $0xb8;
	[tilespmem:$0x1D348] =	vst v63  }
.LBB2_7:
0x104: {  	s1 =	sshll.u32 s1, $0x8  }
0x105: {  	s2 =	sadd.s32 s8, s1;
	s1 =	sshll.u32 s0, $0xA  }
0x106: {  	s0 =	sshrl.u32 s1, $0x2;
	s2 =	sshrl.u32 s2, $0x3  }
0x107: {  	s0 =	sor.u32 $0x40, s0;
	s2 =	sadd.s32 s19, s2  }
0x108: {  	[tilespmem:s0], [sflag:$0x7] =	stream.linear.gather [hbm4b:s2+s11], $0x100, $0x38;
	[tilespmem:$0x1D348] =	vst v63  }
0x109: {  	_ =	swait.ge [sflag:s24], $0x100  }
0x10a: {  	[sflag:s24] =	ssyncset.done $0x0  }
0x10b: {  	[sflag:s24] =	ssyncadd.s32 $0xFFFFFF00  }
.LBB2_10:
0x10c: {  	s0 =	sshll.u32 s17, $0x9  }
0x10d: {  	s1 =	sshrl.u32 s1, $0x2;
	s2 =	sshrl.u32 s0, $0x2  }
0x10e: {  	s3 =	sshrl.u32 s30, $0x1;
	s1 =	sadd.s32 s2, s1  }
0x10f: {  	s30 =	sadd.s32 $0x340, s3;
	s10 =	sadd.s32 $0x40, s1  }
0x110: {  	[tilespmem:s30], [sflag:s20] =	stream.indirect.gather [hbm4b:s26+s25], $0x40, s10, s25, $0xb8;
	[tilespmem:$0x1D348] =	vst v63  }
0x111: {  	s31 =	sadd.s32 $0x2340, s3;
	s1 =	sadd.s32 $0x80, s1  }
0x112: {  	[tilespmem:s31], [sflag:s23] =	stream.indirect.gather [hbm4b:s28+s25], $0x40, s1, s25, $0xb8;
	[tilespmem:$0x1D348] =	vst v63  }
.LBB2_11:
0x113: {  	s15 =	sadd.s32 $0x1, s15  }
0x114: {  	p1 =	sne.s32 s15, $0xA2  }
.Ltmp4:
0x115: {  	_ = 	snop;
	(pc) =	sbr.rel @!p1 .LBB2_12-.Ltmp4, $4  }
0x116: {  	s1 =	sshll.u32 s22, $0x8;
	s0 =	sshrl.u32 s0, $0x2  }
0x117: {  	s31 =	sadd.s32 $0x5, s17;
	s0 =	sor.u32 s0, s1  }
0x118: {  	s16 =	sadd.s32 $0x40, s16;
	p0 =	por !p0, !p0;
	s0 =	sadd.s32 $0x80, s0  }
0x119: {  	[spmem:s21] =	stream.indirect.scatter.add.f32 [tilespmem:s9], [sflag:s31], $0x88, s0, s25, $0xb8;
	[tilespmem:$0x1D348] =	vst v63  }
.LBB2_4:
0x11a: {  	s0 =	simm.s32 $0x1;
	s1 =	sshrl.u32 s15, $0x1  }
0x11b: {  	s17 =	sand.u32 $0x1, s15;
	p1 =	slt.u32 s15, $0x2;
	s9 =	smul.u32 $0xAB, s1  }
0x11c: {  	s0 =	simm.s32 @!p0 $0x0;
	s20 =	sadd.s32 @!p1 $0x5, s17;
	s3 =	smul.u32 $0x8800, s17  }
0x11d: {  	s30 =	sshll.u32 s17, $0xD;
	s2 =	sshll.u32 s0, $0xC;
	s0 =	smul.u32 $0x8800, s0  }
0x11e: {  	_ =	swait.ge @!p1 [sflag:s20], $0x2200;
	s10 =	sor.u32 $0x2440, s2;
	s18 =	sshrl.u32 s9, $0x9  }
0x11f: {  	s31 =	sor.u32 $0x440, s2;
	[sflag:s20] =	ssyncset.done @!p1 $0x0;
	s9 =	sadd.s32 $0xAB, s9  }
0x120: {  	s22 =	sand.u32 $0x7F, s18;
	s0 =	sshrl.u32 s0, $0x2;
	[sflag:s20] =	ssyncadd.s32 @!p1 $0xFFFFDE00  }
0x121: {  	s20 =	sadd.s32 $0x1, s17;
	s23 =	sshrl.u32 s9, $0x9;
	s9 =	sshrl.u32 s3, $0x2  }
0x122: {  	s2 =	smul.u32 $0x3, s22;
	s18 =	sadd.s32 $0x4560, s0;
	_ =	swait.ge [sflag:s20], $0x1000  }
0x123: {  	s0 =	sand.u32 $0x7F, s23;
	s23 =	sadd.s32 $0x3, s17;
	[sflag:s20] =	ssyncset.done $0x0  }
0x124: {  	s9 =	sadd.s32 $0x4340, s9;
	s0 =	smul.u32 $0x3, s0;
	[sflag:s20] =	ssyncadd.s32 $0xFFFFF000  }
0x125: {  	s2 =	ssub.s32 s1, s2;
	s1 =	sadd.s32 $0x1, s1;
	_ =	swait.ge [sflag:s23], $0x1000  }
0x126: {  	s22 =	sand.u32 $0xFF, s2;
	s0 =	ssub.s32 s1, s0;
	[sflag:s23] =	ssyncset.done $0x0  }
0x127: {  	s2 =	simm.s32 $0xFFFFFFF8;
	s0 =	sand.u32 $0xFF, s0;
	[sflag:s23] =	ssyncadd.s32 $0xFFFFF000  }
.LBB2_5:
0x128: {  	v14 =	vld [tilespmem:s31+$0xFFFFFF00]  }
0x129: {  	v11 =	vld [tilespmem:s10+$0xFFFFFF00];
	_ =	sdelay $0x2  }
0x12a: {  	v10 =	vld [tilespmem:s31+$0xFFFFFF10]  }
0x12b: {  	v12 =	vld [tilespmem:s10+$0xFFFFFF10]  }
0x12c: {  	v13 =	vadd.bf16 v11, v14;
	_ =	sdelay $0x1  }
0x12d: {  	v16 =	vld [tilespmem:s10+$0xFFFFFF20];
	v15 =	vmul.bf16 v1, v13  }
0x12e: {  	v11 =	vld [tilespmem:s31+$0xFFFFFF20]  }
0x12f: {  	v12 =	vadd.bf16 v12, v10;
	v13 =	vmax.bf16 v13, v15  }
0x130: {  	v15 =	vmul.bf16 v13, v6  }
0x131: {  	v17 =	vmul.bf16 v1, v12  }
0x132: {  	v19 =	vld [tilespmem:s10+$0xFFFFFF30];
	v18 =	vunpack.i.l.bf16.f32 v15  }
0x133: {  	v56 =	vld [tilespmem:s10+$0xFFFFFF40];
	v12 =	vmax.bf16 v12, v17;
	v53 =	vadd.bf16 v16, v11;
	v18 =	vadd.f32 $0.0e+00, v18  }
0x134: {  	v13 =	vld [tilespmem:s31+$0xFFFFFF30];
	v12 =	vmul.bf16 v12, v7;
	v15 =	vunpack.i.u.bf16.f32 v15  }
0x135: {  	v16 =	vld [tilespmem:s31+$0xFFFFFF40];
	v54 =	vmul.bf16 v1, v53;
	v15 =	vadd.f32 v18, v15  }
0x136: {  	v20 =	vunpack.i.l.bf16.f32 v12  }
0x137: {  	v17 =	vmax.bf16 v53, v54;
	v15 =	vadd.f32 v20, v15  }
0x138: {  	v58 =	vld [tilespmem:s10+$0xFFFFFF50];
	v12 =	vunpack.i.u.bf16.f32 v12;
	v17 =	vmul.bf16 v17, v8  }
0x139: {  	v55 =	vadd.bf16 v19, v13;
	v15 =	vadd.f32 v15, v12;
	v12 =	vld [tilespmem:s31+$0xFFFFFF50]  }
0x13a: {  	v19 =	vadd.bf16 v56, v16;
	v21 =	vunpack.i.l.bf16.f32 v17  }
0x13b: {  	v57 =	vmul.bf16 v1, v55;
	v15 =	vadd.f32 v21, v15  }
0x13c: {  	v60 =	vld [tilespmem:s10+$0xFFFFFF60];
	v17 =	vunpack.i.u.bf16.f32 v17;
	v22 =	vmul.bf16 v1, v19  }
0x13d: {  	v18 =	vmax.bf16 v55, v57;
	v17 =	vadd.f32 v15, v17;
	v15 =	vld [tilespmem:s31+$0xFFFFFF60]  }
0x13e: {  	v19 =	vmax.bf16 v19, v22;
	v18 =	vmul.bf16 v18, v9;
	v20 =	vadd.bf16 v58, v12  }
0x13f: {  	v26 =	vld [tilespmem:s31+$0xFFFFFF70];
	v61 =	vmul.bf16 v19, v6  }
0x140: {  	v24 =	vld [tilespmem:s10+$0xFFFFFF70];
	v59 =	vunpack.i.l.bf16.f32 v18;
	v62 =	vmul.bf16 v1, v20  }
0x141: {  	v18 =	vunpack.i.u.bf16.f32 v18;
	v23 =	vunpack.i.l.bf16.f32 v61;
	v17 =	vadd.f32 v59, v17  }
0x142: {  	v23 =	vadd.f32 $0.0e+00, v23;
	v19 =	vmax.bf16 v20, v62;
	v27 =	vadd.bf16 v60, v15  }
0x143: {  	v17 =	vadd.f32 v17, v18;
	v18 =	vunpack.i.u.bf16.f32 v61;
	v19 =	vmul.bf16 v19, v7  }
0x144: {  	v18 =	vadd.f32 v23, v18;
	v21 =	vmul.bf16 v1, v27  }
0x145: {  	v29 =	vadd.bf16 v24, v26;
	v28 =	vunpack.i.l.bf16.f32 v19  }
0x146: {  	v63 =	vperm.xlane v17, v2;
	v18 =	vadd.f32 v28, v18;
	v20 =	vmax.bf16 v27, v21  }
0x147: {  	v19 =	vunpack.i.u.bf16.f32 v19;
	v20 =	vmul.bf16 v20, v8  }
0x148: {  	v30 =	vmul.bf16 v1, v29;
	v17 =	vadd.f32 v17, v63;
	v18 =	vadd.f32 v18, v19  }
0x149: {  	v31 =	vunpack.i.l.bf16.f32 v20  }
0x14a: {  	v22 =	vperm.xlane v17, v3;
	v19 =	vmax.bf16 v29, v30;
	v18 =	vadd.f32 v31, v18  }
0x14b: {  	v20 =	vunpack.i.u.bf16.f32 v20;
	v19 =	vmul.bf16 v19, v9  }
0x14c: {  	v17 =	vadd.f32 v17, v22;
	v18 =	vadd.f32 v18, v20  }
0x14d: {  	v33 =	vunpack.i.l.bf16.f32 v19  }
0x14e: {  	v32 =	vperm.xlane v17, v4;
	v18 =	vadd.f32 v33, v18  }
0x14f: {  	v19 =	vunpack.i.u.bf16.f32 v19  }
0x150: {  	v17 =	vadd.f32 v17, v32;
	v18 =	vadd.f32 v18, v19;
	_ =	sdelay $0x1  }
0x151: {  	v36 =	vld [tilespmem:s10+$0xFFFFFF80];
	v34 =	vperm.xlane v17, v5;
	v19 =	vperm.xlane v18, v2  }
0x152: {  	v25 =	vld [tilespmem:s31+$0xFFFFFF90]  }
0x153: {  	v37 =	vld [tilespmem:s10+$0xFFFFFF90];
	v17 =	vadd.f32 v17, v34;
	v35 =	vadd.f32 v18, v19  }
0x154: {  	v27 =	vld [tilespmem:s31+$0xFFFFFF80]  }
0x155: {  	v41 =	vld [tilespmem:s10+$0xFFFFFFA0];
	v17 =	vmul.f32 $1.442695020e+00, v17;
	v18 =	vperm.xlane v35, v3  }
0x156: {  	v42 =	vunpack.i.l.bf16.f32 v14;
	v43 =	vunpack.i.u.bf16.f32 v14;
	v14 =	vld [tilespmem:s31+$0xFFFFFFB0]  }
0x157: {  	v22 =	vld [tilespmem:s31+$0xFFFFFFA0];
	(erf) = vpow2.f32 v17;
	v17 =	vadd.f32 v35, v18  }
0x158: {  	v49 =	vunpack.i.l.bf16.f32 v10;
	v10 =	vunpack.i.u.bf16.f32 v10;
	v28 =	vld [tilespmem:s10+$0xFFFFFFB0]  }
0x159: {  	v54 =	vunpack.i.l.bf16.f32 v11;
	v19 =	vadd.bf16 v36, v27;
	v18 =	vperm.xlane v17, v4  }
0x15a: {  	v11 =	vunpack.i.u.bf16.f32 v11;
	v58 =	vunpack.i.l.bf16.f32 v13;
	v20 =	vadd.bf16 v37, v25  }
0x15b: {  	v13 =	vunpack.i.u.bf16.f32 v13;
	v39 =	vmul.bf16 v1, v19;
	v17 =	vadd.f32 v17, v18  }
0x15c: {  	v63 =	vunpack.i.l.bf16.f32 v16;
	v44 =	vmul.bf16 v1, v20;
	v46 =	vadd.bf16 v41, v22  }
0x15d: {  	v53 =	vadd.bf16 v28, v14;
	v19 =	vmax.bf16 v19, v39;
	v40 =	vperm.xlane v17, v5  }
0x15e: {  	v20 =	vmax.bf16 v20, v44;
	v50 =	vmul.bf16 v1, v46;
	v19 =	vmul.bf16 v19, v6  }
0x15f: {  	s2 =	sadd.s32 $0x8, s2;
	v16 =	vunpack.i.u.bf16.f32 v16;
	v48 =	vmul.bf16 v20, v7;
	v17 =	vadd.f32 v17, v40  }
0x160: {  	s3 =	sadd.s32 s16, s2;
	v55 =	vmul.bf16 v1, v53;
	v52 =	vmax.bf16 v46, v50;
	v45 =	vunpack.i.l.bf16.f32 v19  }
0x161: {  	p1 =	slt.u32 s3, $0x50910;
	v56 =	vld [tilespmem:s10+$0xFFFFFFC0];
	v51 =	vunpack.i.l.bf16.f32 v48;
	v23 =	vadd.f32 $0.0e+00, v45;
	v38 =	vpop (erf);
	v17 =	vmul.f32 $1.442695020e+00, v17  }
0x162: {  	v31 =	vld [tilespmem:s10+$0xFFFFFFE0];
	v20 =	vmul.bf16 v52, v8;
	v47 =	vunpack.i.u.bf16.f32 v19;
	v18 =	vpsel !p1, $0x0, v38  }
0x163: {  	v35 =	vmul.f32 v10, v18;
	v10 =	vld [tilespmem:s31+$0xFFFFFFC0];
	(erf) = vpow2.f32 v17;
	v17 =	vadd.f32 v23, v47  }
0x164: {  	v57 =	vunpack.i.l.bf16.f32 v20;
	v33 =	vmul.f32 v18, v42;
	v42 =	vmul.f32 v13, v18;
	v13 =	vld [tilespmem:s31+$0xFFFFFFE0]  }
0x165: {  	v20 =	vunpack.i.u.bf16.f32 v20;
	v19 =	vunpack.i.u.bf16.f32 v48;
	v17 =	vadd.f32 v51, v17  }
0x166: {  	v30 =	vsel vm0, $0x0, v18;
	v32 =	vmul.f32 v18, v43;
	v34 =	vmul.f32 v49, v18  }
0x167: {  	v37 =	vmul.f32 v54, v18;
	v36 =	vmul.f32 v11, v18;
	v17 =	vadd.f32 v17, v19  }
0x168: {  	v60 =	vld [tilespmem:s10+$0xFFFFFFD0];
	v11 =	vmax.bf16 v53, v55;
	v39 =	vmul.f32 v58, v18;
	v62 =	vadd.bf16 v56, v10  }
0x169: {  	v21 =	vmul.bf16 v11, v9;
	v11 =	vld [tilespmem:s31+$0xFFFFFFD0];
	v18 =	vadd.bf16 v31, v13;
	v17 =	vadd.f32 v57, v17  }
0x16a: {  	v48 =	vunpack.i.l.bf16.f32 v12;
	v12 =	vunpack.i.u.bf16.f32 v12;
	v45 =	vunpack.i.l.bf16.f32 v15  }
0x16b: {  	v29 =	vmul.bf16 v1, v62;
	v54 =	vmul.bf16 v1, v18;
	v17 =	vadd.f32 v17, v20  }
0x16c: {  	v53 =	vld [tilespmem:s10+$0x0];
	v61 =	vunpack.i.l.bf16.f32 v21;
	v24 =	vunpack.i.u.bf16.f32 v21;
	v31 =	vunpack.i.u.bf16.f32 v15  }
0x16d: {  	v15 =	vld [tilespmem:s31+$0x10];
	v47 =	vmax.bf16 v62, v29;
	v18 =	vmax.bf16 v18, v54;
	v59 =	vpop (erf);
	v17 =	vadd.f32 v61, v17  }
0x16e: {  	v51 =	vld [tilespmem:s10+$0xFFFFFFF0];
	v19 =	vmul.bf16 v47, v6;
	v20 =	vadd.bf16 v60, v11;
	v28 =	vpsel !p1, $0x0, v59  }
0x16f: {  	v18 =	vmul.bf16 v18, v8;
	v40 =	vmul.f32 v28, v16;
	v16 =	vld [tilespmem:s31+$0xFFFFFFF0];
	v17 =	vadd.f32 v17, v24  }
0x170: {  	v57 =	vld [tilespmem:s10+$0x10];
	v52 =	vunpack.i.l.bf16.f32 v19;
	v19 =	vunpack.i.u.bf16.f32 v19;
	v50 =	vmul.bf16 v1, v20  }
0x171: {  	v46 =	vunpack.i.l.bf16.f32 v18;
	v43 =	vmul.f32 v12, v28;
	v12 =	vld [tilespmem:s31+$0x0];
	v49 =	vperm.xlane v17, v2  }
0x172: {  	v18 =	vunpack.i.u.bf16.f32 v18;
	v23 =	vadd.f32 $0.0e+00, v52;
	v38 =	vsel vm0, $0x0, v28  }
0x173: {  	v41 =	vmul.f32 v28, v63;
	v20 =	vmax.bf16 v20, v50;
	v17 =	vadd.f32 v17, v49  }
0x174: {  	v44 =	vmul.f32 v48, v28;
	v20 =	vmul.bf16 v20, v7;
	v56 =	vadd.bf16 v51, v16  }
0x175: {  	v19 =	vadd.f32 v23, v19;
	v23 =	vadd.bf16 v57, v15;
	v29 =	vperm.xlane v17, v3  }
0x176: {  	v55 =	vunpack.i.l.bf16.f32 v20;
	v21 =	vadd.bf16 v53, v12;
	v24 =	vmul.bf16 v1, v56  }
0x177: {  	v58 =	vld [tilespmem:s10+$0x20];
	v62 =	vmul.bf16 v1, v23;
	v29 =	vadd.f32 v17, v29;
	v17 =	vadd.f32 v55, v19  }
0x178: {  	v63 =	vld [tilespmem:s10+$0x30];
	v20 =	vunpack.i.u.bf16.f32 v20;
	v48 =	vmul.bf16 v1, v21;
	v19 =	vmax.bf16 v56, v24  }
0x179: {  	v23 =	vmax.bf16 v23, v62;
	v49 =	vmul.bf16 v19, v9;
	v19 =	vld [tilespmem:s31+$0x30];
	v20 =	vadd.f32 v17, v20  }
0x17a: {  	v45 =	vmul.f32 v45, v28;
	v23 =	vmul.bf16 v23, v7;
	v21 =	vmax.bf16 v21, v48;
	v17 =	vld [tilespmem:s31+$0x20]  }
0x17b: {  	v59 =	vmul.bf16 v21, v6;
	v47 =	vperm.xlane v29, v4;
	v20 =	vadd.f32 v46, v20  }
0x17c: {  	v53 =	vunpack.i.l.bf16.f32 v23;
	v48 =	vunpack.i.u.bf16.f32 v26;
	v61 =	vunpack.i.l.bf16.f32 v49  }
0x17d: {  	v55 =	vunpack.i.l.bf16.f32 v59;
	v60 =	vadd.f32 v29, v47;
	v18 =	vadd.f32 v20, v18  }
0x17e: {  	v56 =	vld [tilespmem:s10+$0x40];
	v54 =	vunpack.i.u.bf16.f32 v49;
	v49 =	vadd.f32 $0.0e+00, v55;
	v47 =	vadd.bf16 v63, v19  }
0x17f: {  	v20 =	vunpack.i.u.bf16.f32 v59;
	v24 =	vadd.bf16 v58, v17;
	v29 =	vadd.f32 v61, v18;
	v18 =	vld [tilespmem:s31+$0x40]  }
0x180: {  	v57 =	vld [tilespmem:s10+$0x50];
	v48 =	vmul.f32 v48, v28;
	v51 =	vperm.xlane v60, v5;
	v49 =	vadd.f32 v49, v20  }
0x181: {  	v23 =	vunpack.i.u.bf16.f32 v23;
	v20 =	vld [tilespmem:s31+$0x50];
	v58 =	vmul.bf16 v1, v47;
	v50 =	vmul.bf16 v1, v24  }
0x182: {  	v46 =	vmul.f32 v31, v28;
	v51 =	vadd.f32 v60, v51;
	v49 =	vadd.f32 v53, v49  }
0x183: {  	v29 =	vadd.f32 v29, v54;
	v47 =	vmax.bf16 v47, v58;
	v24 =	vmax.bf16 v24, v50  }
0x184: {  	v21 =	vld [tilespmem:s31+$0x60];
	v51 =	vmul.f32 $1.442695020e+00, v51;
	v24 =	vmul.bf16 v24, v8;
	v31 =	vadd.bf16 v56, v18  }
0x185: {  	v61 =	vld [tilespmem:s10+$0x60];
	v23 =	vadd.f32 v49, v23;
	v47 =	vmul.bf16 v47, v9;
	v52 =	vperm.xlane v29, v2  }
0x186: {  	v50 =	vadd.bf16 v57, v20;
	v59 =	vunpack.i.l.bf16.f32 v24;
	v60 =	vmul.bf16 v1, v31  }
0x187: {  	(erf) = vpow2.f32 v51;
	v63 =	vunpack.i.l.bf16.f32 v47;
	v23 =	vadd.f32 v59, v23  }
0x188: {  	v29 =	vadd.f32 v29, v52;
	v24 =	vunpack.i.u.bf16.f32 v24;
	v31 =	vmax.bf16 v31, v60  }
0x189: {  	v55 =	vld [tilespmem:s10+$0x70];
	v54 =	vmul.bf16 v1, v50;
	v24 =	vadd.f32 v23, v24;
	v31 =	vmul.bf16 v31, v6  }
0x18a: {  	v47 =	vunpack.i.u.bf16.f32 v47;
	v49 =	vadd.bf16 v61, v21;
	v62 =	vperm.xlane v29, v3;
	v23 =	vld [tilespmem:s31+$0x70]  }
0x18b: {  	v50 =	vmax.bf16 v50, v54;
	v24 =	vadd.f32 v63, v24;
	v57 =	vunpack.i.l.bf16.f32 v31  }
0x18c: {  	v60 =	vmul.bf16 v1, v49;
	v29 =	vadd.f32 v29, v62;
	v53 =	vadd.f32 $0.0e+00, v57  }
0x18d: {  	v58 =	vunpack.i.u.bf16.f32 v31;
	v31 =	vmul.bf16 v50, v7;
	v47 =	vadd.f32 v24, v47  }
0x18e: {  	v49 =	vmax.bf16 v49, v60;
	v60 =	vunpack.i.l.bf16.f32 v26;
	v24 =	vld [tilespmem:s31+$0x80];
	v59 =	vadd.f32 v53, v58  }
0x18f: {  	v57 =	vld [tilespmem:s10+$0x80];
	v62 =	vunpack.i.l.bf16.f32 v31;
	v63 =	vadd.bf16 v55, v23;
	v61 =	vperm.xlane v47, v2  }
0x190: {  	v49 =	vmul.bf16 v49, v8;
	v58 =	vperm.xlane v29, v4;
	v50 =	vadd.f32 v62, v59  }
0x191: {  	v31 =	vunpack.i.u.bf16.f32 v31;
	v47 =	vadd.f32 v47, v61;
	v59 =	vmul.bf16 v1, v63  }
0x192: {  	v26 =	vld [tilespmem:s31+$0x90];
	v52 =	vmul.f32 v60, v28;
	v29 =	vadd.f32 v29, v58;
	v31 =	vadd.f32 v50, v31  }
0x193: {  	v61 =	vunpack.i.l.bf16.f32 v49;
	v62 =	vperm.xlane v47, v3;
	v50 =	vmax.bf16 v63, v59;
	v63 =	vld [tilespmem:s10+$0x90]  }
0x194: {  	v53 =	vadd.bf16 v57, v24;
	v59 =	vperm.xlane v29, v5;
	v31 =	vadd.f32 v61, v31  }
0x195: {  	v49 =	vunpack.i.u.bf16.f32 v49;
	v50 =	vmul.bf16 v50, v9;
	v47 =	vadd.f32 v47, v62  }
0x196: {  	v58 =	vmul.bf16 v1, v53;
	v29 =	vadd.f32 v29, v59;
	v31 =	vadd.f32 v31, v49  }
0x197: {  	v57 =	vunpack.i.l.bf16.f32 v50;
	v60 =	vunpack.i.u.bf16.f32 v50;
	v55 =	vperm.xlane v47, v4  }
0x198: {  	v49 =	vmax.bf16 v53, v58;
	v50 =	vadd.bf16 v63, v26;
	v28 =	vadd.f32 v57, v31  }
0x199: {  	v29 =	vmul.f32 $1.442695020e+00, v29;
	v49 =	vmul.bf16 v49, v6;
	v63 =	vld [tilespmem:s10+$0xA0];
	v47 =	vadd.f32 v47, v55  }
0x19a: {  	v62 =	vmul.bf16 v1, v50;
	v31 =	vadd.f32 v28, v60;
	v28 =	vld [tilespmem:s31+$0xA0]  }
0x19b: {  	(erf) = vpow2.f32 v29;
	v56 =	vunpack.i.l.bf16.f32 v49;
	v57 =	vperm.xlane v47, v5  }
0x19c: {  	v29 =	vld [tilespmem:s31+$0xC0];
	v56 =	vadd.f32 $0.0e+00, v56;
	v50 =	vmax.bf16 v50, v62;
	v60 =	vperm.xlane v31, v2  }
0x19d: {  	v61 =	vpop (erf);
	v49 =	vunpack.i.u.bf16.f32 v49;
	v50 =	vmul.bf16 v50, v7;
	v47 =	vadd.f32 v47, v57;
	v57 =	vld [tilespmem:s10+$0xC0]  }
0x19e: {  	v51 =	vpsel !p1, $0x0, v61;
	v49 =	vadd.f32 v56, v49;
	v61 =	vadd.f32 v31, v60  }
0x19f: {  	v56 =	vld [tilespmem:s10+$0xB0];
	v62 =	vunpack.i.l.bf16.f32 v50;
	v54 =	vadd.bf16 v63, v28;
	v63 =	vunpack.i.u.bf16.f32 v27  }
0x1a0: {  	[tilespmem:s18+$0xFFFFFE58] =	vst v30;
	v31 =	vld [tilespmem:s31+$0xB0];
	v27 =	vunpack.i.l.bf16.f32 v27;
	v49 =	vadd.f32 v62, v49;
	v55 =	vperm.xlane v61, v3  }
0x1a1: {  	[tilespmem:s18+$0xFFFFFDF0] =	vst v32;
	v50 =	vunpack.i.u.bf16.f32 v50;
	v32 =	vmul.f32 v51, v27;
	v30 =	vmul.f32 v51, v63  }
0x1a2: {  	[tilespmem:s18+$0xFFFFFDE0] =	vst v33;
	v53 =	vld [tilespmem:s10+$0xD0];
	v60 =	vmul.bf16 v1, v54;
	v49 =	vadd.f32 v49, v50;
	v57 =	vadd.bf16 v57, v29  }
0x1a3: {  	[tilespmem:s18+$0xFFFFFE00] =	vst v34;
	v27 =	vld [tilespmem:s31+$0xD0];
	v59 =	vadd.f32 v61, v55;
	v61 =	vunpack.i.u.bf16.f32 v25;
	v25 =	vunpack.i.l.bf16.f32 v25  }
0x1a4: {  	[tilespmem:s18+$0xFFFFFE20] =	vst v37;
	v55 =	vsel vm0, $0x0, v51;
	v62 =	vmax.bf16 v54, v60;
	v37 =	vmul.f32 v25, v51  }
0x1a5: {  	[tilespmem:s18+$0xFFFFFE10] =	vst v35;
	v34 =	vmul.f32 v61, v51;
	v58 =	vadd.bf16 v56, v31;
	v60 =	vmul.bf16 v1, v57  }
0x1a6: {  	[tilespmem:s18+$0xFFFFFE30] =	vst v36;
	v61 =	vunpack.i.u.bf16.f32 v22;
	v63 =	vperm.xlane v59, v4;
	v50 =	vmul.bf16 v62, v8  }
0x1a7: {  	[tilespmem:s18+$0xFFFFFE40] =	vst v39;
	v39 =	vmul.f32 v61, v51;
	v62 =	vmul.bf16 v1, v58;
	v36 =	vmax.bf16 v57, v60  }
0x1a8: {  	[tilespmem:s18+$0xFFFFFE50] =	vst v42;
	v53 =	vadd.bf16 v53, v27;
	v33 =	vadd.f32 v59, v63;
	v59 =	vunpack.i.l.bf16.f32 v50  }
0x1a9: {  	[tilespmem:s18+$0xFFFFFEE0] =	vst v38;
	v63 =	vunpack.i.l.bf16.f32 v22;
	v36 =	vmul.bf16 v36, v6;
	v57 =	vunpack.i.u.bf16.f32 v50  }
0x1aa: {  	[tilespmem:s18+$0xFFFFFE68] =	vst v41;
	v50 =	vunpack.i.u.bf16.f32 v14;
	v14 =	vunpack.i.l.bf16.f32 v14;
	v35 =	vadd.f32 v59, v49  }
0x1ab: {  	[tilespmem:s18+$0xFFFFFE78] =	vst v40;
	v56 =	vld [tilespmem:s10+$0xE0];
	v38 =	vmul.f32 v63, v51;
	v25 =	vmax.bf16 v58, v62;
	v58 =	vmul.bf16 v1, v53  }
0x1ac: {  	[tilespmem:s18+$0xFFFFFE88] =	vst v44;
	v22 =	vld [tilespmem:s31+$0xE0];
	v14 =	vmul.f32 v14, v51;
	v44 =	vmul.f32 v50, v51;
	v51 =	vunpack.i.l.bf16.f32 v16  }
0x1ad: {  	[tilespmem:s18+$0xFFFFFE98] =	vst v43;
	v49 =	vmul.bf16 v25, v9;
	v59 =	vunpack.i.l.bf16.f32 v36;
	v36 =	vunpack.i.u.bf16.f32 v36  }
0x1ae: {  	[tilespmem:s18+$0xFFFFFEA8] =	vst v45;
	v35 =	vadd.f32 v35, v57;
	v60 =	vmax.bf16 v53, v58;
	v40 =	vadd.f32 $0.0e+00, v59  }
0x1af: {  	[tilespmem:s18+$0xFFFFFED8] =	vst v48;
	v25 =	vld [tilespmem:s31+$0xF0];
	v57 =	vperm.xlane v33, v5;
	v61 =	vunpack.i.l.bf16.f32 v49;
	v41 =	vmul.bf16 v60, v7  }
0x1b0: {  	[tilespmem:s18+$0xFFFFFEB8] =	vst v46;
	v62 =	vunpack.i.u.bf16.f32 v49;
	v49 =	vld [tilespmem:s10+$0xF0];
	v35 =	vadd.f32 v61, v35;
	v36 =	vadd.f32 v40, v36  }
0x1b1: {  	[tilespmem:s18+$0xFFFFFEC8] =	vst v52;
	v63 =	vadd.bf16 v56, v22;
	v56 =	vmul.f32 $1.442695020e+00, v47;
	v33 =	vadd.f32 v33, v57  }
0x1b2: {  	[tilespmem:s18+$0xFFFFFEF0] =	vst v32;
	v47 =	vunpack.i.u.bf16.f32 v11;
	v11 =	vunpack.i.l.bf16.f32 v11;
	v53 =	vunpack.i.l.bf16.f32 v41  }
0x1b3: {  	[tilespmem:s18+$0xFFFFFF00] =	vst v30;
	v58 =	vunpack.i.u.bf16.f32 v41;
	v35 =	vadd.f32 v35, v62;
	v54 =	vmul.bf16 v1, v63  }
0x1b4: {  	[tilespmem:s18+$0xFFFFFF68] =	vst v55;
	v36 =	vadd.f32 v53, v36;
	(erf) = vpow2.f32 v56;
	v53 =	vmul.f32 $1.442695020e+00, v33  }
0x1b5: {  	[tilespmem:s18+$0xFFFFFF10] =	vst v37;
	v61 =	vpop (erf);
	v40 =	vmax.bf16 v63, v54;
	v59 =	vadd.bf16 v49, v25;
	v60 =	vperm.xlane v35, v2  }
0x1b6: {  	[tilespmem:s18+$0xFFFFFF20] =	vst v34;
	v32 =	vadd.f32 v36, v58;
	v63 =	vpsel !p1, $0x0, v61;
	v40 =	vmul.bf16 v40, v8  }
0x1b7: {  	[tilespmem:s18+$0xFFFFFF40] =	vst v39;
	v49 =	vunpack.i.l.bf16.f32 v13;
	v43 =	vsel vm0, $0x0, v63;
	v42 =	vmul.bf16 v1, v59  }
0x1b8: {  	[tilespmem:s18+$0xFFFFFF30] =	vst v38;
	v11 =	vmul.f32 v11, v63;
	v52 =	vmul.f32 v51, v63;
	v62 =	vunpack.i.l.bf16.f32 v40  }
0x1b9: {  	[tilespmem:s18+$0xFFFFFF50] =	vst v14;
	v30 =	vadd.f32 v35, v60;
	v32 =	vadd.f32 v62, v32;
	v41 =	vmax.bf16 v59, v42  }
0x1ba: {  	[tilespmem:s18+$0xFFFFFF60] =	vst v44;
	v46 =	vunpack.i.u.bf16.f32 v40;
	v42 =	vunpack.i.u.bf16.f32 v10;
	v35 =	vmul.bf16 v41, v9  }
0x1bb: {  	[tilespmem:s18+$0xFFFFFFF0] =	vst v43;
	v10 =	vunpack.i.l.bf16.f32 v10;
	v45 =	vperm.xlane v30, v3;
	v32 =	vadd.f32 v32, v46  }
0x1bc: {  	v13 =	vunpack.i.u.bf16.f32 v13;
	[tilespmem:s18+$0xFFFFFF98] =	vst v11;
	v10 =	vmul.f32 v63, v10;
	v48 =	vunpack.i.l.bf16.f32 v35  }
0x1bd: {  	v11 =	vmul.f32 v13, v63;
	[tilespmem:s18+$0xFFFFFFD8] =	vst v52;
	v14 =	vadd.f32 v30, v45;
	v30 =	vadd.f32 v48, v32  }
0x1be: {  	(erf) = vpow2.f32 v53;
	[tilespmem:s18+$0xFFFFFF78] =	vst v10;
	v10 =	vmul.f32 v47, v63;
	v35 =	vunpack.i.u.bf16.f32 v35  }
0x1bf: {  	v58 =	vunpack.i.l.bf16.f32 v12;
	v36 =	vmul.f32 v63, v42;
	[tilespmem:s18+$0xFFFFFFC8] =	vst v11;
	v50 =	vadd.f32 v30, v35  }
0x1c0: {  	v54 =	vpop (erf);
	v32 =	vmul.f32 v49, v63;
	v55 =	vperm.xlane v14, v4;
	[tilespmem:s18+$0xFFFFFFA8] =	vst v10;
	v10 =	vunpack.i.u.bf16.f32 v16  }
0x1c1: {  	[tilespmem:s18+$0xFFFFFF88] =	vst v36;
	v11 =	vpsel !p1, $0x0, v54;
	v10 =	vmul.f32 v10, v63;
	v56 =	vperm.xlane v50, v2  }
0x1c2: {  	v60 =	vunpack.i.l.bf16.f32 v15;
	v57 =	vsel vm0, $0x0, v11;
	[tilespmem:s18+$0xFFFFFFB8] =	vst v32;
	v14 =	vadd.f32 v14, v55  }
0x1c3: {  	v59 =	vmul.f32 v11, v58;
	[tilespmem:s18+$0xFFFFFFE8] =	vst v10;
	v10 =	vunpack.i.u.bf16.f32 v12;
	v13 =	vadd.f32 v50, v56  }
0x1c4: {  	v36 =	vunpack.i.l.bf16.f32 v19;
	[tilespmem:s18+$0x78] =	vst v57;
	v61 =	vperm.xlane v14, v5;
	v10 =	vmul.f32 v11, v10  }
0x1c5: {  	v62 =	vunpack.i.u.bf16.f32 v15;
	v15 =	vmul.f32 v36, v11;
	[tilespmem:s18+$0x0] =	vst v59;
	v32 =	vperm.xlane v13, v3  }
0x1c6: {  	v33 =	vadd.f32 v14, v61;
	[tilespmem:s18+$0x10] =	vst v10;
	v10 =	vmul.f32 v62, v11  }
0x1c7: {  	v63 =	vmul.f32 v60, v11;
	v35 =	vunpack.i.u.bf16.f32 v17;
	[tilespmem:s18+$0x60] =	vst v15;
	v13 =	vadd.f32 v13, v32  }
0x1c8: {  	v34 =	vunpack.i.l.bf16.f32 v17;
	v12 =	vmul.f32 $1.442695020e+00, v33;
	[tilespmem:s18+$0x30] =	vst v10;
	v10 =	vmul.f32 v35, v11  }
0x1c9: {  	v37 =	vunpack.i.u.bf16.f32 v19;
	[tilespmem:s18+$0x20] =	vst v63;
	v14 =	vmul.f32 v34, v11;
	v16 =	vperm.xlane v13, v4  }
0x1ca: {  	[tilespmem:s18+$0x50] =	vst v10;
	v10 =	vmul.f32 v37, v11;
	v11 =	vpop (erf);
	(erf) = vpow2.f32 v12  }
0x1cb: {  	v38 =	vunpack.i.l.bf16.f32 v18;
	[tilespmem:s18+$0x40] =	vst v14;
	v11 =	vpsel !p1, $0x0, v11;
	v13 =	vadd.f32 v13, v16  }
0x1cc: {  	v39 =	vunpack.i.u.bf16.f32 v18;
	[tilespmem:s18+$0x70] =	vst v10;
	v10 =	vsel vm0, $0x0, v11;
	v12 =	vmul.f32 v11, v38  }
0x1cd: {  	v40 =	vunpack.i.l.bf16.f32 v20;
	[tilespmem:s18+$0x100] =	vst v10;
	v10 =	vmul.f32 v11, v39;
	v41 =	vperm.xlane v13, v5  }
0x1ce: {  	v42 =	vunpack.i.u.bf16.f32 v20;
	v14 =	vmul.f32 v40, v11;
	[tilespmem:s18+$0x88] =	vst v12  }
0x1cf: {  	v46 =	vunpack.i.l.bf16.f32 v23;
	[tilespmem:s18+$0x98] =	vst v10;
	v10 =	vmul.f32 v42, v11;
	v43 =	vadd.f32 v13, v41  }
0x1d0: {  	v45 =	vunpack.i.u.bf16.f32 v21;
	[tilespmem:s18+$0xA8] =	vst v14;
	v14 =	vmul.f32 v46, v11  }
0x1d1: {  	v44 =	vunpack.i.l.bf16.f32 v21;
	[tilespmem:s18+$0xB8] =	vst v10;
	v10 =	vmul.f32 v45, v11;
	v12 =	vmul.f32 $1.442695020e+00, v43  }
0x1d2: {  	v47 =	vunpack.i.u.bf16.f32 v23;
	[tilespmem:s18+$0xE8] =	vst v14;
	v13 =	vmul.f32 v44, v11  }
0x1d3: {  	[tilespmem:s18+$0xD8] =	vst v10;
	v10 =	vmul.f32 v47, v11;
	v11 =	vpop (erf);
	(erf) = vpow2.f32 v12  }
0x1d4: {  	v48 =	vunpack.i.l.bf16.f32 v24;
	[tilespmem:s18+$0xC8] =	vst v13;
	v11 =	vpsel !p1, $0x0, v11  }
0x1d5: {  	v49 =	vunpack.i.u.bf16.f32 v24;
	[tilespmem:s18+$0xF8] =	vst v10;
	v10 =	vsel vm0, $0x0, v11;
	v12 =	vmul.f32 v11, v48  }
0x1d6: {  	v50 =	vunpack.i.l.bf16.f32 v26;
	[tilespmem:s18+$0x188] =	vst v10;
	v10 =	vmul.f32 v11, v49  }
0x1d7: {  	v51 =	vunpack.i.u.bf16.f32 v26;
	v13 =	vmul.f32 v50, v11;
	[tilespmem:s18+$0x110] =	vst v12  }
0x1d8: {  	v52 =	vunpack.i.l.bf16.f32 v28;
	[tilespmem:s18+$0x120] =	vst v10;
	v10 =	vmul.f32 v51, v11  }
0x1d9: {  	v53 =	vunpack.i.u.bf16.f32 v28;
	[tilespmem:s18+$0x130] =	vst v13;
	v12 =	vmul.f32 v52, v11  }
0x1da: {  	v54 =	vunpack.i.l.bf16.f32 v31;
	[tilespmem:s18+$0x140] =	vst v10;
	v10 =	vmul.f32 v53, v11  }
0x1db: {  	v55 =	vunpack.i.u.bf16.f32 v31;
	v13 =	vmul.f32 v54, v11;
	[tilespmem:s18+$0x150] =	vst v12  }
0x1dc: {  	[tilespmem:s18+$0x160] =	vst v10;
	v10 =	vmul.f32 v55, v11;
	v11 =	vpop (erf)  }
0x1dd: {  	v56 =	vunpack.i.l.bf16.f32 v29;
	[tilespmem:s18+$0x170] =	vst v13;
	v11 =	vpsel !p1, $0x0, v11  }
0x1de: {  	v57 =	vunpack.i.u.bf16.f32 v29;
	[tilespmem:s18+$0x180] =	vst v10;
	v10 =	vsel vm0, $0x0, v11;
	v12 =	vmul.f32 v11, v56  }
0x1df: {  	v58 =	vunpack.i.l.bf16.f32 v27;
	[tilespmem:s18+$0x210] =	vst v10;
	v10 =	vmul.f32 v11, v57  }
0x1e0: {  	v59 =	vunpack.i.u.bf16.f32 v27;
	v13 =	vmul.f32 v58, v11;
	[tilespmem:s18+$0x198] =	vst v12  }
0x1e1: {  	v60 =	vunpack.i.l.bf16.f32 v22;
	[tilespmem:s18+$0x1A8] =	vst v10;
	v10 =	vmul.f32 v59, v11  }
0x1e2: {  	v61 =	vunpack.i.u.bf16.f32 v22;
	p1 =	slt.u32 s2, $0x38;
	[tilespmem:s18+$0x1B8] =	vst v13;
	v12 =	vmul.f32 v60, v11  }
.Ltmp5:
0x1e3: {  	v62 =	vunpack.i.l.bf16.f32 v25;
	[tilespmem:s18+$0x1C8] =	vst v10;
	v10 =	vmul.f32 v61, v11;
	(pc) =	sbr.rel @p1 .LBB2_5-.Ltmp5, $4  }
0x1e4: {  	v63 =	vunpack.i.u.bf16.f32 v25;
	v13 =	vmul.f32 v62, v11;
	[tilespmem:s18+$0x1D8] =	vst v12  }
0x1e5: {  	[tilespmem:s18+$0x1E8] =	vst v10;
	v10 =	vmul.f32 v63, v11  }
0x1e6: {  	[tilespmem:s18+$0x1F8] =	vst v13  }
0x1e7: {  	s31 =	sadd.s32 $0x200, s31;
	s10 =	sadd.s32 $0x200, s10;
	[tilespmem:s18+$0x208] =	vst v10;
	s18 =	sadd.s32 $0x440, s18  }
0x1e8: {  	p1 =	sgt.u32 s15, $0x9F  }
0x1e9: {  	p2 =	sne.s32 @!p1 s17, $0x0  }
0x1ea: {  	p2 =	por p1, p2  }
.Ltmp6:
0x1eb: {  	_ = 	snop;
	(pc) =	sbr.rel @!p2 .LBB2_7-.Ltmp6, $1  }
0x1ec: {  	_ =	sdelay $0x3  }
.Ltmp7:
0x1ed: {  	(pc) =	sbr.rel @p1 .LBB2_14-.Ltmp7, $1  }
0x1ee: {  	_ =	sdelay $0x3  }
.Ltmp8:
0x1ef: {  	(pc) =	sbr.rel .LBB2_10-.Ltmp8, $2  }
0x1f0: {  	_ =	sdelay $0x2  }
0x1f1: {  	s1 =	sshll.u32 s0, $0xA  }
.LBB2_14:
.Ltmp9:
0x1f2: {  	(pc) =	sbr.rel .LBB2_11-.Ltmp9, $2  }
0x1f3: {  	_ =	sdelay $0x2  }
0x1f4: {  	s0 =	sshll.u32 s17, $0x9  }
.LBB2_13:
0x1f5: {  	_ =	sfence.sel $0x180000  }
0x1f6: {  	[bflag:$0x0] =	sbarrier.arrive $0xFFFF  }
0x1f7: {  	_ =	strace $0x9000004A  }
0x1f8: {  	s0 =	stileid.u32;
	[bflag:$0x2] =	sbarrier.arrive $0xFFFF  }
0x1f9: {  	p0 =	sne.s32 s0, $0x0;
	s0 =	rddreg [dreg:$0x3]  }
0x1fa: {  	s0 =	sadd.s32 @!p0 $0x100000, s0  }
0x1fb: {  	[sflag:s0] =	ssyncadd.tile.s32 @!p0 $0x1;
	_ =	shalt  }
.Lfunc_end2:
_tile_overlayer_lowered:
.L_overlay_start_2:
0x1fc: {  	(tag) =	ssettag $0x2  }
0x1fd: {  	s0 =	rddreg [dreg:$0x0];
	s2 =	stileid.u32  }
0x1fe: {  	s1 =	rddreg [dreg:$0x1];
	p0 =	sne.s32 s2, $0x0  }
0x1ff: {  	s3 =	rddreg [dreg:$0x2];
	[bflag:$0x3] =	sbarrier.arrive $0xFFFF;
	s2 =	simm.s32 @!p0 $0x1C07  }
0x200: {  	[timem:s3], [sflag:s2] =	dma.local @!p0 [hbm:s0], s1  }
0x201: {  	s0 =	simm.s32 @!p0 $0x7  }
0x202: {  	_ =	swait.ge @!p0 [sflag:s0], s1  }
0x203: {  	s1 =	ssub.s32 @!p0 $0x0, s1;
	[sflag:s0] =	ssyncset.done @!p0 $0x0  }
0x204: {  	[sflag:s0] =	ssyncadd.s32 @!p0 s1  }
0x205: {  	[bflag:$0x3] =	sbarrier.arrive $0xFFFF  }
0x206: {  	_ =	shalt  }

// kernel: kernel.7.cloned.1.call-start
scs
__scs_entry_jumppad:
0x0: {  	(pc) =	sbr.rel $0x88, $3  }
0x1: {  	(tag) =	ssettag $0x0;
	lr =	simm.s32 $0x1  }
0x2: {  	[smem:$0x3F97] =	sst lr;
	_ =	strace $0xD0000000  }
0x3: {  	_ = 	snop  }
0x4: {  	_ = 	snop  }
0x5: {  	_ = 	snop  }
0x6: {  	_ = 	snop  }
0x7: {  	_ = 	snop  }
__scs_overlays_trampoline_lowered:
0x8: {  	[smem:$0x3FA6] =	sst s0  }
0x9: {  	[smem:$0x3FA7] =	sst s1  }
0xa: {  	[smem:$0x3FA8] =	sst s2  }
0xb: {  	[smem:$0x3FA9] =	sst s3  }
0xc: {  	[smem:$0x3FAA] =	sst s4  }
0xd: {  	[smem:$0x3FAB] =	sst s5  }
0xe: {  	[smem:$0x3FAC] =	sst s6  }
0xf: {  	[smem:$0x3FAD] =	sst s7  }
0x10: {  	[smem:$0x3FAE] =	sst s8  }
0x11: {  	[smem:$0x3FAF] =	sst s9;
	s0 =	simm.s32 @!p0 $0x0  }
0x12: {  	s1 =	sld [smem:$0x3F95];
	s0 =	simm.s32 @p0 $0x1  }
0x13: {  	[smem:$0x3FB0] =	sst s0;
	s0 =	simm.s32 @!p1 $0x0  }
0x14: {  	s2 =	sld [smem:$0x3F94];
	s0 =	simm.s32 @p1 $0x1  }
0x15: {  	[smem:$0x3FB1] =	sst s0;
	s0 =	simm.s32 @!p2 $0x0  }
0x16: {  	s3 =	sld [smem:$0x3FDB];
	s0 =	simm.s32 @p2 $0x1  }
0x17: {  	s4 =	simm.s32 $0x1BF5;
	[smem:$0x3FB3] =	sst s0  }
0x18: {  	s0 =	sld [smem:$0x3F96];
	_ =	swait.ge [sflag:s4], $0x0  }
0x19: {  	s7 =	sld [smem:$0x3F97]  }
0x1a: {  	s8 =	sadd.s32 $0xFFFFE003, lr  }
0x1b: {  	s9 =	sadd.s32 $0xFFFFFEF7, lr;
	s5 =	simm.s32 $0xFFFFFFFF;
	p2 =	slt.u32 s8, $0xFFFFF086  }
0x1c: {  	p1 =	slt.u32 s9, $0xF7A;
	s5 =	simm.s32 @!p2 $0x0  }
0x1d: {  	s5 =	simm.s32 @p1 $0x1;
	p0 =	seq.s32 s7, s2  }
0x1e: {  	s7 =	smul.u32 @!p0 $0xF7A, s2;
	p2 =	seq.s32 @!p0 s5, $0x0  }
0x1f: {  	s9 =	smul.u32 $0xF7A, s1;
	s8 =	simm.s32 @!p0 $0x1BF5;
	p2 =	por !p2, p0  }
0x20: {  	[sflag:s8] =	ssyncset.s32 @!p0 $0xFFFFF086;
	s6 =	sadd.s32 @!p0 s3, s7;
	s7 =	simm.s32 @!p0 $0x108  }
0x21: {  	s3 =	sadd.s32 s3, s9;
	s6 =	sadd.s32 @!p0 $0x88, s6;
	s7 =	simm.s32 @p2 $0x1082  }
0x22: {  	[simem:s7], [sflag:s8] =	dma.local @!p0 [hbm:s6], $0xF7A  }
0x23: {  	s9 =	sor.u32 $0xD0000000, s2;
	s6 =	simm.s32 $0x108;
	_ =	swait.ge @!p0 [sflag:s8], $0x0  }
0x24: {  	s3 =	sadd.s32 $0x88, s3;
	s6 =	simm.s32 @!p1 $0x1082;
	[sflag:s4] =	ssyncset.s32 $0xFFFFF086  }
0x25: {  	[simem:s6], [sflag:s4] =	dma.local [hbm:s3], $0xF7A  }
0x26: {  	[smem:$0x3F97] =	sst s1;
	(tag) =	ssettag s2;
	_ =	strace s9  }
0x27: {  	s1 =	sld [smem:$0x3FA7]  }
0x28: {  	s2 =	sld [smem:$0x3FA8]  }
0x29: {  	s4 =	sld [smem:$0x3FAA]  }
0x2a: {  	p0 =	seq.s32 s5, $0x0;
	s5 =	sld [smem:$0x3FAB]  }
0x2b: {  	s6 =	sld [smem:$0x3FAC]  }
0x2c: {  	s7 =	sld [smem:$0x3FAD]  }
0x2d: {  	s3 =	simm.s32 $0x108;
	s8 =	sld [smem:$0x3FAE]  }
0x2e: {  	s3 =	simm.s32 @!p0 $0x1082;
	s9 =	sld [smem:$0x3FAF]  }
0x2f: {  	lr =	sadd.s32 s0, s3;
	s0 =	sld [smem:$0x3FA6]  }
0x30: {  	s3 =	sld [smem:$0x3FA9]  }
0x31: {  	[smem:$0x3FB2] =	sst s10  }
0x32: {  	s10 =	sld [smem:$0x3FB0];
	_ =	sdelay $0x3  }
0x33: {  	p0 =	seq.s32 s10, $0x1;
	s10 =	sld [smem:$0x3FB2];
	_ =	sdelay $0x3  }
0x34: {  	[smem:$0x3FB2] =	sst s10  }
0x35: {  	s10 =	sld [smem:$0x3FB1];
	_ =	sdelay $0x3  }
0x36: {  	p1 =	seq.s32 s10, $0x1;
	s10 =	sld [smem:$0x3FB2];
	_ =	sdelay $0x3  }
0x37: {  	[smem:$0x3FB2] =	sst s10  }
0x38: {  	s10 =	sld [smem:$0x3FB3]  }
0x39: {  	_ = 	snop;
	(pc) =	sbr.ind lr, $3  }
0x3a: {  	_ = 	snop  }
0x3b: {  	_ = 	snop  }
0x3c: {  	p2 =	seq.s32 s10, $0x1;
	s10 =	sld [smem:$0x3FB2]  }
0x3d: {  	_ =	shalt  }
0x3e: {  	_ =	shalt  }
0x3f: {  	_ =	shalt  }
0x40: {  	_ =	shalt  }
0x41: {  	_ =	shalt  }
0x42: {  	_ =	shalt  }
0x43: {  	_ =	shalt  }
0x44: {  	_ =	shalt  }
0x45: {  	_ =	shalt  }
0x46: {  	_ =	shalt  }
0x47: {  	_ =	shalt  }
0x48: {  	_ =	shalt  }
0x49: {  	_ =	shalt  }
0x4a: {  	_ =	shalt  }
0x4b: {  	_ =	shalt  }
0x4c: {  	_ =	shalt  }
0x4d: {  	_ =	shalt  }
0x4e: {  	_ =	shalt  }
0x4f: {  	_ =	shalt  }
0x50: {  	_ =	shalt  }
0x51: {  	_ =	shalt  }
0x52: {  	_ =	shalt  }
0x53: {  	_ =	shalt  }
0x54: {  	_ =	shalt  }
0x55: {  	_ =	shalt  }
0x56: {  	_ =	shalt  }
0x57: {  	_ =	shalt  }
0x58: {  	_ =	shalt  }
0x59: {  	_ =	shalt  }
0x5a: {  	_ =	shalt  }
0x5b: {  	_ =	shalt  }
0x5c: {  	_ =	shalt  }
0x5d: {  	_ =	shalt  }
0x5e: {  	_ =	shalt  }
0x5f: {  	_ =	shalt  }
0x60: {  	_ =	shalt  }
0x61: {  	_ =	shalt  }
0x62: {  	_ =	shalt  }
0x63: {  	_ =	shalt  }
0x64: {  	_ =	shalt  }
0x65: {  	_ =	shalt  }
0x66: {  	_ =	shalt  }
0x67: {  	_ =	shalt  }
0x68: {  	_ =	shalt  }
0x69: {  	_ =	shalt  }
0x6a: {  	_ =	shalt  }
0x6b: {  	_ =	shalt  }
0x6c: {  	_ =	shalt  }
0x6d: {  	_ =	shalt  }
0x6e: {  	_ =	shalt  }
0x6f: {  	_ =	shalt  }
0x70: {  	_ =	shalt  }
0x71: {  	_ =	shalt  }
0x72: {  	_ =	shalt  }
0x73: {  	_ =	shalt  }
0x74: {  	_ =	shalt  }
0x75: {  	_ =	shalt  }
0x76: {  	_ =	shalt  }
0x77: {  	_ =	shalt  }
0x78: {  	_ =	shalt  }
0x79: {  	_ =	shalt  }
0x7a: {  	_ =	shalt  }
0x7b: {  	_ =	shalt  }
0x7c: {  	_ =	shalt  }
0x7d: {  	_ =	shalt  }
0x7e: {  	_ =	shalt  }
0x7f: {  	_ =	shalt  }
0x80: {  	_ =	shalt  }
0x81: {  	_ =	shalt  }
0x82: {  	_ =	shalt  }
0x83: {  	_ =	shalt  }
0x84: {  	_ =	shalt  }
0x85: {  	_ =	shalt  }
0x86: {  	_ =	shalt  }
0x87: {  	_ =	shalt  }
.Lfunc_end0:
.L_simem_size_0:
called_computation_lowered:
.L_overlay_start_0:
0x88: {  	s2 =	sld [smem:$0x3FD9]  }
0x89: {  	s3 =	sld [smem:$0x3FFE];
	_ =	sdelay $0x1  }
0x8a: {  	s1 =	srdreg.scid  }
0x8b: {  	s0 =	sand.u32 $0x1, s1  }
0x8c: {  	s17 =	sshll.u32 s0, $0xA;
	s2 =	sadd.s32 s3, s2  }
0x8d: {  	s2 =	sadd.s32 s2, s17  }
0x8e: {  	[smem:$0x3FBE] =	sst s2  }
0x8f: {  	_ = 	snop  }
0x90: {  	s2 =	sld [smem:$0x3FD0];
	(tm) =	ssettm $0x1  }
0x91: {  	s18 =	sld [smem:$0x3FFB];
	_ =	sdelay $0x3  }
0x92: {  	_ =	strace s18  }
0x93: {  	s3 =	sld [smem:$0x3FFC];
	_ =	sdelay $0x3  }
0x94: {  	_ =	strace s3  }
0x95: {  	s3 =	sld [smem:$0x3FFD];
	_ =	sdelay $0x3  }
0x96: {  	_ =	strace s3  }
0x97: {  	_ =	strace $0x8FFFFFFF  }
0x98: {  	s19 =	sld [smem:$0x3FDB];
	_ =	sdelay $0x1  }
0x99: {  	s4 =	simm.s32 $_scs_section_size  }
0x9a: {  	s5 =	simm.s32 $_size__tile_overlayer_lowered;
	s6 =	simm.s32 $_tile_overlayer_lowered  }
0x9b: {  	s22 =	simm.s32 $0x1BFF;
	s21 =	sshll.u32 s6, $0x1;
	s3 =	sadd.s32 s4, s19  }
0x9c: {  	s7 =	simm.s32 $0x0;
	s20 =	sshll.u32 s5, $0x1;
	s5 =	sadd.s32 s21, s3  }
0x9d: {  	[timem:s7], [sflag:s22] =	dma.local [hbm:s5], s20  }
0x9e: {  	_ =	swait.ge [sflag:s22], s20  }
0x9f: {  	s4 =	ssub.s32 $0x0, s20;
	[sflag:s22] =	ssyncset.done $0x0  }
0xa0: {  	[sflag:s22] =	ssyncadd.s32 s4;
	_ =	sdelay $0x1  }
0xa1: {  	s23 =	simm.s32 $0x1B8B  }
0xa2: {  	_ =	swait.ge [sflag:s23], $0x1  }
0xa3: {  	[sflag:s23] =	ssyncset.done $0x0  }
0xa4: {  	s25 =	simm.s32 $0x1B8E;
	s24 =	sld [smem:$0x3FFE];
	[sflag:s23] =	ssyncadd.s32 $0xFFFFFFFF  }
0xa5: {  	s26 =	simm.s32 $execute0_lowered;
	[smem:$0x3FD2] =	sst s25  }
0xa6: {  	s5 =	sshll.u32 s26, $0x1;
	_ =	strace $0x80000046;
	[dreg:$0x1] =	wrdreg $0xFFFFFFFF  }
0xa7: {  	s28 =	simm.s32 $_size_execute0_lowered;
	s3 =	sadd.s32 s3, s5;
	[dreg:$0x0] =	wrdreg $0x0  }
0xa8: {  	s5 =	sshll.u32 s28, $0x1;
	[dreg:$0x2] =	wrdreg s3  }
0xa9: {  	[dreg:$0x3] =	wrdreg s5  }
0xaa: {  	[dreg:$0x4] =	wrdreg $0xC0  }
0xab: {  	_ =	task [dreg:s7], $0x5FFFF  }
0xac: {  	[dreg:$0x1] =	wrdreg $0xFFFFFFFF  }
0xad: {  	[dreg:$0x0] =	wrdreg $0x60  }
0xae: {  	[dreg:$0x2] =	wrdreg s24  }
0xaf: {  	[dreg:$0x3] =	wrdreg s2  }
0xb0: {  	[dreg:$0x4] =	wrdreg $0x87400  }
0xb1: {  	[dreg:$0x5] =	wrdreg $0x9  }
0xb2: {  	_ =	task.clear_ibuf [dreg:s7], $0x6FFFF;
	_ =	strace $0x90000046  }
0xb3: {  	s29 =	simm.s32 $0x9;
	_ =	strace $0x80000048  }
0xb4: {  	_ =	swait.ge [sflag:s29], $0x1  }
0xb5: {  	[sflag:s29] =	ssyncadd.s32 $0xFFFFFFFF  }
0xb6: {  	_ =	strace $0x90000048  }
0xb7: {  	_ =	sfence  }
0xb8: {  	s30 =	sld [smem:$0x0];
	_ =	sdelay $0x2  }
0xb9: {  	s31 =	sshll.u32 s1, $0xD;
	s1 =	sshrl.u32 s1, $0x2  }
0xba: {  	s3 =	sand.u32 $0x4000, s31;
	s1 =	sadd.s32 s1, s30  }
0xbb: {  	s0 =	sor.u32 s3, s0;
	s1 =	sshll.u32 s1, $0x11  }
0xbc: {  	s0 =	sor.u32 s1, s0  }
0xbd: {  	s0 =	sadd.s32 $0x8F2B, s0  }
0xbe: {  	[sflag:s0] =	ssyncadd.remote.s32 $0x1  }
0xbf: {  	_ =	sfence.sel $0xFFFF  }
0xc0: {  	[dreg:$0x0] =	wrdreg $0xFFFFFFFF;
	(pc) =	sbr.abs _section_cstart, $3  }
0xc1: {  	[dreg:$0x1] =	wrdreg $0xFFFFFFFF  }
0xc2: {  	_ =	task.clear_ibuf [dreg:s7], $0x2FFFF;
	_ =	strace $0x9FFFFFFF  }
0xc3: {  	(tm) =	ssettm $0x7FFFFFFF  }
tec
execute0_lowered:
.L_overlay_start_1:
0x0: {  	(tag) =	ssettag $0x1  }
0x1: {  	s0 =	srdreg.scid  }
0x2: {  	s17 =	stileid.u32;
	s5 =	rddreg [dreg:$0x0]  }
0x3: {  	s29 =	simm.s32 $0x4340;
	s1 =	sand.u32 $0x1, s0;
	s24 =	smul.u32 $0x278, s17  }
0x4: {  	s6 =	sadd.s32 $0x2EC00, s5;
	s2 =	smul.u32 $0x2710, s1;
	s3 =	ssub.s32 $0x2, s1  }
0x5: {  	s28 =	sadd.s32 $0x2600, s5;
	s4 =	smin.u32 s24, $0x2498;
	s25 =	sshrl.u32 s3, $0x1  }
0x6: {  	s24 =	sshll.u32 s17, $0x1;
	s2 =	sadd.s32 s2, s4;
	s0 =	ssub.s32 s3, s25  }
0x7: {  	s25 =	sadd.s32 $0x29C00, s5;
	s4 =	smul.u32 $0x220, s4;
	s26 =	sshll.u32 s2, $0x4  }
0x8: {  	s31 =	sadd.s32 $0x40, s2;
	s7 =	sadd.s32 $0x80, s2;
	s10 =	sadd.s32 $0xC0, s2  }
0x9: {  	s13 =	sadd.s32 $0x180, s2;
	s20 =	sadd.s32 $0x1C0, s2;
	s14 =	sadd.s32 $0x200, s2  }
0xa: {  	s0 =	smax.u32 s0, $0x1;
	s3 =	sadd.s32 s6, s26;
	s8 =	sshll.u32 s31, $0x4  }
0xb: {  	s9 =	sshll.u32 s7, $0x4;
	s16 =	sshll.u32 s10, $0x4;
	s19 =	sshll.u32 s13, $0x4  }
0xc: {  	s21 =	sshll.u32 s20, $0x4;
	s26 =	sadd.s32 s25, s31;
	[dreg:$0x4] =	wrdreg s3  }
0xd: {  	s31 =	sadd.s32 s25, s7;
	s8 =	sadd.s32 s6, s8;
	[dreg:$0xf] =	wrdreg s26  }
0xe: {  	s15 =	sadd.s32 s6, s9;
	s9 =	sadd.s32 $0x140, s2;
	[dreg:$0x10] =	wrdreg s31  }
0xf: {  	s3 =	sadd.s32 s25, s10;
	s10 =	smul.u32 $0x5100, s17;
	[dreg:$0x5] =	wrdreg s8  }
0x10: {  	s26 =	sadd.s32 $0x16000, s5;
	[dreg:$0x6] =	wrdreg s15;
	s8 =	sadd.s32 s6, s16  }
0x11: {  	s12 =	sshll.u32 s9, $0x4;
	s15 =	sshll.u32 s14, $0x4;
	[dreg:$0x11] =	wrdreg s3  }
0x12: {  	s16 =	sadd.s32 $0x240, s2;
	s14 =	sadd.s32 s25, s14;
	[dreg:$0x7] =	wrdreg s8  }
0x13: {  	s3 =	sadd.s32 $0x22000, s4;
	s18 =	sadd.s32 s6, s12;
	[dreg:$0x16] =	wrdreg s14  }
0x14: {  	s8 =	sadd.s32 $0x100, s2;
	s22 =	sadd.s32 s6, s15;
	[dreg:$0x9] =	wrdreg s18  }
0x15: {  	s23 =	sshll.u32 s16, $0x4;
	s2 =	sadd.s32 s25, s2;
	[dreg:$0xc] =	wrdreg s22  }
0x16: {  	s15 =	sor.u32 s1, s24;
	s17 =	sadd.s32 s25, s16;
	[dreg:$0xe] =	wrdreg s2  }
0x17: {  	s1 =	smul.u32 $0x2880, s1;
	s7 =	sadd.s32 s25, s8;
	[dreg:$0x17] =	wrdreg s17  }
0x18: {  	s11 =	sshll.u32 s8, $0x4;
	s8 =	sadd.s32 s25, s9;
	[dreg:$0x12] =	wrdreg s7  }
0x19: {  	s24 =	sadd.s32 $0x19800, s4;
	s9 =	sadd.s32 s25, s13;
	[dreg:$0x13] =	wrdreg s8  }
0x1a: {  	s12 =	sadd.s32 $0x3B800, s4;
	s13 =	sadd.s32 s25, s20;
	[dreg:$0x14] =	wrdreg s9  }
0x1b: {  	s18 =	sshrl.u32 s4, $0x2;
	s11 =	sadd.s32 s6, s11;
	[dreg:$0x15] =	wrdreg s13  }
0x1c: {  	s20 =	sadd.s32 $0x29A00, s5;
	s22 =	sadd.s32 $0x8800, s4;
	[dreg:$0x8] =	wrdreg s11  }
0x1d: {  	s1 =	sadd.s32 s1, s10;
	s11 =	sadd.s32 s6, s19;
	s19 =	rddreg [dreg:$0x1]  }
0x1e: {  	s31 =	sshrl.u32 s24, $0x2;
	s5 =	sadd.s32 $0x2A800, s4;
	[dreg:$0x18] =	wrdreg s1  }
0x1f: {  	s24 =	smul.u32 $0xA20, s15;
	s7 =	sshrl.u32 s5, $0x2;
	[dreg:$0xa] =	wrdreg s11  }
0x20: {  	s13 =	sadd.s32 $0x44000, s4;
	s11 =	sadd.s32 s6, s21;
	s21 =	rddreg [dreg:$0x2]  }
0x21: {  	s1 =	sshrl.u32 s22, $0x2;
	s6 =	sadd.s32 s6, s23;
	[dreg:$0xb] =	wrdreg s11  }
0x22: {  	s2 =	sshrl.u32 s13, $0x2;
	s23 =	sadd.s32 $0x11000, s4;
	[dreg:$0xd] =	wrdreg s6  }
0x23: {  	s11 =	simm.s32 $0x0;
	s9 =	sadd.s32 s18, s21;
	s10 =	sadd.s32 s1, s21  }
0x24: {  	s25 =	sshrl.u32 s23, $0x2;
	s17 =	sadd.s32 s31, s21;
	s1 =	sshrl.u32 s3, $0x2  }
0x25: {  	s6 =	sadd.s32 $0x33000, s4;
	[smem:$0x7FF] =	sst s11;
	s16 =	sadd.s32 s25, s21  }
0x26: {  	s25 =	sadd.s32 s19, s24;
	_ =	strace $0x80000047;
	[dreg:$0x19] =	wrdreg s20  }
0x27: {  	s3 =	sadd.s32 s7, s21;
	s4 =	sadd.s32 $0x4C800, s4;
	[smem:$0x7F1] =	sst s25  }
0x28: {  	s23 =	sadd.s32 s2, s21;
	s18 =	sadd.s32 s1, s21;
	[smem:$0x7F2] =	sst s0  }
0x29: {  	s8 =	sshrl.u32 s6, $0x2;
	s1 =	sshrl.u32 s12, $0x2;
	[dreg:$0x1a] =	wrdreg s17  }
0x2a: {  	s14 =	sshrl.u32 s4, $0x2;
	s31 =	sadd.s32 $0x80, s9;
	[dreg:$0x1b] =	wrdreg s18  }
0x2b: {  	s2 =	sadd.s32 $0x80, s10;
	s5 =	sadd.s32 $0x80, s17;
	[dreg:$0x1c] =	wrdreg s3  }
0x2c: {  	s22 =	sadd.s32 s1, s21;
	s1 =	sshrl.u32 s31, $0x3;
	[dreg:$0x1f] =	wrdreg s23  }
0x2d: {  	v0 =	vimm.s32 $0x76543210;
	v1 =	vimm.s32 $0xFEDCBA98;
	s12 =	sadd.s32 $0x80, s3;
	s0 =	sshrl.u32 s2, $0x3;
	[smem:$0x7F3] =	sst s1  }
0x2e: {  	v2 =	vimm.s32 $0xBA98FEDC;
	v3 =	vimm.s32 $0x32107654;
	s24 =	sadd.s32 $0x80, s23;
	s6 =	sshrl.u32 s5, $0x3;
	[smem:$0x7F4] =	sst s0  }
0x2f: {  	v4 =	vimm.s32 $0xDCFE98BA;
	v5 =	vimm.s32 $0x54761032;
	s20 =	sadd.s32 s8, s21;
	s30 =	sadd.s32 s14, s21;
	[smem:$0x7F6] =	sst s6  }
0x30: {  	v6 =	vimm.s32 $0xEFCDAB89;
	v7 =	vimm.s32 $0x67452301;
	s8 =	smul.u32 $0x5100, s15;
	s4 =	sadd.s32 $0x80, s16;
	[dreg:$0x1d] =	wrdreg s20  }
0x31: {  	v0 =	vunpack.c.l.s4.s8 v0;
	v1 =	vunpack.c.l.s4.s8 v1;
	v2 =	vunpack.c.l.s4.s8 v2;
	s7 =	sadd.s32 $0x80, s18;
	s0 =	sshrl.u32 s4, $0x3;
	[dreg:$0x1e] =	wrdreg s22  }
0x32: {  	v3 =	vunpack.c.l.s4.s8 v3;
	v4 =	vunpack.c.l.s4.s8 v4;
	v5 =	vunpack.c.l.s4.s8 v5;
	s13 =	sadd.s32 $0x80, s20;
	s15 =	sadd.s32 $0x80, s22;
	[smem:$0x7FD] =	sst s30  }
0x33: {  	v6 =	vunpack.c.l.s4.s8 v6;
	v7 =	vunpack.c.l.s4.s8 v7;
	v2 =	vunpack.c.0.s8.s32 v2;
	s25 =	sadd.s32 $0x80, s30;
	[smem:$0x7F5] =	sst s0;
	s0 =	sshrl.u32 s7, $0x3  }
0x34: {  	v3 =	vunpack.c.0.s8.s32 v3;
	v4 =	vunpack.c.0.s8.s32 v4;
	v5 =	vunpack.c.0.s8.s32 v5;
	s14 =	sshrl.u32 s13, $0x3;
	s31 =	sshrl.u32 s25, $0x3;
	[smem:$0x7F7] =	sst s0  }
.Ltmp0:
0x35: {  	v1 =	vunpack.c.0.s8.s32 v1;
	v6 =	vunpack.c.0.s8.s32 v6;
	v7 =	vunpack.c.0.s8.s32 v7;
	s25 =	simm.s32 $0x40;
	[smem:$0x7F9] =	sst s14;
	(pc) =	sbr.rel .LBB2_1-.Ltmp0, $4  }
0x36: {  	vm0 =	vcmask $0x1F24;
	v3 =	vcombine.low v3, v2;
	v2 =	vunpack.c.0.s8.s32 v0;
	s7 =	simm.s32 $0x1;
	s0 =	sshrl.u32 s12, $0x3;
	[smem:$0x7FC] =	sst s31  }
0x37: {  	v4 =	vcombine.low v5, v4;
	v5 =	vand.u32 $0xF, v1;
	v6 =	vcombine.low v7, v6;
	s13 =	simm.s32 $0x11;
	[smem:$0x7F8] =	sst s0;
	s0 =	sshrl.u32 s15, $0x3  }
0x38: {  	v0 =	vimm.f32 $0.0e+00;
	v1 =	vimm.bf16 $2.0020e-01;
	v2 =	vcombine.low v5, v2;
	s12 =	simm.s32 $0x10;
	[smem:$0x7FA] =	sst s0;
	s0 =	sshrl.u32 s24, $0x3  }
0x39: {  	v3 =	vand.u32 $0xF, v3;
	v4 =	vand.u32 $0xF, v4;
	v5 =	vand.u32 $0xF, v6;
	s14 =	simm.s32 $0x0;
	s24 =	simm.s32 $0x7;
	[smem:$0x7FB] =	sst s0  }
.LBB2_12:
0x3a: {  	s0 =	simm.s32 $0x5  }
0x3b: {  	_ =	swait.ge [sflag:s0], $0x2200  }
0x3c: {  	[sflag:s0] =	ssyncset.done $0x0  }
0x3d: {  	s2 =	simm.s32 $0x6;
	[sflag:s0] =	ssyncadd.s32 $0xFFFFDE00  }
0x3e: {  	_ =	swait.ge [sflag:s2], $0x2200  }
0x3f: {  	[sflag:s2] =	ssyncset.done $0x0  }
0x40: {  	s3 =	stileid.u32;
	[sflag:s2] =	ssyncadd.s32 $0xFFFFDE00  }
0x41: {  	s0 =	sshll.u32 s3, $0x6;
	[bflag:$0x0] =	sbarrier.arrive $0xFFFF  }
0x42: {  	s1 =	sshrl.u32 s4, $0x3;
	s0 =	sor.u32 $0x1C07, s0;
	s2 =	rddreg [dreg:$0x4]  }
0x43: {  	[hbm:s2@s12], [sflag:s0] =	dma.strided [spmem:s1@s13], $0x400, s7, $0x10   }
0x44: {  	_ =	swait.ge [sflag:s24], $0x400  }
0x45: {  	s10 =	sld [smem:$0x7F3]  }
0x46: {  	[sflag:s24] =	ssyncset.done $0x0  }
0x47: {  	s9 =	smov.u32 s4;
	s4 =	rddreg [dreg:$0xe];
	[sflag:s24] =	ssyncadd.s32 $0xFFFFFC00  }
0x48: {  	[hbm:s4@s7], [sflag:s0] =	dma.strided [spmem:s10@s13], $0x40, s7, $0x1   }
0x49: {  	_ =	swait.ge [sflag:s24], $0x40  }
0x4a: {  	[sflag:s24] =	ssyncset.done $0x0  }
0x4b: {  	s15 =	sshrl.u32 s5, $0x3;
	s16 =	rddreg [dreg:$0x5];
	[sflag:s24] =	ssyncadd.s32 $0xFFFFFFC0  }
0x4c: {  	[hbm:s16@s12], [sflag:s0] =	dma.strided [spmem:s15@s13], $0x400, s7, $0x10   }
0x4d: {  	_ =	swait.ge [sflag:s24], $0x400  }
0x4e: {  	s18 =	sld [smem:$0x7F4]  }
0x4f: {  	[sflag:s24] =	ssyncset.done $0x0  }
0x50: {  	s17 =	rddreg [dreg:$0xf];
	[sflag:s24] =	ssyncadd.s32 $0xFFFFFC00  }
0x51: {  	[hbm:s17@s7], [sflag:s0] =	dma.strided [spmem:s18@s13], $0x40, s7, $0x1   }
0x52: {  	_ =	swait.ge [sflag:s24], $0x40  }
0x53: {  	[sflag:s24] =	ssyncset.done $0x0  }
0x54: {  	s20 =	sshrl.u32 s6, $0x3;
	s22 =	rddreg [dreg:$0x6];
	[sflag:s24] =	ssyncadd.s32 $0xFFFFFFC0  }
0x55: {  	[hbm:s22@s12], [sflag:s0] =	dma.strided [spmem:s20@s13], $0x400, s7, $0x10   }
0x56: {  	_ =	swait.ge [sflag:s24], $0x400  }
0x57: {  	s31 =	sld [smem:$0x7F5]  }
0x58: {  	[sflag:s24] =	ssyncset.done $0x0  }
0x59: {  	s23 =	rddreg [dreg:$0x10];
	[sflag:s24] =	ssyncadd.s32 $0xFFFFFC00  }
0x5a: {  	[hbm:s23@s7], [sflag:s0] =	dma.strided [spmem:s31@s13], $0x40, s7, $0x1   }
0x5b: {  	_ =	swait.ge [sflag:s24], $0x40  }
0x5c: {  	[sflag:s24] =	ssyncset.done $0x0;
	s17 =	rddreg [dreg:$0x1a]  }
0x5d: {  	s3 =	rddreg [dreg:$0x7];
	[sflag:s24] =	ssyncadd.s32 $0xFFFFFFC0;
	s2 =	sshrl.u32 s17, $0x3  }
0x5e: {  	[hbm:s3@s12], [sflag:s0] =	dma.strided [spmem:s2@s13], $0x400, s7, $0x10   }
0x5f: {  	_ =	swait.ge [sflag:s24], $0x400  }
0x60: {  	s10 =	smov.u32 s5;
	s5 =	sld [smem:$0x7F6]  }
0x61: {  	[sflag:s24] =	ssyncset.done $0x0  }
0x62: {  	s4 =	rddreg [dreg:$0x11];
	[sflag:s24] =	ssyncadd.s32 $0xFFFFFC00  }
0x63: {  	[hbm:s4@s7], [sflag:s0] =	dma.strided [spmem:s5@s13], $0x40, s7, $0x1   }
0x64: {  	_ =	swait.ge [sflag:s24], $0x40  }
0x65: {  	s16 =	smov.u32 s6;
	[sflag:s24] =	ssyncset.done $0x0;
	s18 =	rddreg [dreg:$0x1b]  }
0x66: {  	s15 =	rddreg [dreg:$0x8];
	[sflag:s24] =	ssyncadd.s32 $0xFFFFFFC0;
	s6 =	sshrl.u32 s18, $0x3  }
0x67: {  	[hbm:s15@s12], [sflag:s0] =	dma.strided [spmem:s6@s13], $0x400, s7, $0x10   }
0x68: {  	_ =	swait.ge [sflag:s24], $0x400  }
0x69: {  	s22 =	sld [smem:$0x7F7]  }
0x6a: {  	[sflag:s24] =	ssyncset.done $0x0  }
0x6b: {  	s20 =	rddreg [dreg:$0x12];
	[sflag:s24] =	ssyncadd.s32 $0xFFFFFC00  }
0x6c: {  	[hbm:s20@s7], [sflag:s0] =	dma.strided [spmem:s22@s13], $0x40, s7, $0x1   }
0x6d: {  	_ =	swait.ge [sflag:s24], $0x40  }
0x6e: {  	[sflag:s24] =	ssyncset.done $0x0;
	s3 =	rddreg [dreg:$0x1c]  }
0x6f: {  	s31 =	rddreg [dreg:$0x9];
	[sflag:s24] =	ssyncadd.s32 $0xFFFFFFC0;
	s23 =	sshrl.u32 s3, $0x3  }
0x70: {  	[hbm:s31@s12], [sflag:s0] =	dma.strided [spmem:s23@s13], $0x400, s7, $0x10   }
0x71: {  	_ =	swait.ge [sflag:s24], $0x400  }
0x72: {  	s4 =	sld [smem:$0x7F8]  }
0x73: {  	[sflag:s24] =	ssyncset.done $0x0  }
0x74: {  	s2 =	rddreg [dreg:$0x13];
	[sflag:s24] =	ssyncadd.s32 $0xFFFFFC00  }
0x75: {  	[hbm:s2@s7], [sflag:s0] =	dma.strided [spmem:s4@s13], $0x40, s7, $0x1   }
0x76: {  	_ =	swait.ge [sflag:s24], $0x40  }
0x77: {  	[sflag:s24] =	ssyncset.done $0x0;
	s20 =	rddreg [dreg:$0x1d]  }
0x78: {  	s6 =	rddreg [dreg:$0xa];
	[sflag:s24] =	ssyncadd.s32 $0xFFFFFFC0;
	s5 =	sshrl.u32 s20, $0x3  }
0x79: {  	[hbm:s6@s12], [sflag:s0] =	dma.strided [spmem:s5@s13], $0x400, s7, $0x10   }
0x7a: {  	_ =	swait.ge [sflag:s24], $0x400  }
0x7b: {  	s22 =	sld [smem:$0x7F9]  }
0x7c: {  	[sflag:s24] =	ssyncset.done $0x0  }
0x7d: {  	s15 =	rddreg [dreg:$0x14];
	[sflag:s24] =	ssyncadd.s32 $0xFFFFFC00  }
0x7e: {  	[hbm:s15@s7], [sflag:s0] =	dma.strided [spmem:s22@s13], $0x40, s7, $0x1   }
0x7f: {  	_ =	swait.ge [sflag:s24], $0x40  }
0x80: {  	[sflag:s24] =	ssyncset.done $0x0;
	s22 =	rddreg [dreg:$0x1e]  }
0x81: {  	s31 =	rddreg [dreg:$0xb];
	[sflag:s24] =	ssyncadd.s32 $0xFFFFFFC0;
	s23 =	sshrl.u32 s22, $0x3  }
0x82: {  	[hbm:s31@s12], [sflag:s0] =	dma.strided [spmem:s23@s13], $0x400, s7, $0x10   }
0x83: {  	_ =	swait.ge [sflag:s24], $0x400  }
0x84: {  	s4 =	sld [smem:$0x7FA]  }
0x85: {  	[sflag:s24] =	ssyncset.done $0x0  }
0x86: {  	s2 =	rddreg [dreg:$0x15];
	[sflag:s24] =	ssyncadd.s32 $0xFFFFFC00  }
0x87: {  	[hbm:s2@s7], [sflag:s0] =	dma.strided [spmem:s4@s13], $0x40, s7, $0x1   }
0x88: {  	_ =	swait.ge [sflag:s24], $0x40  }
0x89: {  	[sflag:s24] =	ssyncset.done $0x0;
	s23 =	rddreg [dreg:$0x1f]  }
0x8a: {  	s6 =	rddreg [dreg:$0xc];
	[sflag:s24] =	ssyncadd.s32 $0xFFFFFFC0;
	s5 =	sshrl.u32 s23, $0x3  }
0x8b: {  	[hbm:s6@s12], [sflag:s0] =	dma.strided [spmem:s5@s13], $0x400, s7, $0x10   }
0x8c: {  	_ =	swait.ge [sflag:s24], $0x400  }
0x8d: {  	s31 =	sld [smem:$0x7FB]  }
0x8e: {  	[sflag:s24] =	ssyncset.done $0x0  }
0x8f: {  	s15 =	rddreg [dreg:$0x16];
	[sflag:s24] =	ssyncadd.s32 $0xFFFFFC00  }
0x90: {  	[hbm:s15@s7], [sflag:s0] =	dma.strided [spmem:s31@s13], $0x40, s7, $0x1   }
0x91: {  	_ =	swait.ge [sflag:s24], $0x40  }
0x92: {  	s30 =	sld [smem:$0x7FD];
	_ =	sdelay $0x1  }
0x93: {  	[sflag:s24] =	ssyncset.done $0x0  }
0x94: {  	s5 =	rddreg [dreg:$0xd];
	[sflag:s24] =	ssyncadd.s32 $0xFFFFFFC0;
	s4 =	sshrl.u32 s30, $0x3  }
0x95: {  	[hbm:s5@s12], [sflag:s0] =	dma.strided [spmem:s4@s13], $0x380, s7, $0x10   }
0x96: {  	_ =	swait.ge [sflag:s24], $0x380  }
0x97: {  	s15 =	sld [smem:$0x7FC]  }
0x98: {  	[sflag:s24] =	ssyncset.done $0x0  }
0x99: {  	s6 =	rddreg [dreg:$0x17];
	[sflag:s24] =	ssyncadd.s32 $0xFFFFFC80  }
0x9a: {  	[hbm:s6@s7], [sflag:s0] =	dma.strided [spmem:s15@s13], $0x38, s7, $0x1   }
0x9b: {  	_ =	swait.ge [sflag:s24], $0x38  }
0x9c: {  	s31 =	sld [smem:$0x7F2];
	_ =	sdelay $0x1  }
0x9d: {  	s14 =	sadd.s32 $0x1, s14  }
0x9e: {  	p0 =	sne.s32 s14, s31  }
.Ltmp1:
0x9f: {  	_ = 	snop;
	(pc) =	sbr.rel @!p0 .LBB2_13-.Ltmp1, $3  }
0xa0: {  	_ =	sdelay $0x1  }
0xa1: {  	[sflag:s24] =	ssyncset.done $0x0  }
0xa2: {  	[sflag:s24] =	ssyncadd.s32 $0xFFFFFFC8  }
.LBB2_1:
0xa3: {  	s0 =	rddreg [dreg:$0x19]  }
0xa4: {  	[tilespmem:s11], [sflag:$0x7] =	stream.linear.gather [hbm4b:s0+s11], $0x40, $0x38;
	[tilespmem:$0x1D348] =	vst v63  }
0xa5: {  	_ =	swait.ge [sflag:s24], $0x40  }
0xa6: {  	[sflag:s24] =	ssyncset.done $0x0  }
0xa7: {  	s0 =	simm.s32 $0x40;
	[sflag:s24] =	ssyncadd.s32 $0xFFFFFFC0  }
0xa8: {  	[tilespmem:s0+$0x4370] =	vst v0  }
0xa9: {  	[tilespmem:s0+$0x6570] =	vst v0  }
0xaa: {  	s1 =	simm.s32 $0x320;
	[tilespmem:s0+$0x4378] =	vst v0  }
.LBB2_2:
0xab: {  	p0 =	sne.s32 s1, $0x86E0;
	[tilespmem:s0+$0x6578] =	vst v0  }
0xac: {  	[tilespmem:s0+$0x4300] =	vst v0  }
0xad: {  	[tilespmem:s0+$0x4310] =	vst v0  }
0xae: {  	[tilespmem:s0+$0x4320] =	vst v0  }
0xaf: {  	[tilespmem:s0+$0x4330] =	vst v0  }
0xb0: {  	[tilespmem:s0+$0x4340] =	vst v0  }
0xb1: {  	[tilespmem:s0+$0x4350] =	vst v0  }
0xb2: {  	[tilespmem:s0+$0x4360] =	vst v0  }
0xb3: {  	[tilespmem:s0+$0x6500] =	vst v0  }
0xb4: {  	[tilespmem:s0+$0x6510] =	vst v0  }
0xb5: {  	[tilespmem:s0+$0x6520] =	vst v0  }
0xb6: {  	[tilespmem:s0+$0x6530] =	vst v0  }
0xb7: {  	[tilespmem:s0+$0x6540] =	vst v0  }
.Ltmp2:
0xb8: {  	[tilespmem:s0+$0x6550] =	vst v0;
	(pc) =	sbr.rel @p0 .LBB2_2-.Ltmp2, $4  }
0xb9: {  	[tilespmem:s0+$0x6560] =	vst v0;
	s0 =	sshra.s32 s1, $0x2  }
0xba: {  	[tilespmem:s0+$0x4370] =	vst v0  }
0xbb: {  	[tilespmem:s0+$0x4378] =	vst v0  }
0xbc: {  	s1 =	sadd.s32 $0x220, s1;
	[tilespmem:s0+$0x6570] =	vst v0  }
0xbd: {  	[tilespmem:s0+$0x6578] =	vst v0  }
0xbe: {  	[tilespmem:s0+$0x4300] =	vst v0  }
0xbf: {  	[tilespmem:s0+$0x4310] =	vst v0  }
0xc0: {  	[tilespmem:s0+$0x4320] =	vst v0  }
0xc1: {  	[tilespmem:s0+$0x4330] =	vst v0  }
0xc2: {  	[tilespmem:s0+$0x4340] =	vst v0  }
0xc3: {  	[tilespmem:s0+$0x4350] =	vst v0  }
0xc4: {  	[tilespmem:s0+$0x4360] =	vst v0  }
0xc5: {  	[tilespmem:s0+$0x6500] =	vst v0  }
0xc6: {  	[tilespmem:s0+$0x6510] =	vst v0  }
0xc7: {  	[tilespmem:s0+$0x6520] =	vst v0  }
0xc8: {  	[tilespmem:s0+$0x6530] =	vst v0  }
0xc9: {  	[tilespmem:s0+$0x6540] =	vst v0  }
0xca: {  	[tilespmem:s0+$0x6550] =	vst v0  }
0xcb: {  	[tilespmem:s0+$0x6560] =	vst v0  }
0xcc: {  	[spmem:s9] =	stream.linear.scatter [tilespmem:s29], [sflag:$0x7], $0x2200, $0x38;
	[tilespmem:$0x1D348] =	vst v63  }
0xcd: {  	_ =	swait.ge [sflag:s24], $0x2200  }
0xce: {  	[sflag:s24] =	ssyncset.done $0x0  }
0xcf: {  	[sflag:s24] =	ssyncadd.s32 $0xFFFFDE00  }
0xd0: {  	[spmem:s10] =	stream.linear.scatter [tilespmem:s29], [sflag:$0x7], $0x2200, $0x38;
	[tilespmem:$0x1D348] =	vst v63  }
0xd1: {  	_ =	swait.ge [sflag:s24], $0x2200  }
0xd2: {  	[sflag:s24] =	ssyncset.done $0x0  }
0xd3: {  	[sflag:s24] =	ssyncadd.s32 $0xFFFFDE00  }
0xd4: {  	[spmem:s16] =	stream.linear.scatter [tilespmem:s29], [sflag:$0x7], $0x2200, $0x38;
	[tilespmem:$0x1D348] =	vst v63  }
0xd5: {  	_ =	swait.ge [sflag:s24], $0x2200  }
0xd6: {  	[sflag:s24] =	ssyncset.done $0x0  }
0xd7: {  	[sflag:s24] =	ssyncadd.s32 $0xFFFFDE00  }
0xd8: {  	[spmem:s17] =	stream.linear.scatter [tilespmem:s29], [sflag:$0x7], $0x2200, $0x38;
	[tilespmem:$0x1D348] =	vst v63  }
0xd9: {  	_ =	swait.ge [sflag:s24], $0x2200  }
0xda: {  	[sflag:s24] =	ssyncset.done $0x0  }
0xdb: {  	[sflag:s24] =	ssyncadd.s32 $0xFFFFDE00  }
0xdc: {  	[spmem:s18] =	stream.linear.scatter [tilespmem:s29], [sflag:$0x7], $0x2200, $0x38;
	[tilespmem:$0x1D348] =	vst v63  }
0xdd: {  	_ =	swait.ge [sflag:s24], $0x2200  }
0xde: {  	[sflag:s24] =	ssyncset.done $0x0  }
0xdf: {  	[sflag:s24] =	ssyncadd.s32 $0xFFFFDE00  }
0xe0: {  	[spmem:s3] =	stream.linear.scatter [tilespmem:s29], [sflag:$0x7], $0x2200, $0x38;
	[tilespmem:$0x1D348] =	vst v63  }
0xe1: {  	_ =	swait.ge [sflag:s24], $0x2200  }
0xe2: {  	[sflag:s24] =	ssyncset.done $0x0  }
0xe3: {  	[sflag:s24] =	ssyncadd.s32 $0xFFFFDE00  }
0xe4: {  	[spmem:s20] =	stream.linear.scatter [tilespmem:s29], [sflag:$0x7], $0x2200, $0x38;
	[tilespmem:$0x1D348] =	vst v63  }
0xe5: {  	_ =	swait.ge [sflag:s24], $0x2200  }
0xe6: {  	[sflag:s24] =	ssyncset.done $0x0  }
0xe7: {  	[sflag:s24] =	ssyncadd.s32 $0xFFFFDE00  }
0xe8: {  	[spmem:s22] =	stream.linear.scatter [tilespmem:s29], [sflag:$0x7], $0x2200, $0x38;
	[tilespmem:$0x1D348] =	vst v63  }
0xe9: {  	_ =	swait.ge [sflag:s24], $0x2200  }
0xea: {  	[sflag:s24] =	ssyncset.done $0x0  }
0xeb: {  	[sflag:s24] =	ssyncadd.s32 $0xFFFFDE00  }
0xec: {  	[spmem:s23] =	stream.linear.scatter [tilespmem:s29], [sflag:$0x7], $0x2200, $0x38;
	[tilespmem:$0x1D348] =	vst v63  }
0xed: {  	_ =	swait.ge [sflag:s24], $0x2200  }
0xee: {  	[sflag:s24] =	ssyncset.done $0x0  }
0xef: {  	[sflag:s24] =	ssyncadd.s32 $0xFFFFDE00  }
0xf0: {  	[spmem:s30] =	stream.linear.scatter [tilespmem:s29], [sflag:$0x7], $0x1DC0, $0x38;
	[tilespmem:$0x1D348] =	vst v63  }
0xf1: {  	_ =	swait.ge [sflag:s24], $0x1DC0  }
0xf2: {  	[sflag:s24] =	ssyncset.done $0x0  }
0xf3: {  	[sflag:s24] =	ssyncadd.s32 $0xFFFFE240  }
0xf4: {  	[bflag:$0x0] =	sbarrier.arrive $0xFFFF  }
0xf5: {  	v6 =	vld [tilespmem:$0x0];
	s17 =	sld [smem:$0x7F1]  }
0xf6: {  	v7 =	vld [tilespmem:$0x10]  }
0xf7: {  	s15 =	simm.s32 $0x0;
	v8 =	vld [tilespmem:$0x20]  }
0xf8: {  	v9 =	vld [tilespmem:$0x30];
	[tilespmem:s25], [sflag:$0x7] =	stream.linear.gather [hbm4b:s17+s15], $0x100, $0x38  }
0xf9: {  	_ =	swait.ge [sflag:s24], $0x100  }
0xfa: {  	[sflag:s24] =	ssyncset.done $0x0  }
0xfb: {  	s18 =	simm.s32 $0x340;
	[sflag:s24] =	ssyncadd.s32 $0xFFFFFF00  }
0xfc: {  	[tilespmem:s18], [sflag:$0x1] =	stream.indirect.gather [hbm4b:s26+s25], $0x40, s25, s25, $0xb8;
	[tilespmem:$0x1D348] =	vst v63  }
0xfd: {  	s4 =	smov.u32 s9;
	s1 =	simm.s32 $0x2340;
	s20 =	simm.s32 $0x80  }
0xfe: {  	[tilespmem:s1], [sflag:$0x3] =	stream.indirect.gather [hbm4b:s28+s25], $0x40, s20, s25, $0xb8;
	[tilespmem:$0x1D348] =	vst v63  }
.Ltmp3:
0xff: {  	s5 =	smov.u32 s10;
	s6 =	smov.u32 s16;
	(pc) =	sbr.rel .LBB2_4-.Ltmp3, $4  }
0x100: {  	s31 =	simm.s32 $0x3340;
	s22 =	simm.s32 $0xC0;
	s23 =	simm.s32 $0x1340  }
0x101: {  	[tilespmem:s23], [sflag:$0x2] =	stream.indirect.gather [hbm4b:s26+s25], $0x40, s22, s25, $0xb8;
	[tilespmem:$0x1D348] =	vst v63  }
0x102: {  	p0 =	por $0x0, $0x0;
	s30 =	simm.s32 $0x100;
	s16 =	rddreg [dreg:$0x18]  }
0x103: {  	[tilespmem:s31], [sflag:$0x4] =	stream.indirect.gather [hbm4b:s28+s25], $0x40, s30, s25, $0xb8;
	[tilespmem:$0x1D348] =	vst v63  }
.LBB2_7:
0x104: {  	s1 =	sshll.u32 s1, $0x8  }
0x105: {  	s2 =	sadd.s32 s8, s1;
	s1 =	sshll.u32 s0, $0xA  }
0x106: {  	s0 =	sshrl.u32 s1, $0x2;
	s2 =	sshrl.u32 s2, $0x3  }
0x107: {  	s0 =	sor.u32 $0x40, s0;
	s2 =	sadd.s32 s19, s2  }
0x108: {  	[tilespmem:s0], [sflag:$0x7] =	stream.linear.gather [hbm4b:s2+s11], $0x100, $0x38;
	[tilespmem:$0x1D348] =	vst v63  }
0x109: {  	_ =	swait.ge [sflag:s24], $0x100  }
0x10a: {  	[sflag:s24] =	ssyncset.done $0x0  }
0x10b: {  	[sflag:s24] =	ssyncadd.s32 $0xFFFFFF00  }
.LBB2_10:
0x10c: {  	s0 =	sshll.u32 s17, $0x9  }
0x10d: {  	s1 =	sshrl.u32 s1, $0x2;
	s2 =	sshrl.u32 s0, $0x2  }
0x10e: {  	s3 =	sshrl.u32 s30, $0x1;
	s1 =	sadd.s32 s2, s1  }
0x10f: {  	s30 =	sadd.s32 $0x340, s3;
	s10 =	sadd.s32 $0x40, s1  }
0x110: {  	[tilespmem:s30], [sflag:s20] =	stream.indirect.gather [hbm4b:s26+s25], $0x40, s10, s25, $0xb8;
	[tilespmem:$0x1D348] =	vst v63  }
0x111: {  	s31 =	sadd.s32 $0x2340, s3;
	s1 =	sadd.s32 $0x80, s1  }
0x112: {  	[tilespmem:s31], [sflag:s23] =	stream.indirect.gather [hbm4b:s28+s25], $0x40, s1, s25, $0xb8;
	[tilespmem:$0x1D348] =	vst v63  }
.LBB2_11:
0x113: {  	s15 =	sadd.s32 $0x1, s15  }
0x114: {  	p1 =	sne.s32 s15, $0xA2  }
.Ltmp4:
0x115: {  	_ = 	snop;
	(pc) =	sbr.rel @!p1 .LBB2_12-.Ltmp4, $4  }
0x116: {  	s1 =	sshll.u32 s22, $0x8;
	s0 =	sshrl.u32 s0, $0x2  }
0x117: {  	s31 =	sadd.s32 $0x5, s17;
	s0 =	sor.u32 s0, s1  }
0x118: {  	s16 =	sadd.s32 $0x40, s16;
	p0 =	por !p0, !p0;
	s0 =	sadd.s32 $0x80, s0  }
0x119: {  	[spmem:s21] =	stream.indirect.scatter.add.f32 [tilespmem:s9], [sflag:s31], $0x88, s0, s25, $0xb8;
	[tilespmem:$0x1D348] =	vst v63  }
.LBB2_4:
0x11a: {  	s0 =	simm.s32 $0x1;
	s1 =	sshrl.u32 s15, $0x1  }
0x11b: {  	s17 =	sand.u32 $0x1, s15;
	p1 =	slt.u32 s15, $0x2;
	s9 =	smul.u32 $0xAB, s1  }
0x11c: {  	s0 =	simm.s32 @!p0 $0x0;
	s20 =	sadd.s32 @!p1 $0x5, s17;
	s3 =	smul.u32 $0x8800, s17  }
0x11d: {  	s30 =	sshll.u32 s17, $0xD;
	s2 =	sshll.u32 s0, $0xC;
	s0 =	smul.u32 $0x8800, s0  }
0x11e: {  	_ =	swait.ge @!p1 [sflag:s20], $0x2200;
	s10 =	sor.u32 $0x2440, s2;
	s18 =	sshrl.u32 s9, $0x9  }
0x11f: {  	s31 =	sor.u32 $0x440, s2;
	[sflag:s20] =	ssyncset.done @!p1 $0x0;
	s9 =	sadd.s32 $0xAB, s9  }
0x120: {  	s22 =	sand.u32 $0x7F, s18;
	s0 =	sshrl.u32 s0, $0x2;
	[sflag:s20] =	ssyncadd.s32 @!p1 $0xFFFFDE00  }
0x121: {  	s20 =	sadd.s32 $0x1, s17;
	s23 =	sshrl.u32 s9, $0x9;
	s9 =	sshrl.u32 s3, $0x2  }
0x122: {  	s2 =	smul.u32 $0x3, s22;
	s18 =	sadd.s32 $0x4560, s0;
	_ =	swait.ge [sflag:s20], $0x1000  }
0x123: {  	s0 =	sand.u32 $0x7F, s23;
	s23 =	sadd.s32 $0x3, s17;
	[sflag:s20] =	ssyncset.done $0x0  }
0x124: {  	s9 =	sadd.s32 $0x4340, s9;
	s0 =	smul.u32 $0x3, s0;
	[sflag:s20] =	ssyncadd.s32 $0xFFFFF000  }
0x125: {  	s2 =	ssub.s32 s1, s2;
	s1 =	sadd.s32 $0x1, s1;
	_ =	swait.ge [sflag:s23], $0x1000  }
0x126: {  	s22 =	sand.u32 $0xFF, s2;
	s0 =	ssub.s32 s1, s0;
	[sflag:s23] =	ssyncset.done $0x0  }
0x127: {  	s2 =	simm.s32 $0xFFFFFFF8;
	s0 =	sand.u32 $0xFF, s0;
	[sflag:s23] =	ssyncadd.s32 $0xFFFFF000  }
.LBB2_5:
0x128: {  	v14 =	vld [tilespmem:s31+$0xFFFFFF00]  }
0x129: {  	v11 =	vld [tilespmem:s10+$0xFFFFFF00];
	_ =	sdelay $0x2  }
0x12a: {  	v10 =	vld [tilespmem:s31+$0xFFFFFF10]  }
0x12b: {  	v12 =	vld [tilespmem:s10+$0xFFFFFF10]  }
0x12c: {  	v13 =	vadd.bf16 v11, v14;
	_ =	sdelay $0x1  }
0x12d: {  	v16 =	vld [tilespmem:s10+$0xFFFFFF20];
	v15 =	vmul.bf16 v1, v13  }
0x12e: {  	v11 =	vld [tilespmem:s31+$0xFFFFFF20]  }
0x12f: {  	v12 =	vadd.bf16 v12, v10;
	v13 =	vmax.bf16 v13, v15  }
0x130: {  	v15 =	vmul.bf16 v13, v6  }
0x131: {  	v17 =	vmul.bf16 v1, v12  }
0x132: {  	v19 =	vld [tilespmem:s10+$0xFFFFFF30];
	v18 =	vunpack.i.l.bf16.f32 v15  }
0x133: {  	v56 =	vld [tilespmem:s10+$0xFFFFFF40];
	v12 =	vmax.bf16 v12, v17;
	v53 =	vadd.bf16 v16, v11;
	v18 =	vadd.f32 $0.0e+00, v18  }
0x134: {  	v13 =	vld [tilespmem:s31+$0xFFFFFF30];
	v12 =	vmul.bf16 v12, v7;
	v15 =	vunpack.i.u.bf16.f32 v15  }
0x135: {  	v16 =	vld [tilespmem:s31+$0xFFFFFF40];
	v54 =	vmul.bf16 v1, v53;
	v15 =	vadd.f32 v18, v15  }
0x136: {  	v20 =	vunpack.i.l.bf16.f32 v12  }
0x137: {  	v17 =	vmax.bf16 v53, v54;
	v15 =	vadd.f32 v20, v15  }
0x138: {  	v58 =	vld [tilespmem:s10+$0xFFFFFF50];
	v12 =	vunpack.i.u.bf16.f32 v12;
	v17 =	vmul.bf16 v17, v8  }
0x139: {  	v55 =	vadd.bf16 v19, v13;
	v15 =	vadd.f32 v15, v12;
	v12 =	vld [tilespmem:s31+$0xFFFFFF50]  }
0x13a: {  	v19 =	vadd.bf16 v56, v16;
	v21 =	vunpack.i.l.bf16.f32 v17  }
0x13b: {  	v57 =	vmul.bf16 v1, v55;
	v15 =	vadd.f32 v21, v15  }
0x13c: {  	v60 =	vld [tilespmem:s10+$0xFFFFFF60];
	v17 =	vunpack.i.u.bf16.f32 v17;
	v22 =	vmul.bf16 v1, v19  }
0x13d: {  	v18 =	vmax.bf16 v55, v57;
	v17 =	vadd.f32 v15, v17;
	v15 =	vld [tilespmem:s31+$0xFFFFFF60]  }
0x13e: {  	v19 =	vmax.bf16 v19, v22;
	v18 =	vmul.bf16 v18, v9;
	v20 =	vadd.bf16 v58, v12  }
0x13f: {  	v26 =	vld [tilespmem:s31+$0xFFFFFF70];
	v61 =	vmul.bf16 v19, v6  }
0x140: {  	v24 =	vld [tilespmem:s10+$0xFFFFFF70];
	v59 =	vunpack.i.l.bf16.f32 v18;
	v62 =	vmul.bf16 v1, v20  }
0x141: {  	v18 =	vunpack.i.u.bf16.f32 v18;
	v23 =	vunpack.i.l.bf16.f32 v61;
	v17 =	vadd.f32 v59, v17  }
0x142: {  	v23 =	vadd.f32 $0.0e+00, v23;
	v19 =	vmax.bf16 v20, v62;
	v27 =	vadd.bf16 v60, v15  }
0x143: {  	v17 =	vadd.f32 v17, v18;
	v18 =	vunpack.i.u.bf16.f32 v61;
	v19 =	vmul.bf16 v19, v7  }
0x144: {  	v18 =	vadd.f32 v23, v18;
	v21 =	vmul.bf16 v1, v27  }
0x145: {  	v29 =	vadd.bf16 v24, v26;
	v28 =	vunpack.i.l.bf16.f32 v19  }
0x146: {  	v63 =	vperm.xlane v17, v2;
	v18 =	vadd.f32 v28, v18;
	v20 =	vmax.bf16 v27, v21  }
0x147: {  	v19 =	vunpack.i.u.bf16.f32 v19;
	v20 =	vmul.bf16 v20, v8  }
0x148: {  	v30 =	vmul.bf16 v1, v29;
	v17 =	vadd.f32 v17, v63;
	v18 =	vadd.f32 v18, v19  }
0x149: {  	v31 =	vunpack.i.l.bf16.f32 v20  }
0x14a: {  	v22 =	vperm.xlane v17, v3;
	v19 =	vmax.bf16 v29, v30;
	v18 =	vadd.f32 v31, v18  }
0x14b: {  	v20 =	vunpack.i.u.bf16.f32 v20;
	v19 =	vmul.bf16 v19, v9  }
0x14c: {  	v17 =	vadd.f32 v17, v22;
	v18 =	vadd.f32 v18, v20  }
0x14d: {  	v33 =	vunpack.i.l.bf16.f32 v19  }
0x14e: {  	v32 =	vperm.xlane v17, v4;
	v18 =	vadd.f32 v33, v18  }
0x14f: {  	v19 =	vunpack.i.u.bf16.f32 v19  }
0x150: {  	v17 =	vadd.f32 v17, v32;
	v18 =	vadd.f32 v18, v19;
	_ =	sdelay $0x1  }
0x151: {  	v36 =	vld [tilespmem:s10+$0xFFFFFF80];
	v34 =	vperm.xlane v17, v5;
	v19 =	vperm.xlane v18, v2  }
0x152: {  	v25 =	vld [tilespmem:s31+$0xFFFFFF90]  }
0x153: {  	v37 =	vld [tilespmem:s10+$0xFFFFFF90];
	v17 =	vadd.f32 v17, v34;
	v35 =	vadd.f32 v18, v19  }
0x154: {  	v27 =	vld [tilespmem:s31+$0xFFFFFF80]  }
0x155: {  	v41 =	vld [tilespmem:s10+$0xFFFFFFA0];
	v17 =	vmul.f32 $1.442695020e+00, v17;
	v18 =	vperm.xlane v35, v3  }
0x156: {  	v42 =	vunpack.i.l.bf16.f32 v14;
	v43 =	vunpack.i.u.bf16.f32 v14;
	v14 =	vld [tilespmem:s31+$0xFFFFFFB0]  }
0x157: {  	v22 =	vld [tilespmem:s31+$0xFFFFFFA0];
	(erf) = vpow2.f32 v17;
	v17 =	vadd.f32 v35, v18  }
0x158: {  	v49 =	vunpack.i.l.bf16.f32 v10;
	v10 =	vunpack.i.u.bf16.f32 v10;
	v28 =	vld [tilespmem:s10+$0xFFFFFFB0]  }
0x159: {  	v54 =	vunpack.i.l.bf16.f32 v11;
	v19 =	vadd.bf16 v36, v27;
	v18 =	vperm.xlane v17, v4  }
0x15a: {  	v11 =	vunpack.i.u.bf16.f32 v11;
	v58 =	vunpack.i.l.bf16.f32 v13;
	v20 =	vadd.bf16 v37, v25  }
0x15b: {  	v13 =	vunpack.i.u.bf16.f32 v13;
	v39 =	vmul.bf16 v1, v19;
	v17 =	vadd.f32 v17, v18  }
0x15c: {  	v63 =	vunpack.i.l.bf16.f32 v16;
	v44 =	vmul.bf16 v1, v20;
	v46 =	vadd.bf16 v41, v22  }
0x15d: {  	v53 =	vadd.bf16 v28, v14;
	v19 =	vmax.bf16 v19, v39;
	v40 =	vperm.xlane v17, v5  }
0x15e: {  	v20 =	vmax.bf16 v20, v44;
	v50 =	vmul.bf16 v1, v46;
	v19 =	vmul.bf16 v19, v6  }
0x15f: {  	s2 =	sadd.s32 $0x8, s2;
	v16 =	vunpack.i.u.bf16.f32 v16;
	v48 =	vmul.bf16 v20, v7;
	v17 =	vadd.f32 v17, v40  }
0x160: {  	s3 =	sadd.s32 s16, s2;
	v55 =	vmul.bf16 v1, v53;
	v52 =	vmax.bf16 v46, v50;
	v45 =	vunpack.i.l.bf16.f32 v19  }
0x161: {  	p1 =	slt.u32 s3, $0x50910;
	v56 =	vld [tilespmem:s10+$0xFFFFFFC0];
	v51 =	vunpack.i.l.bf16.f32 v48;
	v23 =	vadd.f32 $0.0e+00, v45;
	v38 =	vpop (erf);
	v17 =	vmul.f32 $1.442695020e+00, v17  }
0x162: {  	v31 =	vld [tilespmem:s10+$0xFFFFFFE0];
	v20 =	vmul.bf16 v52, v8;
	v47 =	vunpack.i.u.bf16.f32 v19;
	v18 =	vpsel !p1, $0x0, v38  }
0x163: {  	v35 =	vmul.f32 v10, v18;
	v10 =	vld [tilespmem:s31+$0xFFFFFFC0];
	(erf) = vpow2.f32 v17;
	v17 =	vadd.f32 v23, v47  }
0x164: {  	v57 =	vunpack.i.l.bf16.f32 v20;
	v33 =	vmul.f32 v18, v42;
	v42 =	vmul.f32 v13, v18;
	v13 =	vld [tilespmem:s31+$0xFFFFFFE0]  }
0x165: {  	v20 =	vunpack.i.u.bf16.f32 v20;
	v19 =	vunpack.i.u.bf16.f32 v48;
	v17 =	vadd.f32 v51, v17  }
0x166: {  	v30 =	vsel vm0, $0x0, v18;
	v32 =	vmul.f32 v18, v43;
	v34 =	vmul.f32 v49, v18  }
0x167: {  	v37 =	vmul.f32 v54, v18;
	v36 =	vmul.f32 v11, v18;
	v17 =	vadd.f32 v17, v19  }
0x168: {  	v60 =	vld [tilespmem:s10+$0xFFFFFFD0];
	v11 =	vmax.bf16 v53, v55;
	v39 =	vmul.f32 v58, v18;
	v62 =	vadd.bf16 v56, v10  }
0x169: {  	v21 =	vmul.bf16 v11, v9;
	v11 =	vld [tilespmem:s31+$0xFFFFFFD0];
	v18 =	vadd.bf16 v31, v13;
	v17 =	vadd.f32 v57, v17  }
0x16a: {  	v48 =	vunpack.i.l.bf16.f32 v12;
	v12 =	vunpack.i.u.bf16.f32 v12;
	v45 =	vunpack.i.l.bf16.f32 v15  }
0x16b: {  	v29 =	vmul.bf16 v1, v62;
	v54 =	vmul.bf16 v1, v18;
	v17 =	vadd.f32 v17, v20  }
0x16c: {  	v53 =	vld [tilespmem:s10+$0x0];
	v61 =	vunpack.i.l.bf16.f32 v21;
	v24 =	vunpack.i.u.bf16.f32 v21;
	v31 =	vunpack.i.u.bf16.f32 v15  }
0x16d: {  	v15 =	vld [tilespmem:s31+$0x10];
	v47 =	vmax.bf16 v62, v29;
	v18 =	vmax.bf16 v18, v54;
	v59 =	vpop (erf);
	v17 =	vadd.f32 v61, v17  }
0x16e: {  	v51 =	vld [tilespmem:s10+$0xFFFFFFF0];
	v19 =	vmul.bf16 v47, v6;
	v20 =	vadd.bf16 v60, v11;
	v28 =	vpsel !p1, $0x0, v59  }
0x16f: {  	v18 =	vmul.bf16 v18, v8;
	v40 =	vmul.f32 v28, v16;
	v16 =	vld [tilespmem:s31+$0xFFFFFFF0];
	v17 =	vadd.f32 v17, v24  }
0x170: {  	v57 =	vld [tilespmem:s10+$0x10];
	v52 =	vunpack.i.l.bf16.f32 v19;
	v19 =	vunpack.i.u.bf16.f32 v19;
	v50 =	vmul.bf16 v1, v20  }
0x171: {  	v46 =	vunpack.i.l.bf16.f32 v18;
	v43 =	vmul.f32 v12, v28;
	v12 =	vld [tilespmem:s31+$0x0];
	v49 =	vperm.xlane v17, v2  }
0x172: {  	v18 =	vunpack.i.u.bf16.f32 v18;
	v23 =	vadd.f32 $0.0e+00, v52;
	v38 =	vsel vm0, $0x0, v28  }
0x173: {  	v41 =	vmul.f32 v28, v63;
	v20 =	vmax.bf16 v20, v50;
	v17 =	vadd.f32 v17, v49  }
0x174: {  	v44 =	vmul.f32 v48, v28;
	v20 =	vmul.bf16 v20, v7;
	v56 =	vadd.bf16 v51, v16  }
0x175: {  	v19 =	vadd.f32 v23, v19;
	v23 =	vadd.bf16 v57, v15;
	v29 =	vperm.xlane v17, v3  }
0x176: {  	v55 =	vunpack.i.l.bf16.f32 v20;
	v21 =	vadd.bf16 v53, v12;
	v24 =	vmul.bf16 v1, v56  }
0x177: {  	v58 =	vld [tilespmem:s10+$0x20];
	v62 =	vmul.bf16 v1, v23;
	v29 =	vadd.f32 v17, v29;
	v17 =	vadd.f32 v55, v19  }
0x178: {  	v63 =	vld [tilespmem:s10+$0x30];
	v20 =	vunpack.i.u.bf16.f32 v20;
	v48 =	vmul.bf16 v1, v21;
	v19 =	vmax.bf16 v56, v24  }
0x179: {  	v23 =	vmax.bf16 v23, v62;
	v49 =	vmul.bf16 v19, v9;
	v19 =	vld [tilespmem:s31+$0x30];
	v20 =	vadd.f32 v17, v20  }
0x17a: {  	v45 =	vmul.f32 v45, v28;
	v23 =	vmul.bf16 v23, v7;
	v21 =	vmax.bf16 v21, v48;
	v17 =	vld [tilespmem:s31+$0x20]  }
0x17b: {  	v59 =	vmul.bf16 v21, v6;
	v47 =	vperm.xlane v29, v4;
	v20 =	vadd.f32 v46, v20  }
0x17c: {  	v53 =	vunpack.i.l.bf16.f32 v23;
	v48 =	vunpack.i.u.bf16.f32 v26;
	v61 =	vunpack.i.l.bf16.f32 v49  }
0x17d: {  	v55 =	vunpack.i.l.bf16.f32 v59;
	v60 =	vadd.f32 v29, v47;
	v18 =	vadd.f32 v20, v18  }
0x17e: {  	v56 =	vld [tilespmem:s10+$0x40];
	v54 =	vunpack.i.u.bf16.f32 v49;
	v49 =	vadd.f32 $0.0e+00, v55;
	v47 =	vadd.bf16 v63, v19  }
0x17f: {  	v20 =	vunpack.i.u.bf16.f32 v59;
	v24 =	vadd.bf16 v58, v17;
	v29 =	vadd.f32 v61, v18;
	v18 =	vld [tilespmem:s31+$0x40]  }
0x180: {  	v57 =	vld [tilespmem:s10+$0x50];
	v48 =	vmul.f32 v48, v28;
	v51 =	vperm.xlane v60, v5;
	v49 =	vadd.f32 v49, v20  }
0x181: {  	v23 =	vunpack.i.u.bf16.f32 v23;
	v20 =	vld [tilespmem:s31+$0x50];
	v58 =	vmul.bf16 v1, v47;
	v50 =	vmul.bf16 v1, v24  }
0x182: {  	v46 =	vmul.f32 v31, v28;
	v51 =	vadd.f32 v60, v51;
	v49 =	vadd.f32 v53, v49  }
0x183: {  	v29 =	vadd.f32 v29, v54;
	v47 =	vmax.bf16 v47, v58;
	v24 =	vmax.bf16 v24, v50  }
0x184: {  	v21 =	vld [tilespmem:s31+$0x60];
	v51 =	vmul.f32 $1.442695020e+00, v51;
	v24 =	vmul.bf16 v24, v8;
	v31 =	vadd.bf16 v56, v18  }
0x185: {  	v61 =	vld [tilespmem:s10+$0x60];
	v23 =	vadd.f32 v49, v23;
	v47 =	vmul.bf16 v47, v9;
	v52 =	vperm.xlane v29, v2  }
0x186: {  	v50 =	vadd.bf16 v57, v20;
	v59 =	vunpack.i.l.bf16.f32 v24;
	v60 =	vmul.bf16 v1, v31  }
0x187: {  	(erf) = vpow2.f32 v51;
	v63 =	vunpack.i.l.bf16.f32 v47;
	v23 =	vadd.f32 v59, v23  }
0x188: {  	v29 =	vadd.f32 v29, v52;
	v24 =	vunpack.i.u.bf16.f32 v24;
	v31 =	vmax.bf16 v31, v60  }
0x189: {  	v55 =	vld [tilespmem:s10+$0x70];
	v54 =	vmul.bf16 v1, v50;
	v24 =	vadd.f32 v23, v24;
	v31 =	vmul.bf16 v31, v6  }
0x18a: {  	v47 =	vunpack.i.u.bf16.f32 v47;
	v49 =	vadd.bf16 v61, v21;
	v62 =	vperm.xlane v29, v3;
	v23 =	vld [tilespmem:s31+$0x70]  }
0x18b: {  	v50 =	vmax.bf16 v50, v54;
	v24 =	vadd.f32 v63, v24;
	v57 =	vunpack.i.l.bf16.f32 v31  }
0x18c: {  	v60 =	vmul.bf16 v1, v49;
	v29 =	vadd.f32 v29, v62;
	v53 =	vadd.f32 $0.0e+00, v57  }
0x18d: {  	v58 =	vunpack.i.u.bf16.f32 v31;
	v31 =	vmul.bf16 v50, v7;
	v47 =	vadd.f32 v24, v47  }
0x18e: {  	v49 =	vmax.bf16 v49, v60;
	v60 =	vunpack.i.l.bf16.f32 v26;
	v24 =	vld [tilespmem:s31+$0x80];
	v59 =	vadd.f32 v53, v58  }
0x18f: {  	v57 =	vld [tilespmem:s10+$0x80];
	v62 =	vunpack.i.l.bf16.f32 v31;
	v63 =	vadd.bf16 v55, v23;
	v61 =	vperm.xlane v47, v2  }
0x190: {  	v49 =	vmul.bf16 v49, v8;
	v58 =	vperm.xlane v29, v4;
	v50 =	vadd.f32 v62, v59  }
0x191: {  	v31 =	vunpack.i.u.bf16.f32 v31;
	v47 =	vadd.f32 v47, v61;
	v59 =	vmul.bf16 v1, v63  }
0x192: {  	v26 =	vld [tilespmem:s31+$0x90];
	v52 =	vmul.f32 v60, v28;
	v29 =	vadd.f32 v29, v58;
	v31 =	vadd.f32 v50, v31  }
0x193: {  	v61 =	vunpack.i.l.bf16.f32 v49;
	v62 =	vperm.xlane v47, v3;
	v50 =	vmax.bf16 v63, v59;
	v63 =	vld [tilespmem:s10+$0x90]  }
0x194: {  	v53 =	vadd.bf16 v57, v24;
	v59 =	vperm.xlane v29, v5;
	v31 =	vadd.f32 v61, v31  }
0x195: {  	v49 =	vunpack.i.u.bf16.f32 v49;
	v50 =	vmul.bf16 v50, v9;
	v47 =	vadd.f32 v47, v62  }
0x196: {  	v58 =	vmul.bf16 v1, v53;
	v29 =	vadd.f32 v29, v59;
	v31 =	vadd.f32 v31, v49  }
0x197: {  	v57 =	vunpack.i.l.bf16.f32 v50;
	v60 =	vunpack.i.u.bf16.f32 v50;
	v55 =	vperm.xlane v47, v4  }
0x198: {  	v49 =	vmax.bf16 v53, v58;
	v50 =	vadd.bf16 v63, v26;
	v28 =	vadd.f32 v57, v31  }
0x199: {  	v29 =	vmul.f32 $1.442695020e+00, v29;
	v49 =	vmul.bf16 v49, v6;
	v63 =	vld [tilespmem:s10+$0xA0];
	v47 =	vadd.f32 v47, v55  }
0x19a: {  	v62 =	vmul.bf16 v1, v50;
	v31 =	vadd.f32 v28, v60;
	v28 =	vld [tilespmem:s31+$0xA0]  }
0x19b: {  	(erf) = vpow2.f32 v29;
	v56 =	vunpack.i.l.bf16.f32 v49;
	v57 =	vperm.xlane v47, v5  }
0x19c: {  	v29 =	vld [tilespmem:s31+$0xC0];
	v56 =	vadd.f32 $0.0e+00, v56;
	v50 =	vmax.bf16 v50, v62;
	v60 =	vperm.xlane v31, v2  }
0x19d: {  	v61 =	vpop (erf);
	v49 =	vunpack.i.u.bf16.f32 v49;
	v50 =	vmul.bf16 v50, v7;
	v47 =	vadd.f32 v47, v57;
	v57 =	vld [tilespmem:s10+$0xC0]  }
0x19e: {  	v51 =	vpsel !p1, $0x0, v61;
	v49 =	vadd.f32 v56, v49;
	v61 =	vadd.f32 v31, v60  }
0x19f: {  	v56 =	vld [tilespmem:s10+$0xB0];
	v62 =	vunpack.i.l.bf16.f32 v50;
	v54 =	vadd.bf16 v63, v28;
	v63 =	vunpack.i.u.bf16.f32 v27  }
0x1a0: {  	[tilespmem:s18+$0xFFFFFE58] =	vst v30;
	v31 =	vld [tilespmem:s31+$0xB0];
	v27 =	vunpack.i.l.bf16.f32 v27;
	v49 =	vadd.f32 v62, v49;
	v55 =	vperm.xlane v61, v3  }
0x1a1: {  	[tilespmem:s18+$0xFFFFFDF0] =	vst v32;
	v50 =	vunpack.i.u.bf16.f32 v50;
	v32 =	vmul.f32 v51, v27;
	v30 =	vmul.f32 v51, v63  }
0x1a2: {  	[tilespmem:s18+$0xFFFFFDE0] =	vst v33;
	v53 =	vld [tilespmem:s10+$0xD0];
	v60 =	vmul.bf16 v1, v54;
	v49 =	vadd.f32 v49, v50;
	v57 =	vadd.bf16 v57, v29  }
0x1a3: {  	[tilespmem:s18+$0xFFFFFE00] =	vst v34;
	v27 =	vld [tilespmem:s31+$0xD0];
	v59 =	vadd.f32 v61, v55;
	v61 =	vunpack.i.u.bf16.f32 v25;
	v25 =	vunpack.i.l.bf16.f32 v25  }
0x1a4: {  	[tilespmem:s18+$0xFFFFFE20] =	vst v37;
	v55 =	vsel vm0, $0x0, v51;
	v62 =	vmax.bf16 v54, v60;
	v37 =	vmul.f32 v25, v51  }
0x1a5: {  	[tilespmem:s18+$0xFFFFFE10] =	vst v35;
	v34 =	vmul.f32 v61, v51;
	v58 =	vadd.bf16 v56, v31;
	v60 =	vmul.bf16 v1, v57  }
0x1a6: {  	[tilespmem:s18+$0xFFFFFE30] =	vst v36;
	v61 =	vunpack.i.u.bf16.f32 v22;
	v63 =	vperm.xlane v59, v4;
	v50 =	vmul.bf16 v62, v8  }
0x1a7: {  	[tilespmem:s18+$0xFFFFFE40] =	vst v39;
	v39 =	vmul.f32 v61, v51;
	v62 =	vmul.bf16 v1, v58;
	v36 =	vmax.bf16 v57, v60  }
0x1a8: {  	[tilespmem:s18+$0xFFFFFE50] =	vst v42;
	v53 =	vadd.bf16 v53, v27;
	v33 =	vadd.f32 v59, v63;
	v59 =	vunpack.i.l.bf16.f32 v50  }
0x1a9: {  	[tilespmem:s18+$0xFFFFFEE0] =	vst v38;
	v63 =	vunpack.i.l.bf16.f32 v22;
	v36 =	vmul.bf16 v36, v6;
	v57 =	vunpack.i.u.bf16.f32 v50  }
0x1aa: {  	[tilespmem:s18+$0xFFFFFE68] =	vst v41;
	v50 =	vunpack.i.u.bf16.f32 v14;
	v14 =	vunpack.i.l.bf16.f32 v14;
	v35 =	vadd.f32 v59, v49  }
0x1ab: {  	[tilespmem:s18+$0xFFFFFE78] =	vst v40;
	v56 =	vld [tilespmem:s10+$0xE0];
	v38 =	vmul.f32 v63, v51;
	v25 =	vmax.bf16 v58, v62;
	v58 =	vmul.bf16 v1, v53  }
0x1ac: {  	[tilespmem:s18+$0xFFFFFE88] =	vst v44;
	v22 =	vld [tilespmem:s31+$0xE0];
	v14 =	vmul.f32 v14, v51;
	v44 =	vmul.f32 v50, v51;
	v51 =	vunpack.i.l.bf16.f32 v16  }
0x1ad: {  	[tilespmem:s18+$0xFFFFFE98] =	vst v43;
	v49 =	vmul.bf16 v25, v9;
	v59 =	vunpack.i.l.bf16.f32 v36;
	v36 =	vunpack.i.u.bf16.f32 v36  }
0x1ae: {  	[tilespmem:s18+$0xFFFFFEA8] =	vst v45;
	v35 =	vadd.f32 v35, v57;
	v60 =	vmax.bf16 v53, v58;
	v40 =	vadd.f32 $0.0e+00, v59  }
0x1af: {  	[tilespmem:s18+$0xFFFFFED8] =	vst v48;
	v25 =	vld [tilespmem:s31+$0xF0];
	v57 =	vperm.xlane v33, v5;
	v61 =	vunpack.i.l.bf16.f32 v49;
	v41 =	vmul.bf16 v60, v7  }
0x1b0: {  	[tilespmem:s18+$0xFFFFFEB8] =	vst v46;
	v62 =	vunpack.i.u.bf16.f32 v49;
	v49 =	vld [tilespmem:s10+$0xF0];
	v35 =	vadd.f32 v61, v35;
	v36 =	vadd.f32 v40, v36  }
0x1b1: {  	[tilespmem:s18+$0xFFFFFEC8] =	vst v52;
	v63 =	vadd.bf16 v56, v22;
	v56 =	vmul.f32 $1.442695020e+00, v47;
	v33 =	vadd.f32 v33, v57  }
0x1b2: {  	[tilespmem:s18+$0xFFFFFEF0] =	vst v32;
	v47 =	vunpack.i.u.bf16.f32 v11;
	v11 =	vunpack.i.l.bf16.f32 v11;
	v53 =	vunpack.i.l.bf16.f32 v41  }
0x1b3: {  	[tilespmem:s18+$0xFFFFFF00] =	vst v30;
	v58 =	vunpack.i.u.bf16.f32 v41;
	v35 =	vadd.f32 v35, v62;
	v54 =	vmul.bf16 v1, v63  }
0x1b4: {  	[tilespmem:s18+$0xFFFFFF68] =	vst v55;
	v36 =	vadd.f32 v53, v36;
	(erf) = vpow2.f32 v56;
	v53 =	vmul.f32 $1.442695020e+00, v33  }
0x1b5: {  	[tilespmem:s18+$0xFFFFFF10] =	vst v37;
	v61 =	vpop (erf);
	v40 =	vmax.bf16 v63, v54;
	v59 =	vadd.bf16 v49, v25;
	v60 =	vperm.xlane v35, v2  }
0x1b6: {  	[tilespmem:s18+$0xFFFFFF20] =	vst v34;
	v32 =	vadd.f32 v36, v58;
	v63 =	vpsel !p1, $0x0, v61;
	v40 =	vmul.bf16 v40, v8  }
0x1b7: {  	[tilespmem:s18+$0xFFFFFF40] =	vst v39;
	v49 =	vunpack.i.l.bf16.f32 v13;
	v43 =	vsel vm0, $0x0, v63;
	v42 =	vmul.bf16 v1, v59  }
0x1b8: {  	[tilespmem:s18+$0xFFFFFF30] =	vst v38;
	v11 =	vmul.f32 v11, v63;
	v52 =	vmul.f32 v51, v63;
	v62 =	vunpack.i.l.bf16.f32 v40  }
0x1b9: {  	[tilespmem:s18+$0xFFFFFF50] =	vst v14;
	v30 =	vadd.f32 v35, v60;
	v32 =	vadd.f32 v62, v32;
	v41 =	vmax.bf16 v59, v42  }
0x1ba: {  	[tilespmem:s18+$0xFFFFFF60] =	vst v44;
	v46 =	vunpack.i.u.bf16.f32 v40;
	v42 =	vunpack.i.u.bf16.f32 v10;
	v35 =	vmul.bf16 v41, v9  }
0x1bb: {  	[tilespmem:s18+$0xFFFFFFF0] =	vst v43;
	v10 =	vunpack.i.l.bf16.f32 v10;
	v45 =	vperm.xlane v30, v3;
	v32 =	vadd.f32 v32, v46  }
0x1bc: {  	v13 =	vunpack.i.u.bf16.f32 v13;
	[tilespmem:s18+$0xFFFFFF98] =	vst v11;
	v10 =	vmul.f32 v63, v10;
	v48 =	vunpack.i.l.bf16.f32 v35  }
0x1bd: {  	v11 =	vmul.f32 v13, v63;
	[tilespmem:s18+$0xFFFFFFD8] =	vst v52;
	v14 =	vadd.f32 v30, v45;
	v30 =	vadd.f32 v48, v32  }
0x1be: {  	(erf) = vpow2.f32 v53;
	[tilespmem:s18+$0xFFFFFF78] =	vst v10;
	v10 =	vmul.f32 v47, v63;
	v35 =	vunpack.i.u.bf16.f32 v35  }
0x1bf: {  	v58 =	vunpack.i.l.bf16.f32 v12;
	v36 =	vmul.f32 v63, v42;
	[tilespmem:s18+$0xFFFFFFC8] =	vst v11;
	v50 =	vadd.f32 v30, v35  }
0x1c0: {  	v54 =	vpop (erf);
	v32 =	vmul.f32 v49, v63;
	v55 =	vperm.xlane v14, v4;
	[tilespmem:s18+$0xFFFFFFA8] =	vst v10;
	v10 =	vunpack.i.u.bf16.f32 v16  }
0x1c1: {  	[tilespmem:s18+$0xFFFFFF88] =	vst v36;
	v11 =	vpsel !p1, $0x0, v54;
	v10 =	vmul.f32 v10, v63;
	v56 =	vperm.xlane v50, v2  }
0x1c2: {  	v60 =	vunpack.i.l.bf16.f32 v15;
	v57 =	vsel vm0, $0x0, v11;
	[tilespmem:s18+$0xFFFFFFB8] =	vst v32;
	v14 =	vadd.f32 v14, v55  }
0x1c3: {  	v59 =	vmul.f32 v11, v58;
	[tilespmem:s18+$0xFFFFFFE8] =	vst v10;
	v10 =	vunpack.i.u.bf16.f32 v12;
	v13 =	vadd.f32 v50, v56  }
0x1c4: {  	v36 =	vunpack.i.l.bf16.f32 v19;
	[tilespmem:s18+$0x78] =	vst v57;
	v61 =	vperm.xlane v14, v5;
	v10 =	vmul.f32 v11, v10  }
0x1c5: {  	v62 =	vunpack.i.u.bf16.f32 v15;
	v15 =	vmul.f32 v36, v11;
	[tilespmem:s18+$0x0] =	vst v59;
	v32 =	vperm.xlane v13, v3  }
0x1c6: {  	v33 =	vadd.f32 v14, v61;
	[tilespmem:s18+$0x10] =	vst v10;
	v10 =	vmul.f32 v62, v11  }
0x1c7: {  	v63 =	vmul.f32 v60, v11;
	v35 =	vunpack.i.u.bf16.f32 v17;
	[tilespmem:s18+$0x60] =	vst v15;
	v13 =	vadd.f32 v13, v32  }
0x1c8: {  	v34 =	vunpack.i.l.bf16.f32 v17;
	v12 =	vmul.f32 $1.442695020e+00, v33;
	[tilespmem:s18+$0x30] =	vst v10;
	v10 =	vmul.f32 v35, v11  }
0x1c9: {  	v37 =	vunpack.i.u.bf16.f32 v19;
	[tilespmem:s18+$0x20] =	vst v63;
	v14 =	vmul.f32 v34, v11;
	v16 =	vperm.xlane v13, v4  }
0x1ca: {  	[tilespmem:s18+$0x50] =	vst v10;
	v10 =	vmul.f32 v37, v11;
	v11 =	vpop (erf);
	(erf) = vpow2.f32 v12  }
0x1cb: {  	v38 =	vunpack.i.l.bf16.f32 v18;
	[tilespmem:s18+$0x40] =	vst v14;
	v11 =	vpsel !p1, $0x0, v11;
	v13 =	vadd.f32 v13, v16  }
0x1cc: {  	v39 =	vunpack.i.u.bf16.f32 v18;
	[tilespmem:s18+$0x70] =	vst v10;
	v10 =	vsel vm0, $0x0, v11;
	v12 =	vmul.f32 v11, v38  }
0x1cd: {  	v40 =	vunpack.i.l.bf16.f32 v20;
	[tilespmem:s18+$0x100] =	vst v10;
	v10 =	vmul.f32 v11, v39;
	v41 =	vperm.xlane v13, v5  }
0x1ce: {  	v42 =	vunpack.i.u.bf16.f32 v20;
	v14 =	vmul.f32 v40, v11;
	[tilespmem:s18+$0x88] =	vst v12  }
0x1cf: {  	v46 =	vunpack.i.l.bf16.f32 v23;
	[tilespmem:s18+$0x98] =	vst v10;
	v10 =	vmul.f32 v42, v11;
	v43 =	vadd.f32 v13, v41  }
0x1d0: {  	v45 =	vunpack.i.u.bf16.f32 v21;
	[tilespmem:s18+$0xA8] =	vst v14;
	v14 =	vmul.f32 v46, v11  }
0x1d1: {  	v44 =	vunpack.i.l.bf16.f32 v21;
	[tilespmem:s18+$0xB8] =	vst v10;
	v10 =	vmul.f32 v45, v11;
	v12 =	vmul.f32 $1.442695020e+00, v43  }
0x1d2: {  	v47 =	vunpack.i.u.bf16.f32 v23;
	[tilespmem:s18+$0xE8] =	vst v14;
	v13 =	vmul.f32 v44, v11  }
0x1d3: {  	[tilespmem:s18+$0xD8] =	vst v10;
	v10 =	vmul.f32 v47, v11;
	v11 =	vpop (erf);
	(erf) = vpow2.f32 v12  }
0x1d4: {  	v48 =	vunpack.i.l.bf16.f32 v24;
	[tilespmem:s18+$0xC8] =	vst v13;
	v11 =	vpsel !p1, $0x0, v11  }
0x1d5: {  	v49 =	vunpack.i.u.bf16.f32 v24;
	[tilespmem:s18+$0xF8] =	vst v10;
	v10 =	vsel vm0, $0x0, v11;
	v12 =	vmul.f32 v11, v48  }
0x1d6: {  	v50 =	vunpack.i.l.bf16.f32 v26;
	[tilespmem:s18+$0x188] =	vst v10;
	v10 =	vmul.f32 v11, v49  }
0x1d7: {  	v51 =	vunpack.i.u.bf16.f32 v26;
	v13 =	vmul.f32 v50, v11;
	[tilespmem:s18+$0x110] =	vst v12  }
0x1d8: {  	v52 =	vunpack.i.l.bf16.f32 v28;
	[tilespmem:s18+$0x120] =	vst v10;
	v10 =	vmul.f32 v51, v11  }
0x1d9: {  	v53 =	vunpack.i.u.bf16.f32 v28;
	[tilespmem:s18+$0x130] =	vst v13;
	v12 =	vmul.f32 v52, v11  }
0x1da: {  	v54 =	vunpack.i.l.bf16.f32 v31;
	[tilespmem:s18+$0x140] =	vst v10;
	v10 =	vmul.f32 v53, v11  }
0x1db: {  	v55 =	vunpack.i.u.bf16.f32 v31;
	v13 =	vmul.f32 v54, v11;
	[tilespmem:s18+$0x150] =	vst v12  }
0x1dc: {  	[tilespmem:s18+$0x160] =	vst v10;
	v10 =	vmul.f32 v55, v11;
	v11 =	vpop (erf)  }
0x1dd: {  	v56 =	vunpack.i.l.bf16.f32 v29;
	[tilespmem:s18+$0x170] =	vst v13;
	v11 =	vpsel !p1, $0x0, v11  }
0x1de: {  	v57 =	vunpack.i.u.bf16.f32 v29;
	[tilespmem:s18+$0x180] =	vst v10;
	v10 =	vsel vm0, $0x0, v11;
	v12 =	vmul.f32 v11, v56  }
0x1df: {  	v58 =	vunpack.i.l.bf16.f32 v27;
	[tilespmem:s18+$0x210] =	vst v10;
	v10 =	vmul.f32 v11, v57  }
0x1e0: {  	v59 =	vunpack.i.u.bf16.f32 v27;
	v13 =	vmul.f32 v58, v11;
	[tilespmem:s18+$0x198] =	vst v12  }
0x1e1: {  	v60 =	vunpack.i.l.bf16.f32 v22;
	[tilespmem:s18+$0x1A8] =	vst v10;
	v10 =	vmul.f32 v59, v11  }
0x1e2: {  	v61 =	vunpack.i.u.bf16.f32 v22;
	p1 =	slt.u32 s2, $0x38;
	[tilespmem:s18+$0x1B8] =	vst v13;
	v12 =	vmul.f32 v60, v11  }
.Ltmp5:
0x1e3: {  	v62 =	vunpack.i.l.bf16.f32 v25;
	[tilespmem:s18+$0x1C8] =	vst v10;
	v10 =	vmul.f32 v61, v11;
	(pc) =	sbr.rel @p1 .LBB2_5-.Ltmp5, $4  }
0x1e4: {  	v63 =	vunpack.i.u.bf16.f32 v25;
	v13 =	vmul.f32 v62, v11;
	[tilespmem:s18+$0x1D8] =	vst v12  }
0x1e5: {  	[tilespmem:s18+$0x1E8] =	vst v10;
	v10 =	vmul.f32 v63, v11  }
0x1e6: {  	[tilespmem:s18+$0x1F8] =	vst v13  }
0x1e7: {  	s31 =	sadd.s32 $0x200, s31;
	s10 =	sadd.s32 $0x200, s10;
	[tilespmem:s18+$0x208] =	vst v10;
	s18 =	sadd.s32 $0x440, s18  }
0x1e8: {  	p1 =	sgt.u32 s15, $0x9F  }
0x1e9: {  	p2 =	sne.s32 @!p1 s17, $0x0  }
0x1ea: {  	p2 =	por p1, p2  }
.Ltmp6:
0x1eb: {  	_ = 	snop;
	(pc) =	sbr.rel @!p2 .LBB2_7-.Ltmp6, $1  }
0x1ec: {  	_ =	sdelay $0x3  }
.Ltmp7:
0x1ed: {  	(pc) =	sbr.rel @p1 .LBB2_14-.Ltmp7, $1  }
0x1ee: {  	_ =	sdelay $0x3  }
.Ltmp8:
0x1ef: {  	(pc) =	sbr.rel .LBB2_10-.Ltmp8, $2  }
0x1f0: {  	_ =	sdelay $0x2  }
0x1f1: {  	s1 =	sshll.u32 s0, $0xA  }
.LBB2_14:
.Ltmp9:
0x1f2: {  	(pc) =	sbr.rel .LBB2_11-.Ltmp9, $2  }
0x1f3: {  	_ =	sdelay $0x2  }
0x1f4: {  	s0 =	sshll.u32 s17, $0x9  }
.LBB2_13:
0x1f5: {  	_ =	sfence.sel $0x180000  }
0x1f6: {  	[bflag:$0x0] =	sbarrier.arrive $0xFFFF  }
0x1f7: {  	_ =	strace $0x90000047  }
0x1f8: {  	s0 =	stileid.u32;
	[bflag:$0x2] =	sbarrier.arrive $0xFFFF  }
0x1f9: {  	p0 =	sne.s32 s0, $0x0;
	s0 =	rddreg [dreg:$0x3]  }
0x1fa: {  	s0 =	sadd.s32 @!p0 $0x100000, s0  }
0x1fb: {  	[sflag:s0] =	ssyncadd.tile.s32 @!p0 $0x1;
	_ =	shalt  }
.Lfunc_end2:
_tile_overlayer_lowered:
.L_overlay_start_2:
0x1fc: {  	(tag) =	ssettag $0x2  }
0x1fd: {  	s0 =	rddreg [dreg:$0x0];
	s2 =	stileid.u32  }
0x1fe: {  	s1 =	rddreg [dreg:$0x1];
	p0 =	sne.s32 s2, $0x0  }
0x1ff: {  	s3 =	rddreg [dreg:$0x2];
	[bflag:$0x3] =	sbarrier.arrive $0xFFFF;
	s2 =	simm.s32 @!p0 $0x1C07  }
0x200: {  	[timem:s3], [sflag:s2] =	dma.local @!p0 [hbm:s0], s1  }
0x201: {  	s0 =	simm.s32 @!p0 $0x7  }
0x202: {  	_ =	swait.ge @!p0 [sflag:s0], s1  }
0x203: {  	s1 =	ssub.s32 @!p0 $0x0, s1;
	[sflag:s0] =	ssyncset.done @!p0 $0x0  }
0x204: {  	[sflag:s0] =	ssyncadd.s32 @!p0 s1  }
0x205: {  	[bflag:$0x3] =	sbarrier.arrive $0xFFFF  }
0x206: {  	_ =	shalt  }

</sc_bundles>
